<compile_context>
chip_gen: v7x
topology: tpu7x:2x2x1
jax: 0.10.2.dev20260603
libtpu: 0.0.44.dev20260713+nightly
codegen_flags: <defaults>
</compile_context>

<pallas_src>
import jax
import jax.numpy as jnp
from jax import lax
from jax.experimental import pallas as pl
from jax.experimental.pallas import tpu as pltpu
from jax.experimental.pallas import tpu_sc as plsc

N_NODES = 10000
N_EDGES = 320000
IN_FEAT = 128
OUT_FEAT = 16
HEADS = 8
HF = HEADS * OUT_FEAT
AUXW = 16
ACCW = HF + AUXW

NC = 2
NS = 16
NW = NC * NS
EDGES_PER_TILE = N_EDGES // NW
CHUNK = 40
NCHUNK = EDGES_PER_TILE // CHUNK
ROWS_PER_TILE = N_NODES // NS


def _prep_body(x_ref, wf_ref, as_ref, ad_ref, pm_ref, t_ref, hext_ref, auxd_ref):
    xb = x_ref[...]
    hb = jnp.dot(xb, wf_ref[...], preferred_element_type=jnp.float32)
    tb = t_ref[...]
    trow = jnp.concatenate(
        [jnp.zeros((1, 8), jnp.float32), jnp.ones((1, 8), jnp.float32)], axis=1)
    auxs = jnp.dot(hb, as_ref[...], preferred_element_type=jnp.float32) + tb * trow
    hbt = jnp.dot(hb, pm_ref[...], preferred_element_type=jnp.float32)
    hext_ref[...] = jnp.concatenate([hbt, auxs], axis=1)
    auxd_ref[...] = jnp.dot(hb, ad_ref[...], preferred_element_type=jnp.float32) + tb * trow


def _lane_bcast(v, idx):
    dnums = lax.GatherDimensionNumbers(
        offset_dims=(), collapsed_slice_dims=(0,), start_index_map=(0,))
    return lax.gather(v, idx[:, None], dnums, (1,),
                      mode=lax.GatherScatterMode.PROMISE_IN_BOUNDS)


def _edge_body(src_hbm, dst_hbm, hext_hbm, auxd_hbm, zeros_hbm, ntw_hbm,
               out_hbm, accum, sidx, didx, hsrc, rows_d, msg, ntw_v,
               sem_i, sem_g, sem_sc):
    core = lax.axis_index("c")
    sid = lax.axis_index("s")
    wid = sid * NC + core

    pltpu.sync_copy(zeros_hbm, accum.at[pl.ds(sid * ROWS_PER_TILE, ROWS_PER_TILE)])
    pltpu.sync_copy(ntw_hbm, ntw_v)
    plsc.subcore_barrier()

    ntw = ntw_v[...]
    b8 = jnp.full((16,), 8, jnp.int32)
    brep = jnp.arange(16, dtype=jnp.int32) % 8

    def fire_idx(c, q):
        pltpu.make_async_copy(src_hbm.at[wid, c], sidx.at[q], sem_i.at[q]).start()
        pltpu.make_async_copy(dst_hbm.at[wid, c], didx.at[q], sem_i.at[q]).start()

    def wait_idx(c, q):
        pltpu.make_async_copy(src_hbm.at[wid, c], sidx.at[q], sem_i.at[q]).wait()
        pltpu.make_async_copy(dst_hbm.at[wid, c], didx.at[q], sem_i.at[q]).wait()

    def fire_gathers(b, q):
        pltpu.make_async_copy(hext_hbm.at[sidx.at[q]], hsrc.at[b], sem_g.at[b]).start()
        pltpu.make_async_copy(auxd_hbm.at[didx.at[q]], rows_d.at[b], sem_g.at[b]).start()

    def wait_gathers(b, q):
        pltpu.make_async_copy(hext_hbm.at[sidx.at[q]], hsrc.at[b], sem_g.at[b]).wait()
        pltpu.make_async_copy(auxd_hbm.at[didx.at[q]], rows_d.at[b], sem_g.at[b]).wait()

    def fire_scatter(b, q):
        pltpu.make_async_copy(msg.at[b], accum.at[didx.at[q]], sem_sc.at[b]).start(add=True)

    def wait_scatter(b, q):
        pltpu.make_async_copy(msg.at[b], accum.at[didx.at[q]], sem_sc.at[b]).wait()

    def compute(b):
        def edge_body(i, _):
            vs = plsc.bitcast(hsrc[b, i, pl.ds(64, 16)], jnp.float32)
            vd = rows_d[b, i, :]
            vfac = jnp.exp(jnp.abs(vs - vd) * ntw)
            fac = _lane_bcast(vfac, b8)
            e = (vs + vd) * fac
            e = jnp.maximum(e, 0.2 * e)
            ee = jnp.exp(e)
            msg[b, i, pl.ds(HF, 16)] = ee
            eerep = _lane_bcast(ee, brep)
            for v in range(4):
                hw = plsc.bitcast(hsrc[b, i, pl.ds(16 * v, 16)], jnp.bfloat16)
                av, bv = plsc.unpack(hw, format=plsc.PackFormat.INTERLEAVED)
                msg[b, i, pl.ds(32 * v, 16)] = av.astype(jnp.float32) * eerep
                msg[b, i, pl.ds(32 * v + 16, 16)] = bv.astype(jnp.float32) * eerep
            return 0

        lax.fori_loop(0, CHUNK, edge_body, 0)

    fire_idx(0, 0)
    fire_idx(1, 1)
    wait_idx(0, 0)
    fire_gathers(0, 0)
    wait_idx(1, 1); fire_gathers(1, 1); fire_idx(2, 2)
    wait_gathers(0, 0); compute(0); fire_scatter(0, 0)
    wait_idx(2, 2); fire_gathers(0, 2); fire_idx(3, 3)
    wait_gathers(1, 1); compute(1); fire_scatter(1, 1)
    wait_idx(3, 3); fire_gathers(1, 3); wait_scatter(0, 0); fire_idx(4, 0)
    wait_gathers(0, 2); compute(0); fire_scatter(0, 2)
    wait_idx(4, 0); fire_gathers(0, 0); wait_scatter(1, 1); fire_idx(5, 1)
    wait_gathers(1, 3); compute(1); fire_scatter(1, 3)

    def quad_body(p, _):
        for k in range(4):
            c = 4 * p + k
            b = k % 2
            bn = 1 - b
            q = k
            q1 = (k + 1) % 4
            q2 = (k + 2) % 4
            wait_idx(c + 1, q1)
            fire_gathers(bn, q1)
            wait_scatter(b, q2)
            fire_idx(c + 2, q2)
            wait_gathers(b, q)
            compute(b)
            fire_scatter(b, q)
        return 0

    lax.fori_loop(1, NCHUNK // 4, quad_body, 0)

    wait_idx(NCHUNK - 1, 1); fire_gathers(1, 1); wait_scatter(0, 2)
    wait_gathers(0, 0); compute(0); fire_scatter(0, 0)
    wait_scatter(1, 3)
    wait_gathers(1, 1); compute(1); fire_scatter(1, 1)
    wait_scatter(0, 0)
    wait_scatter(1, 1)

    plsc.subcore_barrier()
    pltpu.sync_copy(accum.at[pl.ds(sid * ROWS_PER_TILE, ROWS_PER_TILE)],
                    out_hbm.at[core, pl.ds(sid * ROWS_PER_TILE, ROWS_PER_TILE)])


def _final_body(p0_ref, p1_ref, sel_ref, pmt_ref, out_ref):
    s = p0_ref[...] + p1_ref[...]
    num = jnp.dot(s[:, 0:HF], pmt_ref[...], preferred_element_type=jnp.float32)
    den = s[:, HF:HF + HEADS]
    denb = jnp.dot(den, sel_ref[...], preferred_element_type=jnp.float32)
    out_ref[...] = num / (denb + 1e-8)


def kernel(x, edge_index, timestep, W, a, temporal_weight):
    f32 = jnp.float32
    wf = W.transpose(1, 0, 2).reshape(IN_FEAT, HF)
    eye = jnp.eye(HEADS, dtype=f32)
    as_mat = (a[:, None, :OUT_FEAT] * eye[:, :, None]).transpose(0, 2, 1).reshape(HF, HEADS)
    ad_mat = (a[:, None, OUT_FEAT:] * eye[:, :, None]).transpose(0, 2, 1).reshape(HF, HEADS)
    as_mat = jnp.concatenate([as_mat, jnp.zeros((HF, 8), f32)], axis=1)
    ad_mat = jnp.concatenate([ad_mat, jnp.zeros((HF, 8), f32)], axis=1)
    tf = timestep.astype(f32).reshape(N_NODES, 1)
    cols = jnp.arange(HF)
    hh = cols // OUT_FEAT
    oo = cols % OUT_FEAT
    rr = oo % 4
    dest = 32 * (oo // 4) + 16 * (rr % 2) + 2 * hh + (rr >= 2).astype(jnp.int32)
    pm = jnp.zeros((HF, HF), f32).at[cols, dest].set(1.0)
    acc_cols = (cols % OUT_FEAT) * HEADS + cols // OUT_FEAT
    pmt = jnp.zeros((HF, HF), f32).at[acc_cols, cols].set(1.0)

    R = 1000
    grid = N_NODES // R
    h_ext, aux_d = pl.pallas_call(
        _prep_body,
        grid=(grid,),
        in_specs=[
            pl.BlockSpec((R, IN_FEAT), lambda i: (i, 0)),
            pl.BlockSpec((IN_FEAT, HF), lambda i: (0, 0)),
            pl.BlockSpec((IN_FEAT, AUXW), lambda i: (0, 0)),
            pl.BlockSpec((IN_FEAT, AUXW), lambda i: (0, 0)),
            pl.BlockSpec((HF, HF), lambda i: (0, 0)),
            pl.BlockSpec((R, 1), lambda i: (i, 0)),
        ],
        out_specs=[
            pl.BlockSpec((R, ACCW), lambda i: (i, 0)),
            pl.BlockSpec((R, AUXW), lambda i: (i, 0)),
        ],
        out_shape=[
            jax.ShapeDtypeStruct((N_NODES, ACCW), f32),
            jax.ShapeDtypeStruct((N_NODES, AUXW), f32),
        ],
    )(x, wf, as_mat, ad_mat, pm, tf)

    hpk = lax.bitcast_convert_type(
        h_ext[:, 0:HF].astype(jnp.bfloat16).reshape(N_NODES, 64, 2), jnp.int32)
    apk = lax.bitcast_convert_type(h_ext[:, HF:ACCW], jnp.int32)
    packed = jnp.concatenate([hpk, apk], axis=1)

    src = edge_index[0].reshape(NW, NCHUNK, CHUNK)
    dst = edge_index[1].reshape(NW, NCHUNK, CHUNK)
    zeros = jnp.zeros((ROWS_PER_TILE, ACCW), f32)
    ntw = jnp.full((16,), -temporal_weight, f32)

    mesh = plsc.VectorSubcoreMesh(core_axis_name="c", subcore_axis_name="s")
    partial = pl.kernel(
        _edge_body,
        out_type=jax.ShapeDtypeStruct((NC, N_NODES, ACCW), f32),
        mesh=mesh,
        compiler_params=pltpu.CompilerParams(use_tc_tiling_on_sc=False, needs_layout_passes=False),
        scratch_types=[
            pltpu.VMEM_SHARED((N_NODES, ACCW), f32),
            pltpu.VMEM((4, CHUNK), jnp.int32),
            pltpu.VMEM((4, CHUNK), jnp.int32),
            pltpu.VMEM((2, CHUNK, 80), jnp.int32),
            pltpu.VMEM((2, CHUNK, AUXW), f32),
            pltpu.VMEM((2, CHUNK, ACCW), f32),
            pltpu.VMEM((16,), f32),
            pltpu.SemaphoreType.DMA((4,)),
            pltpu.SemaphoreType.DMA((2,)),
            pltpu.SemaphoreType.DMA((2,)),
        ],
    )(src, dst, packed, aux_d, zeros, ntw)

    sel = (eye[:, :, None] * jnp.ones((1, 1, OUT_FEAT), f32)).reshape(HEADS, HF)
    out = pl.pallas_call(
        _final_body,
        grid=(grid,),
        in_specs=[
            pl.BlockSpec((R, ACCW), lambda i: (i, 0)),
            pl.BlockSpec((R, ACCW), lambda i: (i, 0)),
            pl.BlockSpec((HEADS, HF), lambda i: (0, 0)),
            pl.BlockSpec((HF, HF), lambda i: (0, 0)),
        ],
        out_specs=pl.BlockSpec((R, HF), lambda i: (i, 0)),
        out_shape=jax.ShapeDtypeStruct((N_NODES, HF), f32),
    )(partial[0], partial[1], sel, pmt)
    return out

# --- scband reference (transcript-rebuilt; emitter-appended) ---
"""Pipeline reference for scband-temporal-graph-attention-25005299597835 (READ-ONLY COPY).

The authoritative reference and input builder live on the scoring server;
editing this copy changes nothing except your own understanding.
"""

import jax, jax.numpy as jnp
import numpy as np

N_NODES = 10000
N_EDGES = 320000
IN_FEAT = 128
OUT_FEAT = 16
HEADS = 8


def setup_inputs(seed: int = 0) -> dict:
    key = jax.random.key(seed)
    k1, k2, k3, k4, k5 = jax.random.split(key, 5)
    x = jax.random.normal(k1, (N_NODES, IN_FEAT), dtype=jnp.float32)
    edge_index = jax.random.randint(k2, (2, N_EDGES), 0, N_NODES)
    timestep = jax.random.randint(k3, (N_NODES,), 0, 100)
    # xavier-uniform-like init for W [H, in, out] and a [H, 2*out]
    lim_w = float(np.sqrt(6.0 / (IN_FEAT + OUT_FEAT)))
    W = jax.random.uniform(k4, (HEADS, IN_FEAT, OUT_FEAT), minval=-lim_w, maxval=lim_w, dtype=jnp.float32)
    lim_a = float(np.sqrt(6.0 / (HEADS + 2 * OUT_FEAT)))
    a = jax.random.uniform(k5, (HEADS, 2 * OUT_FEAT), minval=-lim_a, maxval=lim_a, dtype=jnp.float32)
    temporal_weight = jnp.asarray(0.1, dtype=jnp.float32)
    return {"x": x, "edge_index": edge_index, "timestep": timestep, "W": W, "a": a, "temporal_weight": temporal_weight}


def reference(x, edge_index, timestep, W, a, temporal_weight):
    num_nodes = x.shape[0]
    edge_src = edge_index[0]
    edge_dst = edge_index[1]
    # per-head linear transform: [N, H, O]
    h = jnp.einsum('nf,hfo->nho', x, W)
    h_src = h[edge_src]
    h_dst = h[edge_dst]
    h_cat = jnp.concatenate([h_src, h_dst], axis=-1)
    e = jnp.einsum('nho,ho->nh', h_cat, a)
    temporal_dist = jnp.abs(timestep[edge_src] - timestep[edge_dst]).astype(jnp.float32)
    temporal_factor = jnp.exp(-temporal_weight * temporal_dist)
    e = e * temporal_factor[:, None]
    e = jnp.where(e > 0, e, 0.2 * e)  # LeakyReLU(0.2)
    exp_e = jnp.exp(e)
    denom = jnp.zeros((num_nodes, HEADS), dtype=jnp.float32).at[edge_dst].add(exp_e)
    attention = exp_e / (denom[edge_dst] + 1e-08)
    # dropout p=0.0 -> identity (eval-mode deterministic reference)
    messages = attention[..., None] * h_src
    out = jnp.zeros((num_nodes, HEADS, OUT_FEAT), dtype=jnp.float32).at[edge_dst].add(messages)
    out = out.reshape(num_nodes, HEADS * OUT_FEAT)  # concat=True
    return out

if __name__ == "__main__":
    import jax
    _d = setup_inputs()
    print(jax.jit(kernel)(*tuple(_d.values())))

</pallas_src>

<mosaic_0001>
#map = affine_map<(d0, d1) -> (0, 0, 0)>
#map1 = affine_map<(d0, d1) -> (0, 0)>
#map2 = affine_map<(d0, d1) -> (0)>
module attributes {stable_mosaic.version = 14 : i64} {
  func.func @_edge_body(%arg0: i32, %arg1: i32, %arg2: memref<32x250x40xi32, #tpu.memory_space<hbm>>, %arg3: memref<32x250x40xi32, #tpu.memory_space<hbm>>, %arg4: memref<10000x80xi32, #tpu.memory_space<hbm>>, %arg5: memref<10000x16xf32, #tpu.memory_space<hbm>>, %arg6: memref<625x144xf32, #tpu.memory_space<hbm>>, %arg7: memref<16xf32, #tpu.memory_space<hbm>>, %arg8: memref<2x10000x144xf32, #tpu.memory_space<hbm>>, %arg9: memref<10000x144xf32, #tpu.memory_space<vmem_shared>>, %arg10: memref<4x40xi32, #tpu.memory_space<vmem>>, %arg11: memref<4x40xi32, #tpu.memory_space<vmem>>, %arg12: memref<2x40x80xi32, #tpu.memory_space<vmem>>, %arg13: memref<2x40x16xf32, #tpu.memory_space<vmem>>, %arg14: memref<2x40x144xf32, #tpu.memory_space<vmem>>, %arg15: memref<16xf32, #tpu.memory_space<vmem>>, %arg16: memref<4x!tpu.dma_semaphore, #tpu.memory_space<semaphore_mem>>, %arg17: memref<2x!tpu.dma_semaphore, #tpu.memory_space<semaphore_mem>>, %arg18: memref<2x!tpu.dma_semaphore, #tpu.memory_space<semaphore_mem>>) attributes {dimension_semantics = [#tpu.dimension_semantics<core_parallel>, #tpu.dimension_semantics<subcore_parallel>], iteration_bounds = array<i64: 2, 16>, scalar_prefetch = 0 : i64, scratch_operands = 10 : i64, tpu.core_type = #tpu.core_type<sc_vector_subcore>, window_params = [{transform_indices = #map}, {transform_indices = #map}, {transform_indices = #map1}, {transform_indices = #map1}, {transform_indices = #map1}, {transform_indices = #map2}, {transform_indices = #map}]} {
    %mul3A = arith.constant 2 : i32
    %mul3A_0 = arith.muli %arg1, %mul3A : i32
    %add3A = arith.addi %mul3A_0, %arg0 : i32
    %mul3A_1 = arith.constant 625 : i32
    %mul3A_2 = arith.muli %arg1, %mul3A_1 : i32
    "tpu.region"() ({
      %run_scoped3A = tpu.sem_alloc : memref<!tpu.dma_semaphore, #tpu.memory_space<semaphore_mem>>
      %dma_start3A_1019 = arith.constant 0 : i32
      %dma_start3A_1020 = tpu.memref_slice %arg9[%mul3A_2, %dma_start3A_1019] : memref<10000x144xf32, #tpu.memory_space<vmem_shared>> -> memref<625x144xf32, #tpu.memory_space<vmem_shared>>
      tpu.enqueue_dma source(%arg6 : memref<625x144xf32, #tpu.memory_space<hbm>>) target(%dma_start3A_1020 : memref<625x144xf32, #tpu.memory_space<vmem_shared>>) target_semaphore(%run_scoped3A : memref<!tpu.dma_semaphore, #tpu.memory_space<semaphore_mem>>)
      %dma_wait3A_1021 = arith.constant 0 : i32
      %dma_wait3A_1022 = tpu.memref_slice %arg9[%mul3A_2, %dma_wait3A_1021] : memref<10000x144xf32, #tpu.memory_space<vmem_shared>> -> memref<625x144xf32, #tpu.memory_space<vmem_shared>>
      tpu.wait_dma2 semaphore(%run_scoped3A : memref<!tpu.dma_semaphore, #tpu.memory_space<semaphore_mem>>) src(%arg6 : memref<625x144xf32, #tpu.memory_space<hbm>>) dst(%dma_wait3A_1022 : memref<625x144xf32, #tpu.memory_space<vmem_shared>>)
      tpu.yield
    }) : () -> ()
    "tpu.region"() ({
      %run_scoped3A = tpu.sem_alloc : memref<!tpu.dma_semaphore, #tpu.memory_space<semaphore_mem>>
      tpu.enqueue_dma source(%arg7 : memref<16xf32, #tpu.memory_space<hbm>>) target(%arg15 : memref<16xf32, #tpu.memory_space<vmem>>) target_semaphore(%run_scoped3A : memref<!tpu.dma_semaphore, #tpu.memory_space<semaphore_mem>>)
      tpu.wait_dma2 semaphore(%run_scoped3A : memref<!tpu.dma_semaphore, #tpu.memory_space<semaphore_mem>>) src(%arg7 : memref<16xf32, #tpu.memory_space<hbm>>) dst(%arg15 : memref<16xf32, #tpu.memory_space<vmem>>)
      tpu.yield
    }) : () -> ()
    %barrier3A = arith.constant 0 : index
    tpu.barrier barrier_id(%barrier3A)
    %get3A = arith.constant 0 : index
    %get3A_3 = tpu.vector_load %arg15[%get3A] {strides = array<i32>} : memref<16xf32, #tpu.memory_space<vmem>>, vector<16xf32>,
    %broadcast_in_dim3A = arith.constant 8 : i32
    %broadcast_in_dim3A_4 = vector.broadcast %broadcast_in_dim3A : i32 to vector<16xi32>
    %iota3A = tpu.iota {dimensions = array<i32: 0>} : vector<16xi32>
    %jit3A = arith.constant 8 : i32
    %eq3A = arith.constant 0 : i32
    %eq3A_5 = arith.cmpi eq, %jit3A, %eq3A : i32
    %jit3A_6 = arith.constant 1 : i32
    %select_n3A = arith.select %eq3A_5, %jit3A_6, %jit3A : i32
    %rem3A = vector.broadcast %select_n3A : i32 to vector<16xi32>
    %rem3A_7 = arith.remsi %iota3A, %rem3A : vector<16xi32>
    %ne3A = arith.constant 0 : i32
    %ne3A_8 = vector.broadcast %ne3A : i32 to vector<16xi32>
    %ne3A_9 = arith.cmpi ne, %rem3A_7, %ne3A_8 : vector<16xi32>
    %lt3A = arith.constant 0 : i32
    %lt3A_10 = vector.broadcast %lt3A : i32 to vector<16xi32>
    %lt3A_11 = arith.cmpi slt, %rem3A_7, %lt3A_10 : vector<16xi32>
    %lt3A_12 = arith.constant 0 : i32
    %lt3A_13 = arith.cmpi slt, %select_n3A, %lt3A_12 : i32
    %ne3A_14 = vector.broadcast %lt3A_13 : i1 to vector<16xi1>
    %ne3A_15 = vector.broadcast %ne3A_14 : vector<16xi1> to vector<16xi1>
    %ne3A_16 = arith.xori %lt3A_11, %ne3A_15 : vector<16xi1>
    %and3A = arith.andi %ne3A_16, %ne3A_9 : vector<16xi1>
    %add3A_17 = vector.broadcast %select_n3A : i32 to vector<16xi32>
    %add3A_18 = arith.addi %rem3A_7, %add3A_17 : vector<16xi32>
    %select_n3A_19 = arith.select %and3A, %add3A_18, %rem3A_7 : vector<16xi1>, vector<16xi32>
    %dma_start3A = arith.constant 0 : i32
    %dma_start3A_20 = arith.constant 0 : i32
    %dma_start3A_21 = arith.constant 0 : i32
    %dma_start3A_22 = arith.constant 0 : i32
    %dma_start3A_23 = tpu.memref_slice %arg10[%dma_start3A_20, %dma_start3A_22] : memref<4x40xi32, #tpu.memory_space<vmem>> -> memref<1x40xi32, #tpu.memory_space<vmem>>
    %dma_start3A_24 = tpu.memref_squeeze %dma_start3A_23 : memref<1x40xi32, #tpu.memory_space<vmem>> -> memref<40xi32, #tpu.memory_space<vmem>>
    %dma_start3A_25 = arith.constant 0 : i32
    %dma_start3A_26 = tpu.memref_slice %arg2[%add3A, %dma_start3A, %dma_start3A_25] : memref<32x250x40xi32, #tpu.memory_space<hbm>> -> memref<1x1x40xi32, #tpu.memory_space<hbm>>
    %dma_start3A_27 = tpu.memref_squeeze %dma_start3A_26 : memref<1x1x40xi32, #tpu.memory_space<hbm>> -> memref<40xi32, #tpu.memory_space<hbm>>
    %dma_start3A_28 = tpu.memref_slice %arg16[%dma_start3A_21] : memref<4x!tpu.dma_semaphore, #tpu.memory_space<semaphore_mem>> -> memref<1x!tpu.dma_semaphore, #tpu.memory_space<semaphore_mem>>
    %dma_start3A_29 = tpu.memref_squeeze %dma_start3A_28 : memref<1x!tpu.dma_semaphore, #tpu.memory_space<semaphore_mem>> -> memref<!tpu.dma_semaphore, #tpu.memory_space<semaphore_mem>>
    %dma_start3A_30 = arith.constant 0 : i32
    %dma_start3A_31 = tpu.memref_slice %arg10[%dma_start3A_20, %dma_start3A_30] : memref<4x40xi32, #tpu.memory_space<vmem>> -> memref<1x40xi32, #tpu.memory_space<vmem>>
    %dma_start3A_32 = tpu.memref_squeeze %dma_start3A_31 : memref<1x40xi32, #tpu.memory_space<vmem>> -> memref<40xi32, #tpu.memory_space<vmem>>
    %dma_start3A_33 = arith.constant 0 : i32
    %dma_start3A_34 = tpu.memref_slice %arg2[%add3A, %dma_start3A, %dma_start3A_33] : memref<32x250x40xi32, #tpu.memory_space<hbm>> -> memref<1x1x40xi32, #tpu.memory_space<hbm>>
    %dma_start3A_35 = tpu.memref_squeeze %dma_start3A_34 : memref<1x1x40xi32, #tpu.memory_space<hbm>> -> memref<40xi32, #tpu.memory_space<hbm>>
    tpu.enqueue_dma source(%dma_start3A_35 : memref<40xi32, #tpu.memory_space<hbm>>) target(%dma_start3A_32 : memref<40xi32, #tpu.memory_space<vmem>>) target_semaphore(%dma_start3A_29 : memref<!tpu.dma_semaphore, #tpu.memory_space<semaphore_mem>>)
    %dma_start3A_36 = arith.constant 0 : i32
    %dma_start3A_37 = arith.constant 0 : i32
    %dma_start3A_38 = arith.constant 0 : i32
    %dma_start3A_39 = arith.constant 0 : i32
    %dma_start3A_40 = tpu.memref_slice %arg11[%dma_start3A_37, %dma_start3A_39] : memref<4x40xi32, #tpu.memory_space<vmem>> -> memref<1x40xi32, #tpu.memory_space<vmem>>
    %dma_start3A_41 = tpu.memref_squeeze %dma_start3A_40 : memref<1x40xi32, #tpu.memory_space<vmem>> -> memref<40xi32, #tpu.memory_space<vmem>>
    %dma_start3A_42 = arith.constant 0 : i32
    %dma_start3A_43 = tpu.memref_slice %arg3[%add3A, %dma_start3A_36, %dma_start3A_42] : memref<32x250x40xi32, #tpu.memory_space<hbm>> -> memref<1x1x40xi32, #tpu.memory_space<hbm>>
    %dma_start3A_44 = tpu.memref_squeeze %dma_start3A_43 : memref<1x1x40xi32, #tpu.memory_space<hbm>> -> memref<40xi32, #tpu.memory_space<hbm>>
    %dma_start3A_45 = tpu.memref_slice %arg16[%dma_start3A_38] : memref<4x!tpu.dma_semaphore, #tpu.memory_space<semaphore_mem>> -> memref<1x!tpu.dma_semaphore, #tpu.memory_space<semaphore_mem>>
    %dma_start3A_46 = tpu.memref_squeeze %dma_start3A_45 : memref<1x!tpu.dma_semaphore, #tpu.memory_space<semaphore_mem>> -> memref<!tpu.dma_semaphore, #tpu.memory_space<semaphore_mem>>
    %dma_start3A_47 = arith.constant 0 : i32
    %dma_start3A_48 = tpu.memref_slice %arg11[%dma_start3A_37, %dma_start3A_47] : memref<4x40xi32, #tpu.memory_space<vmem>> -> memref<1x40xi32, #tpu.memory_space<vmem>>
    %dma_start3A_49 = tpu.memref_squeeze %dma_start3A_48 : memref<1x40xi32, #tpu.memory_space<vmem>> -> memref<40xi32, #tpu.memory_space<vmem>>
    %dma_start3A_50 = arith.constant 0 : i32
    %dma_start3A_51 = tpu.memref_slice %arg3[%add3A, %dma_start3A_36, %dma_start3A_50] : memref<32x250x40xi32, #tpu.memory_space<hbm>> -> memref<1x1x40xi32, #tpu.memory_space<hbm>>
    %dma_start3A_52 = tpu.memref_squeeze %dma_start3A_51 : memref<1x1x40xi32, #tpu.memory_space<hbm>> -> memref<40xi32, #tpu.memory_space<hbm>>
    tpu.enqueue_dma source(%dma_start3A_52 : memref<40xi32, #tpu.memory_space<hbm>>) target(%dma_start3A_49 : memref<40xi32, #tpu.memory_space<vmem>>) target_semaphore(%dma_start3A_46 : memref<!tpu.dma_semaphore, #tpu.memory_space<semaphore_mem>>)
    %dma_start3A_53 = arith.constant 1 : i32
    %dma_start3A_54 = arith.constant 1 : i32
    %dma_start3A_55 = arith.constant 1 : i32
    %dma_start3A_56 = arith.constant 0 : i32
    %dma_start3A_57 = tpu.memref_slice %arg10[%dma_start3A_54, %dma_start3A_56] : memref<4x40xi32, #tpu.memory_space<vmem>> -> memref<1x40xi32, #tpu.memory_space<vmem>>
    %dma_start3A_58 = tpu.memref_squeeze %dma_start3A_57 : memref<1x40xi32, #tpu.memory_space<vmem>> -> memref<40xi32, #tpu.memory_space<vmem>>
    %dma_start3A_59 = arith.constant 0 : i32
    %dma_start3A_60 = tpu.memref_slice %arg2[%add3A, %dma_start3A_53, %dma_start3A_59] : memref<32x250x40xi32, #tpu.memory_space<hbm>> -> memref<1x1x40xi32, #tpu.memory_space<hbm>>
    %dma_start3A_61 = tpu.memref_squeeze %dma_start3A_60 : memref<1x1x40xi32, #tpu.memory_space<hbm>> -> memref<40xi32, #tpu.memory_space<hbm>>
    %dma_start3A_62 = tpu.memref_slice %arg16[%dma_start3A_55] : memref<4x!tpu.dma_semaphore, #tpu.memory_space<semaphore_mem>> -> memref<1x!tpu.dma_semaphore, #tpu.memory_space<semaphore_mem>>
    %dma_start3A_63 = tpu.memref_squeeze %dma_start3A_62 : memref<1x!tpu.dma_semaphore, #tpu.memory_space<semaphore_mem>> -> memref<!tpu.dma_semaphore, #tpu.memory_space<semaphore_mem>>
    %dma_start3A_64 = arith.constant 0 : i32
    %dma_start3A_65 = tpu.memref_slice %arg10[%dma_start3A_54, %dma_start3A_64] : memref<4x40xi32, #tpu.memory_space<vmem>> -> memref<1x40xi32, #tpu.memory_space<vmem>>
    %dma_start3A_66 = tpu.memref_squeeze %dma_start3A_65 : memref<1x40xi32, #tpu.memory_space<vmem>> -> memref<40xi32, #tpu.memory_space<vmem>>
    %dma_start3A_67 = arith.constant 0 : i32
    %dma_start3A_68 = tpu.memref_slice %arg2[%add3A, %dma_start3A_53, %dma_start3A_67] : memref<32x250x40xi32, #tpu.memory_space<hbm>> -> memref<1x1x40xi32, #tpu.memory_space<hbm>>
    %dma_start3A_69 = tpu.memref_squeeze %dma_start3A_68 : memref<1x1x40xi32, #tpu.memory_space<hbm>> -> memref<40xi32, #tpu.memory_space<hbm>>
    tpu.enqueue_dma source(%dma_start3A_69 : memref<40xi32, #tpu.memory_space<hbm>>) target(%dma_start3A_66 : memref<40xi32, #tpu.memory_space<vmem>>) target_semaphore(%dma_start3A_63 : memref<!tpu.dma_semaphore, #tpu.memory_space<semaphore_mem>>)
    %dma_start3A_70 = arith.constant 1 : i32
    %dma_start3A_71 = arith.constant 1 : i32
    %dma_start3A_72 = arith.constant 1 : i32
    %dma_start3A_73 = arith.constant 0 : i32
    %dma_start3A_74 = tpu.memref_slice %arg11[%dma_start3A_71, %dma_start3A_73] : memref<4x40xi32, #tpu.memory_space<vmem>> -> memref<1x40xi32, #tpu.memory_space<vmem>>
    %dma_start3A_75 = tpu.memref_squeeze %dma_start3A_74 : memref<1x40xi32, #tpu.memory_space<vmem>> -> memref<40xi32, #tpu.memory_space<vmem>>
    %dma_start3A_76 = arith.constant 0 : i32
    %dma_start3A_77 = tpu.memref_slice %arg3[%add3A, %dma_start3A_70, %dma_start3A_76] : memref<32x250x40xi32, #tpu.memory_space<hbm>> -> memref<1x1x40xi32, #tpu.memory_space<hbm>>
    %dma_start3A_78 = tpu.memref_squeeze %dma_start3A_77 : memref<1x1x40xi32, #tpu.memory_space<hbm>> -> memref<40xi32, #tpu.memory_space<hbm>>
    %dma_start3A_79 = tpu.memref_slice %arg16[%dma_start3A_72] : memref<4x!tpu.dma_semaphore, #tpu.memory_space<semaphore_mem>> -> memref<1x!tpu.dma_semaphore, #tpu.memory_space<semaphore_mem>>
    %dma_start3A_80 = tpu.memref_squeeze %dma_start3A_79 : memref<1x!tpu.dma_semaphore, #tpu.memory_space<semaphore_mem>> -> memref<!tpu.dma_semaphore, #tpu.memory_space<semaphore_mem>>
    %dma_start3A_81 = arith.constant 0 : i32
    %dma_start3A_82 = tpu.memref_slice %arg11[%dma_start3A_71, %dma_start3A_81] : memref<4x40xi32, #tpu.memory_space<vmem>> -> memref<1x40xi32, #tpu.memory_space<vmem>>
    %dma_start3A_83 = tpu.memref_squeeze %dma_start3A_82 : memref<1x40xi32, #tpu.memory_space<vmem>> -> memref<40xi32, #tpu.memory_space<vmem>>
    %dma_start3A_84 = arith.constant 0 : i32
    %dma_start3A_85 = tpu.memref_slice %arg3[%add3A, %dma_start3A_70, %dma_start3A_84] : memref<32x250x40xi32, #tpu.memory_space<hbm>> -> memref<1x1x40xi32, #tpu.memory_space<hbm>>
    %dma_start3A_86 = tpu.memref_squeeze %dma_start3A_85 : memref<1x1x40xi32, #tpu.memory_space<hbm>> -> memref<40xi32, #tpu.memory_space<hbm>>
    tpu.enqueue_dma source(%dma_start3A_86 : memref<40xi32, #tpu.memory_space<hbm>>) target(%dma_start3A_83 : memref<40xi32, #tpu.memory_space<vmem>>) target_semaphore(%dma_start3A_80 : memref<!tpu.dma_semaphore, #tpu.memory_space<semaphore_mem>>)
    %dma_wait3A = arith.constant 0 : i32
    %dma_wait3A_87 = arith.constant 0 : i32
    %dma_wait3A_88 = arith.constant 0 : i32
    %dma_wait3A_89 = arith.constant 0 : i32
    %dma_wait3A_90 = tpu.memref_slice %arg10[%dma_wait3A_87, %dma_wait3A_89] : memref<4x40xi32, #tpu.memory_space<vmem>> -> memref<1x40xi32, #tpu.memory_space<vmem>>
    %dma_wait3A_91 = tpu.memref_squeeze %dma_wait3A_90 : memref<1x40xi32, #tpu.memory_space<vmem>> -> memref<40xi32, #tpu.memory_space<vmem>>
    %dma_wait3A_92 = arith.constant 0 : i32
    %dma_wait3A_93 = tpu.memref_slice %arg2[%add3A, %dma_wait3A, %dma_wait3A_92] : memref<32x250x40xi32, #tpu.memory_space<hbm>> -> memref<1x1x40xi32, #tpu.memory_space<hbm>>
    %dma_wait3A_94 = tpu.memref_squeeze %dma_wait3A_93 : memref<1x1x40xi32, #tpu.memory_space<hbm>> -> memref<40xi32, #tpu.memory_space<hbm>>
    %dma_wait3A_95 = tpu.memref_slice %arg16[%dma_wait3A_88] : memref<4x!tpu.dma_semaphore, #tpu.memory_space<semaphore_mem>> -> memref<1x!tpu.dma_semaphore, #tpu.memory_space<semaphore_mem>>
    %dma_wait3A_96 = tpu.memref_squeeze %dma_wait3A_95 : memref<1x!tpu.dma_semaphore, #tpu.memory_space<semaphore_mem>> -> memref<!tpu.dma_semaphore, #tpu.memory_space<semaphore_mem>>
    %dma_wait3A_97 = arith.constant 0 : i32
    %dma_wait3A_98 = tpu.memref_slice %arg10[%dma_wait3A_87, %dma_wait3A_97] : memref<4x40xi32, #tpu.memory_space<vmem>> -> memref<1x40xi32, #tpu.memory_space<vmem>>
    %dma_wait3A_99 = tpu.memref_squeeze %dma_wait3A_98 : memref<1x40xi32, #tpu.memory_space<vmem>> -> memref<40xi32, #tpu.memory_space<vmem>>
    %dma_wait3A_100 = arith.constant 0 : i32
    %dma_wait3A_101 = tpu.memref_slice %arg2[%add3A, %dma_wait3A, %dma_wait3A_100] : memref<32x250x40xi32, #tpu.memory_space<hbm>> -> memref<1x1x40xi32, #tpu.memory_space<hbm>>
    %dma_wait3A_102 = tpu.memref_squeeze %dma_wait3A_101 : memref<1x1x40xi32, #tpu.memory_space<hbm>> -> memref<40xi32, #tpu.memory_space<hbm>>
    tpu.wait_dma2 semaphore(%dma_wait3A_96 : memref<!tpu.dma_semaphore, #tpu.memory_space<semaphore_mem>>) src(%dma_wait3A_102 : memref<40xi32, #tpu.memory_space<hbm>>) dst(%dma_wait3A_99 : memref<40xi32, #tpu.memory_space<vmem>>)
    %dma_wait3A_103 = arith.constant 0 : i32
    %dma_wait3A_104 = arith.constant 0 : i32
    %dma_wait3A_105 = arith.constant 0 : i32
    %dma_wait3A_106 = arith.constant 0 : i32
    %dma_wait3A_107 = tpu.memref_slice %arg11[%dma_wait3A_104, %dma_wait3A_106] : memref<4x40xi32, #tpu.memory_space<vmem>> -> memref<1x40xi32, #tpu.memory_space<vmem>>
    %dma_wait3A_108 = tpu.memref_squeeze %dma_wait3A_107 : memref<1x40xi32, #tpu.memory_space<vmem>> -> memref<40xi32, #tpu.memory_space<vmem>>
    %dma_wait3A_109 = arith.constant 0 : i32
    %dma_wait3A_110 = tpu.memref_slice %arg3[%add3A, %dma_wait3A_103, %dma_wait3A_109] : memref<32x250x40xi32, #tpu.memory_space<hbm>> -> memref<1x1x40xi32, #tpu.memory_space<hbm>>
    %dma_wait3A_111 = tpu.memref_squeeze %dma_wait3A_110 : memref<1x1x40xi32, #tpu.memory_space<hbm>> -> memref<40xi32, #tpu.memory_space<hbm>>
    %dma_wait3A_112 = tpu.memref_slice %arg16[%dma_wait3A_105] : memref<4x!tpu.dma_semaphore, #tpu.memory_space<semaphore_mem>> -> memref<1x!tpu.dma_semaphore, #tpu.memory_space<semaphore_mem>>
    %dma_wait3A_113 = tpu.memref_squeeze %dma_wait3A_112 : memref<1x!tpu.dma_semaphore, #tpu.memory_space<semaphore_mem>> -> memref<!tpu.dma_semaphore, #tpu.memory_space<semaphore_mem>>
    %dma_wait3A_114 = arith.constant 0 : i32
    %dma_wait3A_115 = tpu.memref_slice %arg11[%dma_wait3A_104, %dma_wait3A_114] : memref<4x40xi32, #tpu.memory_space<vmem>> -> memref<1x40xi32, #tpu.memory_space<vmem>>
    %dma_wait3A_116 = tpu.memref_squeeze %dma_wait3A_115 : memref<1x40xi32, #tpu.memory_space<vmem>> -> memref<40xi32, #tpu.memory_space<vmem>>
    %dma_wait3A_117 = arith.constant 0 : i32
    %dma_wait3A_118 = tpu.memref_slice %arg3[%add3A, %dma_wait3A_103, %dma_wait3A_117] : memref<32x250x40xi32, #tpu.memory_space<hbm>> -> memref<1x1x40xi32, #tpu.memory_space<hbm>>
    %dma_wait3A_119 = tpu.memref_squeeze %dma_wait3A_118 : memref<1x1x40xi32, #tpu.memory_space<hbm>> -> memref<40xi32, #tpu.memory_space<hbm>>
    tpu.wait_dma2 semaphore(%dma_wait3A_113 : memref<!tpu.dma_semaphore, #tpu.memory_space<semaphore_mem>>) src(%dma_wait3A_119 : memref<40xi32, #tpu.memory_space<hbm>>) dst(%dma_wait3A_116 : memref<40xi32, #tpu.memory_space<vmem>>)
    %dma_start3A_120 = arith.constant 0 : i32
    %dma_start3A_121 = arith.constant 0 : i32
    %dma_start3A_122 = arith.constant 0 : i32
    %dma_start3A_123 = arith.constant 0 : i32
    %dma_start3A_124 = arith.constant 0 : i32
    %dma_start3A_125 = tpu.memref_slice %arg12[%dma_start3A_121, %dma_start3A_123, %dma_start3A_124] : memref<2x40x80xi32, #tpu.memory_space<vmem>> -> memref<1x40x80xi32, #tpu.memory_space<vmem>>
    %dma_start3A_126 = tpu.memref_squeeze %dma_start3A_125 : memref<1x40x80xi32, #tpu.memory_space<vmem>> -> memref<40x80xi32, #tpu.memory_space<vmem>>
    %dma_start3A_127 = arith.constant 0 : i32
    %dma_start3A_128 = tpu.memref_slice %arg10[%dma_start3A_120, %dma_start3A_127] : memref<4x40xi32, #tpu.memory_space<vmem>> -> memref<1x40xi32, #tpu.memory_space<vmem>>
    %dma_start3A_129 = tpu.memref_squeeze %dma_start3A_128 : memref<1x40xi32, #tpu.memory_space<vmem>> -> memref<40xi32, #tpu.memory_space<vmem>>
    %dma_start3A_130 = arith.constant 0 : i32
    %dma_start3A_131 = arith.constant 0 : i32
    %dma_start3A_132 = tpu.memref_slice %arg4[%dma_start3A_130, %dma_start3A_131] : memref<10000x80xi32, #tpu.memory_space<hbm>> -> memref<10000x80xi32, #tpu.memory_space<hbm>>
    %dma_start3A_133 = tpu.memref_slice %arg17[%dma_start3A_122] : memref<2x!tpu.dma_semaphore, #tpu.memory_space<semaphore_mem>> -> memref<1x!tpu.dma_semaphore, #tpu.memory_space<semaphore_mem>>
    %dma_start3A_134 = tpu.memref_squeeze %dma_start3A_133 : memref<1x!tpu.dma_semaphore, #tpu.memory_space<semaphore_mem>> -> memref<!tpu.dma_semaphore, #tpu.memory_space<semaphore_mem>>
    tpu.enqueue_indirect_dma source(%dma_start3A_132 : memref<10000x80xi32, #tpu.memory_space<hbm>>) target(%dma_start3A_126 : memref<40x80xi32, #tpu.memory_space<vmem>>) offsets(%dma_start3A_129 : memref<40xi32, #tpu.memory_space<vmem>>) semaphore(%dma_start3A_134 : memref<!tpu.dma_semaphore, #tpu.memory_space<semaphore_mem>>)
    %dma_start3A_135 = arith.constant 0 : i32
    %dma_start3A_136 = arith.constant 0 : i32
    %dma_start3A_137 = arith.constant 0 : i32
    %dma_start3A_138 = arith.constant 0 : i32
    %dma_start3A_139 = arith.constant 0 : i32
    %dma_start3A_140 = tpu.memref_slice %arg13[%dma_start3A_136, %dma_start3A_138, %dma_start3A_139] : memref<2x40x16xf32, #tpu.memory_space<vmem>> -> memref<1x40x16xf32, #tpu.memory_space<vmem>>
    %dma_start3A_141 = tpu.memref_squeeze %dma_start3A_140 : memref<1x40x16xf32, #tpu.memory_space<vmem>> -> memref<40x16xf32, #tpu.memory_space<vmem>>
    %dma_start3A_142 = arith.constant 0 : i32
    %dma_start3A_143 = tpu.memref_slice %arg11[%dma_start3A_135, %dma_start3A_142] : memref<4x40xi32, #tpu.memory_space<vmem>> -> memref<1x40xi32, #tpu.memory_space<vmem>>
    %dma_start3A_144 = tpu.memref_squeeze %dma_start3A_143 : memref<1x40xi32, #tpu.memory_space<vmem>> -> memref<40xi32, #tpu.memory_space<vmem>>
    %dma_start3A_145 = arith.constant 0 : i32
    %dma_start3A_146 = arith.constant 0 : i32
    %dma_start3A_147 = tpu.memref_slice %arg5[%dma_start3A_145, %dma_start3A_146] : memref<10000x16xf32, #tpu.memory_space<hbm>> -> memref<10000x16xf32, #tpu.memory_space<hbm>>
    %dma_start3A_148 = tpu.memref_slice %arg17[%dma_start3A_137] : memref<2x!tpu.dma_semaphore, #tpu.memory_space<semaphore_mem>> -> memref<1x!tpu.dma_semaphore, #tpu.memory_space<semaphore_mem>>
    %dma_start3A_149 = tpu.memref_squeeze %dma_start3A_148 : memref<1x!tpu.dma_semaphore, #tpu.memory_space<semaphore_mem>> -> memref<!tpu.dma_semaphore, #tpu.memory_space<semaphore_mem>>
    tpu.enqueue_indirect_dma source(%dma_start3A_147 : memref<10000x16xf32, #tpu.memory_space<hbm>>) target(%dma_start3A_141 : memref<40x16xf32, #tpu.memory_space<vmem>>) offsets(%dma_start3A_144 : memref<40xi32, #tpu.memory_space<vmem>>) semaphore(%dma_start3A_149 : memref<!tpu.dma_semaphore, #tpu.memory_space<semaphore_mem>>)
    %dma_wait3A_150 = arith.constant 1 : i32
    %dma_wait3A_151 = arith.constant 1 : i32
    %dma_wait3A_152 = arith.constant 1 : i32
    %dma_wait3A_153 = arith.constant 0 : i32
    %dma_wait3A_154 = tpu.memref_slice %arg10[%dma_wait3A_151, %dma_wait3A_153] : memref<4x40xi32, #tpu.memory_space<vmem>> -> memref<1x40xi32, #tpu.memory_space<vmem>>
    %dma_wait3A_155 = tpu.memref_squeeze %dma_wait3A_154 : memref<1x40xi32, #tpu.memory_space<vmem>> -> memref<40xi32, #tpu.memory_space<vmem>>
    %dma_wait3A_156 = arith.constant 0 : i32
    %dma_wait3A_157 = tpu.memref_slice %arg2[%add3A, %dma_wait3A_150, %dma_wait3A_156] : memref<32x250x40xi32, #tpu.memory_space<hbm>> -> memref<1x1x40xi32, #tpu.memory_space<hbm>>
    %dma_wait3A_158 = tpu.memref_squeeze %dma_wait3A_157 : memref<1x1x40xi32, #tpu.memory_space<hbm>> -> memref<40xi32, #tpu.memory_space<hbm>>
    %dma_wait3A_159 = tpu.memref_slice %arg16[%dma_wait3A_152] : memref<4x!tpu.dma_semaphore, #tpu.memory_space<semaphore_mem>> -> memref<1x!tpu.dma_semaphore, #tpu.memory_space<semaphore_mem>>
    %dma_wait3A_160 = tpu.memref_squeeze %dma_wait3A_159 : memref<1x!tpu.dma_semaphore, #tpu.memory_space<semaphore_mem>> -> memref<!tpu.dma_semaphore, #tpu.memory_space<semaphore_mem>>
    %dma_wait3A_161 = arith.constant 0 : i32
    %dma_wait3A_162 = tpu.memref_slice %arg10[%dma_wait3A_151, %dma_wait3A_161] : memref<4x40xi32, #tpu.memory_space<vmem>> -> memref<1x40xi32, #tpu.memory_space<vmem>>
    %dma_wait3A_163 = tpu.memref_squeeze %dma_wait3A_162 : memref<1x40xi32, #tpu.memory_space<vmem>> -> memref<40xi32, #tpu.memory_space<vmem>>
    %dma_wait3A_164 = arith.constant 0 : i32
    %dma_wait3A_165 = tpu.memref_slice %arg2[%add3A, %dma_wait3A_150, %dma_wait3A_164] : memref<32x250x40xi32, #tpu.memory_space<hbm>> -> memref<1x1x40xi32, #tpu.memory_space<hbm>>
    %dma_wait3A_166 = tpu.memref_squeeze %dma_wait3A_165 : memref<1x1x40xi32, #tpu.memory_space<hbm>> -> memref<40xi32, #tpu.memory_space<hbm>>
    tpu.wait_dma2 semaphore(%dma_wait3A_160 : memref<!tpu.dma_semaphore, #tpu.memory_space<semaphore_mem>>) src(%dma_wait3A_166 : memref<40xi32, #tpu.memory_space<hbm>>) dst(%dma_wait3A_163 : memref<40xi32, #tpu.memory_space<vmem>>)
    %dma_wait3A_167 = arith.constant 1 : i32
    %dma_wait3A_168 = arith.constant 1 : i32
    %dma_wait3A_169 = arith.constant 1 : i32
    %dma_wait3A_170 = arith.constant 0 : i32
    %dma_wait3A_171 = tpu.memref_slice %arg11[%dma_wait3A_168, %dma_wait3A_170] : memref<4x40xi32, #tpu.memory_space<vmem>> -> memref<1x40xi32, #tpu.memory_space<vmem>>
    %dma_wait3A_172 = tpu.memref_squeeze %dma_wait3A_171 : memref<1x40xi32, #tpu.memory_space<vmem>> -> memref<40xi32, #tpu.memory_space<vmem>>
    %dma_wait3A_173 = arith.constant 0 : i32
    %dma_wait3A_174 = tpu.memref_slice %arg3[%add3A, %dma_wait3A_167, %dma_wait3A_173] : memref<32x250x40xi32, #tpu.memory_space<hbm>> -> memref<1x1x40xi32, #tpu.memory_space<hbm>>
    %dma_wait3A_175 = tpu.memref_squeeze %dma_wait3A_174 : memref<1x1x40xi32, #tpu.memory_space<hbm>> -> memref<40xi32, #tpu.memory_space<hbm>>
    %dma_wait3A_176 = tpu.memref_slice %arg16[%dma_wait3A_169] : memref<4x!tpu.dma_semaphore, #tpu.memory_space<semaphore_mem>> -> memref<1x!tpu.dma_semaphore, #tpu.memory_space<semaphore_mem>>
    %dma_wait3A_177 = tpu.memref_squeeze %dma_wait3A_176 : memref<1x!tpu.dma_semaphore, #tpu.memory_space<semaphore_mem>> -> memref<!tpu.dma_semaphore, #tpu.memory_space<semaphore_mem>>
    %dma_wait3A_178 = arith.constant 0 : i32
    %dma_wait3A_179 = tpu.memref_slice %arg11[%dma_wait3A_168, %dma_wait3A_178] : memref<4x40xi32, #tpu.memory_space<vmem>> -> memref<1x40xi32, #tpu.memory_space<vmem>>
    %dma_wait3A_180 = tpu.memref_squeeze %dma_wait3A_179 : memref<1x40xi32, #tpu.memory_space<vmem>> -> memref<40xi32, #tpu.memory_space<vmem>>
    %dma_wait3A_181 = arith.constant 0 : i32
    %dma_wait3A_182 = tpu.memref_slice %arg3[%add3A, %dma_wait3A_167, %dma_wait3A_181] : memref<32x250x40xi32, #tpu.memory_space<hbm>> -> memref<1x1x40xi32, #tpu.memory_space<hbm>>
    %dma_wait3A_183 = tpu.memref_squeeze %dma_wait3A_182 : memref<1x1x40xi32, #tpu.memory_space<hbm>> -> memref<40xi32, #tpu.memory_space<hbm>>
    tpu.wait_dma2 semaphore(%dma_wait3A_177 : memref<!tpu.dma_semaphore, #tpu.memory_space<semaphore_mem>>) src(%dma_wait3A_183 : memref<40xi32, #tpu.memory_space<hbm>>) dst(%dma_wait3A_180 : memref<40xi32, #tpu.memory_space<vmem>>)
    %dma_start3A_184 = arith.constant 1 : i32
    %dma_start3A_185 = arith.constant 1 : i32
    %dma_start3A_186 = arith.constant 1 : i32
    %dma_start3A_187 = arith.constant 0 : i32
    %dma_start3A_188 = arith.constant 0 : i32
    %dma_start3A_189 = tpu.memref_slice %arg12[%dma_start3A_185, %dma_start3A_187, %dma_start3A_188] : memref<2x40x80xi32, #tpu.memory_space<vmem>> -> memref<1x40x80xi32, #tpu.memory_space<vmem>>
    %dma_start3A_190 = tpu.memref_squeeze %dma_start3A_189 : memref<1x40x80xi32, #tpu.memory_space<vmem>> -> memref<40x80xi32, #tpu.memory_space<vmem>>
    %dma_start3A_191 = arith.constant 0 : i32
    %dma_start3A_192 = tpu.memref_slice %arg10[%dma_start3A_184, %dma_start3A_191] : memref<4x40xi32, #tpu.memory_space<vmem>> -> memref<1x40xi32, #tpu.memory_space<vmem>>
    %dma_start3A_193 = tpu.memref_squeeze %dma_start3A_192 : memref<1x40xi32, #tpu.memory_space<vmem>> -> memref<40xi32, #tpu.memory_space<vmem>>
    %dma_start3A_194 = arith.constant 0 : i32
    %dma_start3A_195 = arith.constant 0 : i32
    %dma_start3A_196 = tpu.memref_slice %arg4[%dma_start3A_194, %dma_start3A_195] : memref<10000x80xi32, #tpu.memory_space<hbm>> -> memref<10000x80xi32, #tpu.memory_space<hbm>>
    %dma_start3A_197 = tpu.memref_slice %arg17[%dma_start3A_186] : memref<2x!tpu.dma_semaphore, #tpu.memory_space<semaphore_mem>> -> memref<1x!tpu.dma_semaphore, #tpu.memory_space<semaphore_mem>>
    %dma_start3A_198 = tpu.memref_squeeze %dma_start3A_197 : memref<1x!tpu.dma_semaphore, #tpu.memory_space<semaphore_mem>> -> memref<!tpu.dma_semaphore, #tpu.memory_space<semaphore_mem>>
    tpu.enqueue_indirect_dma source(%dma_start3A_196 : memref<10000x80xi32, #tpu.memory_space<hbm>>) target(%dma_start3A_190 : memref<40x80xi32, #tpu.memory_space<vmem>>) offsets(%dma_start3A_193 : memref<40xi32, #tpu.memory_space<vmem>>) semaphore(%dma_start3A_198 : memref<!tpu.dma_semaphore, #tpu.memory_space<semaphore_mem>>)
    %dma_start3A_199 = arith.constant 1 : i32
    %dma_start3A_200 = arith.constant 1 : i32
    %dma_start3A_201 = arith.constant 1 : i32
    %dma_start3A_202 = arith.constant 0 : i32
    %dma_start3A_203 = arith.constant 0 : i32
    %dma_start3A_204 = tpu.memref_slice %arg13[%dma_start3A_200, %dma_start3A_202, %dma_start3A_203] : memref<2x40x16xf32, #tpu.memory_space<vmem>> -> memref<1x40x16xf32, #tpu.memory_space<vmem>>
    %dma_start3A_205 = tpu.memref_squeeze %dma_start3A_204 : memref<1x40x16xf32, #tpu.memory_space<vmem>> -> memref<40x16xf32, #tpu.memory_space<vmem>>
    %dma_start3A_206 = arith.constant 0 : i32
    %dma_start3A_207 = tpu.memref_slice %arg11[%dma_start3A_199, %dma_start3A_206] : memref<4x40xi32, #tpu.memory_space<vmem>> -> memref<1x40xi32, #tpu.memory_space<vmem>>
    %dma_start3A_208 = tpu.memref_squeeze %dma_start3A_207 : memref<1x40xi32, #tpu.memory_space<vmem>> -> memref<40xi32, #tpu.memory_space<vmem>>
    %dma_start3A_209 = arith.constant 0 : i32
    %dma_start3A_210 = arith.constant 0 : i32
    %dma_start3A_211 = tpu.memref_slice %arg5[%dma_start3A_209, %dma_start3A_210] : memref<10000x16xf32, #tpu.memory_space<hbm>> -> memref<10000x16xf32, #tpu.memory_space<hbm>>
    %dma_start3A_212 = tpu.memref_slice %arg17[%dma_start3A_201] : memref<2x!tpu.dma_semaphore, #tpu.memory_space<semaphore_mem>> -> memref<1x!tpu.dma_semaphore, #tpu.memory_space<semaphore_mem>>
    %dma_start3A_213 = tpu.memref_squeeze %dma_start3A_212 : memref<1x!tpu.dma_semaphore, #tpu.memory_space<semaphore_mem>> -> memref<!tpu.dma_semaphore, #tpu.memory_space<semaphore_mem>>
    tpu.enqueue_indirect_dma source(%dma_start3A_211 : memref<10000x16xf32, #tpu.memory_space<hbm>>) target(%dma_start3A_205 : memref<40x16xf32, #tpu.memory_space<vmem>>) offsets(%dma_start3A_208 : memref<40xi32, #tpu.memory_space<vmem>>) semaphore(%dma_start3A_213 : memref<!tpu.dma_semaphore, #tpu.memory_space<semaphore_mem>>)
    %dma_start3A_214 = arith.constant 2 : i32
    %dma_start3A_215 = arith.constant 2 : i32
    %dma_start3A_216 = arith.constant 2 : i32
    %dma_start3A_217 = arith.constant 0 : i32
    %dma_start3A_218 = tpu.memref_slice %arg10[%dma_start3A_215, %dma_start3A_217] : memref<4x40xi32, #tpu.memory_space<vmem>> -> memref<1x40xi32, #tpu.memory_space<vmem>>
    %dma_start3A_219 = tpu.memref_squeeze %dma_start3A_218 : memref<1x40xi32, #tpu.memory_space<vmem>> -> memref<40xi32, #tpu.memory_space<vmem>>
    %dma_start3A_220 = arith.constant 0 : i32
    %dma_start3A_221 = tpu.memref_slice %arg2[%add3A, %dma_start3A_214, %dma_start3A_220] : memref<32x250x40xi32, #tpu.memory_space<hbm>> -> memref<1x1x40xi32, #tpu.memory_space<hbm>>
    %dma_start3A_222 = tpu.memref_squeeze %dma_start3A_221 : memref<1x1x40xi32, #tpu.memory_space<hbm>> -> memref<40xi32, #tpu.memory_space<hbm>>
    %dma_start3A_223 = tpu.memref_slice %arg16[%dma_start3A_216] : memref<4x!tpu.dma_semaphore, #tpu.memory_space<semaphore_mem>> -> memref<1x!tpu.dma_semaphore, #tpu.memory_space<semaphore_mem>>
    %dma_start3A_224 = tpu.memref_squeeze %dma_start3A_223 : memref<1x!tpu.dma_semaphore, #tpu.memory_space<semaphore_mem>> -> memref<!tpu.dma_semaphore, #tpu.memory_space<semaphore_mem>>
    %dma_start3A_225 = arith.constant 0 : i32
    %dma_start3A_226 = tpu.memref_slice %arg10[%dma_start3A_215, %dma_start3A_225] : memref<4x40xi32, #tpu.memory_space<vmem>> -> memref<1x40xi32, #tpu.memory_space<vmem>>
    %dma_start3A_227 = tpu.memref_squeeze %dma_start3A_226 : memref<1x40xi32, #tpu.memory_space<vmem>> -> memref<40xi32, #tpu.memory_space<vmem>>
    %dma_start3A_228 = arith.constant 0 : i32
    %dma_start3A_229 = tpu.memref_slice %arg2[%add3A, %dma_start3A_214, %dma_start3A_228] : memref<32x250x40xi32, #tpu.memory_space<hbm>> -> memref<1x1x40xi32, #tpu.memory_space<hbm>>
    %dma_start3A_230 = tpu.memref_squeeze %dma_start3A_229 : memref<1x1x40xi32, #tpu.memory_space<hbm>> -> memref<40xi32, #tpu.memory_space<hbm>>
    tpu.enqueue_dma source(%dma_start3A_230 : memref<40xi32, #tpu.memory_space<hbm>>) target(%dma_start3A_227 : memref<40xi32, #tpu.memory_space<vmem>>) target_semaphore(%dma_start3A_224 : memref<!tpu.dma_semaphore, #tpu.memory_space<semaphore_mem>>)
    %dma_start3A_231 = arith.constant 2 : i32
    %dma_start3A_232 = arith.constant 2 : i32
    %dma_start3A_233 = arith.constant 2 : i32
    %dma_start3A_234 = arith.constant 0 : i32
    %dma_start3A_235 = tpu.memref_slice %arg11[%dma_start3A_232, %dma_start3A_234] : memref<4x40xi32, #tpu.memory_space<vmem>> -> memref<1x40xi32, #tpu.memory_space<vmem>>
    %dma_start3A_236 = tpu.memref_squeeze %dma_start3A_235 : memref<1x40xi32, #tpu.memory_space<vmem>> -> memref<40xi32, #tpu.memory_space<vmem>>
    %dma_start3A_237 = arith.constant 0 : i32
    %dma_start3A_238 = tpu.memref_slice %arg3[%add3A, %dma_start3A_231, %dma_start3A_237] : memref<32x250x40xi32, #tpu.memory_space<hbm>> -> memref<1x1x40xi32, #tpu.memory_space<hbm>>
    %dma_start3A_239 = tpu.memref_squeeze %dma_start3A_238 : memref<1x1x40xi32, #tpu.memory_space<hbm>> -> memref<40xi32, #tpu.memory_space<hbm>>
    %dma_start3A_240 = tpu.memref_slice %arg16[%dma_start3A_233] : memref<4x!tpu.dma_semaphore, #tpu.memory_space<semaphore_mem>> -> memref<1x!tpu.dma_semaphore, #tpu.memory_space<semaphore_mem>>
    %dma_start3A_241 = tpu.memref_squeeze %dma_start3A_240 : memref<1x!tpu.dma_semaphore, #tpu.memory_space<semaphore_mem>> -> memref<!tpu.dma_semaphore, #tpu.memory_space<semaphore_mem>>
    %dma_start3A_242 = arith.constant 0 : i32
    %dma_start3A_243 = tpu.memref_slice %arg11[%dma_start3A_232, %dma_start3A_242] : memref<4x40xi32, #tpu.memory_space<vmem>> -> memref<1x40xi32, #tpu.memory_space<vmem>>
    %dma_start3A_244 = tpu.memref_squeeze %dma_start3A_243 : memref<1x40xi32, #tpu.memory_space<vmem>> -> memref<40xi32, #tpu.memory_space<vmem>>
    %dma_start3A_245 = arith.constant 0 : i32
    %dma_start3A_246 = tpu.memref_slice %arg3[%add3A, %dma_start3A_231, %dma_start3A_245] : memref<32x250x40xi32, #tpu.memory_space<hbm>> -> memref<1x1x40xi32, #tpu.memory_space<hbm>>
    %dma_start3A_247 = tpu.memref_squeeze %dma_start3A_246 : memref<1x1x40xi32, #tpu.memory_space<hbm>> -> memref<40xi32, #tpu.memory_space<hbm>>
    tpu.enqueue_dma source(%dma_start3A_247 : memref<40xi32, #tpu.memory_space<hbm>>) target(%dma_start3A_244 : memref<40xi32, #tpu.memory_space<vmem>>) target_semaphore(%dma_start3A_241 : memref<!tpu.dma_semaphore, #tpu.memory_space<semaphore_mem>>)
    %dma_wait3A_248 = arith.constant 0 : i32
    %dma_wait3A_249 = arith.constant 0 : i32
    %dma_wait3A_250 = arith.constant 0 : i32
    %dma_wait3A_251 = arith.constant 0 : i32
    %dma_wait3A_252 = arith.constant 0 : i32
    %dma_wait3A_253 = tpu.memref_slice %arg12[%dma_wait3A_249, %dma_wait3A_251, %dma_wait3A_252] : memref<2x40x80xi32, #tpu.memory_space<vmem>> -> memref<1x40x80xi32, #tpu.memory_space<vmem>>
    %dma_wait3A_254 = tpu.memref_squeeze %dma_wait3A_253 : memref<1x40x80xi32, #tpu.memory_space<vmem>> -> memref<40x80xi32, #tpu.memory_space<vmem>>
    %dma_wait3A_255 = arith.constant 0 : i32
    %dma_wait3A_256 = tpu.memref_slice %arg10[%dma_wait3A_248, %dma_wait3A_255] : memref<4x40xi32, #tpu.memory_space<vmem>> -> memref<1x40xi32, #tpu.memory_space<vmem>>
    %dma_wait3A_257 = tpu.memref_squeeze %dma_wait3A_256 : memref<1x40xi32, #tpu.memory_space<vmem>> -> memref<40xi32, #tpu.memory_space<vmem>>
    %dma_wait3A_258 = arith.constant 0 : i32
    %dma_wait3A_259 = arith.constant 0 : i32
    %dma_wait3A_260 = tpu.memref_slice %arg4[%dma_wait3A_258, %dma_wait3A_259] : memref<10000x80xi32, #tpu.memory_space<hbm>> -> memref<10000x80xi32, #tpu.memory_space<hbm>>
    %dma_wait3A_261 = tpu.memref_slice %arg17[%dma_wait3A_250] : memref<2x!tpu.dma_semaphore, #tpu.memory_space<semaphore_mem>> -> memref<1x!tpu.dma_semaphore, #tpu.memory_space<semaphore_mem>>
    %dma_wait3A_262 = tpu.memref_squeeze %dma_wait3A_261 : memref<1x!tpu.dma_semaphore, #tpu.memory_space<semaphore_mem>> -> memref<!tpu.dma_semaphore, #tpu.memory_space<semaphore_mem>>
    tpu.wait_indirect_dma semaphore(%dma_wait3A_262 : memref<!tpu.dma_semaphore, #tpu.memory_space<semaphore_mem>>) src(%dma_wait3A_260 : memref<10000x80xi32, #tpu.memory_space<hbm>>) dst(%dma_wait3A_254 : memref<40x80xi32, #tpu.memory_space<vmem>>)
    %dma_wait3A_263 = arith.constant 0 : i32
    %dma_wait3A_264 = arith.constant 0 : i32
    %dma_wait3A_265 = arith.constant 0 : i32
    %dma_wait3A_266 = arith.constant 0 : i32
    %dma_wait3A_267 = arith.constant 0 : i32
    %dma_wait3A_268 = tpu.memref_slice %arg13[%dma_wait3A_264, %dma_wait3A_266, %dma_wait3A_267] : memref<2x40x16xf32, #tpu.memory_space<vmem>> -> memref<1x40x16xf32, #tpu.memory_space<vmem>>
    %dma_wait3A_269 = tpu.memref_squeeze %dma_wait3A_268 : memref<1x40x16xf32, #tpu.memory_space<vmem>> -> memref<40x16xf32, #tpu.memory_space<vmem>>
    %dma_wait3A_270 = arith.constant 0 : i32
    %dma_wait3A_271 = tpu.memref_slice %arg11[%dma_wait3A_263, %dma_wait3A_270] : memref<4x40xi32, #tpu.memory_space<vmem>> -> memref<1x40xi32, #tpu.memory_space<vmem>>
    %dma_wait3A_272 = tpu.memref_squeeze %dma_wait3A_271 : memref<1x40xi32, #tpu.memory_space<vmem>> -> memref<40xi32, #tpu.memory_space<vmem>>
    %dma_wait3A_273 = arith.constant 0 : i32
    %dma_wait3A_274 = arith.constant 0 : i32
    %dma_wait3A_275 = tpu.memref_slice %arg5[%dma_wait3A_273, %dma_wait3A_274] : memref<10000x16xf32, #tpu.memory_space<hbm>> -> memref<10000x16xf32, #tpu.memory_space<hbm>>
    %dma_wait3A_276 = tpu.memref_slice %arg17[%dma_wait3A_265] : memref<2x!tpu.dma_semaphore, #tpu.memory_space<semaphore_mem>> -> memref<1x!tpu.dma_semaphore, #tpu.memory_space<semaphore_mem>>
    %dma_wait3A_277 = tpu.memref_squeeze %dma_wait3A_276 : memref<1x!tpu.dma_semaphore, #tpu.memory_space<semaphore_mem>> -> memref<!tpu.dma_semaphore, #tpu.memory_space<semaphore_mem>>
    tpu.wait_indirect_dma semaphore(%dma_wait3A_277 : memref<!tpu.dma_semaphore, #tpu.memory_space<semaphore_mem>>) src(%dma_wait3A_275 : memref<10000x16xf32, #tpu.memory_space<hbm>>) dst(%dma_wait3A_269 : memref<40x16xf32, #tpu.memory_space<vmem>>)
    %scan3A = arith.constant 0 : i32
    %scan3A_278 = arith.constant 0 : i32
    %scan3A_279 = arith.constant 40 : i32
    %scan3A_280 = arith.addi %scan3A_278, %scan3A_279 : i32
    %scan3A_281 = arith.constant 1 : i32
    %scan3A_282 = scf.for %scan3A_1019 = %scan3A_278 to %scan3A_280 step %scan3A_281 iter_args(%scan3A_1020 = %scan3A) -> (i32)  : i32 {
      %get3A_1021 = arith.constant 0 : i32
      %get3A_1022 = arith.index_cast %get3A_1021 : i32 to index
      %get3A_1023 = arith.index_cast %scan3A_1019 : i32 to index
      %get3A_1024 = arith.constant 64 : index
      %get3A_1025 = tpu.vector_load %arg12[%get3A_1022, %get3A_1023, %get3A_1024] {strides = array<i32>} : memref<2x40x80xi32, #tpu.memory_space<vmem>>, vector<16xi32>,
      %bitcast3A = vector.bitcast %get3A_1025 : vector<16xi32> to vector<16xf32>
      %get3A_1026 = arith.constant 0 : i32
      %get3A_1027 = arith.index_cast %get3A_1026 : i32 to index
      %get3A_1028 = arith.index_cast %scan3A_1019 : i32 to index
      %get3A_1029 = arith.constant 0 : index
      %get3A_1030 = tpu.vector_load %arg13[%get3A_1027, %get3A_1028, %get3A_1029] {strides = array<i32>} : memref<2x40x16xf32, #tpu.memory_space<vmem>>, vector<16xf32>,
      %sub3A = arith.subf %bitcast3A, %get3A_1030 : vector<16xf32>
      %abs3A = math.absf %sub3A : vector<16xf32>
      %mul3A_1031 = arith.mulf %abs3A, %get3A_3 : vector<16xf32>
      %exp3A = math.exp %mul3A_1031 : vector<16xf32>
      %broadcast_in_dim3A_1032 = vector.shape_cast %broadcast_in_dim3A_4 : vector<16xi32> to vector<16x1xi32>
      %gather3A = vector.shape_cast %broadcast_in_dim3A_1032 : vector<16x1xi32> to vector<16xi32>
      %gather3A_1033 = tpu.dynamic_gather %exp3A[%gather3A] in [0] : vector<16xf32>, vector<16xi32> -> vector<16xf32>
      %add3A_1034 = arith.addf %bitcast3A, %get3A_1030 : vector<16xf32>
      %mul3A_1035 = arith.mulf %add3A_1034, %gather3A_1033 : vector<16xf32>
      %mul3A_1036 = arith.constant 2.000000e-01 : f32
      %mul3A_1037 = vector.broadcast %mul3A_1036 : f32 to vector<16xf32>
      %mul3A_1038 = arith.mulf %mul3A_1037, %mul3A_1035 : vector<16xf32>
      %max3A = arith.maximumf %mul3A_1035, %mul3A_1038 : vector<16xf32>
      %exp3A_1039 = math.exp %max3A : vector<16xf32>
      %swap3A = arith.constant 0 : i32
      %swap3A_1040 = arith.index_cast %swap3A : i32 to index
      %swap3A_1041 = arith.index_cast %scan3A_1019 : i32 to index
      %swap3A_1042 = arith.constant 128 : index
      %swap3A_1043 = tpu.vector_load %arg14[%swap3A_1040, %swap3A_1041, %swap3A_1042] {strides = array<i32>} : memref<2x40x144xf32, #tpu.memory_space<vmem>>, vector<16xf32>,
      tpu.vector_store %arg14[%swap3A_1040, %swap3A_1041, %swap3A_1042], %exp3A_1039 {strides = array<i32>} : memref<2x40x144xf32, #tpu.memory_space<vmem>>, vector<16xf32>,
      %broadcast_in_dim3A_1044 = vector.shape_cast %select_n3A_19 : vector<16xi32> to vector<16x1xi32>
      %gather3A_1045 = vector.shape_cast %broadcast_in_dim3A_1044 : vector<16x1xi32> to vector<16xi32>
      %gather3A_1046 = tpu.dynamic_gather %exp3A_1039[%gather3A_1045] in [0] : vector<16xf32>, vector<16xi32> -> vector<16xf32>
      %get3A_1047 = arith.constant 0 : i32
      %get3A_1048 = arith.index_cast %get3A_1047 : i32 to index
      %get3A_1049 = arith.index_cast %scan3A_1019 : i32 to index
      %get3A_1050 = arith.constant 0 : index
      %get3A_1051 = tpu.vector_load %arg12[%get3A_1048, %get3A_1049, %get3A_1050] {strides = array<i32>} : memref<2x40x80xi32, #tpu.memory_space<vmem>>, vector<16xi32>,
      %bitcast3A_1052 = vector.bitcast %get3A_1051 : vector<16xi32> to vector<32xbf16>
      %unpack3A = tpu.unpack_subelements %bitcast3A_1052, 0 {pack_format = #tpu.pack_format<interleaved>} : vector<32xbf16> -> vector<16xf32>
      %unpack3A_1053 = tpu.unpack_subelements %bitcast3A_1052, 1 {pack_format = #tpu.pack_format<interleaved>} : vector<32xbf16> -> vector<16xf32>
      %mul3A_1054 = arith.mulf %unpack3A, %gather3A_1046 : vector<16xf32>
      %swap3A_1055 = arith.constant 0 : i32
      %swap3A_1056 = arith.index_cast %swap3A_1055 : i32 to index
      %swap3A_1057 = arith.index_cast %scan3A_1019 : i32 to index
      %swap3A_1058 = arith.constant 0 : index
      %swap3A_1059 = tpu.vector_load %arg14[%swap3A_1056, %swap3A_1057, %swap3A_1058] {strides = array<i32>} : memref<2x40x144xf32, #tpu.memory_space<vmem>>, vector<16xf32>,
      tpu.vector_store %arg14[%swap3A_1056, %swap3A_1057, %swap3A_1058], %mul3A_1054 {strides = array<i32>} : memref<2x40x144xf32, #tpu.memory_space<vmem>>, vector<16xf32>,
      %mul3A_1060 = arith.mulf %unpack3A_1053, %gather3A_1046 : vector<16xf32>
      %swap3A_1061 = arith.constant 0 : i32
      %swap3A_1062 = arith.index_cast %swap3A_1061 : i32 to index
      %swap3A_1063 = arith.index_cast %scan3A_1019 : i32 to index
      %swap3A_1064 = arith.constant 16 : index
      %swap3A_1065 = tpu.vector_load %arg14[%swap3A_1062, %swap3A_1063, %swap3A_1064] {strides = array<i32>} : memref<2x40x144xf32, #tpu.memory_space<vmem>>, vector<16xf32>,
      tpu.vector_store %arg14[%swap3A_1062, %swap3A_1063, %swap3A_1064], %mul3A_1060 {strides = array<i32>} : memref<2x40x144xf32, #tpu.memory_space<vmem>>, vector<16xf32>,
      %get3A_1066 = arith.constant 0 : i32
      %get3A_1067 = arith.index_cast %get3A_1066 : i32 to index
      %get3A_1068 = arith.index_cast %scan3A_1019 : i32 to index
      %get3A_1069 = arith.constant 16 : index
      %get3A_1070 = tpu.vector_load %arg12[%get3A_1067, %get3A_1068, %get3A_1069] {strides = array<i32>} : memref<2x40x80xi32, #tpu.memory_space<vmem>>, vector<16xi32>,
      %bitcast3A_1071 = vector.bitcast %get3A_1070 : vector<16xi32> to vector<32xbf16>
      %unpack3A_1072 = tpu.unpack_subelements %bitcast3A_1071, 0 {pack_format = #tpu.pack_format<interleaved>} : vector<32xbf16> -> vector<16xf32>
      %unpack3A_1073 = tpu.unpack_subelements %bitcast3A_1071, 1 {pack_format = #tpu.pack_format<interleaved>} : vector<32xbf16> -> vector<16xf32>
      %mul3A_1074 = arith.mulf %unpack3A_1072, %gather3A_1046 : vector<16xf32>
      %swap3A_1075 = arith.constant 0 : i32
      %swap3A_1076 = arith.index_cast %swap3A_1075 : i32 to index
      %swap3A_1077 = arith.index_cast %scan3A_1019 : i32 to index
      %swap3A_1078 = arith.constant 32 : index
      %swap3A_1079 = tpu.vector_load %arg14[%swap3A_1076, %swap3A_1077, %swap3A_1078] {strides = array<i32>} : memref<2x40x144xf32, #tpu.memory_space<vmem>>, vector<16xf32>,
      tpu.vector_store %arg14[%swap3A_1076, %swap3A_1077, %swap3A_1078], %mul3A_1074 {strides = array<i32>} : memref<2x40x144xf32, #tpu.memory_space<vmem>>, vector<16xf32>,
      %mul3A_1080 = arith.mulf %unpack3A_1073, %gather3A_1046 : vector<16xf32>
      %swap3A_1081 = arith.constant 0 : i32
      %swap3A_1082 = arith.index_cast %swap3A_1081 : i32 to index
      %swap3A_1083 = arith.index_cast %scan3A_1019 : i32 to index
      %swap3A_1084 = arith.constant 48 : index
      %swap3A_1085 = tpu.vector_load %arg14[%swap3A_1082, %swap3A_1083, %swap3A_1084] {strides = array<i32>} : memref<2x40x144xf32, #tpu.memory_space<vmem>>, vector<16xf32>,
      tpu.vector_store %arg14[%swap3A_1082, %swap3A_1083, %swap3A_1084], %mul3A_1080 {strides = array<i32>} : memref<2x40x144xf32, #tpu.memory_space<vmem>>, vector<16xf32>,
      %get3A_1086 = arith.constant 0 : i32
      %get3A_1087 = arith.index_cast %get3A_1086 : i32 to index
      %get3A_1088 = arith.index_cast %scan3A_1019 : i32 to index
      %get3A_1089 = arith.constant 32 : index
      %get3A_1090 = tpu.vector_load %arg12[%get3A_1087, %get3A_1088, %get3A_1089] {strides = array<i32>} : memref<2x40x80xi32, #tpu.memory_space<vmem>>, vector<16xi32>,
      %bitcast3A_1091 = vector.bitcast %get3A_1090 : vector<16xi32> to vector<32xbf16>
      %unpack3A_1092 = tpu.unpack_subelements %bitcast3A_1091, 0 {pack_format = #tpu.pack_format<interleaved>} : vector<32xbf16> -> vector<16xf32>
      %unpack3A_1093 = tpu.unpack_subelements %bitcast3A_1091, 1 {pack_format = #tpu.pack_format<interleaved>} : vector<32xbf16> -> vector<16xf32>
      %mul3A_1094 = arith.mulf %unpack3A_1092, %gather3A_1046 : vector<16xf32>
      %swap3A_1095 = arith.constant 0 : i32
      %swap3A_1096 = arith.index_cast %swap3A_1095 : i32 to index
      %swap3A_1097 = arith.index_cast %scan3A_1019 : i32 to index
      %swap3A_1098 = arith.constant 64 : index
      %swap3A_1099 = tpu.vector_load %arg14[%swap3A_1096, %swap3A_1097, %swap3A_1098] {strides = array<i32>} : memref<2x40x144xf32, #tpu.memory_space<vmem>>, vector<16xf32>,
      tpu.vector_store %arg14[%swap3A_1096, %swap3A_1097, %swap3A_1098], %mul3A_1094 {strides = array<i32>} : memref<2x40x144xf32, #tpu.memory_space<vmem>>, vector<16xf32>,
      %mul3A_1100 = arith.mulf %unpack3A_1093, %gather3A_1046 : vector<16xf32>
      %swap3A_1101 = arith.constant 0 : i32
      %swap3A_1102 = arith.index_cast %swap3A_1101 : i32 to index
      %swap3A_1103 = arith.index_cast %scan3A_1019 : i32 to index
      %swap3A_1104 = arith.constant 80 : index
      %swap3A_1105 = tpu.vector_load %arg14[%swap3A_1102, %swap3A_1103, %swap3A_1104] {strides = array<i32>} : memref<2x40x144xf32, #tpu.memory_space<vmem>>, vector<16xf32>,
      tpu.vector_store %arg14[%swap3A_1102, %swap3A_1103, %swap3A_1104], %mul3A_1100 {strides = array<i32>} : memref<2x40x144xf32, #tpu.memory_space<vmem>>, vector<16xf32>,
      %get3A_1106 = arith.constant 0 : i32
      %get3A_1107 = arith.index_cast %get3A_1106 : i32 to index
      %get3A_1108 = arith.index_cast %scan3A_1019 : i32 to index
      %get3A_1109 = arith.constant 48 : index
      %get3A_1110 = tpu.vector_load %arg12[%get3A_1107, %get3A_1108, %get3A_1109] {strides = array<i32>} : memref<2x40x80xi32, #tpu.memory_space<vmem>>, vector<16xi32>,
      %bitcast3A_1111 = vector.bitcast %get3A_1110 : vector<16xi32> to vector<32xbf16>
      %unpack3A_1112 = tpu.unpack_subelements %bitcast3A_1111, 0 {pack_format = #tpu.pack_format<interleaved>} : vector<32xbf16> -> vector<16xf32>
      %unpack3A_1113 = tpu.unpack_subelements %bitcast3A_1111, 1 {pack_format = #tpu.pack_format<interleaved>} : vector<32xbf16> -> vector<16xf32>
      %mul3A_1114 = arith.mulf %unpack3A_1112, %gather3A_1046 : vector<16xf32>
      %swap3A_1115 = arith.constant 0 : i32
      %swap3A_1116 = arith.index_cast %swap3A_1115 : i32 to index
      %swap3A_1117 = arith.index_cast %scan3A_1019 : i32 to index
      %swap3A_1118 = arith.constant 96 : index
      %swap3A_1119 = tpu.vector_load %arg14[%swap3A_1116, %swap3A_1117, %swap3A_1118] {strides = array<i32>} : memref<2x40x144xf32, #tpu.memory_space<vmem>>, vector<16xf32>,
      tpu.vector_store %arg14[%swap3A_1116, %swap3A_1117, %swap3A_1118], %mul3A_1114 {strides = array<i32>} : memref<2x40x144xf32, #tpu.memory_space<vmem>>, vector<16xf32>,
      %mul3A_1120 = arith.mulf %unpack3A_1113, %gather3A_1046 : vector<16xf32>
      %swap3A_1121 = arith.constant 0 : i32
      %swap3A_1122 = arith.index_cast %swap3A_1121 : i32 to index
      %swap3A_1123 = arith.index_cast %scan3A_1019 : i32 to index
      %swap3A_1124 = arith.constant 112 : index
      %swap3A_1125 = tpu.vector_load %arg14[%swap3A_1122, %swap3A_1123, %swap3A_1124] {strides = array<i32>} : memref<2x40x144xf32, #tpu.memory_space<vmem>>, vector<16xf32>,
      tpu.vector_store %arg14[%swap3A_1122, %swap3A_1123, %swap3A_1124], %mul3A_1120 {strides = array<i32>} : memref<2x40x144xf32, #tpu.memory_space<vmem>>, vector<16xf32>,
      %scan3A_1126 = arith.constant 0 : i32
      scf.yield %scan3A_1126 : i32
    }
    %scan3A_283 = arith.constant 40 : i32
    %dma_start3A_284 = arith.constant 0 : i32
    %dma_start3A_285 = arith.constant 0 : i32
    %dma_start3A_286 = arith.constant 0 : i32
    %dma_start3A_287 = arith.constant 0 : i32
    %dma_start3A_288 = arith.constant 0 : i32
    %dma_start3A_289 = tpu.memref_slice %arg14[%dma_start3A_284, %dma_start3A_287, %dma_start3A_288] : memref<2x40x144xf32, #tpu.memory_space<vmem>> -> memref<1x40x144xf32, #tpu.memory_space<vmem>>
    %dma_start3A_290 = tpu.memref_squeeze %dma_start3A_289 : memref<1x40x144xf32, #tpu.memory_space<vmem>> -> memref<40x144xf32, #tpu.memory_space<vmem>>
    %dma_start3A_291 = arith.constant 0 : i32
    %dma_start3A_292 = tpu.memref_slice %arg11[%dma_start3A_285, %dma_start3A_291] : memref<4x40xi32, #tpu.memory_space<vmem>> -> memref<1x40xi32, #tpu.memory_space<vmem>>
    %dma_start3A_293 = tpu.memref_squeeze %dma_start3A_292 : memref<1x40xi32, #tpu.memory_space<vmem>> -> memref<40xi32, #tpu.memory_space<vmem>>
    %dma_start3A_294 = arith.constant 0 : i32
    %dma_start3A_295 = arith.constant 0 : i32
    %dma_start3A_296 = tpu.memref_slice %arg9[%dma_start3A_294, %dma_start3A_295] : memref<10000x144xf32, #tpu.memory_space<vmem_shared>> -> memref<10000x144xf32, #tpu.memory_space<vmem_shared>>
    %dma_start3A_297 = tpu.memref_slice %arg18[%dma_start3A_286] : memref<2x!tpu.dma_semaphore, #tpu.memory_space<semaphore_mem>> -> memref<1x!tpu.dma_semaphore, #tpu.memory_space<semaphore_mem>>
    %dma_start3A_298 = tpu.memref_squeeze %dma_start3A_297 : memref<1x!tpu.dma_semaphore, #tpu.memory_space<semaphore_mem>> -> memref<!tpu.dma_semaphore, #tpu.memory_space<semaphore_mem>>
    tpu.enqueue_indirect_dma source(%dma_start3A_290 : memref<40x144xf32, #tpu.memory_space<vmem>>) target(%dma_start3A_296 : memref<10000x144xf32, #tpu.memory_space<vmem_shared>>) offsets(%dma_start3A_293 : memref<40xi32, #tpu.memory_space<vmem>>) semaphore(%dma_start3A_298 : memref<!tpu.dma_semaphore, #tpu.memory_space<semaphore_mem>>) {add = true}
    %dma_wait3A_299 = arith.constant 2 : i32
    %dma_wait3A_300 = arith.constant 2 : i32
    %dma_wait3A_301 = arith.constant 2 : i32
    %dma_wait3A_302 = arith.constant 0 : i32
    %dma_wait3A_303 = tpu.memref_slice %arg10[%dma_wait3A_300, %dma_wait3A_302] : memref<4x40xi32, #tpu.memory_space<vmem>> -> memref<1x40xi32, #tpu.memory_space<vmem>>
    %dma_wait3A_304 = tpu.memref_squeeze %dma_wait3A_303 : memref<1x40xi32, #tpu.memory_space<vmem>> -> memref<40xi32, #tpu.memory_space<vmem>>
    %dma_wait3A_305 = arith.constant 0 : i32
    %dma_wait3A_306 = tpu.memref_slice %arg2[%add3A, %dma_wait3A_299, %dma_wait3A_305] : memref<32x250x40xi32, #tpu.memory_space<hbm>> -> memref<1x1x40xi32, #tpu.memory_space<hbm>>
    %dma_wait3A_307 = tpu.memref_squeeze %dma_wait3A_306 : memref<1x1x40xi32, #tpu.memory_space<hbm>> -> memref<40xi32, #tpu.memory_space<hbm>>
    %dma_wait3A_308 = tpu.memref_slice %arg16[%dma_wait3A_301] : memref<4x!tpu.dma_semaphore, #tpu.memory_space<semaphore_mem>> -> memref<1x!tpu.dma_semaphore, #tpu.memory_space<semaphore_mem>>
    %dma_wait3A_309 = tpu.memref_squeeze %dma_wait3A_308 : memref<1x!tpu.dma_semaphore, #tpu.memory_space<semaphore_mem>> -> memref<!tpu.dma_semaphore, #tpu.memory_space<semaphore_mem>>
    %dma_wait3A_310 = arith.constant 0 : i32
    %dma_wait3A_311 = tpu.memref_slice %arg10[%dma_wait3A_300, %dma_wait3A_310] : memref<4x40xi32, #tpu.memory_space<vmem>> -> memref<1x40xi32, #tpu.memory_space<vmem>>
    %dma_wait3A_312 = tpu.memref_squeeze %dma_wait3A_311 : memref<1x40xi32, #tpu.memory_space<vmem>> -> memref<40xi32, #tpu.memory_space<vmem>>
    %dma_wait3A_313 = arith.constant 0 : i32
    %dma_wait3A_314 = tpu.memref_slice %arg2[%add3A, %dma_wait3A_299, %dma_wait3A_313] : memref<32x250x40xi32, #tpu.memory_space<hbm>> -> memref<1x1x40xi32, #tpu.memory_space<hbm>>
    %dma_wait3A_315 = tpu.memref_squeeze %dma_wait3A_314 : memref<1x1x40xi32, #tpu.memory_space<hbm>> -> memref<40xi32, #tpu.memory_space<hbm>>
    tpu.wait_dma2 semaphore(%dma_wait3A_309 : memref<!tpu.dma_semaphore, #tpu.memory_space<semaphore_mem>>) src(%dma_wait3A_315 : memref<40xi32, #tpu.memory_space<hbm>>) dst(%dma_wait3A_312 : memref<40xi32, #tpu.memory_space<vmem>>)
    %dma_wait3A_316 = arith.constant 2 : i32
    %dma_wait3A_317 = arith.constant 2 : i32
    %dma_wait3A_318 = arith.constant 2 : i32
    %dma_wait3A_319 = arith.constant 0 : i32
    %dma_wait3A_320 = tpu.memref_slice %arg11[%dma_wait3A_317, %dma_wait3A_319] : memref<4x40xi32, #tpu.memory_space<vmem>> -> memref<1x40xi32, #tpu.memory_space<vmem>>
    %dma_wait3A_321 = tpu.memref_squeeze %dma_wait3A_320 : memref<1x40xi32, #tpu.memory_space<vmem>> -> memref<40xi32, #tpu.memory_space<vmem>>
    %dma_wait3A_322 = arith.constant 0 : i32
    %dma_wait3A_323 = tpu.memref_slice %arg3[%add3A, %dma_wait3A_316, %dma_wait3A_322] : memref<32x250x40xi32, #tpu.memory_space<hbm>> -> memref<1x1x40xi32, #tpu.memory_space<hbm>>
    %dma_wait3A_324 = tpu.memref_squeeze %dma_wait3A_323 : memref<1x1x40xi32, #tpu.memory_space<hbm>> -> memref<40xi32, #tpu.memory_space<hbm>>
    %dma_wait3A_325 = tpu.memref_slice %arg16[%dma_wait3A_318] : memref<4x!tpu.dma_semaphore, #tpu.memory_space<semaphore_mem>> -> memref<1x!tpu.dma_semaphore, #tpu.memory_space<semaphore_mem>>
    %dma_wait3A_326 = tpu.memref_squeeze %dma_wait3A_325 : memref<1x!tpu.dma_semaphore, #tpu.memory_space<semaphore_mem>> -> memref<!tpu.dma_semaphore, #tpu.memory_space<semaphore_mem>>
    %dma_wait3A_327 = arith.constant 0 : i32
    %dma_wait3A_328 = tpu.memref_slice %arg11[%dma_wait3A_317, %dma_wait3A_327] : memref<4x40xi32, #tpu.memory_space<vmem>> -> memref<1x40xi32, #tpu.memory_space<vmem>>
    %dma_wait3A_329 = tpu.memref_squeeze %dma_wait3A_328 : memref<1x40xi32, #tpu.memory_space<vmem>> -> memref<40xi32, #tpu.memory_space<vmem>>
    %dma_wait3A_330 = arith.constant 0 : i32
    %dma_wait3A_331 = tpu.memref_slice %arg3[%add3A, %dma_wait3A_316, %dma_wait3A_330] : memref<32x250x40xi32, #tpu.memory_space<hbm>> -> memref<1x1x40xi32, #tpu.memory_space<hbm>>
    %dma_wait3A_332 = tpu.memref_squeeze %dma_wait3A_331 : memref<1x1x40xi32, #tpu.memory_space<hbm>> -> memref<40xi32, #tpu.memory_space<hbm>>
    tpu.wait_dma2 semaphore(%dma_wait3A_326 : memref<!tpu.dma_semaphore, #tpu.memory_space<semaphore_mem>>) src(%dma_wait3A_332 : memref<40xi32, #tpu.memory_space<hbm>>) dst(%dma_wait3A_329 : memref<40xi32, #tpu.memory_space<vmem>>)
    %dma_start3A_333 = arith.constant 2 : i32
    %dma_start3A_334 = arith.constant 0 : i32
    %dma_start3A_335 = arith.constant 0 : i32
    %dma_start3A_336 = arith.constant 0 : i32
    %dma_start3A_337 = arith.constant 0 : i32
    %dma_start3A_338 = tpu.memref_slice %arg12[%dma_start3A_334, %dma_start3A_336, %dma_start3A_337] : memref<2x40x80xi32, #tpu.memory_space<vmem>> -> memref<1x40x80xi32, #tpu.memory_space<vmem>>
    %dma_start3A_339 = tpu.memref_squeeze %dma_start3A_338 : memref<1x40x80xi32, #tpu.memory_space<vmem>> -> memref<40x80xi32, #tpu.memory_space<vmem>>
    %dma_start3A_340 = arith.constant 0 : i32
    %dma_start3A_341 = tpu.memref_slice %arg10[%dma_start3A_333, %dma_start3A_340] : memref<4x40xi32, #tpu.memory_space<vmem>> -> memref<1x40xi32, #tpu.memory_space<vmem>>
    %dma_start3A_342 = tpu.memref_squeeze %dma_start3A_341 : memref<1x40xi32, #tpu.memory_space<vmem>> -> memref<40xi32, #tpu.memory_space<vmem>>
    %dma_start3A_343 = arith.constant 0 : i32
    %dma_start3A_344 = arith.constant 0 : i32
    %dma_start3A_345 = tpu.memref_slice %arg4[%dma_start3A_343, %dma_start3A_344] : memref<10000x80xi32, #tpu.memory_space<hbm>> -> memref<10000x80xi32, #tpu.memory_space<hbm>>
    %dma_start3A_346 = tpu.memref_slice %arg17[%dma_start3A_335] : memref<2x!tpu.dma_semaphore, #tpu.memory_space<semaphore_mem>> -> memref<1x!tpu.dma_semaphore, #tpu.memory_space<semaphore_mem>>
    %dma_start3A_347 = tpu.memref_squeeze %dma_start3A_346 : memref<1x!tpu.dma_semaphore, #tpu.memory_space<semaphore_mem>> -> memref<!tpu.dma_semaphore, #tpu.memory_space<semaphore_mem>>
    tpu.enqueue_indirect_dma source(%dma_start3A_345 : memref<10000x80xi32, #tpu.memory_space<hbm>>) target(%dma_start3A_339 : memref<40x80xi32, #tpu.memory_space<vmem>>) offsets(%dma_start3A_342 : memref<40xi32, #tpu.memory_space<vmem>>) semaphore(%dma_start3A_347 : memref<!tpu.dma_semaphore, #tpu.memory_space<semaphore_mem>>)
    %dma_start3A_348 = arith.constant 2 : i32
    %dma_start3A_349 = arith.constant 0 : i32
    %dma_start3A_350 = arith.constant 0 : i32
    %dma_start3A_351 = arith.constant 0 : i32
    %dma_start3A_352 = arith.constant 0 : i32
    %dma_start3A_353 = tpu.memref_slice %arg13[%dma_start3A_349, %dma_start3A_351, %dma_start3A_352] : memref<2x40x16xf32, #tpu.memory_space<vmem>> -> memref<1x40x16xf32, #tpu.memory_space<vmem>>
    %dma_start3A_354 = tpu.memref_squeeze %dma_start3A_353 : memref<1x40x16xf32, #tpu.memory_space<vmem>> -> memref<40x16xf32, #tpu.memory_space<vmem>>
    %dma_start3A_355 = arith.constant 0 : i32
    %dma_start3A_356 = tpu.memref_slice %arg11[%dma_start3A_348, %dma_start3A_355] : memref<4x40xi32, #tpu.memory_space<vmem>> -> memref<1x40xi32, #tpu.memory_space<vmem>>
    %dma_start3A_357 = tpu.memref_squeeze %dma_start3A_356 : memref<1x40xi32, #tpu.memory_space<vmem>> -> memref<40xi32, #tpu.memory_space<vmem>>
    %dma_start3A_358 = arith.constant 0 : i32
    %dma_start3A_359 = arith.constant 0 : i32
    %dma_start3A_360 = tpu.memref_slice %arg5[%dma_start3A_358, %dma_start3A_359] : memref<10000x16xf32, #tpu.memory_space<hbm>> -> memref<10000x16xf32, #tpu.memory_space<hbm>>
    %dma_start3A_361 = tpu.memref_slice %arg17[%dma_start3A_350] : memref<2x!tpu.dma_semaphore, #tpu.memory_space<semaphore_mem>> -> memref<1x!tpu.dma_semaphore, #tpu.memory_space<semaphore_mem>>
    %dma_start3A_362 = tpu.memref_squeeze %dma_start3A_361 : memref<1x!tpu.dma_semaphore, #tpu.memory_space<semaphore_mem>> -> memref<!tpu.dma_semaphore, #tpu.memory_space<semaphore_mem>>
    tpu.enqueue_indirect_dma source(%dma_start3A_360 : memref<10000x16xf32, #tpu.memory_space<hbm>>) target(%dma_start3A_354 : memref<40x16xf32, #tpu.memory_space<vmem>>) offsets(%dma_start3A_357 : memref<40xi32, #tpu.memory_space<vmem>>) semaphore(%dma_start3A_362 : memref<!tpu.dma_semaphore, #tpu.memory_space<semaphore_mem>>)
    %dma_start3A_363 = arith.constant 3 : i32
    %dma_start3A_364 = arith.constant 3 : i32
    %dma_start3A_365 = arith.constant 3 : i32
    %dma_start3A_366 = arith.constant 0 : i32
    %dma_start3A_367 = tpu.memref_slice %arg10[%dma_start3A_364, %dma_start3A_366] : memref<4x40xi32, #tpu.memory_space<vmem>> -> memref<1x40xi32, #tpu.memory_space<vmem>>
    %dma_start3A_368 = tpu.memref_squeeze %dma_start3A_367 : memref<1x40xi32, #tpu.memory_space<vmem>> -> memref<40xi32, #tpu.memory_space<vmem>>
    %dma_start3A_369 = arith.constant 0 : i32
    %dma_start3A_370 = tpu.memref_slice %arg2[%add3A, %dma_start3A_363, %dma_start3A_369] : memref<32x250x40xi32, #tpu.memory_space<hbm>> -> memref<1x1x40xi32, #tpu.memory_space<hbm>>
    %dma_start3A_371 = tpu.memref_squeeze %dma_start3A_370 : memref<1x1x40xi32, #tpu.memory_space<hbm>> -> memref<40xi32, #tpu.memory_space<hbm>>
    %dma_start3A_372 = tpu.memref_slice %arg16[%dma_start3A_365] : memref<4x!tpu.dma_semaphore, #tpu.memory_space<semaphore_mem>> -> memref<1x!tpu.dma_semaphore, #tpu.memory_space<semaphore_mem>>
    %dma_start3A_373 = tpu.memref_squeeze %dma_start3A_372 : memref<1x!tpu.dma_semaphore, #tpu.memory_space<semaphore_mem>> -> memref<!tpu.dma_semaphore, #tpu.memory_space<semaphore_mem>>
    %dma_start3A_374 = arith.constant 0 : i32
    %dma_start3A_375 = tpu.memref_slice %arg10[%dma_start3A_364, %dma_start3A_374] : memref<4x40xi32, #tpu.memory_space<vmem>> -> memref<1x40xi32, #tpu.memory_space<vmem>>
    %dma_start3A_376 = tpu.memref_squeeze %dma_start3A_375 : memref<1x40xi32, #tpu.memory_space<vmem>> -> memref<40xi32, #tpu.memory_space<vmem>>
    %dma_start3A_377 = arith.constant 0 : i32
    %dma_start3A_378 = tpu.memref_slice %arg2[%add3A, %dma_start3A_363, %dma_start3A_377] : memref<32x250x40xi32, #tpu.memory_space<hbm>> -> memref<1x1x40xi32, #tpu.memory_space<hbm>>
    %dma_start3A_379 = tpu.memref_squeeze %dma_start3A_378 : memref<1x1x40xi32, #tpu.memory_space<hbm>> -> memref<40xi32, #tpu.memory_space<hbm>>
    tpu.enqueue_dma source(%dma_start3A_379 : memref<40xi32, #tpu.memory_space<hbm>>) target(%dma_start3A_376 : memref<40xi32, #tpu.memory_space<vmem>>) target_semaphore(%dma_start3A_373 : memref<!tpu.dma_semaphore, #tpu.memory_space<semaphore_mem>>)
    %dma_start3A_380 = arith.constant 3 : i32
    %dma_start3A_381 = arith.constant 3 : i32
    %dma_start3A_382 = arith.constant 3 : i32
    %dma_start3A_383 = arith.constant 0 : i32
    %dma_start3A_384 = tpu.memref_slice %arg11[%dma_start3A_381, %dma_start3A_383] : memref<4x40xi32, #tpu.memory_space<vmem>> -> memref<1x40xi32, #tpu.memory_space<vmem>>
    %dma_start3A_385 = tpu.memref_squeeze %dma_start3A_384 : memref<1x40xi32, #tpu.memory_space<vmem>> -> memref<40xi32, #tpu.memory_space<vmem>>
    %dma_start3A_386 = arith.constant 0 : i32
    %dma_start3A_387 = tpu.memref_slice %arg3[%add3A, %dma_start3A_380, %dma_start3A_386] : memref<32x250x40xi32, #tpu.memory_space<hbm>> -> memref<1x1x40xi32, #tpu.memory_space<hbm>>
    %dma_start3A_388 = tpu.memref_squeeze %dma_start3A_387 : memref<1x1x40xi32, #tpu.memory_space<hbm>> -> memref<40xi32, #tpu.memory_space<hbm>>
    %dma_start3A_389 = tpu.memref_slice %arg16[%dma_start3A_382] : memref<4x!tpu.dma_semaphore, #tpu.memory_space<semaphore_mem>> -> memref<1x!tpu.dma_semaphore, #tpu.memory_space<semaphore_mem>>
    %dma_start3A_390 = tpu.memref_squeeze %dma_start3A_389 : memref<1x!tpu.dma_semaphore, #tpu.memory_space<semaphore_mem>> -> memref<!tpu.dma_semaphore, #tpu.memory_space<semaphore_mem>>
    %dma_start3A_391 = arith.constant 0 : i32
    %dma_start3A_392 = tpu.memref_slice %arg11[%dma_start3A_381, %dma_start3A_391] : memref<4x40xi32, #tpu.memory_space<vmem>> -> memref<1x40xi32, #tpu.memory_space<vmem>>
    %dma_start3A_393 = tpu.memref_squeeze %dma_start3A_392 : memref<1x40xi32, #tpu.memory_space<vmem>> -> memref<40xi32, #tpu.memory_space<vmem>>
    %dma_start3A_394 = arith.constant 0 : i32
    %dma_start3A_395 = tpu.memref_slice %arg3[%add3A, %dma_start3A_380, %dma_start3A_394] : memref<32x250x40xi32, #tpu.memory_space<hbm>> -> memref<1x1x40xi32, #tpu.memory_space<hbm>>
    %dma_start3A_396 = tpu.memref_squeeze %dma_start3A_395 : memref<1x1x40xi32, #tpu.memory_space<hbm>> -> memref<40xi32, #tpu.memory_space<hbm>>
    tpu.enqueue_dma source(%dma_start3A_396 : memref<40xi32, #tpu.memory_space<hbm>>) target(%dma_start3A_393 : memref<40xi32, #tpu.memory_space<vmem>>) target_semaphore(%dma_start3A_390 : memref<!tpu.dma_semaphore, #tpu.memory_space<semaphore_mem>>)
    %dma_wait3A_397 = arith.constant 1 : i32
    %dma_wait3A_398 = arith.constant 1 : i32
    %dma_wait3A_399 = arith.constant 1 : i32
    %dma_wait3A_400 = arith.constant 0 : i32
    %dma_wait3A_401 = arith.constant 0 : i32
    %dma_wait3A_402 = tpu.memref_slice %arg12[%dma_wait3A_398, %dma_wait3A_400, %dma_wait3A_401] : memref<2x40x80xi32, #tpu.memory_space<vmem>> -> memref<1x40x80xi32, #tpu.memory_space<vmem>>
    %dma_wait3A_403 = tpu.memref_squeeze %dma_wait3A_402 : memref<1x40x80xi32, #tpu.memory_space<vmem>> -> memref<40x80xi32, #tpu.memory_space<vmem>>
    %dma_wait3A_404 = arith.constant 0 : i32
    %dma_wait3A_405 = tpu.memref_slice %arg10[%dma_wait3A_397, %dma_wait3A_404] : memref<4x40xi32, #tpu.memory_space<vmem>> -> memref<1x40xi32, #tpu.memory_space<vmem>>
    %dma_wait3A_406 = tpu.memref_squeeze %dma_wait3A_405 : memref<1x40xi32, #tpu.memory_space<vmem>> -> memref<40xi32, #tpu.memory_space<vmem>>
    %dma_wait3A_407 = arith.constant 0 : i32
    %dma_wait3A_408 = arith.constant 0 : i32
    %dma_wait3A_409 = tpu.memref_slice %arg4[%dma_wait3A_407, %dma_wait3A_408] : memref<10000x80xi32, #tpu.memory_space<hbm>> -> memref<10000x80xi32, #tpu.memory_space<hbm>>
    %dma_wait3A_410 = tpu.memref_slice %arg17[%dma_wait3A_399] : memref<2x!tpu.dma_semaphore, #tpu.memory_space<semaphore_mem>> -> memref<1x!tpu.dma_semaphore, #tpu.memory_space<semaphore_mem>>
    %dma_wait3A_411 = tpu.memref_squeeze %dma_wait3A_410 : memref<1x!tpu.dma_semaphore, #tpu.memory_space<semaphore_mem>> -> memref<!tpu.dma_semaphore, #tpu.memory_space<semaphore_mem>>
    tpu.wait_indirect_dma semaphore(%dma_wait3A_411 : memref<!tpu.dma_semaphore, #tpu.memory_space<semaphore_mem>>) src(%dma_wait3A_409 : memref<10000x80xi32, #tpu.memory_space<hbm>>) dst(%dma_wait3A_403 : memref<40x80xi32, #tpu.memory_space<vmem>>)
    %dma_wait3A_412 = arith.constant 1 : i32
    %dma_wait3A_413 = arith.constant 1 : i32
    %dma_wait3A_414 = arith.constant 1 : i32
    %dma_wait3A_415 = arith.constant 0 : i32
    %dma_wait3A_416 = arith.constant 0 : i32
    %dma_wait3A_417 = tpu.memref_slice %arg13[%dma_wait3A_413, %dma_wait3A_415, %dma_wait3A_416] : memref<2x40x16xf32, #tpu.memory_space<vmem>> -> memref<1x40x16xf32, #tpu.memory_space<vmem>>
    %dma_wait3A_418 = tpu.memref_squeeze %dma_wait3A_417 : memref<1x40x16xf32, #tpu.memory_space<vmem>> -> memref<40x16xf32, #tpu.memory_space<vmem>>
    %dma_wait3A_419 = arith.constant 0 : i32
    %dma_wait3A_420 = tpu.memref_slice %arg11[%dma_wait3A_412, %dma_wait3A_419] : memref<4x40xi32, #tpu.memory_space<vmem>> -> memref<1x40xi32, #tpu.memory_space<vmem>>
    %dma_wait3A_421 = tpu.memref_squeeze %dma_wait3A_420 : memref<1x40xi32, #tpu.memory_space<vmem>> -> memref<40xi32, #tpu.memory_space<vmem>>
    %dma_wait3A_422 = arith.constant 0 : i32
    %dma_wait3A_423 = arith.constant 0 : i32
    %dma_wait3A_424 = tpu.memref_slice %arg5[%dma_wait3A_422, %dma_wait3A_423] : memref<10000x16xf32, #tpu.memory_space<hbm>> -> memref<10000x16xf32, #tpu.memory_space<hbm>>
    %dma_wait3A_425 = tpu.memref_slice %arg17[%dma_wait3A_414] : memref<2x!tpu.dma_semaphore, #tpu.memory_space<semaphore_mem>> -> memref<1x!tpu.dma_semaphore, #tpu.memory_space<semaphore_mem>>
    %dma_wait3A_426 = tpu.memref_squeeze %dma_wait3A_425 : memref<1x!tpu.dma_semaphore, #tpu.memory_space<semaphore_mem>> -> memref<!tpu.dma_semaphore, #tpu.memory_space<semaphore_mem>>
    tpu.wait_indirect_dma semaphore(%dma_wait3A_426 : memref<!tpu.dma_semaphore, #tpu.memory_space<semaphore_mem>>) src(%dma_wait3A_424 : memref<10000x16xf32, #tpu.memory_space<hbm>>) dst(%dma_wait3A_418 : memref<40x16xf32, #tpu.memory_space<vmem>>)
    %scan3A_427 = arith.constant 0 : i32
    %scan3A_428 = arith.constant 0 : i32
    %scan3A_429 = arith.constant 40 : i32
    %scan3A_430 = arith.addi %scan3A_428, %scan3A_429 : i32
    %scan3A_431 = arith.constant 1 : i32
    %scan3A_432 = scf.for %scan3A_1019 = %scan3A_428 to %scan3A_430 step %scan3A_431 iter_args(%scan3A_1020 = %scan3A_427) -> (i32)  : i32 {
      %get3A_1021 = arith.constant 1 : i32
      %get3A_1022 = arith.index_cast %get3A_1021 : i32 to index
      %get3A_1023 = arith.index_cast %scan3A_1019 : i32 to index
      %get3A_1024 = arith.constant 64 : index
      %get3A_1025 = tpu.vector_load %arg12[%get3A_1022, %get3A_1023, %get3A_1024] {strides = array<i32>} : memref<2x40x80xi32, #tpu.memory_space<vmem>>, vector<16xi32>,
      %bitcast3A = vector.bitcast %get3A_1025 : vector<16xi32> to vector<16xf32>
      %get3A_1026 = arith.constant 1 : i32
      %get3A_1027 = arith.index_cast %get3A_1026 : i32 to index
      %get3A_1028 = arith.index_cast %scan3A_1019 : i32 to index
      %get3A_1029 = arith.constant 0 : index
      %get3A_1030 = tpu.vector_load %arg13[%get3A_1027, %get3A_1028, %get3A_1029] {strides = array<i32>} : memref<2x40x16xf32, #tpu.memory_space<vmem>>, vector<16xf32>,
      %sub3A = arith.subf %bitcast3A, %get3A_1030 : vector<16xf32>
      %abs3A = math.absf %sub3A : vector<16xf32>
      %mul3A_1031 = arith.mulf %abs3A, %get3A_3 : vector<16xf32>
      %exp3A = math.exp %mul3A_1031 : vector<16xf32>
      %broadcast_in_dim3A_1032 = vector.shape_cast %broadcast_in_dim3A_4 : vector<16xi32> to vector<16x1xi32>
      %gather3A = vector.shape_cast %broadcast_in_dim3A_1032 : vector<16x1xi32> to vector<16xi32>
      %gather3A_1033 = tpu.dynamic_gather %exp3A[%gather3A] in [0] : vector<16xf32>, vector<16xi32> -> vector<16xf32>
      %add3A_1034 = arith.addf %bitcast3A, %get3A_1030 : vector<16xf32>
      %mul3A_1035 = arith.mulf %add3A_1034, %gather3A_1033 : vector<16xf32>
      %mul3A_1036 = arith.constant 2.000000e-01 : f32
      %mul3A_1037 = vector.broadcast %mul3A_1036 : f32 to vector<16xf32>
      %mul3A_1038 = arith.mulf %mul3A_1037, %mul3A_1035 : vector<16xf32>
      %max3A = arith.maximumf %mul3A_1035, %mul3A_1038 : vector<16xf32>
      %exp3A_1039 = math.exp %max3A : vector<16xf32>
      %swap3A = arith.constant 1 : i32
      %swap3A_1040 = arith.index_cast %swap3A : i32 to index
      %swap3A_1041 = arith.index_cast %scan3A_1019 : i32 to index
      %swap3A_1042 = arith.constant 128 : index
      %swap3A_1043 = tpu.vector_load %arg14[%swap3A_1040, %swap3A_1041, %swap3A_1042] {strides = array<i32>} : memref<2x40x144xf32, #tpu.memory_space<vmem>>, vector<16xf32>,
      tpu.vector_store %arg14[%swap3A_1040, %swap3A_1041, %swap3A_1042], %exp3A_1039 {strides = array<i32>} : memref<2x40x144xf32, #tpu.memory_space<vmem>>, vector<16xf32>,
      %broadcast_in_dim3A_1044 = vector.shape_cast %select_n3A_19 : vector<16xi32> to vector<16x1xi32>
      %gather3A_1045 = vector.shape_cast %broadcast_in_dim3A_1044 : vector<16x1xi32> to vector<16xi32>
      %gather3A_1046 = tpu.dynamic_gather %exp3A_1039[%gather3A_1045] in [0] : vector<16xf32>, vector<16xi32> -> vector<16xf32>
      %get3A_1047 = arith.constant 1 : i32
      %get3A_1048 = arith.index_cast %get3A_1047 : i32 to index
      %get3A_1049 = arith.index_cast %scan3A_1019 : i32 to index
      %get3A_1050 = arith.constant 0 : index
      %get3A_1051 = tpu.vector_load %arg12[%get3A_1048, %get3A_1049, %get3A_1050] {strides = array<i32>} : memref<2x40x80xi32, #tpu.memory_space<vmem>>, vector<16xi32>,
      %bitcast3A_1052 = vector.bitcast %get3A_1051 : vector<16xi32> to vector<32xbf16>
      %unpack3A = tpu.unpack_subelements %bitcast3A_1052, 0 {pack_format = #tpu.pack_format<interleaved>} : vector<32xbf16> -> vector<16xf32>
      %unpack3A_1053 = tpu.unpack_subelements %bitcast3A_1052, 1 {pack_format = #tpu.pack_format<interleaved>} : vector<32xbf16> -> vector<16xf32>
      %mul3A_1054 = arith.mulf %unpack3A, %gather3A_1046 : vector<16xf32>
      %swap3A_1055 = arith.constant 1 : i32
      %swap3A_1056 = arith.index_cast %swap3A_1055 : i32 to index
      %swap3A_1057 = arith.index_cast %scan3A_1019 : i32 to index
      %swap3A_1058 = arith.constant 0 : index
      %swap3A_1059 = tpu.vector_load %arg14[%swap3A_1056, %swap3A_1057, %swap3A_1058] {strides = array<i32>} : memref<2x40x144xf32, #tpu.memory_space<vmem>>, vector<16xf32>,
      tpu.vector_store %arg14[%swap3A_1056, %swap3A_1057, %swap3A_1058], %mul3A_1054 {strides = array<i32>} : memref<2x40x144xf32, #tpu.memory_space<vmem>>, vector<16xf32>,
      %mul3A_1060 = arith.mulf %unpack3A_1053, %gather3A_1046 : vector<16xf32>
      %swap3A_1061 = arith.constant 1 : i32
      %swap3A_1062 = arith.index_cast %swap3A_1061 : i32 to index
      %swap3A_1063 = arith.index_cast %scan3A_1019 : i32 to index
      %swap3A_1064 = arith.constant 16 : index
      %swap3A_1065 = tpu.vector_load %arg14[%swap3A_1062, %swap3A_1063, %swap3A_1064] {strides = array<i32>} : memref<2x40x144xf32, #tpu.memory_space<vmem>>, vector<16xf32>,
      tpu.vector_store %arg14[%swap3A_1062, %swap3A_1063, %swap3A_1064], %mul3A_1060 {strides = array<i32>} : memref<2x40x144xf32, #tpu.memory_space<vmem>>, vector<16xf32>,
      %get3A_1066 = arith.constant 1 : i32
      %get3A_1067 = arith.index_cast %get3A_1066 : i32 to index
      %get3A_1068 = arith.index_cast %scan3A_1019 : i32 to index
      %get3A_1069 = arith.constant 16 : index
      %get3A_1070 = tpu.vector_load %arg12[%get3A_1067, %get3A_1068, %get3A_1069] {strides = array<i32>} : memref<2x40x80xi32, #tpu.memory_space<vmem>>, vector<16xi32>,
      %bitcast3A_1071 = vector.bitcast %get3A_1070 : vector<16xi32> to vector<32xbf16>
      %unpack3A_1072 = tpu.unpack_subelements %bitcast3A_1071, 0 {pack_format = #tpu.pack_format<interleaved>} : vector<32xbf16> -> vector<16xf32>
      %unpack3A_1073 = tpu.unpack_subelements %bitcast3A_1071, 1 {pack_format = #tpu.pack_format<interleaved>} : vector<32xbf16> -> vector<16xf32>
      %mul3A_1074 = arith.mulf %unpack3A_1072, %gather3A_1046 : vector<16xf32>
      %swap3A_1075 = arith.constant 1 : i32
      %swap3A_1076 = arith.index_cast %swap3A_1075 : i32 to index
      %swap3A_1077 = arith.index_cast %scan3A_1019 : i32 to index
      %swap3A_1078 = arith.constant 32 : index
      %swap3A_1079 = tpu.vector_load %arg14[%swap3A_1076, %swap3A_1077, %swap3A_1078] {strides = array<i32>} : memref<2x40x144xf32, #tpu.memory_space<vmem>>, vector<16xf32>,
      tpu.vector_store %arg14[%swap3A_1076, %swap3A_1077, %swap3A_1078], %mul3A_1074 {strides = array<i32>} : memref<2x40x144xf32, #tpu.memory_space<vmem>>, vector<16xf32>,
      %mul3A_1080 = arith.mulf %unpack3A_1073, %gather3A_1046 : vector<16xf32>
      %swap3A_1081 = arith.constant 1 : i32
      %swap3A_1082 = arith.index_cast %swap3A_1081 : i32 to index
      %swap3A_1083 = arith.index_cast %scan3A_1019 : i32 to index
      %swap3A_1084 = arith.constant 48 : index
      %swap3A_1085 = tpu.vector_load %arg14[%swap3A_1082, %swap3A_1083, %swap3A_1084] {strides = array<i32>} : memref<2x40x144xf32, #tpu.memory_space<vmem>>, vector<16xf32>,
      tpu.vector_store %arg14[%swap3A_1082, %swap3A_1083, %swap3A_1084], %mul3A_1080 {strides = array<i32>} : memref<2x40x144xf32, #tpu.memory_space<vmem>>, vector<16xf32>,
      %get3A_1086 = arith.constant 1 : i32
      %get3A_1087 = arith.index_cast %get3A_1086 : i32 to index
      %get3A_1088 = arith.index_cast %scan3A_1019 : i32 to index
      %get3A_1089 = arith.constant 32 : index
      %get3A_1090 = tpu.vector_load %arg12[%get3A_1087, %get3A_1088, %get3A_1089] {strides = array<i32>} : memref<2x40x80xi32, #tpu.memory_space<vmem>>, vector<16xi32>,
      %bitcast3A_1091 = vector.bitcast %get3A_1090 : vector<16xi32> to vector<32xbf16>
      %unpack3A_1092 = tpu.unpack_subelements %bitcast3A_1091, 0 {pack_format = #tpu.pack_format<interleaved>} : vector<32xbf16> -> vector<16xf32>
      %unpack3A_1093 = tpu.unpack_subelements %bitcast3A_1091, 1 {pack_format = #tpu.pack_format<interleaved>} : vector<32xbf16> -> vector<16xf32>
      %mul3A_1094 = arith.mulf %unpack3A_1092, %gather3A_1046 : vector<16xf32>
      %swap3A_1095 = arith.constant 1 : i32
      %swap3A_1096 = arith.index_cast %swap3A_1095 : i32 to index
      %swap3A_1097 = arith.index_cast %scan3A_1019 : i32 to index
      %swap3A_1098 = arith.constant 64 : index
      %swap3A_1099 = tpu.vector_load %arg14[%swap3A_1096, %swap3A_1097, %swap3A_1098] {strides = array<i32>} : memref<2x40x144xf32, #tpu.memory_space<vmem>>, vector<16xf32>,
      tpu.vector_store %arg14[%swap3A_1096, %swap3A_1097, %swap3A_1098], %mul3A_1094 {strides = array<i32>} : memref<2x40x144xf32, #tpu.memory_space<vmem>>, vector<16xf32>,
      %mul3A_1100 = arith.mulf %unpack3A_1093, %gather3A_1046 : vector<16xf32>
      %swap3A_1101 = arith.constant 1 : i32
      %swap3A_1102 = arith.index_cast %swap3A_1101 : i32 to index
      %swap3A_1103 = arith.index_cast %scan3A_1019 : i32 to index
      %swap3A_1104 = arith.constant 80 : index
      %swap3A_1105 = tpu.vector_load %arg14[%swap3A_1102, %swap3A_1103, %swap3A_1104] {strides = array<i32>} : memref<2x40x144xf32, #tpu.memory_space<vmem>>, vector<16xf32>,
      tpu.vector_store %arg14[%swap3A_1102, %swap3A_1103, %swap3A_1104], %mul3A_1100 {strides = array<i32>} : memref<2x40x144xf32, #tpu.memory_space<vmem>>, vector<16xf32>,
      %get3A_1106 = arith.constant 1 : i32
      %get3A_1107 = arith.index_cast %get3A_1106 : i32 to index
      %get3A_1108 = arith.index_cast %scan3A_1019 : i32 to index
      %get3A_1109 = arith.constant 48 : index
      %get3A_1110 = tpu.vector_load %arg12[%get3A_1107, %get3A_1108, %get3A_1109] {strides = array<i32>} : memref<2x40x80xi32, #tpu.memory_space<vmem>>, vector<16xi32>,
      %bitcast3A_1111 = vector.bitcast %get3A_1110 : vector<16xi32> to vector<32xbf16>
      %unpack3A_1112 = tpu.unpack_subelements %bitcast3A_1111, 0 {pack_format = #tpu.pack_format<interleaved>} : vector<32xbf16> -> vector<16xf32>
      %unpack3A_1113 = tpu.unpack_subelements %bitcast3A_1111, 1 {pack_format = #tpu.pack_format<interleaved>} : vector<32xbf16> -> vector<16xf32>
      %mul3A_1114 = arith.mulf %unpack3A_1112, %gather3A_1046 : vector<16xf32>
      %swap3A_1115 = arith.constant 1 : i32
      %swap3A_1116 = arith.index_cast %swap3A_1115 : i32 to index
      %swap3A_1117 = arith.index_cast %scan3A_1019 : i32 to index
      %swap3A_1118 = arith.constant 96 : index
      %swap3A_1119 = tpu.vector_load %arg14[%swap3A_1116, %swap3A_1117, %swap3A_1118] {strides = array<i32>} : memref<2x40x144xf32, #tpu.memory_space<vmem>>, vector<16xf32>,
      tpu.vector_store %arg14[%swap3A_1116, %swap3A_1117, %swap3A_1118], %mul3A_1114 {strides = array<i32>} : memref<2x40x144xf32, #tpu.memory_space<vmem>>, vector<16xf32>,
      %mul3A_1120 = arith.mulf %unpack3A_1113, %gather3A_1046 : vector<16xf32>
      %swap3A_1121 = arith.constant 1 : i32
      %swap3A_1122 = arith.index_cast %swap3A_1121 : i32 to index
      %swap3A_1123 = arith.index_cast %scan3A_1019 : i32 to index
      %swap3A_1124 = arith.constant 112 : index
      %swap3A_1125 = tpu.vector_load %arg14[%swap3A_1122, %swap3A_1123, %swap3A_1124] {strides = array<i32>} : memref<2x40x144xf32, #tpu.memory_space<vmem>>, vector<16xf32>,
      tpu.vector_store %arg14[%swap3A_1122, %swap3A_1123, %swap3A_1124], %mul3A_1120 {strides = array<i32>} : memref<2x40x144xf32, #tpu.memory_space<vmem>>, vector<16xf32>,
      %scan3A_1126 = arith.constant 0 : i32
      scf.yield %scan3A_1126 : i32
    }
    %scan3A_433 = arith.constant 40 : i32
    %dma_start3A_434 = arith.constant 1 : i32
    %dma_start3A_435 = arith.constant 1 : i32
    %dma_start3A_436 = arith.constant 1 : i32
    %dma_start3A_437 = arith.constant 0 : i32
    %dma_start3A_438 = arith.constant 0 : i32
    %dma_start3A_439 = tpu.memref_slice %arg14[%dma_start3A_434, %dma_start3A_437, %dma_start3A_438] : memref<2x40x144xf32, #tpu.memory_space<vmem>> -> memref<1x40x144xf32, #tpu.memory_space<vmem>>
    %dma_start3A_440 = tpu.memref_squeeze %dma_start3A_439 : memref<1x40x144xf32, #tpu.memory_space<vmem>> -> memref<40x144xf32, #tpu.memory_space<vmem>>
    %dma_start3A_441 = arith.constant 0 : i32
    %dma_start3A_442 = tpu.memref_slice %arg11[%dma_start3A_435, %dma_start3A_441] : memref<4x40xi32, #tpu.memory_space<vmem>> -> memref<1x40xi32, #tpu.memory_space<vmem>>
    %dma_start3A_443 = tpu.memref_squeeze %dma_start3A_442 : memref<1x40xi32, #tpu.memory_space<vmem>> -> memref<40xi32, #tpu.memory_space<vmem>>
    %dma_start3A_444 = arith.constant 0 : i32
    %dma_start3A_445 = arith.constant 0 : i32
    %dma_start3A_446 = tpu.memref_slice %arg9[%dma_start3A_444, %dma_start3A_445] : memref<10000x144xf32, #tpu.memory_space<vmem_shared>> -> memref<10000x144xf32, #tpu.memory_space<vmem_shared>>
    %dma_start3A_447 = tpu.memref_slice %arg18[%dma_start3A_436] : memref<2x!tpu.dma_semaphore, #tpu.memory_space<semaphore_mem>> -> memref<1x!tpu.dma_semaphore, #tpu.memory_space<semaphore_mem>>
    %dma_start3A_448 = tpu.memref_squeeze %dma_start3A_447 : memref<1x!tpu.dma_semaphore, #tpu.memory_space<semaphore_mem>> -> memref<!tpu.dma_semaphore, #tpu.memory_space<semaphore_mem>>
    tpu.enqueue_indirect_dma source(%dma_start3A_440 : memref<40x144xf32, #tpu.memory_space<vmem>>) target(%dma_start3A_446 : memref<10000x144xf32, #tpu.memory_space<vmem_shared>>) offsets(%dma_start3A_443 : memref<40xi32, #tpu.memory_space<vmem>>) semaphore(%dma_start3A_448 : memref<!tpu.dma_semaphore, #tpu.memory_space<semaphore_mem>>) {add = true}
    %dma_wait3A_449 = arith.constant 3 : i32
    %dma_wait3A_450 = arith.constant 3 : i32
    %dma_wait3A_451 = arith.constant 3 : i32
    %dma_wait3A_452 = arith.constant 0 : i32
    %dma_wait3A_453 = tpu.memref_slice %arg10[%dma_wait3A_450, %dma_wait3A_452] : memref<4x40xi32, #tpu.memory_space<vmem>> -> memref<1x40xi32, #tpu.memory_space<vmem>>
    %dma_wait3A_454 = tpu.memref_squeeze %dma_wait3A_453 : memref<1x40xi32, #tpu.memory_space<vmem>> -> memref<40xi32, #tpu.memory_space<vmem>>
    %dma_wait3A_455 = arith.constant 0 : i32
    %dma_wait3A_456 = tpu.memref_slice %arg2[%add3A, %dma_wait3A_449, %dma_wait3A_455] : memref<32x250x40xi32, #tpu.memory_space<hbm>> -> memref<1x1x40xi32, #tpu.memory_space<hbm>>
    %dma_wait3A_457 = tpu.memref_squeeze %dma_wait3A_456 : memref<1x1x40xi32, #tpu.memory_space<hbm>> -> memref<40xi32, #tpu.memory_space<hbm>>
    %dma_wait3A_458 = tpu.memref_slice %arg16[%dma_wait3A_451] : memref<4x!tpu.dma_semaphore, #tpu.memory_space<semaphore_mem>> -> memref<1x!tpu.dma_semaphore, #tpu.memory_space<semaphore_mem>>
    %dma_wait3A_459 = tpu.memref_squeeze %dma_wait3A_458 : memref<1x!tpu.dma_semaphore, #tpu.memory_space<semaphore_mem>> -> memref<!tpu.dma_semaphore, #tpu.memory_space<semaphore_mem>>
    %dma_wait3A_460 = arith.constant 0 : i32
    %dma_wait3A_461 = tpu.memref_slice %arg10[%dma_wait3A_450, %dma_wait3A_460] : memref<4x40xi32, #tpu.memory_space<vmem>> -> memref<1x40xi32, #tpu.memory_space<vmem>>
    %dma_wait3A_462 = tpu.memref_squeeze %dma_wait3A_461 : memref<1x40xi32, #tpu.memory_space<vmem>> -> memref<40xi32, #tpu.memory_space<vmem>>
    %dma_wait3A_463 = arith.constant 0 : i32
    %dma_wait3A_464 = tpu.memref_slice %arg2[%add3A, %dma_wait3A_449, %dma_wait3A_463] : memref<32x250x40xi32, #tpu.memory_space<hbm>> -> memref<1x1x40xi32, #tpu.memory_space<hbm>>
    %dma_wait3A_465 = tpu.memref_squeeze %dma_wait3A_464 : memref<1x1x40xi32, #tpu.memory_space<hbm>> -> memref<40xi32, #tpu.memory_space<hbm>>
    tpu.wait_dma2 semaphore(%dma_wait3A_459 : memref<!tpu.dma_semaphore, #tpu.memory_space<semaphore_mem>>) src(%dma_wait3A_465 : memref<40xi32, #tpu.memory_space<hbm>>) dst(%dma_wait3A_462 : memref<40xi32, #tpu.memory_space<vmem>>)
    %dma_wait3A_466 = arith.constant 3 : i32
    %dma_wait3A_467 = arith.constant 3 : i32
    %dma_wait3A_468 = arith.constant 3 : i32
    %dma_wait3A_469 = arith.constant 0 : i32
    %dma_wait3A_470 = tpu.memref_slice %arg11[%dma_wait3A_467, %dma_wait3A_469] : memref<4x40xi32, #tpu.memory_space<vmem>> -> memref<1x40xi32, #tpu.memory_space<vmem>>
    %dma_wait3A_471 = tpu.memref_squeeze %dma_wait3A_470 : memref<1x40xi32, #tpu.memory_space<vmem>> -> memref<40xi32, #tpu.memory_space<vmem>>
    %dma_wait3A_472 = arith.constant 0 : i32
    %dma_wait3A_473 = tpu.memref_slice %arg3[%add3A, %dma_wait3A_466, %dma_wait3A_472] : memref<32x250x40xi32, #tpu.memory_space<hbm>> -> memref<1x1x40xi32, #tpu.memory_space<hbm>>
    %dma_wait3A_474 = tpu.memref_squeeze %dma_wait3A_473 : memref<1x1x40xi32, #tpu.memory_space<hbm>> -> memref<40xi32, #tpu.memory_space<hbm>>
    %dma_wait3A_475 = tpu.memref_slice %arg16[%dma_wait3A_468] : memref<4x!tpu.dma_semaphore, #tpu.memory_space<semaphore_mem>> -> memref<1x!tpu.dma_semaphore, #tpu.memory_space<semaphore_mem>>
    %dma_wait3A_476 = tpu.memref_squeeze %dma_wait3A_475 : memref<1x!tpu.dma_semaphore, #tpu.memory_space<semaphore_mem>> -> memref<!tpu.dma_semaphore, #tpu.memory_space<semaphore_mem>>
    %dma_wait3A_477 = arith.constant 0 : i32
    %dma_wait3A_478 = tpu.memref_slice %arg11[%dma_wait3A_467, %dma_wait3A_477] : memref<4x40xi32, #tpu.memory_space<vmem>> -> memref<1x40xi32, #tpu.memory_space<vmem>>
    %dma_wait3A_479 = tpu.memref_squeeze %dma_wait3A_478 : memref<1x40xi32, #tpu.memory_space<vmem>> -> memref<40xi32, #tpu.memory_space<vmem>>
    %dma_wait3A_480 = arith.constant 0 : i32
    %dma_wait3A_481 = tpu.memref_slice %arg3[%add3A, %dma_wait3A_466, %dma_wait3A_480] : memref<32x250x40xi32, #tpu.memory_space<hbm>> -> memref<1x1x40xi32, #tpu.memory_space<hbm>>
    %dma_wait3A_482 = tpu.memref_squeeze %dma_wait3A_481 : memref<1x1x40xi32, #tpu.memory_space<hbm>> -> memref<40xi32, #tpu.memory_space<hbm>>
    tpu.wait_dma2 semaphore(%dma_wait3A_476 : memref<!tpu.dma_semaphore, #tpu.memory_space<semaphore_mem>>) src(%dma_wait3A_482 : memref<40xi32, #tpu.memory_space<hbm>>) dst(%dma_wait3A_479 : memref<40xi32, #tpu.memory_space<vmem>>)
    %dma_start3A_483 = arith.constant 3 : i32
    %dma_start3A_484 = arith.constant 1 : i32
    %dma_start3A_485 = arith.constant 1 : i32
    %dma_start3A_486 = arith.constant 0 : i32
    %dma_start3A_487 = arith.constant 0 : i32
    %dma_start3A_488 = tpu.memref_slice %arg12[%dma_start3A_484, %dma_start3A_486, %dma_start3A_487] : memref<2x40x80xi32, #tpu.memory_space<vmem>> -> memref<1x40x80xi32, #tpu.memory_space<vmem>>
    %dma_start3A_489 = tpu.memref_squeeze %dma_start3A_488 : memref<1x40x80xi32, #tpu.memory_space<vmem>> -> memref<40x80xi32, #tpu.memory_space<vmem>>
    %dma_start3A_490 = arith.constant 0 : i32
    %dma_start3A_491 = tpu.memref_slice %arg10[%dma_start3A_483, %dma_start3A_490] : memref<4x40xi32, #tpu.memory_space<vmem>> -> memref<1x40xi32, #tpu.memory_space<vmem>>
    %dma_start3A_492 = tpu.memref_squeeze %dma_start3A_491 : memref<1x40xi32, #tpu.memory_space<vmem>> -> memref<40xi32, #tpu.memory_space<vmem>>
    %dma_start3A_493 = arith.constant 0 : i32
    %dma_start3A_494 = arith.constant 0 : i32
    %dma_start3A_495 = tpu.memref_slice %arg4[%dma_start3A_493, %dma_start3A_494] : memref<10000x80xi32, #tpu.memory_space<hbm>> -> memref<10000x80xi32, #tpu.memory_space<hbm>>
    %dma_start3A_496 = tpu.memref_slice %arg17[%dma_start3A_485] : memref<2x!tpu.dma_semaphore, #tpu.memory_space<semaphore_mem>> -> memref<1x!tpu.dma_semaphore, #tpu.memory_space<semaphore_mem>>
    %dma_start3A_497 = tpu.memref_squeeze %dma_start3A_496 : memref<1x!tpu.dma_semaphore, #tpu.memory_space<semaphore_mem>> -> memref<!tpu.dma_semaphore, #tpu.memory_space<semaphore_mem>>
    tpu.enqueue_indirect_dma source(%dma_start3A_495 : memref<10000x80xi32, #tpu.memory_space<hbm>>) target(%dma_start3A_489 : memref<40x80xi32, #tpu.memory_space<vmem>>) offsets(%dma_start3A_492 : memref<40xi32, #tpu.memory_space<vmem>>) semaphore(%dma_start3A_497 : memref<!tpu.dma_semaphore, #tpu.memory_space<semaphore_mem>>)
    %dma_start3A_498 = arith.constant 3 : i32
    %dma_start3A_499 = arith.constant 1 : i32
    %dma_start3A_500 = arith.constant 1 : i32
    %dma_start3A_501 = arith.constant 0 : i32
    %dma_start3A_502 = arith.constant 0 : i32
    %dma_start3A_503 = tpu.memref_slice %arg13[%dma_start3A_499, %dma_start3A_501, %dma_start3A_502] : memref<2x40x16xf32, #tpu.memory_space<vmem>> -> memref<1x40x16xf32, #tpu.memory_space<vmem>>
    %dma_start3A_504 = tpu.memref_squeeze %dma_start3A_503 : memref<1x40x16xf32, #tpu.memory_space<vmem>> -> memref<40x16xf32, #tpu.memory_space<vmem>>
    %dma_start3A_505 = arith.constant 0 : i32
    %dma_start3A_506 = tpu.memref_slice %arg11[%dma_start3A_498, %dma_start3A_505] : memref<4x40xi32, #tpu.memory_space<vmem>> -> memref<1x40xi32, #tpu.memory_space<vmem>>
    %dma_start3A_507 = tpu.memref_squeeze %dma_start3A_506 : memref<1x40xi32, #tpu.memory_space<vmem>> -> memref<40xi32, #tpu.memory_space<vmem>>
    %dma_start3A_508 = arith.constant 0 : i32
    %dma_start3A_509 = arith.constant 0 : i32
    %dma_start3A_510 = tpu.memref_slice %arg5[%dma_start3A_508, %dma_start3A_509] : memref<10000x16xf32, #tpu.memory_space<hbm>> -> memref<10000x16xf32, #tpu.memory_space<hbm>>
    %dma_start3A_511 = tpu.memref_slice %arg17[%dma_start3A_500] : memref<2x!tpu.dma_semaphore, #tpu.memory_space<semaphore_mem>> -> memref<1x!tpu.dma_semaphore, #tpu.memory_space<semaphore_mem>>
    %dma_start3A_512 = tpu.memref_squeeze %dma_start3A_511 : memref<1x!tpu.dma_semaphore, #tpu.memory_space<semaphore_mem>> -> memref<!tpu.dma_semaphore, #tpu.memory_space<semaphore_mem>>
    tpu.enqueue_indirect_dma source(%dma_start3A_510 : memref<10000x16xf32, #tpu.memory_space<hbm>>) target(%dma_start3A_504 : memref<40x16xf32, #tpu.memory_space<vmem>>) offsets(%dma_start3A_507 : memref<40xi32, #tpu.memory_space<vmem>>) semaphore(%dma_start3A_512 : memref<!tpu.dma_semaphore, #tpu.memory_space<semaphore_mem>>)
    %dma_wait3A_513 = arith.constant 0 : i32
    %dma_wait3A_514 = arith.constant 0 : i32
    %dma_wait3A_515 = arith.constant 0 : i32
    %dma_wait3A_516 = arith.constant 0 : i32
    %dma_wait3A_517 = arith.constant 0 : i32
    %dma_wait3A_518 = tpu.memref_slice %arg14[%dma_wait3A_513, %dma_wait3A_516, %dma_wait3A_517] : memref<2x40x144xf32, #tpu.memory_space<vmem>> -> memref<1x40x144xf32, #tpu.memory_space<vmem>>
    %dma_wait3A_519 = tpu.memref_squeeze %dma_wait3A_518 : memref<1x40x144xf32, #tpu.memory_space<vmem>> -> memref<40x144xf32, #tpu.memory_space<vmem>>
    %dma_wait3A_520 = arith.constant 0 : i32
    %dma_wait3A_521 = tpu.memref_slice %arg11[%dma_wait3A_514, %dma_wait3A_520] : memref<4x40xi32, #tpu.memory_space<vmem>> -> memref<1x40xi32, #tpu.memory_space<vmem>>
    %dma_wait3A_522 = tpu.memref_squeeze %dma_wait3A_521 : memref<1x40xi32, #tpu.memory_space<vmem>> -> memref<40xi32, #tpu.memory_space<vmem>>
    %dma_wait3A_523 = arith.constant 0 : i32
    %dma_wait3A_524 = arith.constant 0 : i32
    %dma_wait3A_525 = tpu.memref_slice %arg9[%dma_wait3A_523, %dma_wait3A_524] : memref<10000x144xf32, #tpu.memory_space<vmem_shared>> -> memref<10000x144xf32, #tpu.memory_space<vmem_shared>>
    %dma_wait3A_526 = tpu.memref_slice %arg18[%dma_wait3A_515] : memref<2x!tpu.dma_semaphore, #tpu.memory_space<semaphore_mem>> -> memref<1x!tpu.dma_semaphore, #tpu.memory_space<semaphore_mem>>
    %dma_wait3A_527 = tpu.memref_squeeze %dma_wait3A_526 : memref<1x!tpu.dma_semaphore, #tpu.memory_space<semaphore_mem>> -> memref<!tpu.dma_semaphore, #tpu.memory_space<semaphore_mem>>
    tpu.wait_indirect_dma semaphore(%dma_wait3A_527 : memref<!tpu.dma_semaphore, #tpu.memory_space<semaphore_mem>>) src(%dma_wait3A_519 : memref<40x144xf32, #tpu.memory_space<vmem>>) dst(%dma_wait3A_525 : memref<10000x144xf32, #tpu.memory_space<vmem_shared>>)
    %dma_start3A_528 = arith.constant 4 : i32
    %dma_start3A_529 = arith.constant 0 : i32
    %dma_start3A_530 = arith.constant 0 : i32
    %dma_start3A_531 = arith.constant 0 : i32
    %dma_start3A_532 = tpu.memref_slice %arg10[%dma_start3A_529, %dma_start3A_531] : memref<4x40xi32, #tpu.memory_space<vmem>> -> memref<1x40xi32, #tpu.memory_space<vmem>>
    %dma_start3A_533 = tpu.memref_squeeze %dma_start3A_532 : memref<1x40xi32, #tpu.memory_space<vmem>> -> memref<40xi32, #tpu.memory_space<vmem>>
    %dma_start3A_534 = arith.constant 0 : i32
    %dma_start3A_535 = tpu.memref_slice %arg2[%add3A, %dma_start3A_528, %dma_start3A_534] : memref<32x250x40xi32, #tpu.memory_space<hbm>> -> memref<1x1x40xi32, #tpu.memory_space<hbm>>
    %dma_start3A_536 = tpu.memref_squeeze %dma_start3A_535 : memref<1x1x40xi32, #tpu.memory_space<hbm>> -> memref<40xi32, #tpu.memory_space<hbm>>
    %dma_start3A_537 = tpu.memref_slice %arg16[%dma_start3A_530] : memref<4x!tpu.dma_semaphore, #tpu.memory_space<semaphore_mem>> -> memref<1x!tpu.dma_semaphore, #tpu.memory_space<semaphore_mem>>
    %dma_start3A_538 = tpu.memref_squeeze %dma_start3A_537 : memref<1x!tpu.dma_semaphore, #tpu.memory_space<semaphore_mem>> -> memref<!tpu.dma_semaphore, #tpu.memory_space<semaphore_mem>>
    %dma_start3A_539 = arith.constant 0 : i32
    %dma_start3A_540 = tpu.memref_slice %arg10[%dma_start3A_529, %dma_start3A_539] : memref<4x40xi32, #tpu.memory_space<vmem>> -> memref<1x40xi32, #tpu.memory_space<vmem>>
    %dma_start3A_541 = tpu.memref_squeeze %dma_start3A_540 : memref<1x40xi32, #tpu.memory_space<vmem>> -> memref<40xi32, #tpu.memory_space<vmem>>
    %dma_start3A_542 = arith.constant 0 : i32
    %dma_start3A_543 = tpu.memref_slice %arg2[%add3A, %dma_start3A_528, %dma_start3A_542] : memref<32x250x40xi32, #tpu.memory_space<hbm>> -> memref<1x1x40xi32, #tpu.memory_space<hbm>>
    %dma_start3A_544 = tpu.memref_squeeze %dma_start3A_543 : memref<1x1x40xi32, #tpu.memory_space<hbm>> -> memref<40xi32, #tpu.memory_space<hbm>>
    tpu.enqueue_dma source(%dma_start3A_544 : memref<40xi32, #tpu.memory_space<hbm>>) target(%dma_start3A_541 : memref<40xi32, #tpu.memory_space<vmem>>) target_semaphore(%dma_start3A_538 : memref<!tpu.dma_semaphore, #tpu.memory_space<semaphore_mem>>)
    %dma_start3A_545 = arith.constant 4 : i32
    %dma_start3A_546 = arith.constant 0 : i32
    %dma_start3A_547 = arith.constant 0 : i32
    %dma_start3A_548 = arith.constant 0 : i32
    %dma_start3A_549 = tpu.memref_slice %arg11[%dma_start3A_546, %dma_start3A_548] : memref<4x40xi32, #tpu.memory_space<vmem>> -> memref<1x40xi32, #tpu.memory_space<vmem>>
    %dma_start3A_550 = tpu.memref_squeeze %dma_start3A_549 : memref<1x40xi32, #tpu.memory_space<vmem>> -> memref<40xi32, #tpu.memory_space<vmem>>
    %dma_start3A_551 = arith.constant 0 : i32
    %dma_start3A_552 = tpu.memref_slice %arg3[%add3A, %dma_start3A_545, %dma_start3A_551] : memref<32x250x40xi32, #tpu.memory_space<hbm>> -> memref<1x1x40xi32, #tpu.memory_space<hbm>>
    %dma_start3A_553 = tpu.memref_squeeze %dma_start3A_552 : memref<1x1x40xi32, #tpu.memory_space<hbm>> -> memref<40xi32, #tpu.memory_space<hbm>>
    %dma_start3A_554 = tpu.memref_slice %arg16[%dma_start3A_547] : memref<4x!tpu.dma_semaphore, #tpu.memory_space<semaphore_mem>> -> memref<1x!tpu.dma_semaphore, #tpu.memory_space<semaphore_mem>>
    %dma_start3A_555 = tpu.memref_squeeze %dma_start3A_554 : memref<1x!tpu.dma_semaphore, #tpu.memory_space<semaphore_mem>> -> memref<!tpu.dma_semaphore, #tpu.memory_space<semaphore_mem>>
    %dma_start3A_556 = arith.constant 0 : i32
    %dma_start3A_557 = tpu.memref_slice %arg11[%dma_start3A_546, %dma_start3A_556] : memref<4x40xi32, #tpu.memory_space<vmem>> -> memref<1x40xi32, #tpu.memory_space<vmem>>
    %dma_start3A_558 = tpu.memref_squeeze %dma_start3A_557 : memref<1x40xi32, #tpu.memory_space<vmem>> -> memref<40xi32, #tpu.memory_space<vmem>>
    %dma_start3A_559 = arith.constant 0 : i32
    %dma_start3A_560 = tpu.memref_slice %arg3[%add3A, %dma_start3A_545, %dma_start3A_559] : memref<32x250x40xi32, #tpu.memory_space<hbm>> -> memref<1x1x40xi32, #tpu.memory_space<hbm>>
    %dma_start3A_561 = tpu.memref_squeeze %dma_start3A_560 : memref<1x1x40xi32, #tpu.memory_space<hbm>> -> memref<40xi32, #tpu.memory_space<hbm>>
    tpu.enqueue_dma source(%dma_start3A_561 : memref<40xi32, #tpu.memory_space<hbm>>) target(%dma_start3A_558 : memref<40xi32, #tpu.memory_space<vmem>>) target_semaphore(%dma_start3A_555 : memref<!tpu.dma_semaphore, #tpu.memory_space<semaphore_mem>>)
    %dma_wait3A_562 = arith.constant 2 : i32
    %dma_wait3A_563 = arith.constant 0 : i32
    %dma_wait3A_564 = arith.constant 0 : i32
    %dma_wait3A_565 = arith.constant 0 : i32
    %dma_wait3A_566 = arith.constant 0 : i32
    %dma_wait3A_567 = tpu.memref_slice %arg12[%dma_wait3A_563, %dma_wait3A_565, %dma_wait3A_566] : memref<2x40x80xi32, #tpu.memory_space<vmem>> -> memref<1x40x80xi32, #tpu.memory_space<vmem>>
    %dma_wait3A_568 = tpu.memref_squeeze %dma_wait3A_567 : memref<1x40x80xi32, #tpu.memory_space<vmem>> -> memref<40x80xi32, #tpu.memory_space<vmem>>
    %dma_wait3A_569 = arith.constant 0 : i32
    %dma_wait3A_570 = tpu.memref_slice %arg10[%dma_wait3A_562, %dma_wait3A_569] : memref<4x40xi32, #tpu.memory_space<vmem>> -> memref<1x40xi32, #tpu.memory_space<vmem>>
    %dma_wait3A_571 = tpu.memref_squeeze %dma_wait3A_570 : memref<1x40xi32, #tpu.memory_space<vmem>> -> memref<40xi32, #tpu.memory_space<vmem>>
    %dma_wait3A_572 = arith.constant 0 : i32
    %dma_wait3A_573 = arith.constant 0 : i32
    %dma_wait3A_574 = tpu.memref_slice %arg4[%dma_wait3A_572, %dma_wait3A_573] : memref<10000x80xi32, #tpu.memory_space<hbm>> -> memref<10000x80xi32, #tpu.memory_space<hbm>>
    %dma_wait3A_575 = tpu.memref_slice %arg17[%dma_wait3A_564] : memref<2x!tpu.dma_semaphore, #tpu.memory_space<semaphore_mem>> -> memref<1x!tpu.dma_semaphore, #tpu.memory_space<semaphore_mem>>
    %dma_wait3A_576 = tpu.memref_squeeze %dma_wait3A_575 : memref<1x!tpu.dma_semaphore, #tpu.memory_space<semaphore_mem>> -> memref<!tpu.dma_semaphore, #tpu.memory_space<semaphore_mem>>
    tpu.wait_indirect_dma semaphore(%dma_wait3A_576 : memref<!tpu.dma_semaphore, #tpu.memory_space<semaphore_mem>>) src(%dma_wait3A_574 : memref<10000x80xi32, #tpu.memory_space<hbm>>) dst(%dma_wait3A_568 : memref<40x80xi32, #tpu.memory_space<vmem>>)
    %dma_wait3A_577 = arith.constant 2 : i32
    %dma_wait3A_578 = arith.constant 0 : i32
    %dma_wait3A_579 = arith.constant 0 : i32
    %dma_wait3A_580 = arith.constant 0 : i32
    %dma_wait3A_581 = arith.constant 0 : i32
    %dma_wait3A_582 = tpu.memref_slice %arg13[%dma_wait3A_578, %dma_wait3A_580, %dma_wait3A_581] : memref<2x40x16xf32, #tpu.memory_space<vmem>> -> memref<1x40x16xf32, #tpu.memory_space<vmem>>
    %dma_wait3A_583 = tpu.memref_squeeze %dma_wait3A_582 : memref<1x40x16xf32, #tpu.memory_space<vmem>> -> memref<40x16xf32, #tpu.memory_space<vmem>>
    %dma_wait3A_584 = arith.constant 0 : i32
    %dma_wait3A_585 = tpu.memref_slice %arg11[%dma_wait3A_577, %dma_wait3A_584] : memref<4x40xi32, #tpu.memory_space<vmem>> -> memref<1x40xi32, #tpu.memory_space<vmem>>
    %dma_wait3A_586 = tpu.memref_squeeze %dma_wait3A_585 : memref<1x40xi32, #tpu.memory_space<vmem>> -> memref<40xi32, #tpu.memory_space<vmem>>
    %dma_wait3A_587 = arith.constant 0 : i32
    %dma_wait3A_588 = arith.constant 0 : i32
    %dma_wait3A_589 = tpu.memref_slice %arg5[%dma_wait3A_587, %dma_wait3A_588] : memref<10000x16xf32, #tpu.memory_space<hbm>> -> memref<10000x16xf32, #tpu.memory_space<hbm>>
    %dma_wait3A_590 = tpu.memref_slice %arg17[%dma_wait3A_579] : memref<2x!tpu.dma_semaphore, #tpu.memory_space<semaphore_mem>> -> memref<1x!tpu.dma_semaphore, #tpu.memory_space<semaphore_mem>>
    %dma_wait3A_591 = tpu.memref_squeeze %dma_wait3A_590 : memref<1x!tpu.dma_semaphore, #tpu.memory_space<semaphore_mem>> -> memref<!tpu.dma_semaphore, #tpu.memory_space<semaphore_mem>>
    tpu.wait_indirect_dma semaphore(%dma_wait3A_591 : memref<!tpu.dma_semaphore, #tpu.memory_space<semaphore_mem>>) src(%dma_wait3A_589 : memref<10000x16xf32, #tpu.memory_space<hbm>>) dst(%dma_wait3A_583 : memref<40x16xf32, #tpu.memory_space<vmem>>)
    %scan3A_592 = arith.constant 0 : i32
    %scan3A_593 = arith.constant 0 : i32
    %scan3A_594 = arith.constant 40 : i32
    %scan3A_595 = arith.addi %scan3A_593, %scan3A_594 : i32
    %scan3A_596 = arith.constant 1 : i32
    %scan3A_597 = scf.for %scan3A_1019 = %scan3A_593 to %scan3A_595 step %scan3A_596 iter_args(%scan3A_1020 = %scan3A_592) -> (i32)  : i32 {
      %get3A_1021 = arith.constant 0 : i32
      %get3A_1022 = arith.index_cast %get3A_1021 : i32 to index
      %get3A_1023 = arith.index_cast %scan3A_1019 : i32 to index
      %get3A_1024 = arith.constant 64 : index
      %get3A_1025 = tpu.vector_load %arg12[%get3A_1022, %get3A_1023, %get3A_1024] {strides = array<i32>} : memref<2x40x80xi32, #tpu.memory_space<vmem>>, vector<16xi32>,
      %bitcast3A = vector.bitcast %get3A_1025 : vector<16xi32> to vector<16xf32>
      %get3A_1026 = arith.constant 0 : i32
      %get3A_1027 = arith.index_cast %get3A_1026 : i32 to index
      %get3A_1028 = arith.index_cast %scan3A_1019 : i32 to index
      %get3A_1029 = arith.constant 0 : index
      %get3A_1030 = tpu.vector_load %arg13[%get3A_1027, %get3A_1028, %get3A_1029] {strides = array<i32>} : memref<2x40x16xf32, #tpu.memory_space<vmem>>, vector<16xf32>,
      %sub3A = arith.subf %bitcast3A, %get3A_1030 : vector<16xf32>
      %abs3A = math.absf %sub3A : vector<16xf32>
      %mul3A_1031 = arith.mulf %abs3A, %get3A_3 : vector<16xf32>
      %exp3A = math.exp %mul3A_1031 : vector<16xf32>
      %broadcast_in_dim3A_1032 = vector.shape_cast %broadcast_in_dim3A_4 : vector<16xi32> to vector<16x1xi32>
      %gather3A = vector.shape_cast %broadcast_in_dim3A_1032 : vector<16x1xi32> to vector<16xi32>
      %gather3A_1033 = tpu.dynamic_gather %exp3A[%gather3A] in [0] : vector<16xf32>, vector<16xi32> -> vector<16xf32>
      %add3A_1034 = arith.addf %bitcast3A, %get3A_1030 : vector<16xf32>
      %mul3A_1035 = arith.mulf %add3A_1034, %gather3A_1033 : vector<16xf32>
      %mul3A_1036 = arith.constant 2.000000e-01 : f32
      %mul3A_1037 = vector.broadcast %mul3A_1036 : f32 to vector<16xf32>
      %mul3A_1038 = arith.mulf %mul3A_1037, %mul3A_1035 : vector<16xf32>
      %max3A = arith.maximumf %mul3A_1035, %mul3A_1038 : vector<16xf32>
      %exp3A_1039 = math.exp %max3A : vector<16xf32>
      %swap3A = arith.constant 0 : i32
      %swap3A_1040 = arith.index_cast %swap3A : i32 to index
      %swap3A_1041 = arith.index_cast %scan3A_1019 : i32 to index
      %swap3A_1042 = arith.constant 128 : index
      %swap3A_1043 = tpu.vector_load %arg14[%swap3A_1040, %swap3A_1041, %swap3A_1042] {strides = array<i32>} : memref<2x40x144xf32, #tpu.memory_space<vmem>>, vector<16xf32>,
      tpu.vector_store %arg14[%swap3A_1040, %swap3A_1041, %swap3A_1042], %exp3A_1039 {strides = array<i32>} : memref<2x40x144xf32, #tpu.memory_space<vmem>>, vector<16xf32>,
      %broadcast_in_dim3A_1044 = vector.shape_cast %select_n3A_19 : vector<16xi32> to vector<16x1xi32>
      %gather3A_1045 = vector.shape_cast %broadcast_in_dim3A_1044 : vector<16x1xi32> to vector<16xi32>
      %gather3A_1046 = tpu.dynamic_gather %exp3A_1039[%gather3A_1045] in [0] : vector<16xf32>, vector<16xi32> -> vector<16xf32>
      %get3A_1047 = arith.constant 0 : i32
      %get3A_1048 = arith.index_cast %get3A_1047 : i32 to index
      %get3A_1049 = arith.index_cast %scan3A_1019 : i32 to index
      %get3A_1050 = arith.constant 0 : index
      %get3A_1051 = tpu.vector_load %arg12[%get3A_1048, %get3A_1049, %get3A_1050] {strides = array<i32>} : memref<2x40x80xi32, #tpu.memory_space<vmem>>, vector<16xi32>,
      %bitcast3A_1052 = vector.bitcast %get3A_1051 : vector<16xi32> to vector<32xbf16>
      %unpack3A = tpu.unpack_subelements %bitcast3A_1052, 0 {pack_format = #tpu.pack_format<interleaved>} : vector<32xbf16> -> vector<16xf32>
      %unpack3A_1053 = tpu.unpack_subelements %bitcast3A_1052, 1 {pack_format = #tpu.pack_format<interleaved>} : vector<32xbf16> -> vector<16xf32>
      %mul3A_1054 = arith.mulf %unpack3A, %gather3A_1046 : vector<16xf32>
      %swap3A_1055 = arith.constant 0 : i32
      %swap3A_1056 = arith.index_cast %swap3A_1055 : i32 to index
      %swap3A_1057 = arith.index_cast %scan3A_1019 : i32 to index
      %swap3A_1058 = arith.constant 0 : index
      %swap3A_1059 = tpu.vector_load %arg14[%swap3A_1056, %swap3A_1057, %swap3A_1058] {strides = array<i32>} : memref<2x40x144xf32, #tpu.memory_space<vmem>>, vector<16xf32>,
      tpu.vector_store %arg14[%swap3A_1056, %swap3A_1057, %swap3A_1058], %mul3A_1054 {strides = array<i32>} : memref<2x40x144xf32, #tpu.memory_space<vmem>>, vector<16xf32>,
      %mul3A_1060 = arith.mulf %unpack3A_1053, %gather3A_1046 : vector<16xf32>
      %swap3A_1061 = arith.constant 0 : i32
      %swap3A_1062 = arith.index_cast %swap3A_1061 : i32 to index
      %swap3A_1063 = arith.index_cast %scan3A_1019 : i32 to index
      %swap3A_1064 = arith.constant 16 : index
      %swap3A_1065 = tpu.vector_load %arg14[%swap3A_1062, %swap3A_1063, %swap3A_1064] {strides = array<i32>} : memref<2x40x144xf32, #tpu.memory_space<vmem>>, vector<16xf32>,
      tpu.vector_store %arg14[%swap3A_1062, %swap3A_1063, %swap3A_1064], %mul3A_1060 {strides = array<i32>} : memref<2x40x144xf32, #tpu.memory_space<vmem>>, vector<16xf32>,
      %get3A_1066 = arith.constant 0 : i32
      %get3A_1067 = arith.index_cast %get3A_1066 : i32 to index
      %get3A_1068 = arith.index_cast %scan3A_1019 : i32 to index
      %get3A_1069 = arith.constant 16 : index
      %get3A_1070 = tpu.vector_load %arg12[%get3A_1067, %get3A_1068, %get3A_1069] {strides = array<i32>} : memref<2x40x80xi32, #tpu.memory_space<vmem>>, vector<16xi32>,
      %bitcast3A_1071 = vector.bitcast %get3A_1070 : vector<16xi32> to vector<32xbf16>
      %unpack3A_1072 = tpu.unpack_subelements %bitcast3A_1071, 0 {pack_format = #tpu.pack_format<interleaved>} : vector<32xbf16> -> vector<16xf32>
      %unpack3A_1073 = tpu.unpack_subelements %bitcast3A_1071, 1 {pack_format = #tpu.pack_format<interleaved>} : vector<32xbf16> -> vector<16xf32>
      %mul3A_1074 = arith.mulf %unpack3A_1072, %gather3A_1046 : vector<16xf32>
      %swap3A_1075 = arith.constant 0 : i32
      %swap3A_1076 = arith.index_cast %swap3A_1075 : i32 to index
      %swap3A_1077 = arith.index_cast %scan3A_1019 : i32 to index
      %swap3A_1078 = arith.constant 32 : index
      %swap3A_1079 = tpu.vector_load %arg14[%swap3A_1076, %swap3A_1077, %swap3A_1078] {strides = array<i32>} : memref<2x40x144xf32, #tpu.memory_space<vmem>>, vector<16xf32>,
      tpu.vector_store %arg14[%swap3A_1076, %swap3A_1077, %swap3A_1078], %mul3A_1074 {strides = array<i32>} : memref<2x40x144xf32, #tpu.memory_space<vmem>>, vector<16xf32>,
      %mul3A_1080 = arith.mulf %unpack3A_1073, %gather3A_1046 : vector<16xf32>
      %swap3A_1081 = arith.constant 0 : i32
      %swap3A_1082 = arith.index_cast %swap3A_1081 : i32 to index
      %swap3A_1083 = arith.index_cast %scan3A_1019 : i32 to index
      %swap3A_1084 = arith.constant 48 : index
      %swap3A_1085 = tpu.vector_load %arg14[%swap3A_1082, %swap3A_1083, %swap3A_1084] {strides = array<i32>} : memref<2x40x144xf32, #tpu.memory_space<vmem>>, vector<16xf32>,
      tpu.vector_store %arg14[%swap3A_1082, %swap3A_1083, %swap3A_1084], %mul3A_1080 {strides = array<i32>} : memref<2x40x144xf32, #tpu.memory_space<vmem>>, vector<16xf32>,
      %get3A_1086 = arith.constant 0 : i32
      %get3A_1087 = arith.index_cast %get3A_1086 : i32 to index
      %get3A_1088 = arith.index_cast %scan3A_1019 : i32 to index
      %get3A_1089 = arith.constant 32 : index
      %get3A_1090 = tpu.vector_load %arg12[%get3A_1087, %get3A_1088, %get3A_1089] {strides = array<i32>} : memref<2x40x80xi32, #tpu.memory_space<vmem>>, vector<16xi32>,
      %bitcast3A_1091 = vector.bitcast %get3A_1090 : vector<16xi32> to vector<32xbf16>
      %unpack3A_1092 = tpu.unpack_subelements %bitcast3A_1091, 0 {pack_format = #tpu.pack_format<interleaved>} : vector<32xbf16> -> vector<16xf32>
      %unpack3A_1093 = tpu.unpack_subelements %bitcast3A_1091, 1 {pack_format = #tpu.pack_format<interleaved>} : vector<32xbf16> -> vector<16xf32>
      %mul3A_1094 = arith.mulf %unpack3A_1092, %gather3A_1046 : vector<16xf32>
      %swap3A_1095 = arith.constant 0 : i32
      %swap3A_1096 = arith.index_cast %swap3A_1095 : i32 to index
      %swap3A_1097 = arith.index_cast %scan3A_1019 : i32 to index
      %swap3A_1098 = arith.constant 64 : index
      %swap3A_1099 = tpu.vector_load %arg14[%swap3A_1096, %swap3A_1097, %swap3A_1098] {strides = array<i32>} : memref<2x40x144xf32, #tpu.memory_space<vmem>>, vector<16xf32>,
      tpu.vector_store %arg14[%swap3A_1096, %swap3A_1097, %swap3A_1098], %mul3A_1094 {strides = array<i32>} : memref<2x40x144xf32, #tpu.memory_space<vmem>>, vector<16xf32>,
      %mul3A_1100 = arith.mulf %unpack3A_1093, %gather3A_1046 : vector<16xf32>
      %swap3A_1101 = arith.constant 0 : i32
      %swap3A_1102 = arith.index_cast %swap3A_1101 : i32 to index
      %swap3A_1103 = arith.index_cast %scan3A_1019 : i32 to index
      %swap3A_1104 = arith.constant 80 : index
      %swap3A_1105 = tpu.vector_load %arg14[%swap3A_1102, %swap3A_1103, %swap3A_1104] {strides = array<i32>} : memref<2x40x144xf32, #tpu.memory_space<vmem>>, vector<16xf32>,
      tpu.vector_store %arg14[%swap3A_1102, %swap3A_1103, %swap3A_1104], %mul3A_1100 {strides = array<i32>} : memref<2x40x144xf32, #tpu.memory_space<vmem>>, vector<16xf32>,
      %get3A_1106 = arith.constant 0 : i32
      %get3A_1107 = arith.index_cast %get3A_1106 : i32 to index
      %get3A_1108 = arith.index_cast %scan3A_1019 : i32 to index
      %get3A_1109 = arith.constant 48 : index
      %get3A_1110 = tpu.vector_load %arg12[%get3A_1107, %get3A_1108, %get3A_1109] {strides = array<i32>} : memref<2x40x80xi32, #tpu.memory_space<vmem>>, vector<16xi32>,
      %bitcast3A_1111 = vector.bitcast %get3A_1110 : vector<16xi32> to vector<32xbf16>
      %unpack3A_1112 = tpu.unpack_subelements %bitcast3A_1111, 0 {pack_format = #tpu.pack_format<interleaved>} : vector<32xbf16> -> vector<16xf32>
      %unpack3A_1113 = tpu.unpack_subelements %bitcast3A_1111, 1 {pack_format = #tpu.pack_format<interleaved>} : vector<32xbf16> -> vector<16xf32>
      %mul3A_1114 = arith.mulf %unpack3A_1112, %gather3A_1046 : vector<16xf32>
      %swap3A_1115 = arith.constant 0 : i32
      %swap3A_1116 = arith.index_cast %swap3A_1115 : i32 to index
      %swap3A_1117 = arith.index_cast %scan3A_1019 : i32 to index
      %swap3A_1118 = arith.constant 96 : index
      %swap3A_1119 = tpu.vector_load %arg14[%swap3A_1116, %swap3A_1117, %swap3A_1118] {strides = array<i32>} : memref<2x40x144xf32, #tpu.memory_space<vmem>>, vector<16xf32>,
      tpu.vector_store %arg14[%swap3A_1116, %swap3A_1117, %swap3A_1118], %mul3A_1114 {strides = array<i32>} : memref<2x40x144xf32, #tpu.memory_space<vmem>>, vector<16xf32>,
      %mul3A_1120 = arith.mulf %unpack3A_1113, %gather3A_1046 : vector<16xf32>
      %swap3A_1121 = arith.constant 0 : i32
      %swap3A_1122 = arith.index_cast %swap3A_1121 : i32 to index
      %swap3A_1123 = arith.index_cast %scan3A_1019 : i32 to index
      %swap3A_1124 = arith.constant 112 : index
      %swap3A_1125 = tpu.vector_load %arg14[%swap3A_1122, %swap3A_1123, %swap3A_1124] {strides = array<i32>} : memref<2x40x144xf32, #tpu.memory_space<vmem>>, vector<16xf32>,
      tpu.vector_store %arg14[%swap3A_1122, %swap3A_1123, %swap3A_1124], %mul3A_1120 {strides = array<i32>} : memref<2x40x144xf32, #tpu.memory_space<vmem>>, vector<16xf32>,
      %scan3A_1126 = arith.constant 0 : i32
      scf.yield %scan3A_1126 : i32
    }
    %scan3A_598 = arith.constant 40 : i32
    %dma_start3A_599 = arith.constant 0 : i32
    %dma_start3A_600 = arith.constant 2 : i32
    %dma_start3A_601 = arith.constant 0 : i32
    %dma_start3A_602 = arith.constant 0 : i32
    %dma_start3A_603 = arith.constant 0 : i32
    %dma_start3A_604 = tpu.memref_slice %arg14[%dma_start3A_599, %dma_start3A_602, %dma_start3A_603] : memref<2x40x144xf32, #tpu.memory_space<vmem>> -> memref<1x40x144xf32, #tpu.memory_space<vmem>>
    %dma_start3A_605 = tpu.memref_squeeze %dma_start3A_604 : memref<1x40x144xf32, #tpu.memory_space<vmem>> -> memref<40x144xf32, #tpu.memory_space<vmem>>
    %dma_start3A_606 = arith.constant 0 : i32
    %dma_start3A_607 = tpu.memref_slice %arg11[%dma_start3A_600, %dma_start3A_606] : memref<4x40xi32, #tpu.memory_space<vmem>> -> memref<1x40xi32, #tpu.memory_space<vmem>>
    %dma_start3A_608 = tpu.memref_squeeze %dma_start3A_607 : memref<1x40xi32, #tpu.memory_space<vmem>> -> memref<40xi32, #tpu.memory_space<vmem>>
    %dma_start3A_609 = arith.constant 0 : i32
    %dma_start3A_610 = arith.constant 0 : i32
    %dma_start3A_611 = tpu.memref_slice %arg9[%dma_start3A_609, %dma_start3A_610] : memref<10000x144xf32, #tpu.memory_space<vmem_shared>> -> memref<10000x144xf32, #tpu.memory_space<vmem_shared>>
    %dma_start3A_612 = tpu.memref_slice %arg18[%dma_start3A_601] : memref<2x!tpu.dma_semaphore, #tpu.memory_space<semaphore_mem>> -> memref<1x!tpu.dma_semaphore, #tpu.memory_space<semaphore_mem>>
    %dma_start3A_613 = tpu.memref_squeeze %dma_start3A_612 : memref<1x!tpu.dma_semaphore, #tpu.memory_space<semaphore_mem>> -> memref<!tpu.dma_semaphore, #tpu.memory_space<semaphore_mem>>
    tpu.enqueue_indirect_dma source(%dma_start3A_605 : memref<40x144xf32, #tpu.memory_space<vmem>>) target(%dma_start3A_611 : memref<10000x144xf32, #tpu.memory_space<vmem_shared>>) offsets(%dma_start3A_608 : memref<40xi32, #tpu.memory_space<vmem>>) semaphore(%dma_start3A_613 : memref<!tpu.dma_semaphore, #tpu.memory_space<semaphore_mem>>) {add = true}
    %dma_wait3A_614 = arith.constant 4 : i32
    %dma_wait3A_615 = arith.constant 0 : i32
    %dma_wait3A_616 = arith.constant 0 : i32
    %dma_wait3A_617 = arith.constant 0 : i32
    %dma_wait3A_618 = tpu.memref_slice %arg10[%dma_wait3A_615, %dma_wait3A_617] : memref<4x40xi32, #tpu.memory_space<vmem>> -> memref<1x40xi32, #tpu.memory_space<vmem>>
    %dma_wait3A_619 = tpu.memref_squeeze %dma_wait3A_618 : memref<1x40xi32, #tpu.memory_space<vmem>> -> memref<40xi32, #tpu.memory_space<vmem>>
    %dma_wait3A_620 = arith.constant 0 : i32
    %dma_wait3A_621 = tpu.memref_slice %arg2[%add3A, %dma_wait3A_614, %dma_wait3A_620] : memref<32x250x40xi32, #tpu.memory_space<hbm>> -> memref<1x1x40xi32, #tpu.memory_space<hbm>>
    %dma_wait3A_622 = tpu.memref_squeeze %dma_wait3A_621 : memref<1x1x40xi32, #tpu.memory_space<hbm>> -> memref<40xi32, #tpu.memory_space<hbm>>
    %dma_wait3A_623 = tpu.memref_slice %arg16[%dma_wait3A_616] : memref<4x!tpu.dma_semaphore, #tpu.memory_space<semaphore_mem>> -> memref<1x!tpu.dma_semaphore, #tpu.memory_space<semaphore_mem>>
    %dma_wait3A_624 = tpu.memref_squeeze %dma_wait3A_623 : memref<1x!tpu.dma_semaphore, #tpu.memory_space<semaphore_mem>> -> memref<!tpu.dma_semaphore, #tpu.memory_space<semaphore_mem>>
    %dma_wait3A_625 = arith.constant 0 : i32
    %dma_wait3A_626 = tpu.memref_slice %arg10[%dma_wait3A_615, %dma_wait3A_625] : memref<4x40xi32, #tpu.memory_space<vmem>> -> memref<1x40xi32, #tpu.memory_space<vmem>>
    %dma_wait3A_627 = tpu.memref_squeeze %dma_wait3A_626 : memref<1x40xi32, #tpu.memory_space<vmem>> -> memref<40xi32, #tpu.memory_space<vmem>>
    %dma_wait3A_628 = arith.constant 0 : i32
    %dma_wait3A_629 = tpu.memref_slice %arg2[%add3A, %dma_wait3A_614, %dma_wait3A_628] : memref<32x250x40xi32, #tpu.memory_space<hbm>> -> memref<1x1x40xi32, #tpu.memory_space<hbm>>
    %dma_wait3A_630 = tpu.memref_squeeze %dma_wait3A_629 : memref<1x1x40xi32, #tpu.memory_space<hbm>> -> memref<40xi32, #tpu.memory_space<hbm>>
    tpu.wait_dma2 semaphore(%dma_wait3A_624 : memref<!tpu.dma_semaphore, #tpu.memory_space<semaphore_mem>>) src(%dma_wait3A_630 : memref<40xi32, #tpu.memory_space<hbm>>) dst(%dma_wait3A_627 : memref<40xi32, #tpu.memory_space<vmem>>)
    %dma_wait3A_631 = arith.constant 4 : i32
    %dma_wait3A_632 = arith.constant 0 : i32
    %dma_wait3A_633 = arith.constant 0 : i32
    %dma_wait3A_634 = arith.constant 0 : i32
    %dma_wait3A_635 = tpu.memref_slice %arg11[%dma_wait3A_632, %dma_wait3A_634] : memref<4x40xi32, #tpu.memory_space<vmem>> -> memref<1x40xi32, #tpu.memory_space<vmem>>
    %dma_wait3A_636 = tpu.memref_squeeze %dma_wait3A_635 : memref<1x40xi32, #tpu.memory_space<vmem>> -> memref<40xi32, #tpu.memory_space<vmem>>
    %dma_wait3A_637 = arith.constant 0 : i32
    %dma_wait3A_638 = tpu.memref_slice %arg3[%add3A, %dma_wait3A_631, %dma_wait3A_637] : memref<32x250x40xi32, #tpu.memory_space<hbm>> -> memref<1x1x40xi32, #tpu.memory_space<hbm>>
    %dma_wait3A_639 = tpu.memref_squeeze %dma_wait3A_638 : memref<1x1x40xi32, #tpu.memory_space<hbm>> -> memref<40xi32, #tpu.memory_space<hbm>>
    %dma_wait3A_640 = tpu.memref_slice %arg16[%dma_wait3A_633] : memref<4x!tpu.dma_semaphore, #tpu.memory_space<semaphore_mem>> -> memref<1x!tpu.dma_semaphore, #tpu.memory_space<semaphore_mem>>
    %dma_wait3A_641 = tpu.memref_squeeze %dma_wait3A_640 : memref<1x!tpu.dma_semaphore, #tpu.memory_space<semaphore_mem>> -> memref<!tpu.dma_semaphore, #tpu.memory_space<semaphore_mem>>
    %dma_wait3A_642 = arith.constant 0 : i32
    %dma_wait3A_643 = tpu.memref_slice %arg11[%dma_wait3A_632, %dma_wait3A_642] : memref<4x40xi32, #tpu.memory_space<vmem>> -> memref<1x40xi32, #tpu.memory_space<vmem>>
    %dma_wait3A_644 = tpu.memref_squeeze %dma_wait3A_643 : memref<1x40xi32, #tpu.memory_space<vmem>> -> memref<40xi32, #tpu.memory_space<vmem>>
    %dma_wait3A_645 = arith.constant 0 : i32
    %dma_wait3A_646 = tpu.memref_slice %arg3[%add3A, %dma_wait3A_631, %dma_wait3A_645] : memref<32x250x40xi32, #tpu.memory_space<hbm>> -> memref<1x1x40xi32, #tpu.memory_space<hbm>>
    %dma_wait3A_647 = tpu.memref_squeeze %dma_wait3A_646 : memref<1x1x40xi32, #tpu.memory_space<hbm>> -> memref<40xi32, #tpu.memory_space<hbm>>
    tpu.wait_dma2 semaphore(%dma_wait3A_641 : memref<!tpu.dma_semaphore, #tpu.memory_space<semaphore_mem>>) src(%dma_wait3A_647 : memref<40xi32, #tpu.memory_space<hbm>>) dst(%dma_wait3A_644 : memref<40xi32, #tpu.memory_space<vmem>>)
    %dma_start3A_648 = arith.constant 0 : i32
    %dma_start3A_649 = arith.constant 0 : i32
    %dma_start3A_650 = arith.constant 0 : i32
    %dma_start3A_651 = arith.constant 0 : i32
    %dma_start3A_652 = arith.constant 0 : i32
    %dma_start3A_653 = tpu.memref_slice %arg12[%dma_start3A_649, %dma_start3A_651, %dma_start3A_652] : memref<2x40x80xi32, #tpu.memory_space<vmem>> -> memref<1x40x80xi32, #tpu.memory_space<vmem>>
    %dma_start3A_654 = tpu.memref_squeeze %dma_start3A_653 : memref<1x40x80xi32, #tpu.memory_space<vmem>> -> memref<40x80xi32, #tpu.memory_space<vmem>>
    %dma_start3A_655 = arith.constant 0 : i32
    %dma_start3A_656 = tpu.memref_slice %arg10[%dma_start3A_648, %dma_start3A_655] : memref<4x40xi32, #tpu.memory_space<vmem>> -> memref<1x40xi32, #tpu.memory_space<vmem>>
    %dma_start3A_657 = tpu.memref_squeeze %dma_start3A_656 : memref<1x40xi32, #tpu.memory_space<vmem>> -> memref<40xi32, #tpu.memory_space<vmem>>
    %dma_start3A_658 = arith.constant 0 : i32
    %dma_start3A_659 = arith.constant 0 : i32
    %dma_start3A_660 = tpu.memref_slice %arg4[%dma_start3A_658, %dma_start3A_659] : memref<10000x80xi32, #tpu.memory_space<hbm>> -> memref<10000x80xi32, #tpu.memory_space<hbm>>
    %dma_start3A_661 = tpu.memref_slice %arg17[%dma_start3A_650] : memref<2x!tpu.dma_semaphore, #tpu.memory_space<semaphore_mem>> -> memref<1x!tpu.dma_semaphore, #tpu.memory_space<semaphore_mem>>
    %dma_start3A_662 = tpu.memref_squeeze %dma_start3A_661 : memref<1x!tpu.dma_semaphore, #tpu.memory_space<semaphore_mem>> -> memref<!tpu.dma_semaphore, #tpu.memory_space<semaphore_mem>>
    tpu.enqueue_indirect_dma source(%dma_start3A_660 : memref<10000x80xi32, #tpu.memory_space<hbm>>) target(%dma_start3A_654 : memref<40x80xi32, #tpu.memory_space<vmem>>) offsets(%dma_start3A_657 : memref<40xi32, #tpu.memory_space<vmem>>) semaphore(%dma_start3A_662 : memref<!tpu.dma_semaphore, #tpu.memory_space<semaphore_mem>>)
    %dma_start3A_663 = arith.constant 0 : i32
    %dma_start3A_664 = arith.constant 0 : i32
    %dma_start3A_665 = arith.constant 0 : i32
    %dma_start3A_666 = arith.constant 0 : i32
    %dma_start3A_667 = arith.constant 0 : i32
    %dma_start3A_668 = tpu.memref_slice %arg13[%dma_start3A_664, %dma_start3A_666, %dma_start3A_667] : memref<2x40x16xf32, #tpu.memory_space<vmem>> -> memref<1x40x16xf32, #tpu.memory_space<vmem>>
    %dma_start3A_669 = tpu.memref_squeeze %dma_start3A_668 : memref<1x40x16xf32, #tpu.memory_space<vmem>> -> memref<40x16xf32, #tpu.memory_space<vmem>>
    %dma_start3A_670 = arith.constant 0 : i32
    %dma_start3A_671 = tpu.memref_slice %arg11[%dma_start3A_663, %dma_start3A_670] : memref<4x40xi32, #tpu.memory_space<vmem>> -> memref<1x40xi32, #tpu.memory_space<vmem>>
    %dma_start3A_672 = tpu.memref_squeeze %dma_start3A_671 : memref<1x40xi32, #tpu.memory_space<vmem>> -> memref<40xi32, #tpu.memory_space<vmem>>
    %dma_start3A_673 = arith.constant 0 : i32
    %dma_start3A_674 = arith.constant 0 : i32
    %dma_start3A_675 = tpu.memref_slice %arg5[%dma_start3A_673, %dma_start3A_674] : memref<10000x16xf32, #tpu.memory_space<hbm>> -> memref<10000x16xf32, #tpu.memory_space<hbm>>
    %dma_start3A_676 = tpu.memref_slice %arg17[%dma_start3A_665] : memref<2x!tpu.dma_semaphore, #tpu.memory_space<semaphore_mem>> -> memref<1x!tpu.dma_semaphore, #tpu.memory_space<semaphore_mem>>
    %dma_start3A_677 = tpu.memref_squeeze %dma_start3A_676 : memref<1x!tpu.dma_semaphore, #tpu.memory_space<semaphore_mem>> -> memref<!tpu.dma_semaphore, #tpu.memory_space<semaphore_mem>>
    tpu.enqueue_indirect_dma source(%dma_start3A_675 : memref<10000x16xf32, #tpu.memory_space<hbm>>) target(%dma_start3A_669 : memref<40x16xf32, #tpu.memory_space<vmem>>) offsets(%dma_start3A_672 : memref<40xi32, #tpu.memory_space<vmem>>) semaphore(%dma_start3A_677 : memref<!tpu.dma_semaphore, #tpu.memory_space<semaphore_mem>>)
    %dma_wait3A_678 = arith.constant 1 : i32
    %dma_wait3A_679 = arith.constant 1 : i32
    %dma_wait3A_680 = arith.constant 1 : i32
    %dma_wait3A_681 = arith.constant 0 : i32
    %dma_wait3A_682 = arith.constant 0 : i32
    %dma_wait3A_683 = tpu.memref_slice %arg14[%dma_wait3A_678, %dma_wait3A_681, %dma_wait3A_682] : memref<2x40x144xf32, #tpu.memory_space<vmem>> -> memref<1x40x144xf32, #tpu.memory_space<vmem>>
    %dma_wait3A_684 = tpu.memref_squeeze %dma_wait3A_683 : memref<1x40x144xf32, #tpu.memory_space<vmem>> -> memref<40x144xf32, #tpu.memory_space<vmem>>
    %dma_wait3A_685 = arith.constant 0 : i32
    %dma_wait3A_686 = tpu.memref_slice %arg11[%dma_wait3A_679, %dma_wait3A_685] : memref<4x40xi32, #tpu.memory_space<vmem>> -> memref<1x40xi32, #tpu.memory_space<vmem>>
    %dma_wait3A_687 = tpu.memref_squeeze %dma_wait3A_686 : memref<1x40xi32, #tpu.memory_space<vmem>> -> memref<40xi32, #tpu.memory_space<vmem>>
    %dma_wait3A_688 = arith.constant 0 : i32
    %dma_wait3A_689 = arith.constant 0 : i32
    %dma_wait3A_690 = tpu.memref_slice %arg9[%dma_wait3A_688, %dma_wait3A_689] : memref<10000x144xf32, #tpu.memory_space<vmem_shared>> -> memref<10000x144xf32, #tpu.memory_space<vmem_shared>>
    %dma_wait3A_691 = tpu.memref_slice %arg18[%dma_wait3A_680] : memref<2x!tpu.dma_semaphore, #tpu.memory_space<semaphore_mem>> -> memref<1x!tpu.dma_semaphore, #tpu.memory_space<semaphore_mem>>
    %dma_wait3A_692 = tpu.memref_squeeze %dma_wait3A_691 : memref<1x!tpu.dma_semaphore, #tpu.memory_space<semaphore_mem>> -> memref<!tpu.dma_semaphore, #tpu.memory_space<semaphore_mem>>
    tpu.wait_indirect_dma semaphore(%dma_wait3A_692 : memref<!tpu.dma_semaphore, #tpu.memory_space<semaphore_mem>>) src(%dma_wait3A_684 : memref<40x144xf32, #tpu.memory_space<vmem>>) dst(%dma_wait3A_690 : memref<10000x144xf32, #tpu.memory_space<vmem_shared>>)
    %dma_start3A_693 = arith.constant 5 : i32
    %dma_start3A_694 = arith.constant 1 : i32
    %dma_start3A_695 = arith.constant 1 : i32
    %dma_start3A_696 = arith.constant 0 : i32
    %dma_start3A_697 = tpu.memref_slice %arg10[%dma_start3A_694, %dma_start3A_696] : memref<4x40xi32, #tpu.memory_space<vmem>> -> memref<1x40xi32, #tpu.memory_space<vmem>>
    %dma_start3A_698 = tpu.memref_squeeze %dma_start3A_697 : memref<1x40xi32, #tpu.memory_space<vmem>> -> memref<40xi32, #tpu.memory_space<vmem>>
    %dma_start3A_699 = arith.constant 0 : i32
    %dma_start3A_700 = tpu.memref_slice %arg2[%add3A, %dma_start3A_693, %dma_start3A_699] : memref<32x250x40xi32, #tpu.memory_space<hbm>> -> memref<1x1x40xi32, #tpu.memory_space<hbm>>
    %dma_start3A_701 = tpu.memref_squeeze %dma_start3A_700 : memref<1x1x40xi32, #tpu.memory_space<hbm>> -> memref<40xi32, #tpu.memory_space<hbm>>
    %dma_start3A_702 = tpu.memref_slice %arg16[%dma_start3A_695] : memref<4x!tpu.dma_semaphore, #tpu.memory_space<semaphore_mem>> -> memref<1x!tpu.dma_semaphore, #tpu.memory_space<semaphore_mem>>
    %dma_start3A_703 = tpu.memref_squeeze %dma_start3A_702 : memref<1x!tpu.dma_semaphore, #tpu.memory_space<semaphore_mem>> -> memref<!tpu.dma_semaphore, #tpu.memory_space<semaphore_mem>>
    %dma_start3A_704 = arith.constant 0 : i32
    %dma_start3A_705 = tpu.memref_slice %arg10[%dma_start3A_694, %dma_start3A_704] : memref<4x40xi32, #tpu.memory_space<vmem>> -> memref<1x40xi32, #tpu.memory_space<vmem>>
    %dma_start3A_706 = tpu.memref_squeeze %dma_start3A_705 : memref<1x40xi32, #tpu.memory_space<vmem>> -> memref<40xi32, #tpu.memory_space<vmem>>
    %dma_start3A_707 = arith.constant 0 : i32
    %dma_start3A_708 = tpu.memref_slice %arg2[%add3A, %dma_start3A_693, %dma_start3A_707] : memref<32x250x40xi32, #tpu.memory_space<hbm>> -> memref<1x1x40xi32, #tpu.memory_space<hbm>>
    %dma_start3A_709 = tpu.memref_squeeze %dma_start3A_708 : memref<1x1x40xi32, #tpu.memory_space<hbm>> -> memref<40xi32, #tpu.memory_space<hbm>>
    tpu.enqueue_dma source(%dma_start3A_709 : memref<40xi32, #tpu.memory_space<hbm>>) target(%dma_start3A_706 : memref<40xi32, #tpu.memory_space<vmem>>) target_semaphore(%dma_start3A_703 : memref<!tpu.dma_semaphore, #tpu.memory_space<semaphore_mem>>)
    %dma_start3A_710 = arith.constant 5 : i32
    %dma_start3A_711 = arith.constant 1 : i32
    %dma_start3A_712 = arith.constant 1 : i32
    %dma_start3A_713 = arith.constant 0 : i32
    %dma_start3A_714 = tpu.memref_slice %arg11[%dma_start3A_711, %dma_start3A_713] : memref<4x40xi32, #tpu.memory_space<vmem>> -> memref<1x40xi32, #tpu.memory_space<vmem>>
    %dma_start3A_715 = tpu.memref_squeeze %dma_start3A_714 : memref<1x40xi32, #tpu.memory_space<vmem>> -> memref<40xi32, #tpu.memory_space<vmem>>
    %dma_start3A_716 = arith.constant 0 : i32
    %dma_start3A_717 = tpu.memref_slice %arg3[%add3A, %dma_start3A_710, %dma_start3A_716] : memref<32x250x40xi32, #tpu.memory_space<hbm>> -> memref<1x1x40xi32, #tpu.memory_space<hbm>>
    %dma_start3A_718 = tpu.memref_squeeze %dma_start3A_717 : memref<1x1x40xi32, #tpu.memory_space<hbm>> -> memref<40xi32, #tpu.memory_space<hbm>>
    %dma_start3A_719 = tpu.memref_slice %arg16[%dma_start3A_712] : memref<4x!tpu.dma_semaphore, #tpu.memory_space<semaphore_mem>> -> memref<1x!tpu.dma_semaphore, #tpu.memory_space<semaphore_mem>>
    %dma_start3A_720 = tpu.memref_squeeze %dma_start3A_719 : memref<1x!tpu.dma_semaphore, #tpu.memory_space<semaphore_mem>> -> memref<!tpu.dma_semaphore, #tpu.memory_space<semaphore_mem>>
    %dma_start3A_721 = arith.constant 0 : i32
    %dma_start3A_722 = tpu.memref_slice %arg11[%dma_start3A_711, %dma_start3A_721] : memref<4x40xi32, #tpu.memory_space<vmem>> -> memref<1x40xi32, #tpu.memory_space<vmem>>
    %dma_start3A_723 = tpu.memref_squeeze %dma_start3A_722 : memref<1x40xi32, #tpu.memory_space<vmem>> -> memref<40xi32, #tpu.memory_space<vmem>>
    %dma_start3A_724 = arith.constant 0 : i32
    %dma_start3A_725 = tpu.memref_slice %arg3[%add3A, %dma_start3A_710, %dma_start3A_724] : memref<32x250x40xi32, #tpu.memory_space<hbm>> -> memref<1x1x40xi32, #tpu.memory_space<hbm>>
    %dma_start3A_726 = tpu.memref_squeeze %dma_start3A_725 : memref<1x1x40xi32, #tpu.memory_space<hbm>> -> memref<40xi32, #tpu.memory_space<hbm>>
    tpu.enqueue_dma source(%dma_start3A_726 : memref<40xi32, #tpu.memory_space<hbm>>) target(%dma_start3A_723 : memref<40xi32, #tpu.memory_space<vmem>>) target_semaphore(%dma_start3A_720 : memref<!tpu.dma_semaphore, #tpu.memory_space<semaphore_mem>>)
    %dma_wait3A_727 = arith.constant 3 : i32
    %dma_wait3A_728 = arith.constant 1 : i32
    %dma_wait3A_729 = arith.constant 1 : i32
    %dma_wait3A_730 = arith.constant 0 : i32
    %dma_wait3A_731 = arith.constant 0 : i32
    %dma_wait3A_732 = tpu.memref_slice %arg12[%dma_wait3A_728, %dma_wait3A_730, %dma_wait3A_731] : memref<2x40x80xi32, #tpu.memory_space<vmem>> -> memref<1x40x80xi32, #tpu.memory_space<vmem>>
    %dma_wait3A_733 = tpu.memref_squeeze %dma_wait3A_732 : memref<1x40x80xi32, #tpu.memory_space<vmem>> -> memref<40x80xi32, #tpu.memory_space<vmem>>
    %dma_wait3A_734 = arith.constant 0 : i32
    %dma_wait3A_735 = tpu.memref_slice %arg10[%dma_wait3A_727, %dma_wait3A_734] : memref<4x40xi32, #tpu.memory_space<vmem>> -> memref<1x40xi32, #tpu.memory_space<vmem>>
    %dma_wait3A_736 = tpu.memref_squeeze %dma_wait3A_735 : memref<1x40xi32, #tpu.memory_space<vmem>> -> memref<40xi32, #tpu.memory_space<vmem>>
    %dma_wait3A_737 = arith.constant 0 : i32
    %dma_wait3A_738 = arith.constant 0 : i32
    %dma_wait3A_739 = tpu.memref_slice %arg4[%dma_wait3A_737, %dma_wait3A_738] : memref<10000x80xi32, #tpu.memory_space<hbm>> -> memref<10000x80xi32, #tpu.memory_space<hbm>>
    %dma_wait3A_740 = tpu.memref_slice %arg17[%dma_wait3A_729] : memref<2x!tpu.dma_semaphore, #tpu.memory_space<semaphore_mem>> -> memref<1x!tpu.dma_semaphore, #tpu.memory_space<semaphore_mem>>
    %dma_wait3A_741 = tpu.memref_squeeze %dma_wait3A_740 : memref<1x!tpu.dma_semaphore, #tpu.memory_space<semaphore_mem>> -> memref<!tpu.dma_semaphore, #tpu.memory_space<semaphore_mem>>
    tpu.wait_indirect_dma semaphore(%dma_wait3A_741 : memref<!tpu.dma_semaphore, #tpu.memory_space<semaphore_mem>>) src(%dma_wait3A_739 : memref<10000x80xi32, #tpu.memory_space<hbm>>) dst(%dma_wait3A_733 : memref<40x80xi32, #tpu.memory_space<vmem>>)
    %dma_wait3A_742 = arith.constant 3 : i32
    %dma_wait3A_743 = arith.constant 1 : i32
    %dma_wait3A_744 = arith.constant 1 : i32
    %dma_wait3A_745 = arith.constant 0 : i32
    %dma_wait3A_746 = arith.constant 0 : i32
    %dma_wait3A_747 = tpu.memref_slice %arg13[%dma_wait3A_743, %dma_wait3A_745, %dma_wait3A_746] : memref<2x40x16xf32, #tpu.memory_space<vmem>> -> memref<1x40x16xf32, #tpu.memory_space<vmem>>
    %dma_wait3A_748 = tpu.memref_squeeze %dma_wait3A_747 : memref<1x40x16xf32, #tpu.memory_space<vmem>> -> memref<40x16xf32, #tpu.memory_space<vmem>>
    %dma_wait3A_749 = arith.constant 0 : i32
    %dma_wait3A_750 = tpu.memref_slice %arg11[%dma_wait3A_742, %dma_wait3A_749] : memref<4x40xi32, #tpu.memory_space<vmem>> -> memref<1x40xi32, #tpu.memory_space<vmem>>
    %dma_wait3A_751 = tpu.memref_squeeze %dma_wait3A_750 : memref<1x40xi32, #tpu.memory_space<vmem>> -> memref<40xi32, #tpu.memory_space<vmem>>
    %dma_wait3A_752 = arith.constant 0 : i32
    %dma_wait3A_753 = arith.constant 0 : i32
    %dma_wait3A_754 = tpu.memref_slice %arg5[%dma_wait3A_752, %dma_wait3A_753] : memref<10000x16xf32, #tpu.memory_space<hbm>> -> memref<10000x16xf32, #tpu.memory_space<hbm>>
    %dma_wait3A_755 = tpu.memref_slice %arg17[%dma_wait3A_744] : memref<2x!tpu.dma_semaphore, #tpu.memory_space<semaphore_mem>> -> memref<1x!tpu.dma_semaphore, #tpu.memory_space<semaphore_mem>>
    %dma_wait3A_756 = tpu.memref_squeeze %dma_wait3A_755 : memref<1x!tpu.dma_semaphore, #tpu.memory_space<semaphore_mem>> -> memref<!tpu.dma_semaphore, #tpu.memory_space<semaphore_mem>>
    tpu.wait_indirect_dma semaphore(%dma_wait3A_756 : memref<!tpu.dma_semaphore, #tpu.memory_space<semaphore_mem>>) src(%dma_wait3A_754 : memref<10000x16xf32, #tpu.memory_space<hbm>>) dst(%dma_wait3A_748 : memref<40x16xf32, #tpu.memory_space<vmem>>)
    %scan3A_757 = arith.constant 0 : i32
    %scan3A_758 = arith.constant 0 : i32
    %scan3A_759 = arith.constant 40 : i32
    %scan3A_760 = arith.addi %scan3A_758, %scan3A_759 : i32
    %scan3A_761 = arith.constant 1 : i32
    %scan3A_762 = scf.for %scan3A_1019 = %scan3A_758 to %scan3A_760 step %scan3A_761 iter_args(%scan3A_1020 = %scan3A_757) -> (i32)  : i32 {
      %get3A_1021 = arith.constant 1 : i32
      %get3A_1022 = arith.index_cast %get3A_1021 : i32 to index
      %get3A_1023 = arith.index_cast %scan3A_1019 : i32 to index
      %get3A_1024 = arith.constant 64 : index
      %get3A_1025 = tpu.vector_load %arg12[%get3A_1022, %get3A_1023, %get3A_1024] {strides = array<i32>} : memref<2x40x80xi32, #tpu.memory_space<vmem>>, vector<16xi32>,
      %bitcast3A = vector.bitcast %get3A_1025 : vector<16xi32> to vector<16xf32>
      %get3A_1026 = arith.constant 1 : i32
      %get3A_1027 = arith.index_cast %get3A_1026 : i32 to index
      %get3A_1028 = arith.index_cast %scan3A_1019 : i32 to index
      %get3A_1029 = arith.constant 0 : index
      %get3A_1030 = tpu.vector_load %arg13[%get3A_1027, %get3A_1028, %get3A_1029] {strides = array<i32>} : memref<2x40x16xf32, #tpu.memory_space<vmem>>, vector<16xf32>,
      %sub3A = arith.subf %bitcast3A, %get3A_1030 : vector<16xf32>
      %abs3A = math.absf %sub3A : vector<16xf32>
      %mul3A_1031 = arith.mulf %abs3A, %get3A_3 : vector<16xf32>
      %exp3A = math.exp %mul3A_1031 : vector<16xf32>
      %broadcast_in_dim3A_1032 = vector.shape_cast %broadcast_in_dim3A_4 : vector<16xi32> to vector<16x1xi32>
      %gather3A = vector.shape_cast %broadcast_in_dim3A_1032 : vector<16x1xi32> to vector<16xi32>
      %gather3A_1033 = tpu.dynamic_gather %exp3A[%gather3A] in [0] : vector<16xf32>, vector<16xi32> -> vector<16xf32>
      %add3A_1034 = arith.addf %bitcast3A, %get3A_1030 : vector<16xf32>
      %mul3A_1035 = arith.mulf %add3A_1034, %gather3A_1033 : vector<16xf32>
      %mul3A_1036 = arith.constant 2.000000e-01 : f32
      %mul3A_1037 = vector.broadcast %mul3A_1036 : f32 to vector<16xf32>
      %mul3A_1038 = arith.mulf %mul3A_1037, %mul3A_1035 : vector<16xf32>
      %max3A = arith.maximumf %mul3A_1035, %mul3A_1038 : vector<16xf32>
      %exp3A_1039 = math.exp %max3A : vector<16xf32>
      %swap3A = arith.constant 1 : i32
      %swap3A_1040 = arith.index_cast %swap3A : i32 to index
      %swap3A_1041 = arith.index_cast %scan3A_1019 : i32 to index
      %swap3A_1042 = arith.constant 128 : index
      %swap3A_1043 = tpu.vector_load %arg14[%swap3A_1040, %swap3A_1041, %swap3A_1042] {strides = array<i32>} : memref<2x40x144xf32, #tpu.memory_space<vmem>>, vector<16xf32>,
      tpu.vector_store %arg14[%swap3A_1040, %swap3A_1041, %swap3A_1042], %exp3A_1039 {strides = array<i32>} : memref<2x40x144xf32, #tpu.memory_space<vmem>>, vector<16xf32>,
      %broadcast_in_dim3A_1044 = vector.shape_cast %select_n3A_19 : vector<16xi32> to vector<16x1xi32>
      %gather3A_1045 = vector.shape_cast %broadcast_in_dim3A_1044 : vector<16x1xi32> to vector<16xi32>
      %gather3A_1046 = tpu.dynamic_gather %exp3A_1039[%gather3A_1045] in [0] : vector<16xf32>, vector<16xi32> -> vector<16xf32>
      %get3A_1047 = arith.constant 1 : i32
      %get3A_1048 = arith.index_cast %get3A_1047 : i32 to index
      %get3A_1049 = arith.index_cast %scan3A_1019 : i32 to index
      %get3A_1050 = arith.constant 0 : index
      %get3A_1051 = tpu.vector_load %arg12[%get3A_1048, %get3A_1049, %get3A_1050] {strides = array<i32>} : memref<2x40x80xi32, #tpu.memory_space<vmem>>, vector<16xi32>,
      %bitcast3A_1052 = vector.bitcast %get3A_1051 : vector<16xi32> to vector<32xbf16>
      %unpack3A = tpu.unpack_subelements %bitcast3A_1052, 0 {pack_format = #tpu.pack_format<interleaved>} : vector<32xbf16> -> vector<16xf32>
      %unpack3A_1053 = tpu.unpack_subelements %bitcast3A_1052, 1 {pack_format = #tpu.pack_format<interleaved>} : vector<32xbf16> -> vector<16xf32>
      %mul3A_1054 = arith.mulf %unpack3A, %gather3A_1046 : vector<16xf32>
      %swap3A_1055 = arith.constant 1 : i32
      %swap3A_1056 = arith.index_cast %swap3A_1055 : i32 to index
      %swap3A_1057 = arith.index_cast %scan3A_1019 : i32 to index
      %swap3A_1058 = arith.constant 0 : index
      %swap3A_1059 = tpu.vector_load %arg14[%swap3A_1056, %swap3A_1057, %swap3A_1058] {strides = array<i32>} : memref<2x40x144xf32, #tpu.memory_space<vmem>>, vector<16xf32>,
      tpu.vector_store %arg14[%swap3A_1056, %swap3A_1057, %swap3A_1058], %mul3A_1054 {strides = array<i32>} : memref<2x40x144xf32, #tpu.memory_space<vmem>>, vector<16xf32>,
      %mul3A_1060 = arith.mulf %unpack3A_1053, %gather3A_1046 : vector<16xf32>
      %swap3A_1061 = arith.constant 1 : i32
      %swap3A_1062 = arith.index_cast %swap3A_1061 : i32 to index
      %swap3A_1063 = arith.index_cast %scan3A_1019 : i32 to index
      %swap3A_1064 = arith.constant 16 : index
      %swap3A_1065 = tpu.vector_load %arg14[%swap3A_1062, %swap3A_1063, %swap3A_1064] {strides = array<i32>} : memref<2x40x144xf32, #tpu.memory_space<vmem>>, vector<16xf32>,
      tpu.vector_store %arg14[%swap3A_1062, %swap3A_1063, %swap3A_1064], %mul3A_1060 {strides = array<i32>} : memref<2x40x144xf32, #tpu.memory_space<vmem>>, vector<16xf32>,
      %get3A_1066 = arith.constant 1 : i32
      %get3A_1067 = arith.index_cast %get3A_1066 : i32 to index
      %get3A_1068 = arith.index_cast %scan3A_1019 : i32 to index
      %get3A_1069 = arith.constant 16 : index
      %get3A_1070 = tpu.vector_load %arg12[%get3A_1067, %get3A_1068, %get3A_1069] {strides = array<i32>} : memref<2x40x80xi32, #tpu.memory_space<vmem>>, vector<16xi32>,
      %bitcast3A_1071 = vector.bitcast %get3A_1070 : vector<16xi32> to vector<32xbf16>
      %unpack3A_1072 = tpu.unpack_subelements %bitcast3A_1071, 0 {pack_format = #tpu.pack_format<interleaved>} : vector<32xbf16> -> vector<16xf32>
      %unpack3A_1073 = tpu.unpack_subelements %bitcast3A_1071, 1 {pack_format = #tpu.pack_format<interleaved>} : vector<32xbf16> -> vector<16xf32>
      %mul3A_1074 = arith.mulf %unpack3A_1072, %gather3A_1046 : vector<16xf32>
      %swap3A_1075 = arith.constant 1 : i32
      %swap3A_1076 = arith.index_cast %swap3A_1075 : i32 to index
      %swap3A_1077 = arith.index_cast %scan3A_1019 : i32 to index
      %swap3A_1078 = arith.constant 32 : index
      %swap3A_1079 = tpu.vector_load %arg14[%swap3A_1076, %swap3A_1077, %swap3A_1078] {strides = array<i32>} : memref<2x40x144xf32, #tpu.memory_space<vmem>>, vector<16xf32>,
      tpu.vector_store %arg14[%swap3A_1076, %swap3A_1077, %swap3A_1078], %mul3A_1074 {strides = array<i32>} : memref<2x40x144xf32, #tpu.memory_space<vmem>>, vector<16xf32>,
      %mul3A_1080 = arith.mulf %unpack3A_1073, %gather3A_1046 : vector<16xf32>
      %swap3A_1081 = arith.constant 1 : i32
      %swap3A_1082 = arith.index_cast %swap3A_1081 : i32 to index
      %swap3A_1083 = arith.index_cast %scan3A_1019 : i32 to index
      %swap3A_1084 = arith.constant 48 : index
      %swap3A_1085 = tpu.vector_load %arg14[%swap3A_1082, %swap3A_1083, %swap3A_1084] {strides = array<i32>} : memref<2x40x144xf32, #tpu.memory_space<vmem>>, vector<16xf32>,
      tpu.vector_store %arg14[%swap3A_1082, %swap3A_1083, %swap3A_1084], %mul3A_1080 {strides = array<i32>} : memref<2x40x144xf32, #tpu.memory_space<vmem>>, vector<16xf32>,
      %get3A_1086 = arith.constant 1 : i32
      %get3A_1087 = arith.index_cast %get3A_1086 : i32 to index
      %get3A_1088 = arith.index_cast %scan3A_1019 : i32 to index
      %get3A_1089 = arith.constant 32 : index
      %get3A_1090 = tpu.vector_load %arg12[%get3A_1087, %get3A_1088, %get3A_1089] {strides = array<i32>} : memref<2x40x80xi32, #tpu.memory_space<vmem>>, vector<16xi32>,
      %bitcast3A_1091 = vector.bitcast %get3A_1090 : vector<16xi32> to vector<32xbf16>
      %unpack3A_1092 = tpu.unpack_subelements %bitcast3A_1091, 0 {pack_format = #tpu.pack_format<interleaved>} : vector<32xbf16> -> vector<16xf32>
      %unpack3A_1093 = tpu.unpack_subelements %bitcast3A_1091, 1 {pack_format = #tpu.pack_format<interleaved>} : vector<32xbf16> -> vector<16xf32>
      %mul3A_1094 = arith.mulf %unpack3A_1092, %gather3A_1046 : vector<16xf32>
      %swap3A_1095 = arith.constant 1 : i32
      %swap3A_1096 = arith.index_cast %swap3A_1095 : i32 to index
      %swap3A_1097 = arith.index_cast %scan3A_1019 : i32 to index
      %swap3A_1098 = arith.constant 64 : index
      %swap3A_1099 = tpu.vector_load %arg14[%swap3A_1096, %swap3A_1097, %swap3A_1098] {strides = array<i32>} : memref<2x40x144xf32, #tpu.memory_space<vmem>>, vector<16xf32>,
      tpu.vector_store %arg14[%swap3A_1096, %swap3A_1097, %swap3A_1098], %mul3A_1094 {strides = array<i32>} : memref<2x40x144xf32, #tpu.memory_space<vmem>>, vector<16xf32>,
      %mul3A_1100 = arith.mulf %unpack3A_1093, %gather3A_1046 : vector<16xf32>
      %swap3A_1101 = arith.constant 1 : i32
      %swap3A_1102 = arith.index_cast %swap3A_1101 : i32 to index
      %swap3A_1103 = arith.index_cast %scan3A_1019 : i32 to index
      %swap3A_1104 = arith.constant 80 : index
      %swap3A_1105 = tpu.vector_load %arg14[%swap3A_1102, %swap3A_1103, %swap3A_1104] {strides = array<i32>} : memref<2x40x144xf32, #tpu.memory_space<vmem>>, vector<16xf32>,
      tpu.vector_store %arg14[%swap3A_1102, %swap3A_1103, %swap3A_1104], %mul3A_1100 {strides = array<i32>} : memref<2x40x144xf32, #tpu.memory_space<vmem>>, vector<16xf32>,
      %get3A_1106 = arith.constant 1 : i32
      %get3A_1107 = arith.index_cast %get3A_1106 : i32 to index
      %get3A_1108 = arith.index_cast %scan3A_1019 : i32 to index
      %get3A_1109 = arith.constant 48 : index
      %get3A_1110 = tpu.vector_load %arg12[%get3A_1107, %get3A_1108, %get3A_1109] {strides = array<i32>} : memref<2x40x80xi32, #tpu.memory_space<vmem>>, vector<16xi32>,
      %bitcast3A_1111 = vector.bitcast %get3A_1110 : vector<16xi32> to vector<32xbf16>
      %unpack3A_1112 = tpu.unpack_subelements %bitcast3A_1111, 0 {pack_format = #tpu.pack_format<interleaved>} : vector<32xbf16> -> vector<16xf32>
      %unpack3A_1113 = tpu.unpack_subelements %bitcast3A_1111, 1 {pack_format = #tpu.pack_format<interleaved>} : vector<32xbf16> -> vector<16xf32>
      %mul3A_1114 = arith.mulf %unpack3A_1112, %gather3A_1046 : vector<16xf32>
      %swap3A_1115 = arith.constant 1 : i32
      %swap3A_1116 = arith.index_cast %swap3A_1115 : i32 to index
      %swap3A_1117 = arith.index_cast %scan3A_1019 : i32 to index
      %swap3A_1118 = arith.constant 96 : index
      %swap3A_1119 = tpu.vector_load %arg14[%swap3A_1116, %swap3A_1117, %swap3A_1118] {strides = array<i32>} : memref<2x40x144xf32, #tpu.memory_space<vmem>>, vector<16xf32>,
      tpu.vector_store %arg14[%swap3A_1116, %swap3A_1117, %swap3A_1118], %mul3A_1114 {strides = array<i32>} : memref<2x40x144xf32, #tpu.memory_space<vmem>>, vector<16xf32>,
      %mul3A_1120 = arith.mulf %unpack3A_1113, %gather3A_1046 : vector<16xf32>
      %swap3A_1121 = arith.constant 1 : i32
      %swap3A_1122 = arith.index_cast %swap3A_1121 : i32 to index
      %swap3A_1123 = arith.index_cast %scan3A_1019 : i32 to index
      %swap3A_1124 = arith.constant 112 : index
      %swap3A_1125 = tpu.vector_load %arg14[%swap3A_1122, %swap3A_1123, %swap3A_1124] {strides = array<i32>} : memref<2x40x144xf32, #tpu.memory_space<vmem>>, vector<16xf32>,
      tpu.vector_store %arg14[%swap3A_1122, %swap3A_1123, %swap3A_1124], %mul3A_1120 {strides = array<i32>} : memref<2x40x144xf32, #tpu.memory_space<vmem>>, vector<16xf32>,
      %scan3A_1126 = arith.constant 0 : i32
      scf.yield %scan3A_1126 : i32
    }
    %scan3A_763 = arith.constant 40 : i32
    %dma_start3A_764 = arith.constant 1 : i32
    %dma_start3A_765 = arith.constant 3 : i32
    %dma_start3A_766 = arith.constant 1 : i32
    %dma_start3A_767 = arith.constant 0 : i32
    %dma_start3A_768 = arith.constant 0 : i32
    %dma_start3A_769 = tpu.memref_slice %arg14[%dma_start3A_764, %dma_start3A_767, %dma_start3A_768] : memref<2x40x144xf32, #tpu.memory_space<vmem>> -> memref<1x40x144xf32, #tpu.memory_space<vmem>>
    %dma_start3A_770 = tpu.memref_squeeze %dma_start3A_769 : memref<1x40x144xf32, #tpu.memory_space<vmem>> -> memref<40x144xf32, #tpu.memory_space<vmem>>
    %dma_start3A_771 = arith.constant 0 : i32
    %dma_start3A_772 = tpu.memref_slice %arg11[%dma_start3A_765, %dma_start3A_771] : memref<4x40xi32, #tpu.memory_space<vmem>> -> memref<1x40xi32, #tpu.memory_space<vmem>>
    %dma_start3A_773 = tpu.memref_squeeze %dma_start3A_772 : memref<1x40xi32, #tpu.memory_space<vmem>> -> memref<40xi32, #tpu.memory_space<vmem>>
    %dma_start3A_774 = arith.constant 0 : i32
    %dma_start3A_775 = arith.constant 0 : i32
    %dma_start3A_776 = tpu.memref_slice %arg9[%dma_start3A_774, %dma_start3A_775] : memref<10000x144xf32, #tpu.memory_space<vmem_shared>> -> memref<10000x144xf32, #tpu.memory_space<vmem_shared>>
    %dma_start3A_777 = tpu.memref_slice %arg18[%dma_start3A_766] : memref<2x!tpu.dma_semaphore, #tpu.memory_space<semaphore_mem>> -> memref<1x!tpu.dma_semaphore, #tpu.memory_space<semaphore_mem>>
    %dma_start3A_778 = tpu.memref_squeeze %dma_start3A_777 : memref<1x!tpu.dma_semaphore, #tpu.memory_space<semaphore_mem>> -> memref<!tpu.dma_semaphore, #tpu.memory_space<semaphore_mem>>
    tpu.enqueue_indirect_dma source(%dma_start3A_770 : memref<40x144xf32, #tpu.memory_space<vmem>>) target(%dma_start3A_776 : memref<10000x144xf32, #tpu.memory_space<vmem_shared>>) offsets(%dma_start3A_773 : memref<40xi32, #tpu.memory_space<vmem>>) semaphore(%dma_start3A_778 : memref<!tpu.dma_semaphore, #tpu.memory_space<semaphore_mem>>) {add = true}
    %scan3A_779 = arith.constant 0 : i32
    %scan3A_780 = arith.constant 1 : i32
    %scan3A_781 = arith.constant 61 : i32
    %scan3A_782 = arith.addi %scan3A_780, %scan3A_781 : i32
    %scan3A_783 = arith.constant 1 : i32
    %scan3A_784 = scf.for %scan3A_1019 = %scan3A_780 to %scan3A_782 step %scan3A_783 iter_args(%scan3A_1020 = %scan3A_779) -> (i32)  : i32 {
      %mul3A_1021 = arith.constant 4 : i32
      %mul3A_1022 = arith.muli %mul3A_1021, %scan3A_1019 : i32
      %add3A_1023 = arith.constant 0 : i32
      %add3A_1024 = arith.addi %mul3A_1022, %add3A_1023 : i32
      %add3A_1025 = arith.constant 1 : i32
      %add3A_1026 = arith.addi %add3A_1024, %add3A_1025 : i32
      %dma_wait3A_1027 = arith.constant 1 : i32
      %dma_wait3A_1028 = arith.constant 1 : i32
      %dma_wait3A_1029 = arith.constant 0 : i32
      %dma_wait3A_1030 = tpu.memref_slice %arg10[%dma_wait3A_1027, %dma_wait3A_1029] : memref<4x40xi32, #tpu.memory_space<vmem>> -> memref<1x40xi32, #tpu.memory_space<vmem>>
      %dma_wait3A_1031 = tpu.memref_squeeze %dma_wait3A_1030 : memref<1x40xi32, #tpu.memory_space<vmem>> -> memref<40xi32, #tpu.memory_space<vmem>>
      %dma_wait3A_1032 = arith.constant 0 : i32
      %dma_wait3A_1033 = tpu.memref_slice %arg2[%add3A, %add3A_1026, %dma_wait3A_1032] : memref<32x250x40xi32, #tpu.memory_space<hbm>> -> memref<1x1x40xi32, #tpu.memory_space<hbm>>
      %dma_wait3A_1034 = tpu.memref_squeeze %dma_wait3A_1033 : memref<1x1x40xi32, #tpu.memory_space<hbm>> -> memref<40xi32, #tpu.memory_space<hbm>>
      %dma_wait3A_1035 = tpu.memref_slice %arg16[%dma_wait3A_1028] : memref<4x!tpu.dma_semaphore, #tpu.memory_space<semaphore_mem>> -> memref<1x!tpu.dma_semaphore, #tpu.memory_space<semaphore_mem>>
      %dma_wait3A_1036 = tpu.memref_squeeze %dma_wait3A_1035 : memref<1x!tpu.dma_semaphore, #tpu.memory_space<semaphore_mem>> -> memref<!tpu.dma_semaphore, #tpu.memory_space<semaphore_mem>>
      %dma_wait3A_1037 = arith.constant 0 : i32
      %dma_wait3A_1038 = tpu.memref_slice %arg10[%dma_wait3A_1027, %dma_wait3A_1037] : memref<4x40xi32, #tpu.memory_space<vmem>> -> memref<1x40xi32, #tpu.memory_space<vmem>>
      %dma_wait3A_1039 = tpu.memref_squeeze %dma_wait3A_1038 : memref<1x40xi32, #tpu.memory_space<vmem>> -> memref<40xi32, #tpu.memory_space<vmem>>
      %dma_wait3A_1040 = arith.constant 0 : i32
      %dma_wait3A_1041 = tpu.memref_slice %arg2[%add3A, %add3A_1026, %dma_wait3A_1040] : memref<32x250x40xi32, #tpu.memory_space<hbm>> -> memref<1x1x40xi32, #tpu.memory_space<hbm>>
      %dma_wait3A_1042 = tpu.memref_squeeze %dma_wait3A_1041 : memref<1x1x40xi32, #tpu.memory_space<hbm>> -> memref<40xi32, #tpu.memory_space<hbm>>
      tpu.wait_dma2 semaphore(%dma_wait3A_1036 : memref<!tpu.dma_semaphore, #tpu.memory_space<semaphore_mem>>) src(%dma_wait3A_1042 : memref<40xi32, #tpu.memory_space<hbm>>) dst(%dma_wait3A_1039 : memref<40xi32, #tpu.memory_space<vmem>>)
      %dma_wait3A_1043 = arith.constant 1 : i32
      %dma_wait3A_1044 = arith.constant 1 : i32
      %dma_wait3A_1045 = arith.constant 0 : i32
      %dma_wait3A_1046 = tpu.memref_slice %arg11[%dma_wait3A_1043, %dma_wait3A_1045] : memref<4x40xi32, #tpu.memory_space<vmem>> -> memref<1x40xi32, #tpu.memory_space<vmem>>
      %dma_wait3A_1047 = tpu.memref_squeeze %dma_wait3A_1046 : memref<1x40xi32, #tpu.memory_space<vmem>> -> memref<40xi32, #tpu.memory_space<vmem>>
      %dma_wait3A_1048 = arith.constant 0 : i32
      %dma_wait3A_1049 = tpu.memref_slice %arg3[%add3A, %add3A_1026, %dma_wait3A_1048] : memref<32x250x40xi32, #tpu.memory_space<hbm>> -> memref<1x1x40xi32, #tpu.memory_space<hbm>>
      %dma_wait3A_1050 = tpu.memref_squeeze %dma_wait3A_1049 : memref<1x1x40xi32, #tpu.memory_space<hbm>> -> memref<40xi32, #tpu.memory_space<hbm>>
      %dma_wait3A_1051 = tpu.memref_slice %arg16[%dma_wait3A_1044] : memref<4x!tpu.dma_semaphore, #tpu.memory_space<semaphore_mem>> -> memref<1x!tpu.dma_semaphore, #tpu.memory_space<semaphore_mem>>
      %dma_wait3A_1052 = tpu.memref_squeeze %dma_wait3A_1051 : memref<1x!tpu.dma_semaphore, #tpu.memory_space<semaphore_mem>> -> memref<!tpu.dma_semaphore, #tpu.memory_space<semaphore_mem>>
      %dma_wait3A_1053 = arith.constant 0 : i32
      %dma_wait3A_1054 = tpu.memref_slice %arg11[%dma_wait3A_1043, %dma_wait3A_1053] : memref<4x40xi32, #tpu.memory_space<vmem>> -> memref<1x40xi32, #tpu.memory_space<vmem>>
      %dma_wait3A_1055 = tpu.memref_squeeze %dma_wait3A_1054 : memref<1x40xi32, #tpu.memory_space<vmem>> -> memref<40xi32, #tpu.memory_space<vmem>>
      %dma_wait3A_1056 = arith.constant 0 : i32
      %dma_wait3A_1057 = tpu.memref_slice %arg3[%add3A, %add3A_1026, %dma_wait3A_1056] : memref<32x250x40xi32, #tpu.memory_space<hbm>> -> memref<1x1x40xi32, #tpu.memory_space<hbm>>
      %dma_wait3A_1058 = tpu.memref_squeeze %dma_wait3A_1057 : memref<1x1x40xi32, #tpu.memory_space<hbm>> -> memref<40xi32, #tpu.memory_space<hbm>>
      tpu.wait_dma2 semaphore(%dma_wait3A_1052 : memref<!tpu.dma_semaphore, #tpu.memory_space<semaphore_mem>>) src(%dma_wait3A_1058 : memref<40xi32, #tpu.memory_space<hbm>>) dst(%dma_wait3A_1055 : memref<40xi32, #tpu.memory_space<vmem>>)
      %dma_start3A_1059 = arith.constant 1 : i32
      %dma_start3A_1060 = arith.constant 1 : i32
      %dma_start3A_1061 = arith.constant 1 : i32
      %dma_start3A_1062 = arith.constant 0 : i32
      %dma_start3A_1063 = arith.constant 0 : i32
      %dma_start3A_1064 = tpu.memref_slice %arg12[%dma_start3A_1060, %dma_start3A_1062, %dma_start3A_1063] : memref<2x40x80xi32, #tpu.memory_space<vmem>> -> memref<1x40x80xi32, #tpu.memory_space<vmem>>
      %dma_start3A_1065 = tpu.memref_squeeze %dma_start3A_1064 : memref<1x40x80xi32, #tpu.memory_space<vmem>> -> memref<40x80xi32, #tpu.memory_space<vmem>>
      %dma_start3A_1066 = arith.constant 0 : i32
      %dma_start3A_1067 = tpu.memref_slice %arg10[%dma_start3A_1059, %dma_start3A_1066] : memref<4x40xi32, #tpu.memory_space<vmem>> -> memref<1x40xi32, #tpu.memory_space<vmem>>
      %dma_start3A_1068 = tpu.memref_squeeze %dma_start3A_1067 : memref<1x40xi32, #tpu.memory_space<vmem>> -> memref<40xi32, #tpu.memory_space<vmem>>
      %dma_start3A_1069 = arith.constant 0 : i32
      %dma_start3A_1070 = arith.constant 0 : i32
      %dma_start3A_1071 = tpu.memref_slice %arg4[%dma_start3A_1069, %dma_start3A_1070] : memref<10000x80xi32, #tpu.memory_space<hbm>> -> memref<10000x80xi32, #tpu.memory_space<hbm>>
      %dma_start3A_1072 = tpu.memref_slice %arg17[%dma_start3A_1061] : memref<2x!tpu.dma_semaphore, #tpu.memory_space<semaphore_mem>> -> memref<1x!tpu.dma_semaphore, #tpu.memory_space<semaphore_mem>>
      %dma_start3A_1073 = tpu.memref_squeeze %dma_start3A_1072 : memref<1x!tpu.dma_semaphore, #tpu.memory_space<semaphore_mem>> -> memref<!tpu.dma_semaphore, #tpu.memory_space<semaphore_mem>>
      tpu.enqueue_indirect_dma source(%dma_start3A_1071 : memref<10000x80xi32, #tpu.memory_space<hbm>>) target(%dma_start3A_1065 : memref<40x80xi32, #tpu.memory_space<vmem>>) offsets(%dma_start3A_1068 : memref<40xi32, #tpu.memory_space<vmem>>) semaphore(%dma_start3A_1073 : memref<!tpu.dma_semaphore, #tpu.memory_space<semaphore_mem>>)
      %dma_start3A_1074 = arith.constant 1 : i32
      %dma_start3A_1075 = arith.constant 1 : i32
      %dma_start3A_1076 = arith.constant 1 : i32
      %dma_start3A_1077 = arith.constant 0 : i32
      %dma_start3A_1078 = arith.constant 0 : i32
      %dma_start3A_1079 = tpu.memref_slice %arg13[%dma_start3A_1075, %dma_start3A_1077, %dma_start3A_1078] : memref<2x40x16xf32, #tpu.memory_space<vmem>> -> memref<1x40x16xf32, #tpu.memory_space<vmem>>
      %dma_start3A_1080 = tpu.memref_squeeze %dma_start3A_1079 : memref<1x40x16xf32, #tpu.memory_space<vmem>> -> memref<40x16xf32, #tpu.memory_space<vmem>>
      %dma_start3A_1081 = arith.constant 0 : i32
      %dma_start3A_1082 = tpu.memref_slice %arg11[%dma_start3A_1074, %dma_start3A_1081] : memref<4x40xi32, #tpu.memory_space<vmem>> -> memref<1x40xi32, #tpu.memory_space<vmem>>
      %dma_start3A_1083 = tpu.memref_squeeze %dma_start3A_1082 : memref<1x40xi32, #tpu.memory_space<vmem>> -> memref<40xi32, #tpu.memory_space<vmem>>
      %dma_start3A_1084 = arith.constant 0 : i32
      %dma_start3A_1085 = arith.constant 0 : i32
      %dma_start3A_1086 = tpu.memref_slice %arg5[%dma_start3A_1084, %dma_start3A_1085] : memref<10000x16xf32, #tpu.memory_space<hbm>> -> memref<10000x16xf32, #tpu.memory_space<hbm>>
      %dma_start3A_1087 = tpu.memref_slice %arg17[%dma_start3A_1076] : memref<2x!tpu.dma_semaphore, #tpu.memory_space<semaphore_mem>> -> memref<1x!tpu.dma_semaphore, #tpu.memory_space<semaphore_mem>>
      %dma_start3A_1088 = tpu.memref_squeeze %dma_start3A_1087 : memref<1x!tpu.dma_semaphore, #tpu.memory_space<semaphore_mem>> -> memref<!tpu.dma_semaphore, #tpu.memory_space<semaphore_mem>>
      tpu.enqueue_indirect_dma source(%dma_start3A_1086 : memref<10000x16xf32, #tpu.memory_space<hbm>>) target(%dma_start3A_1080 : memref<40x16xf32, #tpu.memory_space<vmem>>) offsets(%dma_start3A_1083 : memref<40xi32, #tpu.memory_space<vmem>>) semaphore(%dma_start3A_1088 : memref<!tpu.dma_semaphore, #tpu.memory_space<semaphore_mem>>)
      %dma_wait3A_1089 = arith.constant 0 : i32
      %dma_wait3A_1090 = arith.constant 2 : i32
      %dma_wait3A_1091 = arith.constant 0 : i32
      %dma_wait3A_1092 = arith.constant 0 : i32
      %dma_wait3A_1093 = arith.constant 0 : i32
      %dma_wait3A_1094 = tpu.memref_slice %arg14[%dma_wait3A_1089, %dma_wait3A_1092, %dma_wait3A_1093] : memref<2x40x144xf32, #tpu.memory_space<vmem>> -> memref<1x40x144xf32, #tpu.memory_space<vmem>>
      %dma_wait3A_1095 = tpu.memref_squeeze %dma_wait3A_1094 : memref<1x40x144xf32, #tpu.memory_space<vmem>> -> memref<40x144xf32, #tpu.memory_space<vmem>>
      %dma_wait3A_1096 = arith.constant 0 : i32
      %dma_wait3A_1097 = tpu.memref_slice %arg11[%dma_wait3A_1090, %dma_wait3A_1096] : memref<4x40xi32, #tpu.memory_space<vmem>> -> memref<1x40xi32, #tpu.memory_space<vmem>>
      %dma_wait3A_1098 = tpu.memref_squeeze %dma_wait3A_1097 : memref<1x40xi32, #tpu.memory_space<vmem>> -> memref<40xi32, #tpu.memory_space<vmem>>
      %dma_wait3A_1099 = arith.constant 0 : i32
      %dma_wait3A_1100 = arith.constant 0 : i32
      %dma_wait3A_1101 = tpu.memref_slice %arg9[%dma_wait3A_1099, %dma_wait3A_1100] : memref<10000x144xf32, #tpu.memory_space<vmem_shared>> -> memref<10000x144xf32, #tpu.memory_space<vmem_shared>>
      %dma_wait3A_1102 = tpu.memref_slice %arg18[%dma_wait3A_1091] : memref<2x!tpu.dma_semaphore, #tpu.memory_space<semaphore_mem>> -> memref<1x!tpu.dma_semaphore, #tpu.memory_space<semaphore_mem>>
      %dma_wait3A_1103 = tpu.memref_squeeze %dma_wait3A_1102 : memref<1x!tpu.dma_semaphore, #tpu.memory_space<semaphore_mem>> -> memref<!tpu.dma_semaphore, #tpu.memory_space<semaphore_mem>>
      tpu.wait_indirect_dma semaphore(%dma_wait3A_1103 : memref<!tpu.dma_semaphore, #tpu.memory_space<semaphore_mem>>) src(%dma_wait3A_1095 : memref<40x144xf32, #tpu.memory_space<vmem>>) dst(%dma_wait3A_1101 : memref<10000x144xf32, #tpu.memory_space<vmem_shared>>)
      %add3A_1104 = arith.constant 2 : i32
      %add3A_1105 = arith.addi %add3A_1024, %add3A_1104 : i32
      %dma_start3A_1106 = arith.constant 2 : i32
      %dma_start3A_1107 = arith.constant 2 : i32
      %dma_start3A_1108 = arith.constant 0 : i32
      %dma_start3A_1109 = tpu.memref_slice %arg10[%dma_start3A_1106, %dma_start3A_1108] : memref<4x40xi32, #tpu.memory_space<vmem>> -> memref<1x40xi32, #tpu.memory_space<vmem>>
      %dma_start3A_1110 = tpu.memref_squeeze %dma_start3A_1109 : memref<1x40xi32, #tpu.memory_space<vmem>> -> memref<40xi32, #tpu.memory_space<vmem>>
      %dma_start3A_1111 = arith.constant 0 : i32
      %dma_start3A_1112 = tpu.memref_slice %arg2[%add3A, %add3A_1105, %dma_start3A_1111] : memref<32x250x40xi32, #tpu.memory_space<hbm>> -> memref<1x1x40xi32, #tpu.memory_space<hbm>>
      %dma_start3A_1113 = tpu.memref_squeeze %dma_start3A_1112 : memref<1x1x40xi32, #tpu.memory_space<hbm>> -> memref<40xi32, #tpu.memory_space<hbm>>
      %dma_start3A_1114 = tpu.memref_slice %arg16[%dma_start3A_1107] : memref<4x!tpu.dma_semaphore, #tpu.memory_space<semaphore_mem>> -> memref<1x!tpu.dma_semaphore, #tpu.memory_space<semaphore_mem>>
      %dma_start3A_1115 = tpu.memref_squeeze %dma_start3A_1114 : memref<1x!tpu.dma_semaphore, #tpu.memory_space<semaphore_mem>> -> memref<!tpu.dma_semaphore, #tpu.memory_space<semaphore_mem>>
      %dma_start3A_1116 = arith.constant 0 : i32
      %dma_start3A_1117 = tpu.memref_slice %arg10[%dma_start3A_1106, %dma_start3A_1116] : memref<4x40xi32, #tpu.memory_space<vmem>> -> memref<1x40xi32, #tpu.memory_space<vmem>>
      %dma_start3A_1118 = tpu.memref_squeeze %dma_start3A_1117 : memref<1x40xi32, #tpu.memory_space<vmem>> -> memref<40xi32, #tpu.memory_space<vmem>>
      %dma_start3A_1119 = arith.constant 0 : i32
      %dma_start3A_1120 = tpu.memref_slice %arg2[%add3A, %add3A_1105, %dma_start3A_1119] : memref<32x250x40xi32, #tpu.memory_space<hbm>> -> memref<1x1x40xi32, #tpu.memory_space<hbm>>
      %dma_start3A_1121 = tpu.memref_squeeze %dma_start3A_1120 : memref<1x1x40xi32, #tpu.memory_space<hbm>> -> memref<40xi32, #tpu.memory_space<hbm>>
      tpu.enqueue_dma source(%dma_start3A_1121 : memref<40xi32, #tpu.memory_space<hbm>>) target(%dma_start3A_1118 : memref<40xi32, #tpu.memory_space<vmem>>) target_semaphore(%dma_start3A_1115 : memref<!tpu.dma_semaphore, #tpu.memory_space<semaphore_mem>>)
      %dma_start3A_1122 = arith.constant 2 : i32
      %dma_start3A_1123 = arith.constant 2 : i32
      %dma_start3A_1124 = arith.constant 0 : i32
      %dma_start3A_1125 = tpu.memref_slice %arg11[%dma_start3A_1122, %dma_start3A_1124] : memref<4x40xi32, #tpu.memory_space<vmem>> -> memref<1x40xi32, #tpu.memory_space<vmem>>
      %dma_start3A_1126 = tpu.memref_squeeze %dma_start3A_1125 : memref<1x40xi32, #tpu.memory_space<vmem>> -> memref<40xi32, #tpu.memory_space<vmem>>
      %dma_start3A_1127 = arith.constant 0 : i32
      %dma_start3A_1128 = tpu.memref_slice %arg3[%add3A, %add3A_1105, %dma_start3A_1127] : memref<32x250x40xi32, #tpu.memory_space<hbm>> -> memref<1x1x40xi32, #tpu.memory_space<hbm>>
      %dma_start3A_1129 = tpu.memref_squeeze %dma_start3A_1128 : memref<1x1x40xi32, #tpu.memory_space<hbm>> -> memref<40xi32, #tpu.memory_space<hbm>>
      %dma_start3A_1130 = tpu.memref_slice %arg16[%dma_start3A_1123] : memref<4x!tpu.dma_semaphore, #tpu.memory_space<semaphore_mem>> -> memref<1x!tpu.dma_semaphore, #tpu.memory_space<semaphore_mem>>
      %dma_start3A_1131 = tpu.memref_squeeze %dma_start3A_1130 : memref<1x!tpu.dma_semaphore, #tpu.memory_space<semaphore_mem>> -> memref<!tpu.dma_semaphore, #tpu.memory_space<semaphore_mem>>
      %dma_start3A_1132 = arith.constant 0 : i32
      %dma_start3A_1133 = tpu.memref_slice %arg11[%dma_start3A_1122, %dma_start3A_1132] : memref<4x40xi32, #tpu.memory_space<vmem>> -> memref<1x40xi32, #tpu.memory_space<vmem>>
      %dma_start3A_1134 = tpu.memref_squeeze %dma_start3A_1133 : memref<1x40xi32, #tpu.memory_space<vmem>> -> memref<40xi32, #tpu.memory_space<vmem>>
      %dma_start3A_1135 = arith.constant 0 : i32
      %dma_start3A_1136 = tpu.memref_slice %arg3[%add3A, %add3A_1105, %dma_start3A_1135] : memref<32x250x40xi32, #tpu.memory_space<hbm>> -> memref<1x1x40xi32, #tpu.memory_space<hbm>>
      %dma_start3A_1137 = tpu.memref_squeeze %dma_start3A_1136 : memref<1x1x40xi32, #tpu.memory_space<hbm>> -> memref<40xi32, #tpu.memory_space<hbm>>
      tpu.enqueue_dma source(%dma_start3A_1137 : memref<40xi32, #tpu.memory_space<hbm>>) target(%dma_start3A_1134 : memref<40xi32, #tpu.memory_space<vmem>>) target_semaphore(%dma_start3A_1131 : memref<!tpu.dma_semaphore, #tpu.memory_space<semaphore_mem>>)
      %dma_wait3A_1138 = arith.constant 0 : i32
      %dma_wait3A_1139 = arith.constant 0 : i32
      %dma_wait3A_1140 = arith.constant 0 : i32
      %dma_wait3A_1141 = arith.constant 0 : i32
      %dma_wait3A_1142 = arith.constant 0 : i32
      %dma_wait3A_1143 = tpu.memref_slice %arg12[%dma_wait3A_1139, %dma_wait3A_1141, %dma_wait3A_1142] : memref<2x40x80xi32, #tpu.memory_space<vmem>> -> memref<1x40x80xi32, #tpu.memory_space<vmem>>
      %dma_wait3A_1144 = tpu.memref_squeeze %dma_wait3A_1143 : memref<1x40x80xi32, #tpu.memory_space<vmem>> -> memref<40x80xi32, #tpu.memory_space<vmem>>
      %dma_wait3A_1145 = arith.constant 0 : i32
      %dma_wait3A_1146 = tpu.memref_slice %arg10[%dma_wait3A_1138, %dma_wait3A_1145] : memref<4x40xi32, #tpu.memory_space<vmem>> -> memref<1x40xi32, #tpu.memory_space<vmem>>
      %dma_wait3A_1147 = tpu.memref_squeeze %dma_wait3A_1146 : memref<1x40xi32, #tpu.memory_space<vmem>> -> memref<40xi32, #tpu.memory_space<vmem>>
      %dma_wait3A_1148 = arith.constant 0 : i32
      %dma_wait3A_1149 = arith.constant 0 : i32
      %dma_wait3A_1150 = tpu.memref_slice %arg4[%dma_wait3A_1148, %dma_wait3A_1149] : memref<10000x80xi32, #tpu.memory_space<hbm>> -> memref<10000x80xi32, #tpu.memory_space<hbm>>
      %dma_wait3A_1151 = tpu.memref_slice %arg17[%dma_wait3A_1140] : memref<2x!tpu.dma_semaphore, #tpu.memory_space<semaphore_mem>> -> memref<1x!tpu.dma_semaphore, #tpu.memory_space<semaphore_mem>>
      %dma_wait3A_1152 = tpu.memref_squeeze %dma_wait3A_1151 : memref<1x!tpu.dma_semaphore, #tpu.memory_space<semaphore_mem>> -> memref<!tpu.dma_semaphore, #tpu.memory_space<semaphore_mem>>
      tpu.wait_indirect_dma semaphore(%dma_wait3A_1152 : memref<!tpu.dma_semaphore, #tpu.memory_space<semaphore_mem>>) src(%dma_wait3A_1150 : memref<10000x80xi32, #tpu.memory_space<hbm>>) dst(%dma_wait3A_1144 : memref<40x80xi32, #tpu.memory_space<vmem>>)
      %dma_wait3A_1153 = arith.constant 0 : i32
      %dma_wait3A_1154 = arith.constant 0 : i32
      %dma_wait3A_1155 = arith.constant 0 : i32
      %dma_wait3A_1156 = arith.constant 0 : i32
      %dma_wait3A_1157 = arith.constant 0 : i32
      %dma_wait3A_1158 = tpu.memref_slice %arg13[%dma_wait3A_1154, %dma_wait3A_1156, %dma_wait3A_1157] : memref<2x40x16xf32, #tpu.memory_space<vmem>> -> memref<1x40x16xf32, #tpu.memory_space<vmem>>
      %dma_wait3A_1159 = tpu.memref_squeeze %dma_wait3A_1158 : memref<1x40x16xf32, #tpu.memory_space<vmem>> -> memref<40x16xf32, #tpu.memory_space<vmem>>
      %dma_wait3A_1160 = arith.constant 0 : i32
      %dma_wait3A_1161 = tpu.memref_slice %arg11[%dma_wait3A_1153, %dma_wait3A_1160] : memref<4x40xi32, #tpu.memory_space<vmem>> -> memref<1x40xi32, #tpu.memory_space<vmem>>
      %dma_wait3A_1162 = tpu.memref_squeeze %dma_wait3A_1161 : memref<1x40xi32, #tpu.memory_space<vmem>> -> memref<40xi32, #tpu.memory_space<vmem>>
      %dma_wait3A_1163 = arith.constant 0 : i32
      %dma_wait3A_1164 = arith.constant 0 : i32
      %dma_wait3A_1165 = tpu.memref_slice %arg5[%dma_wait3A_1163, %dma_wait3A_1164] : memref<10000x16xf32, #tpu.memory_space<hbm>> -> memref<10000x16xf32, #tpu.memory_space<hbm>>
      %dma_wait3A_1166 = tpu.memref_slice %arg17[%dma_wait3A_1155] : memref<2x!tpu.dma_semaphore, #tpu.memory_space<semaphore_mem>> -> memref<1x!tpu.dma_semaphore, #tpu.memory_space<semaphore_mem>>
      %dma_wait3A_1167 = tpu.memref_squeeze %dma_wait3A_1166 : memref<1x!tpu.dma_semaphore, #tpu.memory_space<semaphore_mem>> -> memref<!tpu.dma_semaphore, #tpu.memory_space<semaphore_mem>>
      tpu.wait_indirect_dma semaphore(%dma_wait3A_1167 : memref<!tpu.dma_semaphore, #tpu.memory_space<semaphore_mem>>) src(%dma_wait3A_1165 : memref<10000x16xf32, #tpu.memory_space<hbm>>) dst(%dma_wait3A_1159 : memref<40x16xf32, #tpu.memory_space<vmem>>)
      %scan3A_1168 = arith.constant 0 : i32
      %scan3A_1169 = arith.constant 0 : i32
      %scan3A_1170 = arith.constant 40 : i32
      %scan3A_1171 = arith.addi %scan3A_1169, %scan3A_1170 : i32
      %scan3A_1172 = arith.constant 1 : i32
      %scan3A_1173 = scf.for %scan3A_1698 = %scan3A_1169 to %scan3A_1171 step %scan3A_1172 iter_args(%scan3A_1699 = %scan3A_1168) -> (i32)  : i32 {
        %get3A_1700 = arith.constant 0 : i32
        %get3A_1701 = arith.index_cast %get3A_1700 : i32 to index
        %get3A_1702 = arith.index_cast %scan3A_1698 : i32 to index
        %get3A_1703 = arith.constant 64 : index
        %get3A_1704 = tpu.vector_load %arg12[%get3A_1701, %get3A_1702, %get3A_1703] {strides = array<i32>} : memref<2x40x80xi32, #tpu.memory_space<vmem>>, vector<16xi32>,
        %bitcast3A = vector.bitcast %get3A_1704 : vector<16xi32> to vector<16xf32>
        %get3A_1705 = arith.constant 0 : i32
        %get3A_1706 = arith.index_cast %get3A_1705 : i32 to index
        %get3A_1707 = arith.index_cast %scan3A_1698 : i32 to index
        %get3A_1708 = arith.constant 0 : index
        %get3A_1709 = tpu.vector_load %arg13[%get3A_1706, %get3A_1707, %get3A_1708] {strides = array<i32>} : memref<2x40x16xf32, #tpu.memory_space<vmem>>, vector<16xf32>,
        %sub3A = arith.subf %bitcast3A, %get3A_1709 : vector<16xf32>
        %abs3A = math.absf %sub3A : vector<16xf32>
        %mul3A_1710 = arith.mulf %abs3A, %get3A_3 : vector<16xf32>
        %exp3A = math.exp %mul3A_1710 : vector<16xf32>
        %broadcast_in_dim3A_1711 = vector.shape_cast %broadcast_in_dim3A_4 : vector<16xi32> to vector<16x1xi32>
        %gather3A = vector.shape_cast %broadcast_in_dim3A_1711 : vector<16x1xi32> to vector<16xi32>
        %gather3A_1712 = tpu.dynamic_gather %exp3A[%gather3A] in [0] : vector<16xf32>, vector<16xi32> -> vector<16xf32>
        %add3A_1713 = arith.addf %bitcast3A, %get3A_1709 : vector<16xf32>
        %mul3A_1714 = arith.mulf %add3A_1713, %gather3A_1712 : vector<16xf32>
        %mul3A_1715 = arith.constant 2.000000e-01 : f32
        %mul3A_1716 = vector.broadcast %mul3A_1715 : f32 to vector<16xf32>
        %mul3A_1717 = arith.mulf %mul3A_1716, %mul3A_1714 : vector<16xf32>
        %max3A = arith.maximumf %mul3A_1714, %mul3A_1717 : vector<16xf32>
        %exp3A_1718 = math.exp %max3A : vector<16xf32>
        %swap3A = arith.constant 0 : i32
        %swap3A_1719 = arith.index_cast %swap3A : i32 to index
        %swap3A_1720 = arith.index_cast %scan3A_1698 : i32 to index
        %swap3A_1721 = arith.constant 128 : index
        %swap3A_1722 = tpu.vector_load %arg14[%swap3A_1719, %swap3A_1720, %swap3A_1721] {strides = array<i32>} : memref<2x40x144xf32, #tpu.memory_space<vmem>>, vector<16xf32>,
        tpu.vector_store %arg14[%swap3A_1719, %swap3A_1720, %swap3A_1721], %exp3A_1718 {strides = array<i32>} : memref<2x40x144xf32, #tpu.memory_space<vmem>>, vector<16xf32>,
        %broadcast_in_dim3A_1723 = vector.shape_cast %select_n3A_19 : vector<16xi32> to vector<16x1xi32>
        %gather3A_1724 = vector.shape_cast %broadcast_in_dim3A_1723 : vector<16x1xi32> to vector<16xi32>
        %gather3A_1725 = tpu.dynamic_gather %exp3A_1718[%gather3A_1724] in [0] : vector<16xf32>, vector<16xi32> -> vector<16xf32>
        %get3A_1726 = arith.constant 0 : i32
        %get3A_1727 = arith.index_cast %get3A_1726 : i32 to index
        %get3A_1728 = arith.index_cast %scan3A_1698 : i32 to index
        %get3A_1729 = arith.constant 0 : index
        %get3A_1730 = tpu.vector_load %arg12[%get3A_1727, %get3A_1728, %get3A_1729] {strides = array<i32>} : memref<2x40x80xi32, #tpu.memory_space<vmem>>, vector<16xi32>,
        %bitcast3A_1731 = vector.bitcast %get3A_1730 : vector<16xi32> to vector<32xbf16>
        %unpack3A = tpu.unpack_subelements %bitcast3A_1731, 0 {pack_format = #tpu.pack_format<interleaved>} : vector<32xbf16> -> vector<16xf32>
        %unpack3A_1732 = tpu.unpack_subelements %bitcast3A_1731, 1 {pack_format = #tpu.pack_format<interleaved>} : vector<32xbf16> -> vector<16xf32>
        %mul3A_1733 = arith.mulf %unpack3A, %gather3A_1725 : vector<16xf32>
        %swap3A_1734 = arith.constant 0 : i32
        %swap3A_1735 = arith.index_cast %swap3A_1734 : i32 to index
        %swap3A_1736 = arith.index_cast %scan3A_1698 : i32 to index
        %swap3A_1737 = arith.constant 0 : index
        %swap3A_1738 = tpu.vector_load %arg14[%swap3A_1735, %swap3A_1736, %swap3A_1737] {strides = array<i32>} : memref<2x40x144xf32, #tpu.memory_space<vmem>>, vector<16xf32>,
        tpu.vector_store %arg14[%swap3A_1735, %swap3A_1736, %swap3A_1737], %mul3A_1733 {strides = array<i32>} : memref<2x40x144xf32, #tpu.memory_space<vmem>>, vector<16xf32>,
        %mul3A_1739 = arith.mulf %unpack3A_1732, %gather3A_1725 : vector<16xf32>
        %swap3A_1740 = arith.constant 0 : i32
        %swap3A_1741 = arith.index_cast %swap3A_1740 : i32 to index
        %swap3A_1742 = arith.index_cast %scan3A_1698 : i32 to index
        %swap3A_1743 = arith.constant 16 : index
        %swap3A_1744 = tpu.vector_load %arg14[%swap3A_1741, %swap3A_1742, %swap3A_1743] {strides = array<i32>} : memref<2x40x144xf32, #tpu.memory_space<vmem>>, vector<16xf32>,
        tpu.vector_store %arg14[%swap3A_1741, %swap3A_1742, %swap3A_1743], %mul3A_1739 {strides = array<i32>} : memref<2x40x144xf32, #tpu.memory_space<vmem>>, vector<16xf32>,
        %get3A_1745 = arith.constant 0 : i32
        %get3A_1746 = arith.index_cast %get3A_1745 : i32 to index
        %get3A_1747 = arith.index_cast %scan3A_1698 : i32 to index
        %get3A_1748 = arith.constant 16 : index
        %get3A_1749 = tpu.vector_load %arg12[%get3A_1746, %get3A_1747, %get3A_1748] {strides = array<i32>} : memref<2x40x80xi32, #tpu.memory_space<vmem>>, vector<16xi32>,
        %bitcast3A_1750 = vector.bitcast %get3A_1749 : vector<16xi32> to vector<32xbf16>
        %unpack3A_1751 = tpu.unpack_subelements %bitcast3A_1750, 0 {pack_format = #tpu.pack_format<interleaved>} : vector<32xbf16> -> vector<16xf32>
        %unpack3A_1752 = tpu.unpack_subelements %bitcast3A_1750, 1 {pack_format = #tpu.pack_format<interleaved>} : vector<32xbf16> -> vector<16xf32>
        %mul3A_1753 = arith.mulf %unpack3A_1751, %gather3A_1725 : vector<16xf32>
        %swap3A_1754 = arith.constant 0 : i32
        %swap3A_1755 = arith.index_cast %swap3A_1754 : i32 to index
        %swap3A_1756 = arith.index_cast %scan3A_1698 : i32 to index
        %swap3A_1757 = arith.constant 32 : index
        %swap3A_1758 = tpu.vector_load %arg14[%swap3A_1755, %swap3A_1756, %swap3A_1757] {strides = array<i32>} : memref<2x40x144xf32, #tpu.memory_space<vmem>>, vector<16xf32>,
        tpu.vector_store %arg14[%swap3A_1755, %swap3A_1756, %swap3A_1757], %mul3A_1753 {strides = array<i32>} : memref<2x40x144xf32, #tpu.memory_space<vmem>>, vector<16xf32>,
        %mul3A_1759 = arith.mulf %unpack3A_1752, %gather3A_1725 : vector<16xf32>
        %swap3A_1760 = arith.constant 0 : i32
        %swap3A_1761 = arith.index_cast %swap3A_1760 : i32 to index
        %swap3A_1762 = arith.index_cast %scan3A_1698 : i32 to index
        %swap3A_1763 = arith.constant 48 : index
        %swap3A_1764 = tpu.vector_load %arg14[%swap3A_1761, %swap3A_1762, %swap3A_1763] {strides = array<i32>} : memref<2x40x144xf32, #tpu.memory_space<vmem>>, vector<16xf32>,
        tpu.vector_store %arg14[%swap3A_1761, %swap3A_1762, %swap3A_1763], %mul3A_1759 {strides = array<i32>} : memref<2x40x144xf32, #tpu.memory_space<vmem>>, vector<16xf32>,
        %get3A_1765 = arith.constant 0 : i32
        %get3A_1766 = arith.index_cast %get3A_1765 : i32 to index
        %get3A_1767 = arith.index_cast %scan3A_1698 : i32 to index
        %get3A_1768 = arith.constant 32 : index
        %get3A_1769 = tpu.vector_load %arg12[%get3A_1766, %get3A_1767, %get3A_1768] {strides = array<i32>} : memref<2x40x80xi32, #tpu.memory_space<vmem>>, vector<16xi32>,
        %bitcast3A_1770 = vector.bitcast %get3A_1769 : vector<16xi32> to vector<32xbf16>
        %unpack3A_1771 = tpu.unpack_subelements %bitcast3A_1770, 0 {pack_format = #tpu.pack_format<interleaved>} : vector<32xbf16> -> vector<16xf32>
        %unpack3A_1772 = tpu.unpack_subelements %bitcast3A_1770, 1 {pack_format = #tpu.pack_format<interleaved>} : vector<32xbf16> -> vector<16xf32>
        %mul3A_1773 = arith.mulf %unpack3A_1771, %gather3A_1725 : vector<16xf32>
        %swap3A_1774 = arith.constant 0 : i32
        %swap3A_1775 = arith.index_cast %swap3A_1774 : i32 to index
        %swap3A_1776 = arith.index_cast %scan3A_1698 : i32 to index
        %swap3A_1777 = arith.constant 64 : index
        %swap3A_1778 = tpu.vector_load %arg14[%swap3A_1775, %swap3A_1776, %swap3A_1777] {strides = array<i32>} : memref<2x40x144xf32, #tpu.memory_space<vmem>>, vector<16xf32>,
        tpu.vector_store %arg14[%swap3A_1775, %swap3A_1776, %swap3A_1777], %mul3A_1773 {strides = array<i32>} : memref<2x40x144xf32, #tpu.memory_space<vmem>>, vector<16xf32>,
        %mul3A_1779 = arith.mulf %unpack3A_1772, %gather3A_1725 : vector<16xf32>
        %swap3A_1780 = arith.constant 0 : i32
        %swap3A_1781 = arith.index_cast %swap3A_1780 : i32 to index
        %swap3A_1782 = arith.index_cast %scan3A_1698 : i32 to index
        %swap3A_1783 = arith.constant 80 : index
        %swap3A_1784 = tpu.vector_load %arg14[%swap3A_1781, %swap3A_1782, %swap3A_1783] {strides = array<i32>} : memref<2x40x144xf32, #tpu.memory_space<vmem>>, vector<16xf32>,
        tpu.vector_store %arg14[%swap3A_1781, %swap3A_1782, %swap3A_1783], %mul3A_1779 {strides = array<i32>} : memref<2x40x144xf32, #tpu.memory_space<vmem>>, vector<16xf32>,
        %get3A_1785 = arith.constant 0 : i32
        %get3A_1786 = arith.index_cast %get3A_1785 : i32 to index
        %get3A_1787 = arith.index_cast %scan3A_1698 : i32 to index
        %get3A_1788 = arith.constant 48 : index
        %get3A_1789 = tpu.vector_load %arg12[%get3A_1786, %get3A_1787, %get3A_1788] {strides = array<i32>} : memref<2x40x80xi32, #tpu.memory_space<vmem>>, vector<16xi32>,
        %bitcast3A_1790 = vector.bitcast %get3A_1789 : vector<16xi32> to vector<32xbf16>
        %unpack3A_1791 = tpu.unpack_subelements %bitcast3A_1790, 0 {pack_format = #tpu.pack_format<interleaved>} : vector<32xbf16> -> vector<16xf32>
        %unpack3A_1792 = tpu.unpack_subelements %bitcast3A_1790, 1 {pack_format = #tpu.pack_format<interleaved>} : vector<32xbf16> -> vector<16xf32>
        %mul3A_1793 = arith.mulf %unpack3A_1791, %gather3A_1725 : vector<16xf32>
        %swap3A_1794 = arith.constant 0 : i32
        %swap3A_1795 = arith.index_cast %swap3A_1794 : i32 to index
        %swap3A_1796 = arith.index_cast %scan3A_1698 : i32 to index
        %swap3A_1797 = arith.constant 96 : index
        %swap3A_1798 = tpu.vector_load %arg14[%swap3A_1795, %swap3A_1796, %swap3A_1797] {strides = array<i32>} : memref<2x40x144xf32, #tpu.memory_space<vmem>>, vector<16xf32>,
        tpu.vector_store %arg14[%swap3A_1795, %swap3A_1796, %swap3A_1797], %mul3A_1793 {strides = array<i32>} : memref<2x40x144xf32, #tpu.memory_space<vmem>>, vector<16xf32>,
        %mul3A_1799 = arith.mulf %unpack3A_1792, %gather3A_1725 : vector<16xf32>
        %swap3A_1800 = arith.constant 0 : i32
        %swap3A_1801 = arith.index_cast %swap3A_1800 : i32 to index
        %swap3A_1802 = arith.index_cast %scan3A_1698 : i32 to index
        %swap3A_1803 = arith.constant 112 : index
        %swap3A_1804 = tpu.vector_load %arg14[%swap3A_1801, %swap3A_1802, %swap3A_1803] {strides = array<i32>} : memref<2x40x144xf32, #tpu.memory_space<vmem>>, vector<16xf32>,
        tpu.vector_store %arg14[%swap3A_1801, %swap3A_1802, %swap3A_1803], %mul3A_1799 {strides = array<i32>} : memref<2x40x144xf32, #tpu.memory_space<vmem>>, vector<16xf32>,
        %scan3A_1805 = arith.constant 0 : i32
        scf.yield %scan3A_1805 : i32
      }
      %scan3A_1174 = arith.constant 40 : i32
      %dma_start3A_1175 = arith.constant 0 : i32
      %dma_start3A_1176 = arith.constant 0 : i32
      %dma_start3A_1177 = arith.constant 0 : i32
      %dma_start3A_1178 = arith.constant 0 : i32
      %dma_start3A_1179 = arith.constant 0 : i32
      %dma_start3A_1180 = tpu.memref_slice %arg14[%dma_start3A_1175, %dma_start3A_1178, %dma_start3A_1179] : memref<2x40x144xf32, #tpu.memory_space<vmem>> -> memref<1x40x144xf32, #tpu.memory_space<vmem>>
      %dma_start3A_1181 = tpu.memref_squeeze %dma_start3A_1180 : memref<1x40x144xf32, #tpu.memory_space<vmem>> -> memref<40x144xf32, #tpu.memory_space<vmem>>
      %dma_start3A_1182 = arith.constant 0 : i32
      %dma_start3A_1183 = tpu.memref_slice %arg11[%dma_start3A_1176, %dma_start3A_1182] : memref<4x40xi32, #tpu.memory_space<vmem>> -> memref<1x40xi32, #tpu.memory_space<vmem>>
      %dma_start3A_1184 = tpu.memref_squeeze %dma_start3A_1183 : memref<1x40xi32, #tpu.memory_space<vmem>> -> memref<40xi32, #tpu.memory_space<vmem>>
      %dma_start3A_1185 = arith.constant 0 : i32
      %dma_start3A_1186 = arith.constant 0 : i32
      %dma_start3A_1187 = tpu.memref_slice %arg9[%dma_start3A_1185, %dma_start3A_1186] : memref<10000x144xf32, #tpu.memory_space<vmem_shared>> -> memref<10000x144xf32, #tpu.memory_space<vmem_shared>>
      %dma_start3A_1188 = tpu.memref_slice %arg18[%dma_start3A_1177] : memref<2x!tpu.dma_semaphore, #tpu.memory_space<semaphore_mem>> -> memref<1x!tpu.dma_semaphore, #tpu.memory_space<semaphore_mem>>
      %dma_start3A_1189 = tpu.memref_squeeze %dma_start3A_1188 : memref<1x!tpu.dma_semaphore, #tpu.memory_space<semaphore_mem>> -> memref<!tpu.dma_semaphore, #tpu.memory_space<semaphore_mem>>
      tpu.enqueue_indirect_dma source(%dma_start3A_1181 : memref<40x144xf32, #tpu.memory_space<vmem>>) target(%dma_start3A_1187 : memref<10000x144xf32, #tpu.memory_space<vmem_shared>>) offsets(%dma_start3A_1184 : memref<40xi32, #tpu.memory_space<vmem>>) semaphore(%dma_start3A_1189 : memref<!tpu.dma_semaphore, #tpu.memory_space<semaphore_mem>>) {add = true}
      %mul3A_1190 = arith.constant 4 : i32
      %mul3A_1191 = arith.muli %mul3A_1190, %scan3A_1019 : i32
      %add3A_1192 = arith.constant 1 : i32
      %add3A_1193 = arith.addi %mul3A_1191, %add3A_1192 : i32
      %add3A_1194 = arith.constant 1 : i32
      %add3A_1195 = arith.addi %add3A_1193, %add3A_1194 : i32
      %dma_wait3A_1196 = arith.constant 2 : i32
      %dma_wait3A_1197 = arith.constant 2 : i32
      %dma_wait3A_1198 = arith.constant 0 : i32
      %dma_wait3A_1199 = tpu.memref_slice %arg10[%dma_wait3A_1196, %dma_wait3A_1198] : memref<4x40xi32, #tpu.memory_space<vmem>> -> memref<1x40xi32, #tpu.memory_space<vmem>>
      %dma_wait3A_1200 = tpu.memref_squeeze %dma_wait3A_1199 : memref<1x40xi32, #tpu.memory_space<vmem>> -> memref<40xi32, #tpu.memory_space<vmem>>
      %dma_wait3A_1201 = arith.constant 0 : i32
      %dma_wait3A_1202 = tpu.memref_slice %arg2[%add3A, %add3A_1195, %dma_wait3A_1201] : memref<32x250x40xi32, #tpu.memory_space<hbm>> -> memref<1x1x40xi32, #tpu.memory_space<hbm>>
      %dma_wait3A_1203 = tpu.memref_squeeze %dma_wait3A_1202 : memref<1x1x40xi32, #tpu.memory_space<hbm>> -> memref<40xi32, #tpu.memory_space<hbm>>
      %dma_wait3A_1204 = tpu.memref_slice %arg16[%dma_wait3A_1197] : memref<4x!tpu.dma_semaphore, #tpu.memory_space<semaphore_mem>> -> memref<1x!tpu.dma_semaphore, #tpu.memory_space<semaphore_mem>>
      %dma_wait3A_1205 = tpu.memref_squeeze %dma_wait3A_1204 : memref<1x!tpu.dma_semaphore, #tpu.memory_space<semaphore_mem>> -> memref<!tpu.dma_semaphore, #tpu.memory_space<semaphore_mem>>
      %dma_wait3A_1206 = arith.constant 0 : i32
      %dma_wait3A_1207 = tpu.memref_slice %arg10[%dma_wait3A_1196, %dma_wait3A_1206] : memref<4x40xi32, #tpu.memory_space<vmem>> -> memref<1x40xi32, #tpu.memory_space<vmem>>
      %dma_wait3A_1208 = tpu.memref_squeeze %dma_wait3A_1207 : memref<1x40xi32, #tpu.memory_space<vmem>> -> memref<40xi32, #tpu.memory_space<vmem>>
      %dma_wait3A_1209 = arith.constant 0 : i32
      %dma_wait3A_1210 = tpu.memref_slice %arg2[%add3A, %add3A_1195, %dma_wait3A_1209] : memref<32x250x40xi32, #tpu.memory_space<hbm>> -> memref<1x1x40xi32, #tpu.memory_space<hbm>>
      %dma_wait3A_1211 = tpu.memref_squeeze %dma_wait3A_1210 : memref<1x1x40xi32, #tpu.memory_space<hbm>> -> memref<40xi32, #tpu.memory_space<hbm>>
      tpu.wait_dma2 semaphore(%dma_wait3A_1205 : memref<!tpu.dma_semaphore, #tpu.memory_space<semaphore_mem>>) src(%dma_wait3A_1211 : memref<40xi32, #tpu.memory_space<hbm>>) dst(%dma_wait3A_1208 : memref<40xi32, #tpu.memory_space<vmem>>)
      %dma_wait3A_1212 = arith.constant 2 : i32
      %dma_wait3A_1213 = arith.constant 2 : i32
      %dma_wait3A_1214 = arith.constant 0 : i32
      %dma_wait3A_1215 = tpu.memref_slice %arg11[%dma_wait3A_1212, %dma_wait3A_1214] : memref<4x40xi32, #tpu.memory_space<vmem>> -> memref<1x40xi32, #tpu.memory_space<vmem>>
      %dma_wait3A_1216 = tpu.memref_squeeze %dma_wait3A_1215 : memref<1x40xi32, #tpu.memory_space<vmem>> -> memref<40xi32, #tpu.memory_space<vmem>>
      %dma_wait3A_1217 = arith.constant 0 : i32
      %dma_wait3A_1218 = tpu.memref_slice %arg3[%add3A, %add3A_1195, %dma_wait3A_1217] : memref<32x250x40xi32, #tpu.memory_space<hbm>> -> memref<1x1x40xi32, #tpu.memory_space<hbm>>
      %dma_wait3A_1219 = tpu.memref_squeeze %dma_wait3A_1218 : memref<1x1x40xi32, #tpu.memory_space<hbm>> -> memref<40xi32, #tpu.memory_space<hbm>>
      %dma_wait3A_1220 = tpu.memref_slice %arg16[%dma_wait3A_1213] : memref<4x!tpu.dma_semaphore, #tpu.memory_space<semaphore_mem>> -> memref<1x!tpu.dma_semaphore, #tpu.memory_space<semaphore_mem>>
      %dma_wait3A_1221 = tpu.memref_squeeze %dma_wait3A_1220 : memref<1x!tpu.dma_semaphore, #tpu.memory_space<semaphore_mem>> -> memref<!tpu.dma_semaphore, #tpu.memory_space<semaphore_mem>>
      %dma_wait3A_1222 = arith.constant 0 : i32
      %dma_wait3A_1223 = tpu.memref_slice %arg11[%dma_wait3A_1212, %dma_wait3A_1222] : memref<4x40xi32, #tpu.memory_space<vmem>> -> memref<1x40xi32, #tpu.memory_space<vmem>>
      %dma_wait3A_1224 = tpu.memref_squeeze %dma_wait3A_1223 : memref<1x40xi32, #tpu.memory_space<vmem>> -> memref<40xi32, #tpu.memory_space<vmem>>
      %dma_wait3A_1225 = arith.constant 0 : i32
      %dma_wait3A_1226 = tpu.memref_slice %arg3[%add3A, %add3A_1195, %dma_wait3A_1225] : memref<32x250x40xi32, #tpu.memory_space<hbm>> -> memref<1x1x40xi32, #tpu.memory_space<hbm>>
      %dma_wait3A_1227 = tpu.memref_squeeze %dma_wait3A_1226 : memref<1x1x40xi32, #tpu.memory_space<hbm>> -> memref<40xi32, #tpu.memory_space<hbm>>
      tpu.wait_dma2 semaphore(%dma_wait3A_1221 : memref<!tpu.dma_semaphore, #tpu.memory_space<semaphore_mem>>) src(%dma_wait3A_1227 : memref<40xi32, #tpu.memory_space<hbm>>) dst(%dma_wait3A_1224 : memref<40xi32, #tpu.memory_space<vmem>>)
      %dma_start3A_1228 = arith.constant 2 : i32
      %dma_start3A_1229 = arith.constant 0 : i32
      %dma_start3A_1230 = arith.constant 0 : i32
      %dma_start3A_1231 = arith.constant 0 : i32
      %dma_start3A_1232 = arith.constant 0 : i32
      %dma_start3A_1233 = tpu.memref_slice %arg12[%dma_start3A_1229, %dma_start3A_1231, %dma_start3A_1232] : memref<2x40x80xi32, #tpu.memory_space<vmem>> -> memref<1x40x80xi32, #tpu.memory_space<vmem>>
      %dma_start3A_1234 = tpu.memref_squeeze %dma_start3A_1233 : memref<1x40x80xi32, #tpu.memory_space<vmem>> -> memref<40x80xi32, #tpu.memory_space<vmem>>
      %dma_start3A_1235 = arith.constant 0 : i32
      %dma_start3A_1236 = tpu.memref_slice %arg10[%dma_start3A_1228, %dma_start3A_1235] : memref<4x40xi32, #tpu.memory_space<vmem>> -> memref<1x40xi32, #tpu.memory_space<vmem>>
      %dma_start3A_1237 = tpu.memref_squeeze %dma_start3A_1236 : memref<1x40xi32, #tpu.memory_space<vmem>> -> memref<40xi32, #tpu.memory_space<vmem>>
      %dma_start3A_1238 = arith.constant 0 : i32
      %dma_start3A_1239 = arith.constant 0 : i32
      %dma_start3A_1240 = tpu.memref_slice %arg4[%dma_start3A_1238, %dma_start3A_1239] : memref<10000x80xi32, #tpu.memory_space<hbm>> -> memref<10000x80xi32, #tpu.memory_space<hbm>>
      %dma_start3A_1241 = tpu.memref_slice %arg17[%dma_start3A_1230] : memref<2x!tpu.dma_semaphore, #tpu.memory_space<semaphore_mem>> -> memref<1x!tpu.dma_semaphore, #tpu.memory_space<semaphore_mem>>
      %dma_start3A_1242 = tpu.memref_squeeze %dma_start3A_1241 : memref<1x!tpu.dma_semaphore, #tpu.memory_space<semaphore_mem>> -> memref<!tpu.dma_semaphore, #tpu.memory_space<semaphore_mem>>
      tpu.enqueue_indirect_dma source(%dma_start3A_1240 : memref<10000x80xi32, #tpu.memory_space<hbm>>) target(%dma_start3A_1234 : memref<40x80xi32, #tpu.memory_space<vmem>>) offsets(%dma_start3A_1237 : memref<40xi32, #tpu.memory_space<vmem>>) semaphore(%dma_start3A_1242 : memref<!tpu.dma_semaphore, #tpu.memory_space<semaphore_mem>>)
      %dma_start3A_1243 = arith.constant 2 : i32
      %dma_start3A_1244 = arith.constant 0 : i32
      %dma_start3A_1245 = arith.constant 0 : i32
      %dma_start3A_1246 = arith.constant 0 : i32
      %dma_start3A_1247 = arith.constant 0 : i32
      %dma_start3A_1248 = tpu.memref_slice %arg13[%dma_start3A_1244, %dma_start3A_1246, %dma_start3A_1247] : memref<2x40x16xf32, #tpu.memory_space<vmem>> -> memref<1x40x16xf32, #tpu.memory_space<vmem>>
      %dma_start3A_1249 = tpu.memref_squeeze %dma_start3A_1248 : memref<1x40x16xf32, #tpu.memory_space<vmem>> -> memref<40x16xf32, #tpu.memory_space<vmem>>
      %dma_start3A_1250 = arith.constant 0 : i32
      %dma_start3A_1251 = tpu.memref_slice %arg11[%dma_start3A_1243, %dma_start3A_1250] : memref<4x40xi32, #tpu.memory_space<vmem>> -> memref<1x40xi32, #tpu.memory_space<vmem>>
      %dma_start3A_1252 = tpu.memref_squeeze %dma_start3A_1251 : memref<1x40xi32, #tpu.memory_space<vmem>> -> memref<40xi32, #tpu.memory_space<vmem>>
      %dma_start3A_1253 = arith.constant 0 : i32
      %dma_start3A_1254 = arith.constant 0 : i32
      %dma_start3A_1255 = tpu.memref_slice %arg5[%dma_start3A_1253, %dma_start3A_1254] : memref<10000x16xf32, #tpu.memory_space<hbm>> -> memref<10000x16xf32, #tpu.memory_space<hbm>>
      %dma_start3A_1256 = tpu.memref_slice %arg17[%dma_start3A_1245] : memref<2x!tpu.dma_semaphore, #tpu.memory_space<semaphore_mem>> -> memref<1x!tpu.dma_semaphore, #tpu.memory_space<semaphore_mem>>
      %dma_start3A_1257 = tpu.memref_squeeze %dma_start3A_1256 : memref<1x!tpu.dma_semaphore, #tpu.memory_space<semaphore_mem>> -> memref<!tpu.dma_semaphore, #tpu.memory_space<semaphore_mem>>
      tpu.enqueue_indirect_dma source(%dma_start3A_1255 : memref<10000x16xf32, #tpu.memory_space<hbm>>) target(%dma_start3A_1249 : memref<40x16xf32, #tpu.memory_space<vmem>>) offsets(%dma_start3A_1252 : memref<40xi32, #tpu.memory_space<vmem>>) semaphore(%dma_start3A_1257 : memref<!tpu.dma_semaphore, #tpu.memory_space<semaphore_mem>>)
      %dma_wait3A_1258 = arith.constant 1 : i32
      %dma_wait3A_1259 = arith.constant 3 : i32
      %dma_wait3A_1260 = arith.constant 1 : i32
      %dma_wait3A_1261 = arith.constant 0 : i32
      %dma_wait3A_1262 = arith.constant 0 : i32
      %dma_wait3A_1263 = tpu.memref_slice %arg14[%dma_wait3A_1258, %dma_wait3A_1261, %dma_wait3A_1262] : memref<2x40x144xf32, #tpu.memory_space<vmem>> -> memref<1x40x144xf32, #tpu.memory_space<vmem>>
      %dma_wait3A_1264 = tpu.memref_squeeze %dma_wait3A_1263 : memref<1x40x144xf32, #tpu.memory_space<vmem>> -> memref<40x144xf32, #tpu.memory_space<vmem>>
      %dma_wait3A_1265 = arith.constant 0 : i32
      %dma_wait3A_1266 = tpu.memref_slice %arg11[%dma_wait3A_1259, %dma_wait3A_1265] : memref<4x40xi32, #tpu.memory_space<vmem>> -> memref<1x40xi32, #tpu.memory_space<vmem>>
      %dma_wait3A_1267 = tpu.memref_squeeze %dma_wait3A_1266 : memref<1x40xi32, #tpu.memory_space<vmem>> -> memref<40xi32, #tpu.memory_space<vmem>>
      %dma_wait3A_1268 = arith.constant 0 : i32
      %dma_wait3A_1269 = arith.constant 0 : i32
      %dma_wait3A_1270 = tpu.memref_slice %arg9[%dma_wait3A_1268, %dma_wait3A_1269] : memref<10000x144xf32, #tpu.memory_space<vmem_shared>> -> memref<10000x144xf32, #tpu.memory_space<vmem_shared>>
      %dma_wait3A_1271 = tpu.memref_slice %arg18[%dma_wait3A_1260] : memref<2x!tpu.dma_semaphore, #tpu.memory_space<semaphore_mem>> -> memref<1x!tpu.dma_semaphore, #tpu.memory_space<semaphore_mem>>
      %dma_wait3A_1272 = tpu.memref_squeeze %dma_wait3A_1271 : memref<1x!tpu.dma_semaphore, #tpu.memory_space<semaphore_mem>> -> memref<!tpu.dma_semaphore, #tpu.memory_space<semaphore_mem>>
      tpu.wait_indirect_dma semaphore(%dma_wait3A_1272 : memref<!tpu.dma_semaphore, #tpu.memory_space<semaphore_mem>>) src(%dma_wait3A_1264 : memref<40x144xf32, #tpu.memory_space<vmem>>) dst(%dma_wait3A_1270 : memref<10000x144xf32, #tpu.memory_space<vmem_shared>>)
      %add3A_1273 = arith.constant 2 : i32
      %add3A_1274 = arith.addi %add3A_1193, %add3A_1273 : i32
      %dma_start3A_1275 = arith.constant 3 : i32
      %dma_start3A_1276 = arith.constant 3 : i32
      %dma_start3A_1277 = arith.constant 0 : i32
      %dma_start3A_1278 = tpu.memref_slice %arg10[%dma_start3A_1275, %dma_start3A_1277] : memref<4x40xi32, #tpu.memory_space<vmem>> -> memref<1x40xi32, #tpu.memory_space<vmem>>
      %dma_start3A_1279 = tpu.memref_squeeze %dma_start3A_1278 : memref<1x40xi32, #tpu.memory_space<vmem>> -> memref<40xi32, #tpu.memory_space<vmem>>
      %dma_start3A_1280 = arith.constant 0 : i32
      %dma_start3A_1281 = tpu.memref_slice %arg2[%add3A, %add3A_1274, %dma_start3A_1280] : memref<32x250x40xi32, #tpu.memory_space<hbm>> -> memref<1x1x40xi32, #tpu.memory_space<hbm>>
      %dma_start3A_1282 = tpu.memref_squeeze %dma_start3A_1281 : memref<1x1x40xi32, #tpu.memory_space<hbm>> -> memref<40xi32, #tpu.memory_space<hbm>>
      %dma_start3A_1283 = tpu.memref_slice %arg16[%dma_start3A_1276] : memref<4x!tpu.dma_semaphore, #tpu.memory_space<semaphore_mem>> -> memref<1x!tpu.dma_semaphore, #tpu.memory_space<semaphore_mem>>
      %dma_start3A_1284 = tpu.memref_squeeze %dma_start3A_1283 : memref<1x!tpu.dma_semaphore, #tpu.memory_space<semaphore_mem>> -> memref<!tpu.dma_semaphore, #tpu.memory_space<semaphore_mem>>
      %dma_start3A_1285 = arith.constant 0 : i32
      %dma_start3A_1286 = tpu.memref_slice %arg10[%dma_start3A_1275, %dma_start3A_1285] : memref<4x40xi32, #tpu.memory_space<vmem>> -> memref<1x40xi32, #tpu.memory_space<vmem>>
      %dma_start3A_1287 = tpu.memref_squeeze %dma_start3A_1286 : memref<1x40xi32, #tpu.memory_space<vmem>> -> memref<40xi32, #tpu.memory_space<vmem>>
      %dma_start3A_1288 = arith.constant 0 : i32
      %dma_start3A_1289 = tpu.memref_slice %arg2[%add3A, %add3A_1274, %dma_start3A_1288] : memref<32x250x40xi32, #tpu.memory_space<hbm>> -> memref<1x1x40xi32, #tpu.memory_space<hbm>>
      %dma_start3A_1290 = tpu.memref_squeeze %dma_start3A_1289 : memref<1x1x40xi32, #tpu.memory_space<hbm>> -> memref<40xi32, #tpu.memory_space<hbm>>
      tpu.enqueue_dma source(%dma_start3A_1290 : memref<40xi32, #tpu.memory_space<hbm>>) target(%dma_start3A_1287 : memref<40xi32, #tpu.memory_space<vmem>>) target_semaphore(%dma_start3A_1284 : memref<!tpu.dma_semaphore, #tpu.memory_space<semaphore_mem>>)
      %dma_start3A_1291 = arith.constant 3 : i32
      %dma_start3A_1292 = arith.constant 3 : i32
      %dma_start3A_1293 = arith.constant 0 : i32
      %dma_start3A_1294 = tpu.memref_slice %arg11[%dma_start3A_1291, %dma_start3A_1293] : memref<4x40xi32, #tpu.memory_space<vmem>> -> memref<1x40xi32, #tpu.memory_space<vmem>>
      %dma_start3A_1295 = tpu.memref_squeeze %dma_start3A_1294 : memref<1x40xi32, #tpu.memory_space<vmem>> -> memref<40xi32, #tpu.memory_space<vmem>>
      %dma_start3A_1296 = arith.constant 0 : i32
      %dma_start3A_1297 = tpu.memref_slice %arg3[%add3A, %add3A_1274, %dma_start3A_1296] : memref<32x250x40xi32, #tpu.memory_space<hbm>> -> memref<1x1x40xi32, #tpu.memory_space<hbm>>
      %dma_start3A_1298 = tpu.memref_squeeze %dma_start3A_1297 : memref<1x1x40xi32, #tpu.memory_space<hbm>> -> memref<40xi32, #tpu.memory_space<hbm>>
      %dma_start3A_1299 = tpu.memref_slice %arg16[%dma_start3A_1292] : memref<4x!tpu.dma_semaphore, #tpu.memory_space<semaphore_mem>> -> memref<1x!tpu.dma_semaphore, #tpu.memory_space<semaphore_mem>>
      %dma_start3A_1300 = tpu.memref_squeeze %dma_start3A_1299 : memref<1x!tpu.dma_semaphore, #tpu.memory_space<semaphore_mem>> -> memref<!tpu.dma_semaphore, #tpu.memory_space<semaphore_mem>>
      %dma_start3A_1301 = arith.constant 0 : i32
      %dma_start3A_1302 = tpu.memref_slice %arg11[%dma_start3A_1291, %dma_start3A_1301] : memref<4x40xi32, #tpu.memory_space<vmem>> -> memref<1x40xi32, #tpu.memory_space<vmem>>
      %dma_start3A_1303 = tpu.memref_squeeze %dma_start3A_1302 : memref<1x40xi32, #tpu.memory_space<vmem>> -> memref<40xi32, #tpu.memory_space<vmem>>
      %dma_start3A_1304 = arith.constant 0 : i32
      %dma_start3A_1305 = tpu.memref_slice %arg3[%add3A, %add3A_1274, %dma_start3A_1304] : memref<32x250x40xi32, #tpu.memory_space<hbm>> -> memref<1x1x40xi32, #tpu.memory_space<hbm>>
      %dma_start3A_1306 = tpu.memref_squeeze %dma_start3A_1305 : memref<1x1x40xi32, #tpu.memory_space<hbm>> -> memref<40xi32, #tpu.memory_space<hbm>>
      tpu.enqueue_dma source(%dma_start3A_1306 : memref<40xi32, #tpu.memory_space<hbm>>) target(%dma_start3A_1303 : memref<40xi32, #tpu.memory_space<vmem>>) target_semaphore(%dma_start3A_1300 : memref<!tpu.dma_semaphore, #tpu.memory_space<semaphore_mem>>)
      %dma_wait3A_1307 = arith.constant 1 : i32
      %dma_wait3A_1308 = arith.constant 1 : i32
      %dma_wait3A_1309 = arith.constant 1 : i32
      %dma_wait3A_1310 = arith.constant 0 : i32
      %dma_wait3A_1311 = arith.constant 0 : i32
      %dma_wait3A_1312 = tpu.memref_slice %arg12[%dma_wait3A_1308, %dma_wait3A_1310, %dma_wait3A_1311] : memref<2x40x80xi32, #tpu.memory_space<vmem>> -> memref<1x40x80xi32, #tpu.memory_space<vmem>>
      %dma_wait3A_1313 = tpu.memref_squeeze %dma_wait3A_1312 : memref<1x40x80xi32, #tpu.memory_space<vmem>> -> memref<40x80xi32, #tpu.memory_space<vmem>>
      %dma_wait3A_1314 = arith.constant 0 : i32
      %dma_wait3A_1315 = tpu.memref_slice %arg10[%dma_wait3A_1307, %dma_wait3A_1314] : memref<4x40xi32, #tpu.memory_space<vmem>> -> memref<1x40xi32, #tpu.memory_space<vmem>>
      %dma_wait3A_1316 = tpu.memref_squeeze %dma_wait3A_1315 : memref<1x40xi32, #tpu.memory_space<vmem>> -> memref<40xi32, #tpu.memory_space<vmem>>
      %dma_wait3A_1317 = arith.constant 0 : i32
      %dma_wait3A_1318 = arith.constant 0 : i32
      %dma_wait3A_1319 = tpu.memref_slice %arg4[%dma_wait3A_1317, %dma_wait3A_1318] : memref<10000x80xi32, #tpu.memory_space<hbm>> -> memref<10000x80xi32, #tpu.memory_space<hbm>>
      %dma_wait3A_1320 = tpu.memref_slice %arg17[%dma_wait3A_1309] : memref<2x!tpu.dma_semaphore, #tpu.memory_space<semaphore_mem>> -> memref<1x!tpu.dma_semaphore, #tpu.memory_space<semaphore_mem>>
      %dma_wait3A_1321 = tpu.memref_squeeze %dma_wait3A_1320 : memref<1x!tpu.dma_semaphore, #tpu.memory_space<semaphore_mem>> -> memref<!tpu.dma_semaphore, #tpu.memory_space<semaphore_mem>>
      tpu.wait_indirect_dma semaphore(%dma_wait3A_1321 : memref<!tpu.dma_semaphore, #tpu.memory_space<semaphore_mem>>) src(%dma_wait3A_1319 : memref<10000x80xi32, #tpu.memory_space<hbm>>) dst(%dma_wait3A_1313 : memref<40x80xi32, #tpu.memory_space<vmem>>)
      %dma_wait3A_1322 = arith.constant 1 : i32
      %dma_wait3A_1323 = arith.constant 1 : i32
      %dma_wait3A_1324 = arith.constant 1 : i32
      %dma_wait3A_1325 = arith.constant 0 : i32
      %dma_wait3A_1326 = arith.constant 0 : i32
      %dma_wait3A_1327 = tpu.memref_slice %arg13[%dma_wait3A_1323, %dma_wait3A_1325, %dma_wait3A_1326] : memref<2x40x16xf32, #tpu.memory_space<vmem>> -> memref<1x40x16xf32, #tpu.memory_space<vmem>>
      %dma_wait3A_1328 = tpu.memref_squeeze %dma_wait3A_1327 : memref<1x40x16xf32, #tpu.memory_space<vmem>> -> memref<40x16xf32, #tpu.memory_space<vmem>>
      %dma_wait3A_1329 = arith.constant 0 : i32
      %dma_wait3A_1330 = tpu.memref_slice %arg11[%dma_wait3A_1322, %dma_wait3A_1329] : memref<4x40xi32, #tpu.memory_space<vmem>> -> memref<1x40xi32, #tpu.memory_space<vmem>>
      %dma_wait3A_1331 = tpu.memref_squeeze %dma_wait3A_1330 : memref<1x40xi32, #tpu.memory_space<vmem>> -> memref<40xi32, #tpu.memory_space<vmem>>
      %dma_wait3A_1332 = arith.constant 0 : i32
      %dma_wait3A_1333 = arith.constant 0 : i32
      %dma_wait3A_1334 = tpu.memref_slice %arg5[%dma_wait3A_1332, %dma_wait3A_1333] : memref<10000x16xf32, #tpu.memory_space<hbm>> -> memref<10000x16xf32, #tpu.memory_space<hbm>>
      %dma_wait3A_1335 = tpu.memref_slice %arg17[%dma_wait3A_1324] : memref<2x!tpu.dma_semaphore, #tpu.memory_space<semaphore_mem>> -> memref<1x!tpu.dma_semaphore, #tpu.memory_space<semaphore_mem>>
      %dma_wait3A_1336 = tpu.memref_squeeze %dma_wait3A_1335 : memref<1x!tpu.dma_semaphore, #tpu.memory_space<semaphore_mem>> -> memref<!tpu.dma_semaphore, #tpu.memory_space<semaphore_mem>>
      tpu.wait_indirect_dma semaphore(%dma_wait3A_1336 : memref<!tpu.dma_semaphore, #tpu.memory_space<semaphore_mem>>) src(%dma_wait3A_1334 : memref<10000x16xf32, #tpu.memory_space<hbm>>) dst(%dma_wait3A_1328 : memref<40x16xf32, #tpu.memory_space<vmem>>)
      %scan3A_1337 = arith.constant 0 : i32
      %scan3A_1338 = arith.constant 0 : i32
      %scan3A_1339 = arith.constant 40 : i32
      %scan3A_1340 = arith.addi %scan3A_1338, %scan3A_1339 : i32
      %scan3A_1341 = arith.constant 1 : i32
      %scan3A_1342 = scf.for %scan3A_1698 = %scan3A_1338 to %scan3A_1340 step %scan3A_1341 iter_args(%scan3A_1699 = %scan3A_1337) -> (i32)  : i32 {
        %get3A_1700 = arith.constant 1 : i32
        %get3A_1701 = arith.index_cast %get3A_1700 : i32 to index
        %get3A_1702 = arith.index_cast %scan3A_1698 : i32 to index
        %get3A_1703 = arith.constant 64 : index
        %get3A_1704 = tpu.vector_load %arg12[%get3A_1701, %get3A_1702, %get3A_1703] {strides = array<i32>} : memref<2x40x80xi32, #tpu.memory_space<vmem>>, vector<16xi32>,
        %bitcast3A = vector.bitcast %get3A_1704 : vector<16xi32> to vector<16xf32>
        %get3A_1705 = arith.constant 1 : i32
        %get3A_1706 = arith.index_cast %get3A_1705 : i32 to index
        %get3A_1707 = arith.index_cast %scan3A_1698 : i32 to index
        %get3A_1708 = arith.constant 0 : index
        %get3A_1709 = tpu.vector_load %arg13[%get3A_1706, %get3A_1707, %get3A_1708] {strides = array<i32>} : memref<2x40x16xf32, #tpu.memory_space<vmem>>, vector<16xf32>,
        %sub3A = arith.subf %bitcast3A, %get3A_1709 : vector<16xf32>
        %abs3A = math.absf %sub3A : vector<16xf32>
        %mul3A_1710 = arith.mulf %abs3A, %get3A_3 : vector<16xf32>
        %exp3A = math.exp %mul3A_1710 : vector<16xf32>
        %broadcast_in_dim3A_1711 = vector.shape_cast %broadcast_in_dim3A_4 : vector<16xi32> to vector<16x1xi32>
        %gather3A = vector.shape_cast %broadcast_in_dim3A_1711 : vector<16x1xi32> to vector<16xi32>
        %gather3A_1712 = tpu.dynamic_gather %exp3A[%gather3A] in [0] : vector<16xf32>, vector<16xi32> -> vector<16xf32>
        %add3A_1713 = arith.addf %bitcast3A, %get3A_1709 : vector<16xf32>
        %mul3A_1714 = arith.mulf %add3A_1713, %gather3A_1712 : vector<16xf32>
        %mul3A_1715 = arith.constant 2.000000e-01 : f32
        %mul3A_1716 = vector.broadcast %mul3A_1715 : f32 to vector<16xf32>
        %mul3A_1717 = arith.mulf %mul3A_1716, %mul3A_1714 : vector<16xf32>
        %max3A = arith.maximumf %mul3A_1714, %mul3A_1717 : vector<16xf32>
        %exp3A_1718 = math.exp %max3A : vector<16xf32>
        %swap3A = arith.constant 1 : i32
        %swap3A_1719 = arith.index_cast %swap3A : i32 to index
        %swap3A_1720 = arith.index_cast %scan3A_1698 : i32 to index
        %swap3A_1721 = arith.constant 128 : index
        %swap3A_1722 = tpu.vector_load %arg14[%swap3A_1719, %swap3A_1720, %swap3A_1721] {strides = array<i32>} : memref<2x40x144xf32, #tpu.memory_space<vmem>>, vector<16xf32>,
        tpu.vector_store %arg14[%swap3A_1719, %swap3A_1720, %swap3A_1721], %exp3A_1718 {strides = array<i32>} : memref<2x40x144xf32, #tpu.memory_space<vmem>>, vector<16xf32>,
        %broadcast_in_dim3A_1723 = vector.shape_cast %select_n3A_19 : vector<16xi32> to vector<16x1xi32>
        %gather3A_1724 = vector.shape_cast %broadcast_in_dim3A_1723 : vector<16x1xi32> to vector<16xi32>
        %gather3A_1725 = tpu.dynamic_gather %exp3A_1718[%gather3A_1724] in [0] : vector<16xf32>, vector<16xi32> -> vector<16xf32>
        %get3A_1726 = arith.constant 1 : i32
        %get3A_1727 = arith.index_cast %get3A_1726 : i32 to index
        %get3A_1728 = arith.index_cast %scan3A_1698 : i32 to index
        %get3A_1729 = arith.constant 0 : index
        %get3A_1730 = tpu.vector_load %arg12[%get3A_1727, %get3A_1728, %get3A_1729] {strides = array<i32>} : memref<2x40x80xi32, #tpu.memory_space<vmem>>, vector<16xi32>,
        %bitcast3A_1731 = vector.bitcast %get3A_1730 : vector<16xi32> to vector<32xbf16>
        %unpack3A = tpu.unpack_subelements %bitcast3A_1731, 0 {pack_format = #tpu.pack_format<interleaved>} : vector<32xbf16> -> vector<16xf32>
        %unpack3A_1732 = tpu.unpack_subelements %bitcast3A_1731, 1 {pack_format = #tpu.pack_format<interleaved>} : vector<32xbf16> -> vector<16xf32>
        %mul3A_1733 = arith.mulf %unpack3A, %gather3A_1725 : vector<16xf32>
        %swap3A_1734 = arith.constant 1 : i32
        %swap3A_1735 = arith.index_cast %swap3A_1734 : i32 to index
        %swap3A_1736 = arith.index_cast %scan3A_1698 : i32 to index
        %swap3A_1737 = arith.constant 0 : index
        %swap3A_1738 = tpu.vector_load %arg14[%swap3A_1735, %swap3A_1736, %swap3A_1737] {strides = array<i32>} : memref<2x40x144xf32, #tpu.memory_space<vmem>>, vector<16xf32>,
        tpu.vector_store %arg14[%swap3A_1735, %swap3A_1736, %swap3A_1737], %mul3A_1733 {strides = array<i32>} : memref<2x40x144xf32, #tpu.memory_space<vmem>>, vector<16xf32>,
        %mul3A_1739 = arith.mulf %unpack3A_1732, %gather3A_1725 : vector<16xf32>
        %swap3A_1740 = arith.constant 1 : i32
        %swap3A_1741 = arith.index_cast %swap3A_1740 : i32 to index
        %swap3A_1742 = arith.index_cast %scan3A_1698 : i32 to index
        %swap3A_1743 = arith.constant 16 : index
        %swap3A_1744 = tpu.vector_load %arg14[%swap3A_1741, %swap3A_1742, %swap3A_1743] {strides = array<i32>} : memref<2x40x144xf32, #tpu.memory_space<vmem>>, vector<16xf32>,
        tpu.vector_store %arg14[%swap3A_1741, %swap3A_1742, %swap3A_1743], %mul3A_1739 {strides = array<i32>} : memref<2x40x144xf32, #tpu.memory_space<vmem>>, vector<16xf32>,
        %get3A_1745 = arith.constant 1 : i32
        %get3A_1746 = arith.index_cast %get3A_1745 : i32 to index
        %get3A_1747 = arith.index_cast %scan3A_1698 : i32 to index
        %get3A_1748 = arith.constant 16 : index
        %get3A_1749 = tpu.vector_load %arg12[%get3A_1746, %get3A_1747, %get3A_1748] {strides = array<i32>} : memref<2x40x80xi32, #tpu.memory_space<vmem>>, vector<16xi32>,
        %bitcast3A_1750 = vector.bitcast %get3A_1749 : vector<16xi32> to vector<32xbf16>
        %unpack3A_1751 = tpu.unpack_subelements %bitcast3A_1750, 0 {pack_format = #tpu.pack_format<interleaved>} : vector<32xbf16> -> vector<16xf32>
        %unpack3A_1752 = tpu.unpack_subelements %bitcast3A_1750, 1 {pack_format = #tpu.pack_format<interleaved>} : vector<32xbf16> -> vector<16xf32>
        %mul3A_1753 = arith.mulf %unpack3A_1751, %gather3A_1725 : vector<16xf32>
        %swap3A_1754 = arith.constant 1 : i32
        %swap3A_1755 = arith.index_cast %swap3A_1754 : i32 to index
        %swap3A_1756 = arith.index_cast %scan3A_1698 : i32 to index
        %swap3A_1757 = arith.constant 32 : index
        %swap3A_1758 = tpu.vector_load %arg14[%swap3A_1755, %swap3A_1756, %swap3A_1757] {strides = array<i32>} : memref<2x40x144xf32, #tpu.memory_space<vmem>>, vector<16xf32>,
        tpu.vector_store %arg14[%swap3A_1755, %swap3A_1756, %swap3A_1757], %mul3A_1753 {strides = array<i32>} : memref<2x40x144xf32, #tpu.memory_space<vmem>>, vector<16xf32>,
        %mul3A_1759 = arith.mulf %unpack3A_1752, %gather3A_1725 : vector<16xf32>
        %swap3A_1760 = arith.constant 1 : i32
        %swap3A_1761 = arith.index_cast %swap3A_1760 : i32 to index
        %swap3A_1762 = arith.index_cast %scan3A_1698 : i32 to index
        %swap3A_1763 = arith.constant 48 : index
        %swap3A_1764 = tpu.vector_load %arg14[%swap3A_1761, %swap3A_1762, %swap3A_1763] {strides = array<i32>} : memref<2x40x144xf32, #tpu.memory_space<vmem>>, vector<16xf32>,
        tpu.vector_store %arg14[%swap3A_1761, %swap3A_1762, %swap3A_1763], %mul3A_1759 {strides = array<i32>} : memref<2x40x144xf32, #tpu.memory_space<vmem>>, vector<16xf32>,
        %get3A_1765 = arith.constant 1 : i32
        %get3A_1766 = arith.index_cast %get3A_1765 : i32 to index
        %get3A_1767 = arith.index_cast %scan3A_1698 : i32 to index
        %get3A_1768 = arith.constant 32 : index
        %get3A_1769 = tpu.vector_load %arg12[%get3A_1766, %get3A_1767, %get3A_1768] {strides = array<i32>} : memref<2x40x80xi32, #tpu.memory_space<vmem>>, vector<16xi32>,
        %bitcast3A_1770 = vector.bitcast %get3A_1769 : vector<16xi32> to vector<32xbf16>
        %unpack3A_1771 = tpu.unpack_subelements %bitcast3A_1770, 0 {pack_format = #tpu.pack_format<interleaved>} : vector<32xbf16> -> vector<16xf32>
        %unpack3A_1772 = tpu.unpack_subelements %bitcast3A_1770, 1 {pack_format = #tpu.pack_format<interleaved>} : vector<32xbf16> -> vector<16xf32>
        %mul3A_1773 = arith.mulf %unpack3A_1771, %gather3A_1725 : vector<16xf32>
        %swap3A_1774 = arith.constant 1 : i32
        %swap3A_1775 = arith.index_cast %swap3A_1774 : i32 to index
        %swap3A_1776 = arith.index_cast %scan3A_1698 : i32 to index
        %swap3A_1777 = arith.constant 64 : index
        %swap3A_1778 = tpu.vector_load %arg14[%swap3A_1775, %swap3A_1776, %swap3A_1777] {strides = array<i32>} : memref<2x40x144xf32, #tpu.memory_space<vmem>>, vector<16xf32>,
        tpu.vector_store %arg14[%swap3A_1775, %swap3A_1776, %swap3A_1777], %mul3A_1773 {strides = array<i32>} : memref<2x40x144xf32, #tpu.memory_space<vmem>>, vector<16xf32>,
        %mul3A_1779 = arith.mulf %unpack3A_1772, %gather3A_1725 : vector<16xf32>
        %swap3A_1780 = arith.constant 1 : i32
        %swap3A_1781 = arith.index_cast %swap3A_1780 : i32 to index
        %swap3A_1782 = arith.index_cast %scan3A_1698 : i32 to index
        %swap3A_1783 = arith.constant 80 : index
        %swap3A_1784 = tpu.vector_load %arg14[%swap3A_1781, %swap3A_1782, %swap3A_1783] {strides = array<i32>} : memref<2x40x144xf32, #tpu.memory_space<vmem>>, vector<16xf32>,
        tpu.vector_store %arg14[%swap3A_1781, %swap3A_1782, %swap3A_1783], %mul3A_1779 {strides = array<i32>} : memref<2x40x144xf32, #tpu.memory_space<vmem>>, vector<16xf32>,
        %get3A_1785 = arith.constant 1 : i32
        %get3A_1786 = arith.index_cast %get3A_1785 : i32 to index
        %get3A_1787 = arith.index_cast %scan3A_1698 : i32 to index
        %get3A_1788 = arith.constant 48 : index
        %get3A_1789 = tpu.vector_load %arg12[%get3A_1786, %get3A_1787, %get3A_1788] {strides = array<i32>} : memref<2x40x80xi32, #tpu.memory_space<vmem>>, vector<16xi32>,
        %bitcast3A_1790 = vector.bitcast %get3A_1789 : vector<16xi32> to vector<32xbf16>
        %unpack3A_1791 = tpu.unpack_subelements %bitcast3A_1790, 0 {pack_format = #tpu.pack_format<interleaved>} : vector<32xbf16> -> vector<16xf32>
        %unpack3A_1792 = tpu.unpack_subelements %bitcast3A_1790, 1 {pack_format = #tpu.pack_format<interleaved>} : vector<32xbf16> -> vector<16xf32>
        %mul3A_1793 = arith.mulf %unpack3A_1791, %gather3A_1725 : vector<16xf32>
        %swap3A_1794 = arith.constant 1 : i32
        %swap3A_1795 = arith.index_cast %swap3A_1794 : i32 to index
        %swap3A_1796 = arith.index_cast %scan3A_1698 : i32 to index
        %swap3A_1797 = arith.constant 96 : index
        %swap3A_1798 = tpu.vector_load %arg14[%swap3A_1795, %swap3A_1796, %swap3A_1797] {strides = array<i32>} : memref<2x40x144xf32, #tpu.memory_space<vmem>>, vector<16xf32>,
        tpu.vector_store %arg14[%swap3A_1795, %swap3A_1796, %swap3A_1797], %mul3A_1793 {strides = array<i32>} : memref<2x40x144xf32, #tpu.memory_space<vmem>>, vector<16xf32>,
        %mul3A_1799 = arith.mulf %unpack3A_1792, %gather3A_1725 : vector<16xf32>
        %swap3A_1800 = arith.constant 1 : i32
        %swap3A_1801 = arith.index_cast %swap3A_1800 : i32 to index
        %swap3A_1802 = arith.index_cast %scan3A_1698 : i32 to index
        %swap3A_1803 = arith.constant 112 : index
        %swap3A_1804 = tpu.vector_load %arg14[%swap3A_1801, %swap3A_1802, %swap3A_1803] {strides = array<i32>} : memref<2x40x144xf32, #tpu.memory_space<vmem>>, vector<16xf32>,
        tpu.vector_store %arg14[%swap3A_1801, %swap3A_1802, %swap3A_1803], %mul3A_1799 {strides = array<i32>} : memref<2x40x144xf32, #tpu.memory_space<vmem>>, vector<16xf32>,
        %scan3A_1805 = arith.constant 0 : i32
        scf.yield %scan3A_1805 : i32
      }
      %scan3A_1343 = arith.constant 40 : i32
      %dma_start3A_1344 = arith.constant 1 : i32
      %dma_start3A_1345 = arith.constant 1 : i32
      %dma_start3A_1346 = arith.constant 1 : i32
      %dma_start3A_1347 = arith.constant 0 : i32
      %dma_start3A_1348 = arith.constant 0 : i32
      %dma_start3A_1349 = tpu.memref_slice %arg14[%dma_start3A_1344, %dma_start3A_1347, %dma_start3A_1348] : memref<2x40x144xf32, #tpu.memory_space<vmem>> -> memref<1x40x144xf32, #tpu.memory_space<vmem>>
      %dma_start3A_1350 = tpu.memref_squeeze %dma_start3A_1349 : memref<1x40x144xf32, #tpu.memory_space<vmem>> -> memref<40x144xf32, #tpu.memory_space<vmem>>
      %dma_start3A_1351 = arith.constant 0 : i32
      %dma_start3A_1352 = tpu.memref_slice %arg11[%dma_start3A_1345, %dma_start3A_1351] : memref<4x40xi32, #tpu.memory_space<vmem>> -> memref<1x40xi32, #tpu.memory_space<vmem>>
      %dma_start3A_1353 = tpu.memref_squeeze %dma_start3A_1352 : memref<1x40xi32, #tpu.memory_space<vmem>> -> memref<40xi32, #tpu.memory_space<vmem>>
      %dma_start3A_1354 = arith.constant 0 : i32
      %dma_start3A_1355 = arith.constant 0 : i32
      %dma_start3A_1356 = tpu.memref_slice %arg9[%dma_start3A_1354, %dma_start3A_1355] : memref<10000x144xf32, #tpu.memory_space<vmem_shared>> -> memref<10000x144xf32, #tpu.memory_space<vmem_shared>>
      %dma_start3A_1357 = tpu.memref_slice %arg18[%dma_start3A_1346] : memref<2x!tpu.dma_semaphore, #tpu.memory_space<semaphore_mem>> -> memref<1x!tpu.dma_semaphore, #tpu.memory_space<semaphore_mem>>
      %dma_start3A_1358 = tpu.memref_squeeze %dma_start3A_1357 : memref<1x!tpu.dma_semaphore, #tpu.memory_space<semaphore_mem>> -> memref<!tpu.dma_semaphore, #tpu.memory_space<semaphore_mem>>
      tpu.enqueue_indirect_dma source(%dma_start3A_1350 : memref<40x144xf32, #tpu.memory_space<vmem>>) target(%dma_start3A_1356 : memref<10000x144xf32, #tpu.memory_space<vmem_shared>>) offsets(%dma_start3A_1353 : memref<40xi32, #tpu.memory_space<vmem>>) semaphore(%dma_start3A_1358 : memref<!tpu.dma_semaphore, #tpu.memory_space<semaphore_mem>>) {add = true}
      %mul3A_1359 = arith.constant 4 : i32
      %mul3A_1360 = arith.muli %mul3A_1359, %scan3A_1019 : i32
      %add3A_1361 = arith.constant 2 : i32
      %add3A_1362 = arith.addi %mul3A_1360, %add3A_1361 : i32
      %add3A_1363 = arith.constant 1 : i32
      %add3A_1364 = arith.addi %add3A_1362, %add3A_1363 : i32
      %dma_wait3A_1365 = arith.constant 3 : i32
      %dma_wait3A_1366 = arith.constant 3 : i32
      %dma_wait3A_1367 = arith.constant 0 : i32
      %dma_wait3A_1368 = tpu.memref_slice %arg10[%dma_wait3A_1365, %dma_wait3A_1367] : memref<4x40xi32, #tpu.memory_space<vmem>> -> memref<1x40xi32, #tpu.memory_space<vmem>>
      %dma_wait3A_1369 = tpu.memref_squeeze %dma_wait3A_1368 : memref<1x40xi32, #tpu.memory_space<vmem>> -> memref<40xi32, #tpu.memory_space<vmem>>
      %dma_wait3A_1370 = arith.constant 0 : i32
      %dma_wait3A_1371 = tpu.memref_slice %arg2[%add3A, %add3A_1364, %dma_wait3A_1370] : memref<32x250x40xi32, #tpu.memory_space<hbm>> -> memref<1x1x40xi32, #tpu.memory_space<hbm>>
      %dma_wait3A_1372 = tpu.memref_squeeze %dma_wait3A_1371 : memref<1x1x40xi32, #tpu.memory_space<hbm>> -> memref<40xi32, #tpu.memory_space<hbm>>
      %dma_wait3A_1373 = tpu.memref_slice %arg16[%dma_wait3A_1366] : memref<4x!tpu.dma_semaphore, #tpu.memory_space<semaphore_mem>> -> memref<1x!tpu.dma_semaphore, #tpu.memory_space<semaphore_mem>>
      %dma_wait3A_1374 = tpu.memref_squeeze %dma_wait3A_1373 : memref<1x!tpu.dma_semaphore, #tpu.memory_space<semaphore_mem>> -> memref<!tpu.dma_semaphore, #tpu.memory_space<semaphore_mem>>
      %dma_wait3A_1375 = arith.constant 0 : i32
      %dma_wait3A_1376 = tpu.memref_slice %arg10[%dma_wait3A_1365, %dma_wait3A_1375] : memref<4x40xi32, #tpu.memory_space<vmem>> -> memref<1x40xi32, #tpu.memory_space<vmem>>
      %dma_wait3A_1377 = tpu.memref_squeeze %dma_wait3A_1376 : memref<1x40xi32, #tpu.memory_space<vmem>> -> memref<40xi32, #tpu.memory_space<vmem>>
      %dma_wait3A_1378 = arith.constant 0 : i32
      %dma_wait3A_1379 = tpu.memref_slice %arg2[%add3A, %add3A_1364, %dma_wait3A_1378] : memref<32x250x40xi32, #tpu.memory_space<hbm>> -> memref<1x1x40xi32, #tpu.memory_space<hbm>>
      %dma_wait3A_1380 = tpu.memref_squeeze %dma_wait3A_1379 : memref<1x1x40xi32, #tpu.memory_space<hbm>> -> memref<40xi32, #tpu.memory_space<hbm>>
      tpu.wait_dma2 semaphore(%dma_wait3A_1374 : memref<!tpu.dma_semaphore, #tpu.memory_space<semaphore_mem>>) src(%dma_wait3A_1380 : memref<40xi32, #tpu.memory_space<hbm>>) dst(%dma_wait3A_1377 : memref<40xi32, #tpu.memory_space<vmem>>)
      %dma_wait3A_1381 = arith.constant 3 : i32
      %dma_wait3A_1382 = arith.constant 3 : i32
      %dma_wait3A_1383 = arith.constant 0 : i32
      %dma_wait3A_1384 = tpu.memref_slice %arg11[%dma_wait3A_1381, %dma_wait3A_1383] : memref<4x40xi32, #tpu.memory_space<vmem>> -> memref<1x40xi32, #tpu.memory_space<vmem>>
      %dma_wait3A_1385 = tpu.memref_squeeze %dma_wait3A_1384 : memref<1x40xi32, #tpu.memory_space<vmem>> -> memref<40xi32, #tpu.memory_space<vmem>>
      %dma_wait3A_1386 = arith.constant 0 : i32
      %dma_wait3A_1387 = tpu.memref_slice %arg3[%add3A, %add3A_1364, %dma_wait3A_1386] : memref<32x250x40xi32, #tpu.memory_space<hbm>> -> memref<1x1x40xi32, #tpu.memory_space<hbm>>
      %dma_wait3A_1388 = tpu.memref_squeeze %dma_wait3A_1387 : memref<1x1x40xi32, #tpu.memory_space<hbm>> -> memref<40xi32, #tpu.memory_space<hbm>>
      %dma_wait3A_1389 = tpu.memref_slice %arg16[%dma_wait3A_1382] : memref<4x!tpu.dma_semaphore, #tpu.memory_space<semaphore_mem>> -> memref<1x!tpu.dma_semaphore, #tpu.memory_space<semaphore_mem>>
      %dma_wait3A_1390 = tpu.memref_squeeze %dma_wait3A_1389 : memref<1x!tpu.dma_semaphore, #tpu.memory_space<semaphore_mem>> -> memref<!tpu.dma_semaphore, #tpu.memory_space<semaphore_mem>>
      %dma_wait3A_1391 = arith.constant 0 : i32
      %dma_wait3A_1392 = tpu.memref_slice %arg11[%dma_wait3A_1381, %dma_wait3A_1391] : memref<4x40xi32, #tpu.memory_space<vmem>> -> memref<1x40xi32, #tpu.memory_space<vmem>>
      %dma_wait3A_1393 = tpu.memref_squeeze %dma_wait3A_1392 : memref<1x40xi32, #tpu.memory_space<vmem>> -> memref<40xi32, #tpu.memory_space<vmem>>
      %dma_wait3A_1394 = arith.constant 0 : i32
      %dma_wait3A_1395 = tpu.memref_slice %arg3[%add3A, %add3A_1364, %dma_wait3A_1394] : memref<32x250x40xi32, #tpu.memory_space<hbm>> -> memref<1x1x40xi32, #tpu.memory_space<hbm>>
      %dma_wait3A_1396 = tpu.memref_squeeze %dma_wait3A_1395 : memref<1x1x40xi32, #tpu.memory_space<hbm>> -> memref<40xi32, #tpu.memory_space<hbm>>
      tpu.wait_dma2 semaphore(%dma_wait3A_1390 : memref<!tpu.dma_semaphore, #tpu.memory_space<semaphore_mem>>) src(%dma_wait3A_1396 : memref<40xi32, #tpu.memory_space<hbm>>) dst(%dma_wait3A_1393 : memref<40xi32, #tpu.memory_space<vmem>>)
      %dma_start3A_1397 = arith.constant 3 : i32
      %dma_start3A_1398 = arith.constant 1 : i32
      %dma_start3A_1399 = arith.constant 1 : i32
      %dma_start3A_1400 = arith.constant 0 : i32
      %dma_start3A_1401 = arith.constant 0 : i32
      %dma_start3A_1402 = tpu.memref_slice %arg12[%dma_start3A_1398, %dma_start3A_1400, %dma_start3A_1401] : memref<2x40x80xi32, #tpu.memory_space<vmem>> -> memref<1x40x80xi32, #tpu.memory_space<vmem>>
      %dma_start3A_1403 = tpu.memref_squeeze %dma_start3A_1402 : memref<1x40x80xi32, #tpu.memory_space<vmem>> -> memref<40x80xi32, #tpu.memory_space<vmem>>
      %dma_start3A_1404 = arith.constant 0 : i32
      %dma_start3A_1405 = tpu.memref_slice %arg10[%dma_start3A_1397, %dma_start3A_1404] : memref<4x40xi32, #tpu.memory_space<vmem>> -> memref<1x40xi32, #tpu.memory_space<vmem>>
      %dma_start3A_1406 = tpu.memref_squeeze %dma_start3A_1405 : memref<1x40xi32, #tpu.memory_space<vmem>> -> memref<40xi32, #tpu.memory_space<vmem>>
      %dma_start3A_1407 = arith.constant 0 : i32
      %dma_start3A_1408 = arith.constant 0 : i32
      %dma_start3A_1409 = tpu.memref_slice %arg4[%dma_start3A_1407, %dma_start3A_1408] : memref<10000x80xi32, #tpu.memory_space<hbm>> -> memref<10000x80xi32, #tpu.memory_space<hbm>>
      %dma_start3A_1410 = tpu.memref_slice %arg17[%dma_start3A_1399] : memref<2x!tpu.dma_semaphore, #tpu.memory_space<semaphore_mem>> -> memref<1x!tpu.dma_semaphore, #tpu.memory_space<semaphore_mem>>
      %dma_start3A_1411 = tpu.memref_squeeze %dma_start3A_1410 : memref<1x!tpu.dma_semaphore, #tpu.memory_space<semaphore_mem>> -> memref<!tpu.dma_semaphore, #tpu.memory_space<semaphore_mem>>
      tpu.enqueue_indirect_dma source(%dma_start3A_1409 : memref<10000x80xi32, #tpu.memory_space<hbm>>) target(%dma_start3A_1403 : memref<40x80xi32, #tpu.memory_space<vmem>>) offsets(%dma_start3A_1406 : memref<40xi32, #tpu.memory_space<vmem>>) semaphore(%dma_start3A_1411 : memref<!tpu.dma_semaphore, #tpu.memory_space<semaphore_mem>>)
      %dma_start3A_1412 = arith.constant 3 : i32
      %dma_start3A_1413 = arith.constant 1 : i32
      %dma_start3A_1414 = arith.constant 1 : i32
      %dma_start3A_1415 = arith.constant 0 : i32
      %dma_start3A_1416 = arith.constant 0 : i32
      %dma_start3A_1417 = tpu.memref_slice %arg13[%dma_start3A_1413, %dma_start3A_1415, %dma_start3A_1416] : memref<2x40x16xf32, #tpu.memory_space<vmem>> -> memref<1x40x16xf32, #tpu.memory_space<vmem>>
      %dma_start3A_1418 = tpu.memref_squeeze %dma_start3A_1417 : memref<1x40x16xf32, #tpu.memory_space<vmem>> -> memref<40x16xf32, #tpu.memory_space<vmem>>
      %dma_start3A_1419 = arith.constant 0 : i32
      %dma_start3A_1420 = tpu.memref_slice %arg11[%dma_start3A_1412, %dma_start3A_1419] : memref<4x40xi32, #tpu.memory_space<vmem>> -> memref<1x40xi32, #tpu.memory_space<vmem>>
      %dma_start3A_1421 = tpu.memref_squeeze %dma_start3A_1420 : memref<1x40xi32, #tpu.memory_space<vmem>> -> memref<40xi32, #tpu.memory_space<vmem>>
      %dma_start3A_1422 = arith.constant 0 : i32
      %dma_start3A_1423 = arith.constant 0 : i32
      %dma_start3A_1424 = tpu.memref_slice %arg5[%dma_start3A_1422, %dma_start3A_1423] : memref<10000x16xf32, #tpu.memory_space<hbm>> -> memref<10000x16xf32, #tpu.memory_space<hbm>>
      %dma_start3A_1425 = tpu.memref_slice %arg17[%dma_start3A_1414] : memref<2x!tpu.dma_semaphore, #tpu.memory_space<semaphore_mem>> -> memref<1x!tpu.dma_semaphore, #tpu.memory_space<semaphore_mem>>
      %dma_start3A_1426 = tpu.memref_squeeze %dma_start3A_1425 : memref<1x!tpu.dma_semaphore, #tpu.memory_space<semaphore_mem>> -> memref<!tpu.dma_semaphore, #tpu.memory_space<semaphore_mem>>
      tpu.enqueue_indirect_dma source(%dma_start3A_1424 : memref<10000x16xf32, #tpu.memory_space<hbm>>) target(%dma_start3A_1418 : memref<40x16xf32, #tpu.memory_space<vmem>>) offsets(%dma_start3A_1421 : memref<40xi32, #tpu.memory_space<vmem>>) semaphore(%dma_start3A_1426 : memref<!tpu.dma_semaphore, #tpu.memory_space<semaphore_mem>>)
      %dma_wait3A_1427 = arith.constant 0 : i32
      %dma_wait3A_1428 = arith.constant 0 : i32
      %dma_wait3A_1429 = arith.constant 0 : i32
      %dma_wait3A_1430 = arith.constant 0 : i32
      %dma_wait3A_1431 = arith.constant 0 : i32
      %dma_wait3A_1432 = tpu.memref_slice %arg14[%dma_wait3A_1427, %dma_wait3A_1430, %dma_wait3A_1431] : memref<2x40x144xf32, #tpu.memory_space<vmem>> -> memref<1x40x144xf32, #tpu.memory_space<vmem>>
      %dma_wait3A_1433 = tpu.memref_squeeze %dma_wait3A_1432 : memref<1x40x144xf32, #tpu.memory_space<vmem>> -> memref<40x144xf32, #tpu.memory_space<vmem>>
      %dma_wait3A_1434 = arith.constant 0 : i32
      %dma_wait3A_1435 = tpu.memref_slice %arg11[%dma_wait3A_1428, %dma_wait3A_1434] : memref<4x40xi32, #tpu.memory_space<vmem>> -> memref<1x40xi32, #tpu.memory_space<vmem>>
      %dma_wait3A_1436 = tpu.memref_squeeze %dma_wait3A_1435 : memref<1x40xi32, #tpu.memory_space<vmem>> -> memref<40xi32, #tpu.memory_space<vmem>>
      %dma_wait3A_1437 = arith.constant 0 : i32
      %dma_wait3A_1438 = arith.constant 0 : i32
      %dma_wait3A_1439 = tpu.memref_slice %arg9[%dma_wait3A_1437, %dma_wait3A_1438] : memref<10000x144xf32, #tpu.memory_space<vmem_shared>> -> memref<10000x144xf32, #tpu.memory_space<vmem_shared>>
      %dma_wait3A_1440 = tpu.memref_slice %arg18[%dma_wait3A_1429] : memref<2x!tpu.dma_semaphore, #tpu.memory_space<semaphore_mem>> -> memref<1x!tpu.dma_semaphore, #tpu.memory_space<semaphore_mem>>
      %dma_wait3A_1441 = tpu.memref_squeeze %dma_wait3A_1440 : memref<1x!tpu.dma_semaphore, #tpu.memory_space<semaphore_mem>> -> memref<!tpu.dma_semaphore, #tpu.memory_space<semaphore_mem>>
      tpu.wait_indirect_dma semaphore(%dma_wait3A_1441 : memref<!tpu.dma_semaphore, #tpu.memory_space<semaphore_mem>>) src(%dma_wait3A_1433 : memref<40x144xf32, #tpu.memory_space<vmem>>) dst(%dma_wait3A_1439 : memref<10000x144xf32, #tpu.memory_space<vmem_shared>>)
      %add3A_1442 = arith.constant 2 : i32
      %add3A_1443 = arith.addi %add3A_1362, %add3A_1442 : i32
      %dma_start3A_1444 = arith.constant 0 : i32
      %dma_start3A_1445 = arith.constant 0 : i32
      %dma_start3A_1446 = arith.constant 0 : i32
      %dma_start3A_1447 = tpu.memref_slice %arg10[%dma_start3A_1444, %dma_start3A_1446] : memref<4x40xi32, #tpu.memory_space<vmem>> -> memref<1x40xi32, #tpu.memory_space<vmem>>
      %dma_start3A_1448 = tpu.memref_squeeze %dma_start3A_1447 : memref<1x40xi32, #tpu.memory_space<vmem>> -> memref<40xi32, #tpu.memory_space<vmem>>
      %dma_start3A_1449 = arith.constant 0 : i32
      %dma_start3A_1450 = tpu.memref_slice %arg2[%add3A, %add3A_1443, %dma_start3A_1449] : memref<32x250x40xi32, #tpu.memory_space<hbm>> -> memref<1x1x40xi32, #tpu.memory_space<hbm>>
      %dma_start3A_1451 = tpu.memref_squeeze %dma_start3A_1450 : memref<1x1x40xi32, #tpu.memory_space<hbm>> -> memref<40xi32, #tpu.memory_space<hbm>>
      %dma_start3A_1452 = tpu.memref_slice %arg16[%dma_start3A_1445] : memref<4x!tpu.dma_semaphore, #tpu.memory_space<semaphore_mem>> -> memref<1x!tpu.dma_semaphore, #tpu.memory_space<semaphore_mem>>
      %dma_start3A_1453 = tpu.memref_squeeze %dma_start3A_1452 : memref<1x!tpu.dma_semaphore, #tpu.memory_space<semaphore_mem>> -> memref<!tpu.dma_semaphore, #tpu.memory_space<semaphore_mem>>
      %dma_start3A_1454 = arith.constant 0 : i32
      %dma_start3A_1455 = tpu.memref_slice %arg10[%dma_start3A_1444, %dma_start3A_1454] : memref<4x40xi32, #tpu.memory_space<vmem>> -> memref<1x40xi32, #tpu.memory_space<vmem>>
      %dma_start3A_1456 = tpu.memref_squeeze %dma_start3A_1455 : memref<1x40xi32, #tpu.memory_space<vmem>> -> memref<40xi32, #tpu.memory_space<vmem>>
      %dma_start3A_1457 = arith.constant 0 : i32
      %dma_start3A_1458 = tpu.memref_slice %arg2[%add3A, %add3A_1443, %dma_start3A_1457] : memref<32x250x40xi32, #tpu.memory_space<hbm>> -> memref<1x1x40xi32, #tpu.memory_space<hbm>>
      %dma_start3A_1459 = tpu.memref_squeeze %dma_start3A_1458 : memref<1x1x40xi32, #tpu.memory_space<hbm>> -> memref<40xi32, #tpu.memory_space<hbm>>
      tpu.enqueue_dma source(%dma_start3A_1459 : memref<40xi32, #tpu.memory_space<hbm>>) target(%dma_start3A_1456 : memref<40xi32, #tpu.memory_space<vmem>>) target_semaphore(%dma_start3A_1453 : memref<!tpu.dma_semaphore, #tpu.memory_space<semaphore_mem>>)
      %dma_start3A_1460 = arith.constant 0 : i32
      %dma_start3A_1461 = arith.constant 0 : i32
      %dma_start3A_1462 = arith.constant 0 : i32
      %dma_start3A_1463 = tpu.memref_slice %arg11[%dma_start3A_1460, %dma_start3A_1462] : memref<4x40xi32, #tpu.memory_space<vmem>> -> memref<1x40xi32, #tpu.memory_space<vmem>>
      %dma_start3A_1464 = tpu.memref_squeeze %dma_start3A_1463 : memref<1x40xi32, #tpu.memory_space<vmem>> -> memref<40xi32, #tpu.memory_space<vmem>>
      %dma_start3A_1465 = arith.constant 0 : i32
      %dma_start3A_1466 = tpu.memref_slice %arg3[%add3A, %add3A_1443, %dma_start3A_1465] : memref<32x250x40xi32, #tpu.memory_space<hbm>> -> memref<1x1x40xi32, #tpu.memory_space<hbm>>
      %dma_start3A_1467 = tpu.memref_squeeze %dma_start3A_1466 : memref<1x1x40xi32, #tpu.memory_space<hbm>> -> memref<40xi32, #tpu.memory_space<hbm>>
      %dma_start3A_1468 = tpu.memref_slice %arg16[%dma_start3A_1461] : memref<4x!tpu.dma_semaphore, #tpu.memory_space<semaphore_mem>> -> memref<1x!tpu.dma_semaphore, #tpu.memory_space<semaphore_mem>>
      %dma_start3A_1469 = tpu.memref_squeeze %dma_start3A_1468 : memref<1x!tpu.dma_semaphore, #tpu.memory_space<semaphore_mem>> -> memref<!tpu.dma_semaphore, #tpu.memory_space<semaphore_mem>>
      %dma_start3A_1470 = arith.constant 0 : i32
      %dma_start3A_1471 = tpu.memref_slice %arg11[%dma_start3A_1460, %dma_start3A_1470] : memref<4x40xi32, #tpu.memory_space<vmem>> -> memref<1x40xi32, #tpu.memory_space<vmem>>
      %dma_start3A_1472 = tpu.memref_squeeze %dma_start3A_1471 : memref<1x40xi32, #tpu.memory_space<vmem>> -> memref<40xi32, #tpu.memory_space<vmem>>
      %dma_start3A_1473 = arith.constant 0 : i32
      %dma_start3A_1474 = tpu.memref_slice %arg3[%add3A, %add3A_1443, %dma_start3A_1473] : memref<32x250x40xi32, #tpu.memory_space<hbm>> -> memref<1x1x40xi32, #tpu.memory_space<hbm>>
      %dma_start3A_1475 = tpu.memref_squeeze %dma_start3A_1474 : memref<1x1x40xi32, #tpu.memory_space<hbm>> -> memref<40xi32, #tpu.memory_space<hbm>>
      tpu.enqueue_dma source(%dma_start3A_1475 : memref<40xi32, #tpu.memory_space<hbm>>) target(%dma_start3A_1472 : memref<40xi32, #tpu.memory_space<vmem>>) target_semaphore(%dma_start3A_1469 : memref<!tpu.dma_semaphore, #tpu.memory_space<semaphore_mem>>)
      %dma_wait3A_1476 = arith.constant 2 : i32
      %dma_wait3A_1477 = arith.constant 0 : i32
      %dma_wait3A_1478 = arith.constant 0 : i32
      %dma_wait3A_1479 = arith.constant 0 : i32
      %dma_wait3A_1480 = arith.constant 0 : i32
      %dma_wait3A_1481 = tpu.memref_slice %arg12[%dma_wait3A_1477, %dma_wait3A_1479, %dma_wait3A_1480] : memref<2x40x80xi32, #tpu.memory_space<vmem>> -> memref<1x40x80xi32, #tpu.memory_space<vmem>>
      %dma_wait3A_1482 = tpu.memref_squeeze %dma_wait3A_1481 : memref<1x40x80xi32, #tpu.memory_space<vmem>> -> memref<40x80xi32, #tpu.memory_space<vmem>>
      %dma_wait3A_1483 = arith.constant 0 : i32
      %dma_wait3A_1484 = tpu.memref_slice %arg10[%dma_wait3A_1476, %dma_wait3A_1483] : memref<4x40xi32, #tpu.memory_space<vmem>> -> memref<1x40xi32, #tpu.memory_space<vmem>>
      %dma_wait3A_1485 = tpu.memref_squeeze %dma_wait3A_1484 : memref<1x40xi32, #tpu.memory_space<vmem>> -> memref<40xi32, #tpu.memory_space<vmem>>
      %dma_wait3A_1486 = arith.constant 0 : i32
      %dma_wait3A_1487 = arith.constant 0 : i32
      %dma_wait3A_1488 = tpu.memref_slice %arg4[%dma_wait3A_1486, %dma_wait3A_1487] : memref<10000x80xi32, #tpu.memory_space<hbm>> -> memref<10000x80xi32, #tpu.memory_space<hbm>>
      %dma_wait3A_1489 = tpu.memref_slice %arg17[%dma_wait3A_1478] : memref<2x!tpu.dma_semaphore, #tpu.memory_space<semaphore_mem>> -> memref<1x!tpu.dma_semaphore, #tpu.memory_space<semaphore_mem>>
      %dma_wait3A_1490 = tpu.memref_squeeze %dma_wait3A_1489 : memref<1x!tpu.dma_semaphore, #tpu.memory_space<semaphore_mem>> -> memref<!tpu.dma_semaphore, #tpu.memory_space<semaphore_mem>>
      tpu.wait_indirect_dma semaphore(%dma_wait3A_1490 : memref<!tpu.dma_semaphore, #tpu.memory_space<semaphore_mem>>) src(%dma_wait3A_1488 : memref<10000x80xi32, #tpu.memory_space<hbm>>) dst(%dma_wait3A_1482 : memref<40x80xi32, #tpu.memory_space<vmem>>)
      %dma_wait3A_1491 = arith.constant 2 : i32
      %dma_wait3A_1492 = arith.constant 0 : i32
      %dma_wait3A_1493 = arith.constant 0 : i32
      %dma_wait3A_1494 = arith.constant 0 : i32
      %dma_wait3A_1495 = arith.constant 0 : i32
      %dma_wait3A_1496 = tpu.memref_slice %arg13[%dma_wait3A_1492, %dma_wait3A_1494, %dma_wait3A_1495] : memref<2x40x16xf32, #tpu.memory_space<vmem>> -> memref<1x40x16xf32, #tpu.memory_space<vmem>>
      %dma_wait3A_1497 = tpu.memref_squeeze %dma_wait3A_1496 : memref<1x40x16xf32, #tpu.memory_space<vmem>> -> memref<40x16xf32, #tpu.memory_space<vmem>>
      %dma_wait3A_1498 = arith.constant 0 : i32
      %dma_wait3A_1499 = tpu.memref_slice %arg11[%dma_wait3A_1491, %dma_wait3A_1498] : memref<4x40xi32, #tpu.memory_space<vmem>> -> memref<1x40xi32, #tpu.memory_space<vmem>>
      %dma_wait3A_1500 = tpu.memref_squeeze %dma_wait3A_1499 : memref<1x40xi32, #tpu.memory_space<vmem>> -> memref<40xi32, #tpu.memory_space<vmem>>
      %dma_wait3A_1501 = arith.constant 0 : i32
      %dma_wait3A_1502 = arith.constant 0 : i32
      %dma_wait3A_1503 = tpu.memref_slice %arg5[%dma_wait3A_1501, %dma_wait3A_1502] : memref<10000x16xf32, #tpu.memory_space<hbm>> -> memref<10000x16xf32, #tpu.memory_space<hbm>>
      %dma_wait3A_1504 = tpu.memref_slice %arg17[%dma_wait3A_1493] : memref<2x!tpu.dma_semaphore, #tpu.memory_space<semaphore_mem>> -> memref<1x!tpu.dma_semaphore, #tpu.memory_space<semaphore_mem>>
      %dma_wait3A_1505 = tpu.memref_squeeze %dma_wait3A_1504 : memref<1x!tpu.dma_semaphore, #tpu.memory_space<semaphore_mem>> -> memref<!tpu.dma_semaphore, #tpu.memory_space<semaphore_mem>>
      tpu.wait_indirect_dma semaphore(%dma_wait3A_1505 : memref<!tpu.dma_semaphore, #tpu.memory_space<semaphore_mem>>) src(%dma_wait3A_1503 : memref<10000x16xf32, #tpu.memory_space<hbm>>) dst(%dma_wait3A_1497 : memref<40x16xf32, #tpu.memory_space<vmem>>)
      %scan3A_1506 = arith.constant 0 : i32
      %scan3A_1507 = arith.constant 0 : i32
      %scan3A_1508 = arith.constant 40 : i32
      %scan3A_1509 = arith.addi %scan3A_1507, %scan3A_1508 : i32
      %scan3A_1510 = arith.constant 1 : i32
      %scan3A_1511 = scf.for %scan3A_1698 = %scan3A_1507 to %scan3A_1509 step %scan3A_1510 iter_args(%scan3A_1699 = %scan3A_1506) -> (i32)  : i32 {
        %get3A_1700 = arith.constant 0 : i32
        %get3A_1701 = arith.index_cast %get3A_1700 : i32 to index
        %get3A_1702 = arith.index_cast %scan3A_1698 : i32 to index
        %get3A_1703 = arith.constant 64 : index
        %get3A_1704 = tpu.vector_load %arg12[%get3A_1701, %get3A_1702, %get3A_1703] {strides = array<i32>} : memref<2x40x80xi32, #tpu.memory_space<vmem>>, vector<16xi32>,
        %bitcast3A = vector.bitcast %get3A_1704 : vector<16xi32> to vector<16xf32>
        %get3A_1705 = arith.constant 0 : i32
        %get3A_1706 = arith.index_cast %get3A_1705 : i32 to index
        %get3A_1707 = arith.index_cast %scan3A_1698 : i32 to index
        %get3A_1708 = arith.constant 0 : index
        %get3A_1709 = tpu.vector_load %arg13[%get3A_1706, %get3A_1707, %get3A_1708] {strides = array<i32>} : memref<2x40x16xf32, #tpu.memory_space<vmem>>, vector<16xf32>,
        %sub3A = arith.subf %bitcast3A, %get3A_1709 : vector<16xf32>
        %abs3A = math.absf %sub3A : vector<16xf32>
        %mul3A_1710 = arith.mulf %abs3A, %get3A_3 : vector<16xf32>
        %exp3A = math.exp %mul3A_1710 : vector<16xf32>
        %broadcast_in_dim3A_1711 = vector.shape_cast %broadcast_in_dim3A_4 : vector<16xi32> to vector<16x1xi32>
        %gather3A = vector.shape_cast %broadcast_in_dim3A_1711 : vector<16x1xi32> to vector<16xi32>
        %gather3A_1712 = tpu.dynamic_gather %exp3A[%gather3A] in [0] : vector<16xf32>, vector<16xi32> -> vector<16xf32>
        %add3A_1713 = arith.addf %bitcast3A, %get3A_1709 : vector<16xf32>
        %mul3A_1714 = arith.mulf %add3A_1713, %gather3A_1712 : vector<16xf32>
        %mul3A_1715 = arith.constant 2.000000e-01 : f32
        %mul3A_1716 = vector.broadcast %mul3A_1715 : f32 to vector<16xf32>
        %mul3A_1717 = arith.mulf %mul3A_1716, %mul3A_1714 : vector<16xf32>
        %max3A = arith.maximumf %mul3A_1714, %mul3A_1717 : vector<16xf32>
        %exp3A_1718 = math.exp %max3A : vector<16xf32>
        %swap3A = arith.constant 0 : i32
        %swap3A_1719 = arith.index_cast %swap3A : i32 to index
        %swap3A_1720 = arith.index_cast %scan3A_1698 : i32 to index
        %swap3A_1721 = arith.constant 128 : index
        %swap3A_1722 = tpu.vector_load %arg14[%swap3A_1719, %swap3A_1720, %swap3A_1721] {strides = array<i32>} : memref<2x40x144xf32, #tpu.memory_space<vmem>>, vector<16xf32>,
        tpu.vector_store %arg14[%swap3A_1719, %swap3A_1720, %swap3A_1721], %exp3A_1718 {strides = array<i32>} : memref<2x40x144xf32, #tpu.memory_space<vmem>>, vector<16xf32>,
        %broadcast_in_dim3A_1723 = vector.shape_cast %select_n3A_19 : vector<16xi32> to vector<16x1xi32>
        %gather3A_1724 = vector.shape_cast %broadcast_in_dim3A_1723 : vector<16x1xi32> to vector<16xi32>
        %gather3A_1725 = tpu.dynamic_gather %exp3A_1718[%gather3A_1724] in [0] : vector<16xf32>, vector<16xi32> -> vector<16xf32>
        %get3A_1726 = arith.constant 0 : i32
        %get3A_1727 = arith.index_cast %get3A_1726 : i32 to index
        %get3A_1728 = arith.index_cast %scan3A_1698 : i32 to index
        %get3A_1729 = arith.constant 0 : index
        %get3A_1730 = tpu.vector_load %arg12[%get3A_1727, %get3A_1728, %get3A_1729] {strides = array<i32>} : memref<2x40x80xi32, #tpu.memory_space<vmem>>, vector<16xi32>,
        %bitcast3A_1731 = vector.bitcast %get3A_1730 : vector<16xi32> to vector<32xbf16>
        %unpack3A = tpu.unpack_subelements %bitcast3A_1731, 0 {pack_format = #tpu.pack_format<interleaved>} : vector<32xbf16> -> vector<16xf32>
        %unpack3A_1732 = tpu.unpack_subelements %bitcast3A_1731, 1 {pack_format = #tpu.pack_format<interleaved>} : vector<32xbf16> -> vector<16xf32>
        %mul3A_1733 = arith.mulf %unpack3A, %gather3A_1725 : vector<16xf32>
        %swap3A_1734 = arith.constant 0 : i32
        %swap3A_1735 = arith.index_cast %swap3A_1734 : i32 to index
        %swap3A_1736 = arith.index_cast %scan3A_1698 : i32 to index
        %swap3A_1737 = arith.constant 0 : index
        %swap3A_1738 = tpu.vector_load %arg14[%swap3A_1735, %swap3A_1736, %swap3A_1737] {strides = array<i32>} : memref<2x40x144xf32, #tpu.memory_space<vmem>>, vector<16xf32>,
        tpu.vector_store %arg14[%swap3A_1735, %swap3A_1736, %swap3A_1737], %mul3A_1733 {strides = array<i32>} : memref<2x40x144xf32, #tpu.memory_space<vmem>>, vector<16xf32>,
        %mul3A_1739 = arith.mulf %unpack3A_1732, %gather3A_1725 : vector<16xf32>
        %swap3A_1740 = arith.constant 0 : i32
        %swap3A_1741 = arith.index_cast %swap3A_1740 : i32 to index
        %swap3A_1742 = arith.index_cast %scan3A_1698 : i32 to index
        %swap3A_1743 = arith.constant 16 : index
        %swap3A_1744 = tpu.vector_load %arg14[%swap3A_1741, %swap3A_1742, %swap3A_1743] {strides = array<i32>} : memref<2x40x144xf32, #tpu.memory_space<vmem>>, vector<16xf32>,
        tpu.vector_store %arg14[%swap3A_1741, %swap3A_1742, %swap3A_1743], %mul3A_1739 {strides = array<i32>} : memref<2x40x144xf32, #tpu.memory_space<vmem>>, vector<16xf32>,
        %get3A_1745 = arith.constant 0 : i32
        %get3A_1746 = arith.index_cast %get3A_1745 : i32 to index
        %get3A_1747 = arith.index_cast %scan3A_1698 : i32 to index
        %get3A_1748 = arith.constant 16 : index
        %get3A_1749 = tpu.vector_load %arg12[%get3A_1746, %get3A_1747, %get3A_1748] {strides = array<i32>} : memref<2x40x80xi32, #tpu.memory_space<vmem>>, vector<16xi32>,
        %bitcast3A_1750 = vector.bitcast %get3A_1749 : vector<16xi32> to vector<32xbf16>
        %unpack3A_1751 = tpu.unpack_subelements %bitcast3A_1750, 0 {pack_format = #tpu.pack_format<interleaved>} : vector<32xbf16> -> vector<16xf32>
        %unpack3A_1752 = tpu.unpack_subelements %bitcast3A_1750, 1 {pack_format = #tpu.pack_format<interleaved>} : vector<32xbf16> -> vector<16xf32>
        %mul3A_1753 = arith.mulf %unpack3A_1751, %gather3A_1725 : vector<16xf32>
        %swap3A_1754 = arith.constant 0 : i32
        %swap3A_1755 = arith.index_cast %swap3A_1754 : i32 to index
        %swap3A_1756 = arith.index_cast %scan3A_1698 : i32 to index
        %swap3A_1757 = arith.constant 32 : index
        %swap3A_1758 = tpu.vector_load %arg14[%swap3A_1755, %swap3A_1756, %swap3A_1757] {strides = array<i32>} : memref<2x40x144xf32, #tpu.memory_space<vmem>>, vector<16xf32>,
        tpu.vector_store %arg14[%swap3A_1755, %swap3A_1756, %swap3A_1757], %mul3A_1753 {strides = array<i32>} : memref<2x40x144xf32, #tpu.memory_space<vmem>>, vector<16xf32>,
        %mul3A_1759 = arith.mulf %unpack3A_1752, %gather3A_1725 : vector<16xf32>
        %swap3A_1760 = arith.constant 0 : i32
        %swap3A_1761 = arith.index_cast %swap3A_1760 : i32 to index
        %swap3A_1762 = arith.index_cast %scan3A_1698 : i32 to index
        %swap3A_1763 = arith.constant 48 : index
        %swap3A_1764 = tpu.vector_load %arg14[%swap3A_1761, %swap3A_1762, %swap3A_1763] {strides = array<i32>} : memref<2x40x144xf32, #tpu.memory_space<vmem>>, vector<16xf32>,
        tpu.vector_store %arg14[%swap3A_1761, %swap3A_1762, %swap3A_1763], %mul3A_1759 {strides = array<i32>} : memref<2x40x144xf32, #tpu.memory_space<vmem>>, vector<16xf32>,
        %get3A_1765 = arith.constant 0 : i32
        %get3A_1766 = arith.index_cast %get3A_1765 : i32 to index
        %get3A_1767 = arith.index_cast %scan3A_1698 : i32 to index
        %get3A_1768 = arith.constant 32 : index
        %get3A_1769 = tpu.vector_load %arg12[%get3A_1766, %get3A_1767, %get3A_1768] {strides = array<i32>} : memref<2x40x80xi32, #tpu.memory_space<vmem>>, vector<16xi32>,
        %bitcast3A_1770 = vector.bitcast %get3A_1769 : vector<16xi32> to vector<32xbf16>
        %unpack3A_1771 = tpu.unpack_subelements %bitcast3A_1770, 0 {pack_format = #tpu.pack_format<interleaved>} : vector<32xbf16> -> vector<16xf32>
        %unpack3A_1772 = tpu.unpack_subelements %bitcast3A_1770, 1 {pack_format = #tpu.pack_format<interleaved>} : vector<32xbf16> -> vector<16xf32>
        %mul3A_1773 = arith.mulf %unpack3A_1771, %gather3A_1725 : vector<16xf32>
        %swap3A_1774 = arith.constant 0 : i32
        %swap3A_1775 = arith.index_cast %swap3A_1774 : i32 to index
        %swap3A_1776 = arith.index_cast %scan3A_1698 : i32 to index
        %swap3A_1777 = arith.constant 64 : index
        %swap3A_1778 = tpu.vector_load %arg14[%swap3A_1775, %swap3A_1776, %swap3A_1777] {strides = array<i32>} : memref<2x40x144xf32, #tpu.memory_space<vmem>>, vector<16xf32>,
        tpu.vector_store %arg14[%swap3A_1775, %swap3A_1776, %swap3A_1777], %mul3A_1773 {strides = array<i32>} : memref<2x40x144xf32, #tpu.memory_space<vmem>>, vector<16xf32>,
        %mul3A_1779 = arith.mulf %unpack3A_1772, %gather3A_1725 : vector<16xf32>
        %swap3A_1780 = arith.constant 0 : i32
        %swap3A_1781 = arith.index_cast %swap3A_1780 : i32 to index
        %swap3A_1782 = arith.index_cast %scan3A_1698 : i32 to index
        %swap3A_1783 = arith.constant 80 : index
        %swap3A_1784 = tpu.vector_load %arg14[%swap3A_1781, %swap3A_1782, %swap3A_1783] {strides = array<i32>} : memref<2x40x144xf32, #tpu.memory_space<vmem>>, vector<16xf32>,
        tpu.vector_store %arg14[%swap3A_1781, %swap3A_1782, %swap3A_1783], %mul3A_1779 {strides = array<i32>} : memref<2x40x144xf32, #tpu.memory_space<vmem>>, vector<16xf32>,
        %get3A_1785 = arith.constant 0 : i32
        %get3A_1786 = arith.index_cast %get3A_1785 : i32 to index
        %get3A_1787 = arith.index_cast %scan3A_1698 : i32 to index
        %get3A_1788 = arith.constant 48 : index
        %get3A_1789 = tpu.vector_load %arg12[%get3A_1786, %get3A_1787, %get3A_1788] {strides = array<i32>} : memref<2x40x80xi32, #tpu.memory_space<vmem>>, vector<16xi32>,
        %bitcast3A_1790 = vector.bitcast %get3A_1789 : vector<16xi32> to vector<32xbf16>
        %unpack3A_1791 = tpu.unpack_subelements %bitcast3A_1790, 0 {pack_format = #tpu.pack_format<interleaved>} : vector<32xbf16> -> vector<16xf32>
        %unpack3A_1792 = tpu.unpack_subelements %bitcast3A_1790, 1 {pack_format = #tpu.pack_format<interleaved>} : vector<32xbf16> -> vector<16xf32>
        %mul3A_1793 = arith.mulf %unpack3A_1791, %gather3A_1725 : vector<16xf32>
        %swap3A_1794 = arith.constant 0 : i32
        %swap3A_1795 = arith.index_cast %swap3A_1794 : i32 to index
        %swap3A_1796 = arith.index_cast %scan3A_1698 : i32 to index
        %swap3A_1797 = arith.constant 96 : index
        %swap3A_1798 = tpu.vector_load %arg14[%swap3A_1795, %swap3A_1796, %swap3A_1797] {strides = array<i32>} : memref<2x40x144xf32, #tpu.memory_space<vmem>>, vector<16xf32>,
        tpu.vector_store %arg14[%swap3A_1795, %swap3A_1796, %swap3A_1797], %mul3A_1793 {strides = array<i32>} : memref<2x40x144xf32, #tpu.memory_space<vmem>>, vector<16xf32>,
        %mul3A_1799 = arith.mulf %unpack3A_1792, %gather3A_1725 : vector<16xf32>
        %swap3A_1800 = arith.constant 0 : i32
        %swap3A_1801 = arith.index_cast %swap3A_1800 : i32 to index
        %swap3A_1802 = arith.index_cast %scan3A_1698 : i32 to index
        %swap3A_1803 = arith.constant 112 : index
        %swap3A_1804 = tpu.vector_load %arg14[%swap3A_1801, %swap3A_1802, %swap3A_1803] {strides = array<i32>} : memref<2x40x144xf32, #tpu.memory_space<vmem>>, vector<16xf32>,
        tpu.vector_store %arg14[%swap3A_1801, %swap3A_1802, %swap3A_1803], %mul3A_1799 {strides = array<i32>} : memref<2x40x144xf32, #tpu.memory_space<vmem>>, vector<16xf32>,
        %scan3A_1805 = arith.constant 0 : i32
        scf.yield %scan3A_1805 : i32
      }
      %scan3A_1512 = arith.constant 40 : i32
      %dma_start3A_1513 = arith.constant 0 : i32
      %dma_start3A_1514 = arith.constant 2 : i32
      %dma_start3A_1515 = arith.constant 0 : i32
      %dma_start3A_1516 = arith.constant 0 : i32
      %dma_start3A_1517 = arith.constant 0 : i32
      %dma_start3A_1518 = tpu.memref_slice %arg14[%dma_start3A_1513, %dma_start3A_1516, %dma_start3A_1517] : memref<2x40x144xf32, #tpu.memory_space<vmem>> -> memref<1x40x144xf32, #tpu.memory_space<vmem>>
      %dma_start3A_1519 = tpu.memref_squeeze %dma_start3A_1518 : memref<1x40x144xf32, #tpu.memory_space<vmem>> -> memref<40x144xf32, #tpu.memory_space<vmem>>
      %dma_start3A_1520 = arith.constant 0 : i32
      %dma_start3A_1521 = tpu.memref_slice %arg11[%dma_start3A_1514, %dma_start3A_1520] : memref<4x40xi32, #tpu.memory_space<vmem>> -> memref<1x40xi32, #tpu.memory_space<vmem>>
      %dma_start3A_1522 = tpu.memref_squeeze %dma_start3A_1521 : memref<1x40xi32, #tpu.memory_space<vmem>> -> memref<40xi32, #tpu.memory_space<vmem>>
      %dma_start3A_1523 = arith.constant 0 : i32
      %dma_start3A_1524 = arith.constant 0 : i32
      %dma_start3A_1525 = tpu.memref_slice %arg9[%dma_start3A_1523, %dma_start3A_1524] : memref<10000x144xf32, #tpu.memory_space<vmem_shared>> -> memref<10000x144xf32, #tpu.memory_space<vmem_shared>>
      %dma_start3A_1526 = tpu.memref_slice %arg18[%dma_start3A_1515] : memref<2x!tpu.dma_semaphore, #tpu.memory_space<semaphore_mem>> -> memref<1x!tpu.dma_semaphore, #tpu.memory_space<semaphore_mem>>
      %dma_start3A_1527 = tpu.memref_squeeze %dma_start3A_1526 : memref<1x!tpu.dma_semaphore, #tpu.memory_space<semaphore_mem>> -> memref<!tpu.dma_semaphore, #tpu.memory_space<semaphore_mem>>
      tpu.enqueue_indirect_dma source(%dma_start3A_1519 : memref<40x144xf32, #tpu.memory_space<vmem>>) target(%dma_start3A_1525 : memref<10000x144xf32, #tpu.memory_space<vmem_shared>>) offsets(%dma_start3A_1522 : memref<40xi32, #tpu.memory_space<vmem>>) semaphore(%dma_start3A_1527 : memref<!tpu.dma_semaphore, #tpu.memory_space<semaphore_mem>>) {add = true}
      %mul3A_1528 = arith.constant 4 : i32
      %mul3A_1529 = arith.muli %mul3A_1528, %scan3A_1019 : i32
      %add3A_1530 = arith.constant 3 : i32
      %add3A_1531 = arith.addi %mul3A_1529, %add3A_1530 : i32
      %add3A_1532 = arith.constant 1 : i32
      %add3A_1533 = arith.addi %add3A_1531, %add3A_1532 : i32
      %dma_wait3A_1534 = arith.constant 0 : i32
      %dma_wait3A_1535 = arith.constant 0 : i32
      %dma_wait3A_1536 = arith.constant 0 : i32
      %dma_wait3A_1537 = tpu.memref_slice %arg10[%dma_wait3A_1534, %dma_wait3A_1536] : memref<4x40xi32, #tpu.memory_space<vmem>> -> memref<1x40xi32, #tpu.memory_space<vmem>>
      %dma_wait3A_1538 = tpu.memref_squeeze %dma_wait3A_1537 : memref<1x40xi32, #tpu.memory_space<vmem>> -> memref<40xi32, #tpu.memory_space<vmem>>
      %dma_wait3A_1539 = arith.constant 0 : i32
      %dma_wait3A_1540 = tpu.memref_slice %arg2[%add3A, %add3A_1533, %dma_wait3A_1539] : memref<32x250x40xi32, #tpu.memory_space<hbm>> -> memref<1x1x40xi32, #tpu.memory_space<hbm>>
      %dma_wait3A_1541 = tpu.memref_squeeze %dma_wait3A_1540 : memref<1x1x40xi32, #tpu.memory_space<hbm>> -> memref<40xi32, #tpu.memory_space<hbm>>
      %dma_wait3A_1542 = tpu.memref_slice %arg16[%dma_wait3A_1535] : memref<4x!tpu.dma_semaphore, #tpu.memory_space<semaphore_mem>> -> memref<1x!tpu.dma_semaphore, #tpu.memory_space<semaphore_mem>>
      %dma_wait3A_1543 = tpu.memref_squeeze %dma_wait3A_1542 : memref<1x!tpu.dma_semaphore, #tpu.memory_space<semaphore_mem>> -> memref<!tpu.dma_semaphore, #tpu.memory_space<semaphore_mem>>
      %dma_wait3A_1544 = arith.constant 0 : i32
      %dma_wait3A_1545 = tpu.memref_slice %arg10[%dma_wait3A_1534, %dma_wait3A_1544] : memref<4x40xi32, #tpu.memory_space<vmem>> -> memref<1x40xi32, #tpu.memory_space<vmem>>
      %dma_wait3A_1546 = tpu.memref_squeeze %dma_wait3A_1545 : memref<1x40xi32, #tpu.memory_space<vmem>> -> memref<40xi32, #tpu.memory_space<vmem>>
      %dma_wait3A_1547 = arith.constant 0 : i32
      %dma_wait3A_1548 = tpu.memref_slice %arg2[%add3A, %add3A_1533, %dma_wait3A_1547] : memref<32x250x40xi32, #tpu.memory_space<hbm>> -> memref<1x1x40xi32, #tpu.memory_space<hbm>>
      %dma_wait3A_1549 = tpu.memref_squeeze %dma_wait3A_1548 : memref<1x1x40xi32, #tpu.memory_space<hbm>> -> memref<40xi32, #tpu.memory_space<hbm>>
      tpu.wait_dma2 semaphore(%dma_wait3A_1543 : memref<!tpu.dma_semaphore, #tpu.memory_space<semaphore_mem>>) src(%dma_wait3A_1549 : memref<40xi32, #tpu.memory_space<hbm>>) dst(%dma_wait3A_1546 : memref<40xi32, #tpu.memory_space<vmem>>)
      %dma_wait3A_1550 = arith.constant 0 : i32
      %dma_wait3A_1551 = arith.constant 0 : i32
      %dma_wait3A_1552 = arith.constant 0 : i32
      %dma_wait3A_1553 = tpu.memref_slice %arg11[%dma_wait3A_1550, %dma_wait3A_1552] : memref<4x40xi32, #tpu.memory_space<vmem>> -> memref<1x40xi32, #tpu.memory_space<vmem>>
      %dma_wait3A_1554 = tpu.memref_squeeze %dma_wait3A_1553 : memref<1x40xi32, #tpu.memory_space<vmem>> -> memref<40xi32, #tpu.memory_space<vmem>>
      %dma_wait3A_1555 = arith.constant 0 : i32
      %dma_wait3A_1556 = tpu.memref_slice %arg3[%add3A, %add3A_1533, %dma_wait3A_1555] : memref<32x250x40xi32, #tpu.memory_space<hbm>> -> memref<1x1x40xi32, #tpu.memory_space<hbm>>
      %dma_wait3A_1557 = tpu.memref_squeeze %dma_wait3A_1556 : memref<1x1x40xi32, #tpu.memory_space<hbm>> -> memref<40xi32, #tpu.memory_space<hbm>>
      %dma_wait3A_1558 = tpu.memref_slice %arg16[%dma_wait3A_1551] : memref<4x!tpu.dma_semaphore, #tpu.memory_space<semaphore_mem>> -> memref<1x!tpu.dma_semaphore, #tpu.memory_space<semaphore_mem>>
      %dma_wait3A_1559 = tpu.memref_squeeze %dma_wait3A_1558 : memref<1x!tpu.dma_semaphore, #tpu.memory_space<semaphore_mem>> -> memref<!tpu.dma_semaphore, #tpu.memory_space<semaphore_mem>>
      %dma_wait3A_1560 = arith.constant 0 : i32
      %dma_wait3A_1561 = tpu.memref_slice %arg11[%dma_wait3A_1550, %dma_wait3A_1560] : memref<4x40xi32, #tpu.memory_space<vmem>> -> memref<1x40xi32, #tpu.memory_space<vmem>>
      %dma_wait3A_1562 = tpu.memref_squeeze %dma_wait3A_1561 : memref<1x40xi32, #tpu.memory_space<vmem>> -> memref<40xi32, #tpu.memory_space<vmem>>
      %dma_wait3A_1563 = arith.constant 0 : i32
      %dma_wait3A_1564 = tpu.memref_slice %arg3[%add3A, %add3A_1533, %dma_wait3A_1563] : memref<32x250x40xi32, #tpu.memory_space<hbm>> -> memref<1x1x40xi32, #tpu.memory_space<hbm>>
      %dma_wait3A_1565 = tpu.memref_squeeze %dma_wait3A_1564 : memref<1x1x40xi32, #tpu.memory_space<hbm>> -> memref<40xi32, #tpu.memory_space<hbm>>
      tpu.wait_dma2 semaphore(%dma_wait3A_1559 : memref<!tpu.dma_semaphore, #tpu.memory_space<semaphore_mem>>) src(%dma_wait3A_1565 : memref<40xi32, #tpu.memory_space<hbm>>) dst(%dma_wait3A_1562 : memref<40xi32, #tpu.memory_space<vmem>>)
      %dma_start3A_1566 = arith.constant 0 : i32
      %dma_start3A_1567 = arith.constant 0 : i32
      %dma_start3A_1568 = arith.constant 0 : i32
      %dma_start3A_1569 = arith.constant 0 : i32
      %dma_start3A_1570 = arith.constant 0 : i32
      %dma_start3A_1571 = tpu.memref_slice %arg12[%dma_start3A_1567, %dma_start3A_1569, %dma_start3A_1570] : memref<2x40x80xi32, #tpu.memory_space<vmem>> -> memref<1x40x80xi32, #tpu.memory_space<vmem>>
      %dma_start3A_1572 = tpu.memref_squeeze %dma_start3A_1571 : memref<1x40x80xi32, #tpu.memory_space<vmem>> -> memref<40x80xi32, #tpu.memory_space<vmem>>
      %dma_start3A_1573 = arith.constant 0 : i32
      %dma_start3A_1574 = tpu.memref_slice %arg10[%dma_start3A_1566, %dma_start3A_1573] : memref<4x40xi32, #tpu.memory_space<vmem>> -> memref<1x40xi32, #tpu.memory_space<vmem>>
      %dma_start3A_1575 = tpu.memref_squeeze %dma_start3A_1574 : memref<1x40xi32, #tpu.memory_space<vmem>> -> memref<40xi32, #tpu.memory_space<vmem>>
      %dma_start3A_1576 = arith.constant 0 : i32
      %dma_start3A_1577 = arith.constant 0 : i32
      %dma_start3A_1578 = tpu.memref_slice %arg4[%dma_start3A_1576, %dma_start3A_1577] : memref<10000x80xi32, #tpu.memory_space<hbm>> -> memref<10000x80xi32, #tpu.memory_space<hbm>>
      %dma_start3A_1579 = tpu.memref_slice %arg17[%dma_start3A_1568] : memref<2x!tpu.dma_semaphore, #tpu.memory_space<semaphore_mem>> -> memref<1x!tpu.dma_semaphore, #tpu.memory_space<semaphore_mem>>
      %dma_start3A_1580 = tpu.memref_squeeze %dma_start3A_1579 : memref<1x!tpu.dma_semaphore, #tpu.memory_space<semaphore_mem>> -> memref<!tpu.dma_semaphore, #tpu.memory_space<semaphore_mem>>
      tpu.enqueue_indirect_dma source(%dma_start3A_1578 : memref<10000x80xi32, #tpu.memory_space<hbm>>) target(%dma_start3A_1572 : memref<40x80xi32, #tpu.memory_space<vmem>>) offsets(%dma_start3A_1575 : memref<40xi32, #tpu.memory_space<vmem>>) semaphore(%dma_start3A_1580 : memref<!tpu.dma_semaphore, #tpu.memory_space<semaphore_mem>>)
      %dma_start3A_1581 = arith.constant 0 : i32
      %dma_start3A_1582 = arith.constant 0 : i32
      %dma_start3A_1583 = arith.constant 0 : i32
      %dma_start3A_1584 = arith.constant 0 : i32
      %dma_start3A_1585 = arith.constant 0 : i32
      %dma_start3A_1586 = tpu.memref_slice %arg13[%dma_start3A_1582, %dma_start3A_1584, %dma_start3A_1585] : memref<2x40x16xf32, #tpu.memory_space<vmem>> -> memref<1x40x16xf32, #tpu.memory_space<vmem>>
      %dma_start3A_1587 = tpu.memref_squeeze %dma_start3A_1586 : memref<1x40x16xf32, #tpu.memory_space<vmem>> -> memref<40x16xf32, #tpu.memory_space<vmem>>
      %dma_start3A_1588 = arith.constant 0 : i32
      %dma_start3A_1589 = tpu.memref_slice %arg11[%dma_start3A_1581, %dma_start3A_1588] : memref<4x40xi32, #tpu.memory_space<vmem>> -> memref<1x40xi32, #tpu.memory_space<vmem>>
      %dma_start3A_1590 = tpu.memref_squeeze %dma_start3A_1589 : memref<1x40xi32, #tpu.memory_space<vmem>> -> memref<40xi32, #tpu.memory_space<vmem>>
      %dma_start3A_1591 = arith.constant 0 : i32
      %dma_start3A_1592 = arith.constant 0 : i32
      %dma_start3A_1593 = tpu.memref_slice %arg5[%dma_start3A_1591, %dma_start3A_1592] : memref<10000x16xf32, #tpu.memory_space<hbm>> -> memref<10000x16xf32, #tpu.memory_space<hbm>>
      %dma_start3A_1594 = tpu.memref_slice %arg17[%dma_start3A_1583] : memref<2x!tpu.dma_semaphore, #tpu.memory_space<semaphore_mem>> -> memref<1x!tpu.dma_semaphore, #tpu.memory_space<semaphore_mem>>
      %dma_start3A_1595 = tpu.memref_squeeze %dma_start3A_1594 : memref<1x!tpu.dma_semaphore, #tpu.memory_space<semaphore_mem>> -> memref<!tpu.dma_semaphore, #tpu.memory_space<semaphore_mem>>
      tpu.enqueue_indirect_dma source(%dma_start3A_1593 : memref<10000x16xf32, #tpu.memory_space<hbm>>) target(%dma_start3A_1587 : memref<40x16xf32, #tpu.memory_space<vmem>>) offsets(%dma_start3A_1590 : memref<40xi32, #tpu.memory_space<vmem>>) semaphore(%dma_start3A_1595 : memref<!tpu.dma_semaphore, #tpu.memory_space<semaphore_mem>>)
      %dma_wait3A_1596 = arith.constant 1 : i32
      %dma_wait3A_1597 = arith.constant 1 : i32
      %dma_wait3A_1598 = arith.constant 1 : i32
      %dma_wait3A_1599 = arith.constant 0 : i32
      %dma_wait3A_1600 = arith.constant 0 : i32
      %dma_wait3A_1601 = tpu.memref_slice %arg14[%dma_wait3A_1596, %dma_wait3A_1599, %dma_wait3A_1600] : memref<2x40x144xf32, #tpu.memory_space<vmem>> -> memref<1x40x144xf32, #tpu.memory_space<vmem>>
      %dma_wait3A_1602 = tpu.memref_squeeze %dma_wait3A_1601 : memref<1x40x144xf32, #tpu.memory_space<vmem>> -> memref<40x144xf32, #tpu.memory_space<vmem>>
      %dma_wait3A_1603 = arith.constant 0 : i32
      %dma_wait3A_1604 = tpu.memref_slice %arg11[%dma_wait3A_1597, %dma_wait3A_1603] : memref<4x40xi32, #tpu.memory_space<vmem>> -> memref<1x40xi32, #tpu.memory_space<vmem>>
      %dma_wait3A_1605 = tpu.memref_squeeze %dma_wait3A_1604 : memref<1x40xi32, #tpu.memory_space<vmem>> -> memref<40xi32, #tpu.memory_space<vmem>>
      %dma_wait3A_1606 = arith.constant 0 : i32
      %dma_wait3A_1607 = arith.constant 0 : i32
      %dma_wait3A_1608 = tpu.memref_slice %arg9[%dma_wait3A_1606, %dma_wait3A_1607] : memref<10000x144xf32, #tpu.memory_space<vmem_shared>> -> memref<10000x144xf32, #tpu.memory_space<vmem_shared>>
      %dma_wait3A_1609 = tpu.memref_slice %arg18[%dma_wait3A_1598] : memref<2x!tpu.dma_semaphore, #tpu.memory_space<semaphore_mem>> -> memref<1x!tpu.dma_semaphore, #tpu.memory_space<semaphore_mem>>
      %dma_wait3A_1610 = tpu.memref_squeeze %dma_wait3A_1609 : memref<1x!tpu.dma_semaphore, #tpu.memory_space<semaphore_mem>> -> memref<!tpu.dma_semaphore, #tpu.memory_space<semaphore_mem>>
      tpu.wait_indirect_dma semaphore(%dma_wait3A_1610 : memref<!tpu.dma_semaphore, #tpu.memory_space<semaphore_mem>>) src(%dma_wait3A_1602 : memref<40x144xf32, #tpu.memory_space<vmem>>) dst(%dma_wait3A_1608 : memref<10000x144xf32, #tpu.memory_space<vmem_shared>>)
      %add3A_1611 = arith.constant 2 : i32
      %add3A_1612 = arith.addi %add3A_1531, %add3A_1611 : i32
      %dma_start3A_1613 = arith.constant 1 : i32
      %dma_start3A_1614 = arith.constant 1 : i32
      %dma_start3A_1615 = arith.constant 0 : i32
      %dma_start3A_1616 = tpu.memref_slice %arg10[%dma_start3A_1613, %dma_start3A_1615] : memref<4x40xi32, #tpu.memory_space<vmem>> -> memref<1x40xi32, #tpu.memory_space<vmem>>
      %dma_start3A_1617 = tpu.memref_squeeze %dma_start3A_1616 : memref<1x40xi32, #tpu.memory_space<vmem>> -> memref<40xi32, #tpu.memory_space<vmem>>
      %dma_start3A_1618 = arith.constant 0 : i32
      %dma_start3A_1619 = tpu.memref_slice %arg2[%add3A, %add3A_1612, %dma_start3A_1618] : memref<32x250x40xi32, #tpu.memory_space<hbm>> -> memref<1x1x40xi32, #tpu.memory_space<hbm>>
      %dma_start3A_1620 = tpu.memref_squeeze %dma_start3A_1619 : memref<1x1x40xi32, #tpu.memory_space<hbm>> -> memref<40xi32, #tpu.memory_space<hbm>>
      %dma_start3A_1621 = tpu.memref_slice %arg16[%dma_start3A_1614] : memref<4x!tpu.dma_semaphore, #tpu.memory_space<semaphore_mem>> -> memref<1x!tpu.dma_semaphore, #tpu.memory_space<semaphore_mem>>
      %dma_start3A_1622 = tpu.memref_squeeze %dma_start3A_1621 : memref<1x!tpu.dma_semaphore, #tpu.memory_space<semaphore_mem>> -> memref<!tpu.dma_semaphore, #tpu.memory_space<semaphore_mem>>
      %dma_start3A_1623 = arith.constant 0 : i32
      %dma_start3A_1624 = tpu.memref_slice %arg10[%dma_start3A_1613, %dma_start3A_1623] : memref<4x40xi32, #tpu.memory_space<vmem>> -> memref<1x40xi32, #tpu.memory_space<vmem>>
      %dma_start3A_1625 = tpu.memref_squeeze %dma_start3A_1624 : memref<1x40xi32, #tpu.memory_space<vmem>> -> memref<40xi32, #tpu.memory_space<vmem>>
      %dma_start3A_1626 = arith.constant 0 : i32
      %dma_start3A_1627 = tpu.memref_slice %arg2[%add3A, %add3A_1612, %dma_start3A_1626] : memref<32x250x40xi32, #tpu.memory_space<hbm>> -> memref<1x1x40xi32, #tpu.memory_space<hbm>>
      %dma_start3A_1628 = tpu.memref_squeeze %dma_start3A_1627 : memref<1x1x40xi32, #tpu.memory_space<hbm>> -> memref<40xi32, #tpu.memory_space<hbm>>
      tpu.enqueue_dma source(%dma_start3A_1628 : memref<40xi32, #tpu.memory_space<hbm>>) target(%dma_start3A_1625 : memref<40xi32, #tpu.memory_space<vmem>>) target_semaphore(%dma_start3A_1622 : memref<!tpu.dma_semaphore, #tpu.memory_space<semaphore_mem>>)
      %dma_start3A_1629 = arith.constant 1 : i32
      %dma_start3A_1630 = arith.constant 1 : i32
      %dma_start3A_1631 = arith.constant 0 : i32
      %dma_start3A_1632 = tpu.memref_slice %arg11[%dma_start3A_1629, %dma_start3A_1631] : memref<4x40xi32, #tpu.memory_space<vmem>> -> memref<1x40xi32, #tpu.memory_space<vmem>>
      %dma_start3A_1633 = tpu.memref_squeeze %dma_start3A_1632 : memref<1x40xi32, #tpu.memory_space<vmem>> -> memref<40xi32, #tpu.memory_space<vmem>>
      %dma_start3A_1634 = arith.constant 0 : i32
      %dma_start3A_1635 = tpu.memref_slice %arg3[%add3A, %add3A_1612, %dma_start3A_1634] : memref<32x250x40xi32, #tpu.memory_space<hbm>> -> memref<1x1x40xi32, #tpu.memory_space<hbm>>
      %dma_start3A_1636 = tpu.memref_squeeze %dma_start3A_1635 : memref<1x1x40xi32, #tpu.memory_space<hbm>> -> memref<40xi32, #tpu.memory_space<hbm>>
      %dma_start3A_1637 = tpu.memref_slice %arg16[%dma_start3A_1630] : memref<4x!tpu.dma_semaphore, #tpu.memory_space<semaphore_mem>> -> memref<1x!tpu.dma_semaphore, #tpu.memory_space<semaphore_mem>>
      %dma_start3A_1638 = tpu.memref_squeeze %dma_start3A_1637 : memref<1x!tpu.dma_semaphore, #tpu.memory_space<semaphore_mem>> -> memref<!tpu.dma_semaphore, #tpu.memory_space<semaphore_mem>>
      %dma_start3A_1639 = arith.constant 0 : i32
      %dma_start3A_1640 = tpu.memref_slice %arg11[%dma_start3A_1629, %dma_start3A_1639] : memref<4x40xi32, #tpu.memory_space<vmem>> -> memref<1x40xi32, #tpu.memory_space<vmem>>
      %dma_start3A_1641 = tpu.memref_squeeze %dma_start3A_1640 : memref<1x40xi32, #tpu.memory_space<vmem>> -> memref<40xi32, #tpu.memory_space<vmem>>
      %dma_start3A_1642 = arith.constant 0 : i32
      %dma_start3A_1643 = tpu.memref_slice %arg3[%add3A, %add3A_1612, %dma_start3A_1642] : memref<32x250x40xi32, #tpu.memory_space<hbm>> -> memref<1x1x40xi32, #tpu.memory_space<hbm>>
      %dma_start3A_1644 = tpu.memref_squeeze %dma_start3A_1643 : memref<1x1x40xi32, #tpu.memory_space<hbm>> -> memref<40xi32, #tpu.memory_space<hbm>>
      tpu.enqueue_dma source(%dma_start3A_1644 : memref<40xi32, #tpu.memory_space<hbm>>) target(%dma_start3A_1641 : memref<40xi32, #tpu.memory_space<vmem>>) target_semaphore(%dma_start3A_1638 : memref<!tpu.dma_semaphore, #tpu.memory_space<semaphore_mem>>)
      %dma_wait3A_1645 = arith.constant 3 : i32
      %dma_wait3A_1646 = arith.constant 1 : i32
      %dma_wait3A_1647 = arith.constant 1 : i32
      %dma_wait3A_1648 = arith.constant 0 : i32
      %dma_wait3A_1649 = arith.constant 0 : i32
      %dma_wait3A_1650 = tpu.memref_slice %arg12[%dma_wait3A_1646, %dma_wait3A_1648, %dma_wait3A_1649] : memref<2x40x80xi32, #tpu.memory_space<vmem>> -> memref<1x40x80xi32, #tpu.memory_space<vmem>>
      %dma_wait3A_1651 = tpu.memref_squeeze %dma_wait3A_1650 : memref<1x40x80xi32, #tpu.memory_space<vmem>> -> memref<40x80xi32, #tpu.memory_space<vmem>>
      %dma_wait3A_1652 = arith.constant 0 : i32
      %dma_wait3A_1653 = tpu.memref_slice %arg10[%dma_wait3A_1645, %dma_wait3A_1652] : memref<4x40xi32, #tpu.memory_space<vmem>> -> memref<1x40xi32, #tpu.memory_space<vmem>>
      %dma_wait3A_1654 = tpu.memref_squeeze %dma_wait3A_1653 : memref<1x40xi32, #tpu.memory_space<vmem>> -> memref<40xi32, #tpu.memory_space<vmem>>
      %dma_wait3A_1655 = arith.constant 0 : i32
      %dma_wait3A_1656 = arith.constant 0 : i32
      %dma_wait3A_1657 = tpu.memref_slice %arg4[%dma_wait3A_1655, %dma_wait3A_1656] : memref<10000x80xi32, #tpu.memory_space<hbm>> -> memref<10000x80xi32, #tpu.memory_space<hbm>>
      %dma_wait3A_1658 = tpu.memref_slice %arg17[%dma_wait3A_1647] : memref<2x!tpu.dma_semaphore, #tpu.memory_space<semaphore_mem>> -> memref<1x!tpu.dma_semaphore, #tpu.memory_space<semaphore_mem>>
      %dma_wait3A_1659 = tpu.memref_squeeze %dma_wait3A_1658 : memref<1x!tpu.dma_semaphore, #tpu.memory_space<semaphore_mem>> -> memref<!tpu.dma_semaphore, #tpu.memory_space<semaphore_mem>>
      tpu.wait_indirect_dma semaphore(%dma_wait3A_1659 : memref<!tpu.dma_semaphore, #tpu.memory_space<semaphore_mem>>) src(%dma_wait3A_1657 : memref<10000x80xi32, #tpu.memory_space<hbm>>) dst(%dma_wait3A_1651 : memref<40x80xi32, #tpu.memory_space<vmem>>)
      %dma_wait3A_1660 = arith.constant 3 : i32
      %dma_wait3A_1661 = arith.constant 1 : i32
      %dma_wait3A_1662 = arith.constant 1 : i32
      %dma_wait3A_1663 = arith.constant 0 : i32
      %dma_wait3A_1664 = arith.constant 0 : i32
      %dma_wait3A_1665 = tpu.memref_slice %arg13[%dma_wait3A_1661, %dma_wait3A_1663, %dma_wait3A_1664] : memref<2x40x16xf32, #tpu.memory_space<vmem>> -> memref<1x40x16xf32, #tpu.memory_space<vmem>>
      %dma_wait3A_1666 = tpu.memref_squeeze %dma_wait3A_1665 : memref<1x40x16xf32, #tpu.memory_space<vmem>> -> memref<40x16xf32, #tpu.memory_space<vmem>>
      %dma_wait3A_1667 = arith.constant 0 : i32
      %dma_wait3A_1668 = tpu.memref_slice %arg11[%dma_wait3A_1660, %dma_wait3A_1667] : memref<4x40xi32, #tpu.memory_space<vmem>> -> memref<1x40xi32, #tpu.memory_space<vmem>>
      %dma_wait3A_1669 = tpu.memref_squeeze %dma_wait3A_1668 : memref<1x40xi32, #tpu.memory_space<vmem>> -> memref<40xi32, #tpu.memory_space<vmem>>
      %dma_wait3A_1670 = arith.constant 0 : i32
      %dma_wait3A_1671 = arith.constant 0 : i32
      %dma_wait3A_1672 = tpu.memref_slice %arg5[%dma_wait3A_1670, %dma_wait3A_1671] : memref<10000x16xf32, #tpu.memory_space<hbm>> -> memref<10000x16xf32, #tpu.memory_space<hbm>>
      %dma_wait3A_1673 = tpu.memref_slice %arg17[%dma_wait3A_1662] : memref<2x!tpu.dma_semaphore, #tpu.memory_space<semaphore_mem>> -> memref<1x!tpu.dma_semaphore, #tpu.memory_space<semaphore_mem>>
      %dma_wait3A_1674 = tpu.memref_squeeze %dma_wait3A_1673 : memref<1x!tpu.dma_semaphore, #tpu.memory_space<semaphore_mem>> -> memref<!tpu.dma_semaphore, #tpu.memory_space<semaphore_mem>>
      tpu.wait_indirect_dma semaphore(%dma_wait3A_1674 : memref<!tpu.dma_semaphore, #tpu.memory_space<semaphore_mem>>) src(%dma_wait3A_1672 : memref<10000x16xf32, #tpu.memory_space<hbm>>) dst(%dma_wait3A_1666 : memref<40x16xf32, #tpu.memory_space<vmem>>)
      %scan3A_1675 = arith.constant 0 : i32
      %scan3A_1676 = arith.constant 0 : i32
      %scan3A_1677 = arith.constant 40 : i32
      %scan3A_1678 = arith.addi %scan3A_1676, %scan3A_1677 : i32
      %scan3A_1679 = arith.constant 1 : i32
      %scan3A_1680 = scf.for %scan3A_1698 = %scan3A_1676 to %scan3A_1678 step %scan3A_1679 iter_args(%scan3A_1699 = %scan3A_1675) -> (i32)  : i32 {
        %get3A_1700 = arith.constant 1 : i32
        %get3A_1701 = arith.index_cast %get3A_1700 : i32 to index
        %get3A_1702 = arith.index_cast %scan3A_1698 : i32 to index
        %get3A_1703 = arith.constant 64 : index
        %get3A_1704 = tpu.vector_load %arg12[%get3A_1701, %get3A_1702, %get3A_1703] {strides = array<i32>} : memref<2x40x80xi32, #tpu.memory_space<vmem>>, vector<16xi32>,
        %bitcast3A = vector.bitcast %get3A_1704 : vector<16xi32> to vector<16xf32>
        %get3A_1705 = arith.constant 1 : i32
        %get3A_1706 = arith.index_cast %get3A_1705 : i32 to index
        %get3A_1707 = arith.index_cast %scan3A_1698 : i32 to index
        %get3A_1708 = arith.constant 0 : index
        %get3A_1709 = tpu.vector_load %arg13[%get3A_1706, %get3A_1707, %get3A_1708] {strides = array<i32>} : memref<2x40x16xf32, #tpu.memory_space<vmem>>, vector<16xf32>,
        %sub3A = arith.subf %bitcast3A, %get3A_1709 : vector<16xf32>
        %abs3A = math.absf %sub3A : vector<16xf32>
        %mul3A_1710 = arith.mulf %abs3A, %get3A_3 : vector<16xf32>
        %exp3A = math.exp %mul3A_1710 : vector<16xf32>
        %broadcast_in_dim3A_1711 = vector.shape_cast %broadcast_in_dim3A_4 : vector<16xi32> to vector<16x1xi32>
        %gather3A = vector.shape_cast %broadcast_in_dim3A_1711 : vector<16x1xi32> to vector<16xi32>
        %gather3A_1712 = tpu.dynamic_gather %exp3A[%gather3A] in [0] : vector<16xf32>, vector<16xi32> -> vector<16xf32>
        %add3A_1713 = arith.addf %bitcast3A, %get3A_1709 : vector<16xf32>
        %mul3A_1714 = arith.mulf %add3A_1713, %gather3A_1712 : vector<16xf32>
        %mul3A_1715 = arith.constant 2.000000e-01 : f32
        %mul3A_1716 = vector.broadcast %mul3A_1715 : f32 to vector<16xf32>
        %mul3A_1717 = arith.mulf %mul3A_1716, %mul3A_1714 : vector<16xf32>
        %max3A = arith.maximumf %mul3A_1714, %mul3A_1717 : vector<16xf32>
        %exp3A_1718 = math.exp %max3A : vector<16xf32>
        %swap3A = arith.constant 1 : i32
        %swap3A_1719 = arith.index_cast %swap3A : i32 to index
        %swap3A_1720 = arith.index_cast %scan3A_1698 : i32 to index
        %swap3A_1721 = arith.constant 128 : index
        %swap3A_1722 = tpu.vector_load %arg14[%swap3A_1719, %swap3A_1720, %swap3A_1721] {strides = array<i32>} : memref<2x40x144xf32, #tpu.memory_space<vmem>>, vector<16xf32>,
        tpu.vector_store %arg14[%swap3A_1719, %swap3A_1720, %swap3A_1721], %exp3A_1718 {strides = array<i32>} : memref<2x40x144xf32, #tpu.memory_space<vmem>>, vector<16xf32>,
        %broadcast_in_dim3A_1723 = vector.shape_cast %select_n3A_19 : vector<16xi32> to vector<16x1xi32>
        %gather3A_1724 = vector.shape_cast %broadcast_in_dim3A_1723 : vector<16x1xi32> to vector<16xi32>
        %gather3A_1725 = tpu.dynamic_gather %exp3A_1718[%gather3A_1724] in [0] : vector<16xf32>, vector<16xi32> -> vector<16xf32>
        %get3A_1726 = arith.constant 1 : i32
        %get3A_1727 = arith.index_cast %get3A_1726 : i32 to index
        %get3A_1728 = arith.index_cast %scan3A_1698 : i32 to index
        %get3A_1729 = arith.constant 0 : index
        %get3A_1730 = tpu.vector_load %arg12[%get3A_1727, %get3A_1728, %get3A_1729] {strides = array<i32>} : memref<2x40x80xi32, #tpu.memory_space<vmem>>, vector<16xi32>,
        %bitcast3A_1731 = vector.bitcast %get3A_1730 : vector<16xi32> to vector<32xbf16>
        %unpack3A = tpu.unpack_subelements %bitcast3A_1731, 0 {pack_format = #tpu.pack_format<interleaved>} : vector<32xbf16> -> vector<16xf32>
        %unpack3A_1732 = tpu.unpack_subelements %bitcast3A_1731, 1 {pack_format = #tpu.pack_format<interleaved>} : vector<32xbf16> -> vector<16xf32>
        %mul3A_1733 = arith.mulf %unpack3A, %gather3A_1725 : vector<16xf32>
        %swap3A_1734 = arith.constant 1 : i32
        %swap3A_1735 = arith.index_cast %swap3A_1734 : i32 to index
        %swap3A_1736 = arith.index_cast %scan3A_1698 : i32 to index
        %swap3A_1737 = arith.constant 0 : index
        %swap3A_1738 = tpu.vector_load %arg14[%swap3A_1735, %swap3A_1736, %swap3A_1737] {strides = array<i32>} : memref<2x40x144xf32, #tpu.memory_space<vmem>>, vector<16xf32>,
        tpu.vector_store %arg14[%swap3A_1735, %swap3A_1736, %swap3A_1737], %mul3A_1733 {strides = array<i32>} : memref<2x40x144xf32, #tpu.memory_space<vmem>>, vector<16xf32>,
        %mul3A_1739 = arith.mulf %unpack3A_1732, %gather3A_1725 : vector<16xf32>
        %swap3A_1740 = arith.constant 1 : i32
        %swap3A_1741 = arith.index_cast %swap3A_1740 : i32 to index
        %swap3A_1742 = arith.index_cast %scan3A_1698 : i32 to index
        %swap3A_1743 = arith.constant 16 : index
        %swap3A_1744 = tpu.vector_load %arg14[%swap3A_1741, %swap3A_1742, %swap3A_1743] {strides = array<i32>} : memref<2x40x144xf32, #tpu.memory_space<vmem>>, vector<16xf32>,
        tpu.vector_store %arg14[%swap3A_1741, %swap3A_1742, %swap3A_1743], %mul3A_1739 {strides = array<i32>} : memref<2x40x144xf32, #tpu.memory_space<vmem>>, vector<16xf32>,
        %get3A_1745 = arith.constant 1 : i32
        %get3A_1746 = arith.index_cast %get3A_1745 : i32 to index
        %get3A_1747 = arith.index_cast %scan3A_1698 : i32 to index
        %get3A_1748 = arith.constant 16 : index
        %get3A_1749 = tpu.vector_load %arg12[%get3A_1746, %get3A_1747, %get3A_1748] {strides = array<i32>} : memref<2x40x80xi32, #tpu.memory_space<vmem>>, vector<16xi32>,
        %bitcast3A_1750 = vector.bitcast %get3A_1749 : vector<16xi32> to vector<32xbf16>
        %unpack3A_1751 = tpu.unpack_subelements %bitcast3A_1750, 0 {pack_format = #tpu.pack_format<interleaved>} : vector<32xbf16> -> vector<16xf32>
        %unpack3A_1752 = tpu.unpack_subelements %bitcast3A_1750, 1 {pack_format = #tpu.pack_format<interleaved>} : vector<32xbf16> -> vector<16xf32>
        %mul3A_1753 = arith.mulf %unpack3A_1751, %gather3A_1725 : vector<16xf32>
        %swap3A_1754 = arith.constant 1 : i32
        %swap3A_1755 = arith.index_cast %swap3A_1754 : i32 to index
        %swap3A_1756 = arith.index_cast %scan3A_1698 : i32 to index
        %swap3A_1757 = arith.constant 32 : index
        %swap3A_1758 = tpu.vector_load %arg14[%swap3A_1755, %swap3A_1756, %swap3A_1757] {strides = array<i32>} : memref<2x40x144xf32, #tpu.memory_space<vmem>>, vector<16xf32>,
        tpu.vector_store %arg14[%swap3A_1755, %swap3A_1756, %swap3A_1757], %mul3A_1753 {strides = array<i32>} : memref<2x40x144xf32, #tpu.memory_space<vmem>>, vector<16xf32>,
        %mul3A_1759 = arith.mulf %unpack3A_1752, %gather3A_1725 : vector<16xf32>
        %swap3A_1760 = arith.constant 1 : i32
        %swap3A_1761 = arith.index_cast %swap3A_1760 : i32 to index
        %swap3A_1762 = arith.index_cast %scan3A_1698 : i32 to index
        %swap3A_1763 = arith.constant 48 : index
        %swap3A_1764 = tpu.vector_load %arg14[%swap3A_1761, %swap3A_1762, %swap3A_1763] {strides = array<i32>} : memref<2x40x144xf32, #tpu.memory_space<vmem>>, vector<16xf32>,
        tpu.vector_store %arg14[%swap3A_1761, %swap3A_1762, %swap3A_1763], %mul3A_1759 {strides = array<i32>} : memref<2x40x144xf32, #tpu.memory_space<vmem>>, vector<16xf32>,
        %get3A_1765 = arith.constant 1 : i32
        %get3A_1766 = arith.index_cast %get3A_1765 : i32 to index
        %get3A_1767 = arith.index_cast %scan3A_1698 : i32 to index
        %get3A_1768 = arith.constant 32 : index
        %get3A_1769 = tpu.vector_load %arg12[%get3A_1766, %get3A_1767, %get3A_1768] {strides = array<i32>} : memref<2x40x80xi32, #tpu.memory_space<vmem>>, vector<16xi32>,
        %bitcast3A_1770 = vector.bitcast %get3A_1769 : vector<16xi32> to vector<32xbf16>
        %unpack3A_1771 = tpu.unpack_subelements %bitcast3A_1770, 0 {pack_format = #tpu.pack_format<interleaved>} : vector<32xbf16> -> vector<16xf32>
        %unpack3A_1772 = tpu.unpack_subelements %bitcast3A_1770, 1 {pack_format = #tpu.pack_format<interleaved>} : vector<32xbf16> -> vector<16xf32>
        %mul3A_1773 = arith.mulf %unpack3A_1771, %gather3A_1725 : vector<16xf32>
        %swap3A_1774 = arith.constant 1 : i32
        %swap3A_1775 = arith.index_cast %swap3A_1774 : i32 to index
        %swap3A_1776 = arith.index_cast %scan3A_1698 : i32 to index
        %swap3A_1777 = arith.constant 64 : index
        %swap3A_1778 = tpu.vector_load %arg14[%swap3A_1775, %swap3A_1776, %swap3A_1777] {strides = array<i32>} : memref<2x40x144xf32, #tpu.memory_space<vmem>>, vector<16xf32>,
        tpu.vector_store %arg14[%swap3A_1775, %swap3A_1776, %swap3A_1777], %mul3A_1773 {strides = array<i32>} : memref<2x40x144xf32, #tpu.memory_space<vmem>>, vector<16xf32>,
        %mul3A_1779 = arith.mulf %unpack3A_1772, %gather3A_1725 : vector<16xf32>
        %swap3A_1780 = arith.constant 1 : i32
        %swap3A_1781 = arith.index_cast %swap3A_1780 : i32 to index
        %swap3A_1782 = arith.index_cast %scan3A_1698 : i32 to index
        %swap3A_1783 = arith.constant 80 : index
        %swap3A_1784 = tpu.vector_load %arg14[%swap3A_1781, %swap3A_1782, %swap3A_1783] {strides = array<i32>} : memref<2x40x144xf32, #tpu.memory_space<vmem>>, vector<16xf32>,
        tpu.vector_store %arg14[%swap3A_1781, %swap3A_1782, %swap3A_1783], %mul3A_1779 {strides = array<i32>} : memref<2x40x144xf32, #tpu.memory_space<vmem>>, vector<16xf32>,
        %get3A_1785 = arith.constant 1 : i32
        %get3A_1786 = arith.index_cast %get3A_1785 : i32 to index
        %get3A_1787 = arith.index_cast %scan3A_1698 : i32 to index
        %get3A_1788 = arith.constant 48 : index
        %get3A_1789 = tpu.vector_load %arg12[%get3A_1786, %get3A_1787, %get3A_1788] {strides = array<i32>} : memref<2x40x80xi32, #tpu.memory_space<vmem>>, vector<16xi32>,
        %bitcast3A_1790 = vector.bitcast %get3A_1789 : vector<16xi32> to vector<32xbf16>
        %unpack3A_1791 = tpu.unpack_subelements %bitcast3A_1790, 0 {pack_format = #tpu.pack_format<interleaved>} : vector<32xbf16> -> vector<16xf32>
        %unpack3A_1792 = tpu.unpack_subelements %bitcast3A_1790, 1 {pack_format = #tpu.pack_format<interleaved>} : vector<32xbf16> -> vector<16xf32>
        %mul3A_1793 = arith.mulf %unpack3A_1791, %gather3A_1725 : vector<16xf32>
        %swap3A_1794 = arith.constant 1 : i32
        %swap3A_1795 = arith.index_cast %swap3A_1794 : i32 to index
        %swap3A_1796 = arith.index_cast %scan3A_1698 : i32 to index
        %swap3A_1797 = arith.constant 96 : index
        %swap3A_1798 = tpu.vector_load %arg14[%swap3A_1795, %swap3A_1796, %swap3A_1797] {strides = array<i32>} : memref<2x40x144xf32, #tpu.memory_space<vmem>>, vector<16xf32>,
        tpu.vector_store %arg14[%swap3A_1795, %swap3A_1796, %swap3A_1797], %mul3A_1793 {strides = array<i32>} : memref<2x40x144xf32, #tpu.memory_space<vmem>>, vector<16xf32>,
        %mul3A_1799 = arith.mulf %unpack3A_1792, %gather3A_1725 : vector<16xf32>
        %swap3A_1800 = arith.constant 1 : i32
        %swap3A_1801 = arith.index_cast %swap3A_1800 : i32 to index
        %swap3A_1802 = arith.index_cast %scan3A_1698 : i32 to index
        %swap3A_1803 = arith.constant 112 : index
        %swap3A_1804 = tpu.vector_load %arg14[%swap3A_1801, %swap3A_1802, %swap3A_1803] {strides = array<i32>} : memref<2x40x144xf32, #tpu.memory_space<vmem>>, vector<16xf32>,
        tpu.vector_store %arg14[%swap3A_1801, %swap3A_1802, %swap3A_1803], %mul3A_1799 {strides = array<i32>} : memref<2x40x144xf32, #tpu.memory_space<vmem>>, vector<16xf32>,
        %scan3A_1805 = arith.constant 0 : i32
        scf.yield %scan3A_1805 : i32
      }
      %scan3A_1681 = arith.constant 40 : i32
      %dma_start3A_1682 = arith.constant 1 : i32
      %dma_start3A_1683 = arith.constant 3 : i32
      %dma_start3A_1684 = arith.constant 1 : i32
      %dma_start3A_1685 = arith.constant 0 : i32
      %dma_start3A_1686 = arith.constant 0 : i32
      %dma_start3A_1687 = tpu.memref_slice %arg14[%dma_start3A_1682, %dma_start3A_1685, %dma_start3A_1686] : memref<2x40x144xf32, #tpu.memory_space<vmem>> -> memref<1x40x144xf32, #tpu.memory_space<vmem>>
      %dma_start3A_1688 = tpu.memref_squeeze %dma_start3A_1687 : memref<1x40x144xf32, #tpu.memory_space<vmem>> -> memref<40x144xf32, #tpu.memory_space<vmem>>
      %dma_start3A_1689 = arith.constant 0 : i32
      %dma_start3A_1690 = tpu.memref_slice %arg11[%dma_start3A_1683, %dma_start3A_1689] : memref<4x40xi32, #tpu.memory_space<vmem>> -> memref<1x40xi32, #tpu.memory_space<vmem>>
      %dma_start3A_1691 = tpu.memref_squeeze %dma_start3A_1690 : memref<1x40xi32, #tpu.memory_space<vmem>> -> memref<40xi32, #tpu.memory_space<vmem>>
      %dma_start3A_1692 = arith.constant 0 : i32
      %dma_start3A_1693 = arith.constant 0 : i32
      %dma_start3A_1694 = tpu.memref_slice %arg9[%dma_start3A_1692, %dma_start3A_1693] : memref<10000x144xf32, #tpu.memory_space<vmem_shared>> -> memref<10000x144xf32, #tpu.memory_space<vmem_shared>>
      %dma_start3A_1695 = tpu.memref_slice %arg18[%dma_start3A_1684] : memref<2x!tpu.dma_semaphore, #tpu.memory_space<semaphore_mem>> -> memref<1x!tpu.dma_semaphore, #tpu.memory_space<semaphore_mem>>
      %dma_start3A_1696 = tpu.memref_squeeze %dma_start3A_1695 : memref<1x!tpu.dma_semaphore, #tpu.memory_space<semaphore_mem>> -> memref<!tpu.dma_semaphore, #tpu.memory_space<semaphore_mem>>
      tpu.enqueue_indirect_dma source(%dma_start3A_1688 : memref<40x144xf32, #tpu.memory_space<vmem>>) target(%dma_start3A_1694 : memref<10000x144xf32, #tpu.memory_space<vmem_shared>>) offsets(%dma_start3A_1691 : memref<40xi32, #tpu.memory_space<vmem>>) semaphore(%dma_start3A_1696 : memref<!tpu.dma_semaphore, #tpu.memory_space<semaphore_mem>>) {add = true}
      %scan3A_1697 = arith.constant 0 : i32
      scf.yield %scan3A_1697 : i32
    }
    %scan3A_785 = arith.constant 61 : i32
    %dma_wait3A_786 = arith.constant 249 : i32
    %dma_wait3A_787 = arith.constant 1 : i32
    %dma_wait3A_788 = arith.constant 1 : i32
    %dma_wait3A_789 = arith.constant 0 : i32
    %dma_wait3A_790 = tpu.memref_slice %arg10[%dma_wait3A_787, %dma_wait3A_789] : memref<4x40xi32, #tpu.memory_space<vmem>> -> memref<1x40xi32, #tpu.memory_space<vmem>>
    %dma_wait3A_791 = tpu.memref_squeeze %dma_wait3A_790 : memref<1x40xi32, #tpu.memory_space<vmem>> -> memref<40xi32, #tpu.memory_space<vmem>>
    %dma_wait3A_792 = arith.constant 0 : i32
    %dma_wait3A_793 = tpu.memref_slice %arg2[%add3A, %dma_wait3A_786, %dma_wait3A_792] : memref<32x250x40xi32, #tpu.memory_space<hbm>> -> memref<1x1x40xi32, #tpu.memory_space<hbm>>
    %dma_wait3A_794 = tpu.memref_squeeze %dma_wait3A_793 : memref<1x1x40xi32, #tpu.memory_space<hbm>> -> memref<40xi32, #tpu.memory_space<hbm>>
    %dma_wait3A_795 = tpu.memref_slice %arg16[%dma_wait3A_788] : memref<4x!tpu.dma_semaphore, #tpu.memory_space<semaphore_mem>> -> memref<1x!tpu.dma_semaphore, #tpu.memory_space<semaphore_mem>>
    %dma_wait3A_796 = tpu.memref_squeeze %dma_wait3A_795 : memref<1x!tpu.dma_semaphore, #tpu.memory_space<semaphore_mem>> -> memref<!tpu.dma_semaphore, #tpu.memory_space<semaphore_mem>>
    %dma_wait3A_797 = arith.constant 0 : i32
    %dma_wait3A_798 = tpu.memref_slice %arg10[%dma_wait3A_787, %dma_wait3A_797] : memref<4x40xi32, #tpu.memory_space<vmem>> -> memref<1x40xi32, #tpu.memory_space<vmem>>
    %dma_wait3A_799 = tpu.memref_squeeze %dma_wait3A_798 : memref<1x40xi32, #tpu.memory_space<vmem>> -> memref<40xi32, #tpu.memory_space<vmem>>
    %dma_wait3A_800 = arith.constant 0 : i32
    %dma_wait3A_801 = tpu.memref_slice %arg2[%add3A, %dma_wait3A_786, %dma_wait3A_800] : memref<32x250x40xi32, #tpu.memory_space<hbm>> -> memref<1x1x40xi32, #tpu.memory_space<hbm>>
    %dma_wait3A_802 = tpu.memref_squeeze %dma_wait3A_801 : memref<1x1x40xi32, #tpu.memory_space<hbm>> -> memref<40xi32, #tpu.memory_space<hbm>>
    tpu.wait_dma2 semaphore(%dma_wait3A_796 : memref<!tpu.dma_semaphore, #tpu.memory_space<semaphore_mem>>) src(%dma_wait3A_802 : memref<40xi32, #tpu.memory_space<hbm>>) dst(%dma_wait3A_799 : memref<40xi32, #tpu.memory_space<vmem>>)
    %dma_wait3A_803 = arith.constant 249 : i32
    %dma_wait3A_804 = arith.constant 1 : i32
    %dma_wait3A_805 = arith.constant 1 : i32
    %dma_wait3A_806 = arith.constant 0 : i32
    %dma_wait3A_807 = tpu.memref_slice %arg11[%dma_wait3A_804, %dma_wait3A_806] : memref<4x40xi32, #tpu.memory_space<vmem>> -> memref<1x40xi32, #tpu.memory_space<vmem>>
    %dma_wait3A_808 = tpu.memref_squeeze %dma_wait3A_807 : memref<1x40xi32, #tpu.memory_space<vmem>> -> memref<40xi32, #tpu.memory_space<vmem>>
    %dma_wait3A_809 = arith.constant 0 : i32
    %dma_wait3A_810 = tpu.memref_slice %arg3[%add3A, %dma_wait3A_803, %dma_wait3A_809] : memref<32x250x40xi32, #tpu.memory_space<hbm>> -> memref<1x1x40xi32, #tpu.memory_space<hbm>>
    %dma_wait3A_811 = tpu.memref_squeeze %dma_wait3A_810 : memref<1x1x40xi32, #tpu.memory_space<hbm>> -> memref<40xi32, #tpu.memory_space<hbm>>
    %dma_wait3A_812 = tpu.memref_slice %arg16[%dma_wait3A_805] : memref<4x!tpu.dma_semaphore, #tpu.memory_space<semaphore_mem>> -> memref<1x!tpu.dma_semaphore, #tpu.memory_space<semaphore_mem>>
    %dma_wait3A_813 = tpu.memref_squeeze %dma_wait3A_812 : memref<1x!tpu.dma_semaphore, #tpu.memory_space<semaphore_mem>> -> memref<!tpu.dma_semaphore, #tpu.memory_space<semaphore_mem>>
    %dma_wait3A_814 = arith.constant 0 : i32
    %dma_wait3A_815 = tpu.memref_slice %arg11[%dma_wait3A_804, %dma_wait3A_814] : memref<4x40xi32, #tpu.memory_space<vmem>> -> memref<1x40xi32, #tpu.memory_space<vmem>>
    %dma_wait3A_816 = tpu.memref_squeeze %dma_wait3A_815 : memref<1x40xi32, #tpu.memory_space<vmem>> -> memref<40xi32, #tpu.memory_space<vmem>>
    %dma_wait3A_817 = arith.constant 0 : i32
    %dma_wait3A_818 = tpu.memref_slice %arg3[%add3A, %dma_wait3A_803, %dma_wait3A_817] : memref<32x250x40xi32, #tpu.memory_space<hbm>> -> memref<1x1x40xi32, #tpu.memory_space<hbm>>
    %dma_wait3A_819 = tpu.memref_squeeze %dma_wait3A_818 : memref<1x1x40xi32, #tpu.memory_space<hbm>> -> memref<40xi32, #tpu.memory_space<hbm>>
    tpu.wait_dma2 semaphore(%dma_wait3A_813 : memref<!tpu.dma_semaphore, #tpu.memory_space<semaphore_mem>>) src(%dma_wait3A_819 : memref<40xi32, #tpu.memory_space<hbm>>) dst(%dma_wait3A_816 : memref<40xi32, #tpu.memory_space<vmem>>)
    %dma_start3A_820 = arith.constant 1 : i32
    %dma_start3A_821 = arith.constant 1 : i32
    %dma_start3A_822 = arith.constant 1 : i32
    %dma_start3A_823 = arith.constant 0 : i32
    %dma_start3A_824 = arith.constant 0 : i32
    %dma_start3A_825 = tpu.memref_slice %arg12[%dma_start3A_821, %dma_start3A_823, %dma_start3A_824] : memref<2x40x80xi32, #tpu.memory_space<vmem>> -> memref<1x40x80xi32, #tpu.memory_space<vmem>>
    %dma_start3A_826 = tpu.memref_squeeze %dma_start3A_825 : memref<1x40x80xi32, #tpu.memory_space<vmem>> -> memref<40x80xi32, #tpu.memory_space<vmem>>
    %dma_start3A_827 = arith.constant 0 : i32
    %dma_start3A_828 = tpu.memref_slice %arg10[%dma_start3A_820, %dma_start3A_827] : memref<4x40xi32, #tpu.memory_space<vmem>> -> memref<1x40xi32, #tpu.memory_space<vmem>>
    %dma_start3A_829 = tpu.memref_squeeze %dma_start3A_828 : memref<1x40xi32, #tpu.memory_space<vmem>> -> memref<40xi32, #tpu.memory_space<vmem>>
    %dma_start3A_830 = arith.constant 0 : i32
    %dma_start3A_831 = arith.constant 0 : i32
    %dma_start3A_832 = tpu.memref_slice %arg4[%dma_start3A_830, %dma_start3A_831] : memref<10000x80xi32, #tpu.memory_space<hbm>> -> memref<10000x80xi32, #tpu.memory_space<hbm>>
    %dma_start3A_833 = tpu.memref_slice %arg17[%dma_start3A_822] : memref<2x!tpu.dma_semaphore, #tpu.memory_space<semaphore_mem>> -> memref<1x!tpu.dma_semaphore, #tpu.memory_space<semaphore_mem>>
    %dma_start3A_834 = tpu.memref_squeeze %dma_start3A_833 : memref<1x!tpu.dma_semaphore, #tpu.memory_space<semaphore_mem>> -> memref<!tpu.dma_semaphore, #tpu.memory_space<semaphore_mem>>
    tpu.enqueue_indirect_dma source(%dma_start3A_832 : memref<10000x80xi32, #tpu.memory_space<hbm>>) target(%dma_start3A_826 : memref<40x80xi32, #tpu.memory_space<vmem>>) offsets(%dma_start3A_829 : memref<40xi32, #tpu.memory_space<vmem>>) semaphore(%dma_start3A_834 : memref<!tpu.dma_semaphore, #tpu.memory_space<semaphore_mem>>)
    %dma_start3A_835 = arith.constant 1 : i32
    %dma_start3A_836 = arith.constant 1 : i32
    %dma_start3A_837 = arith.constant 1 : i32
    %dma_start3A_838 = arith.constant 0 : i32
    %dma_start3A_839 = arith.constant 0 : i32
    %dma_start3A_840 = tpu.memref_slice %arg13[%dma_start3A_836, %dma_start3A_838, %dma_start3A_839] : memref<2x40x16xf32, #tpu.memory_space<vmem>> -> memref<1x40x16xf32, #tpu.memory_space<vmem>>
    %dma_start3A_841 = tpu.memref_squeeze %dma_start3A_840 : memref<1x40x16xf32, #tpu.memory_space<vmem>> -> memref<40x16xf32, #tpu.memory_space<vmem>>
    %dma_start3A_842 = arith.constant 0 : i32
    %dma_start3A_843 = tpu.memref_slice %arg11[%dma_start3A_835, %dma_start3A_842] : memref<4x40xi32, #tpu.memory_space<vmem>> -> memref<1x40xi32, #tpu.memory_space<vmem>>
    %dma_start3A_844 = tpu.memref_squeeze %dma_start3A_843 : memref<1x40xi32, #tpu.memory_space<vmem>> -> memref<40xi32, #tpu.memory_space<vmem>>
    %dma_start3A_845 = arith.constant 0 : i32
    %dma_start3A_846 = arith.constant 0 : i32
    %dma_start3A_847 = tpu.memref_slice %arg5[%dma_start3A_845, %dma_start3A_846] : memref<10000x16xf32, #tpu.memory_space<hbm>> -> memref<10000x16xf32, #tpu.memory_space<hbm>>
    %dma_start3A_848 = tpu.memref_slice %arg17[%dma_start3A_837] : memref<2x!tpu.dma_semaphore, #tpu.memory_space<semaphore_mem>> -> memref<1x!tpu.dma_semaphore, #tpu.memory_space<semaphore_mem>>
    %dma_start3A_849 = tpu.memref_squeeze %dma_start3A_848 : memref<1x!tpu.dma_semaphore, #tpu.memory_space<semaphore_mem>> -> memref<!tpu.dma_semaphore, #tpu.memory_space<semaphore_mem>>
    tpu.enqueue_indirect_dma source(%dma_start3A_847 : memref<10000x16xf32, #tpu.memory_space<hbm>>) target(%dma_start3A_841 : memref<40x16xf32, #tpu.memory_space<vmem>>) offsets(%dma_start3A_844 : memref<40xi32, #tpu.memory_space<vmem>>) semaphore(%dma_start3A_849 : memref<!tpu.dma_semaphore, #tpu.memory_space<semaphore_mem>>)
    %dma_wait3A_850 = arith.constant 0 : i32
    %dma_wait3A_851 = arith.constant 2 : i32
    %dma_wait3A_852 = arith.constant 0 : i32
    %dma_wait3A_853 = arith.constant 0 : i32
    %dma_wait3A_854 = arith.constant 0 : i32
    %dma_wait3A_855 = tpu.memref_slice %arg14[%dma_wait3A_850, %dma_wait3A_853, %dma_wait3A_854] : memref<2x40x144xf32, #tpu.memory_space<vmem>> -> memref<1x40x144xf32, #tpu.memory_space<vmem>>
    %dma_wait3A_856 = tpu.memref_squeeze %dma_wait3A_855 : memref<1x40x144xf32, #tpu.memory_space<vmem>> -> memref<40x144xf32, #tpu.memory_space<vmem>>
    %dma_wait3A_857 = arith.constant 0 : i32
    %dma_wait3A_858 = tpu.memref_slice %arg11[%dma_wait3A_851, %dma_wait3A_857] : memref<4x40xi32, #tpu.memory_space<vmem>> -> memref<1x40xi32, #tpu.memory_space<vmem>>
    %dma_wait3A_859 = tpu.memref_squeeze %dma_wait3A_858 : memref<1x40xi32, #tpu.memory_space<vmem>> -> memref<40xi32, #tpu.memory_space<vmem>>
    %dma_wait3A_860 = arith.constant 0 : i32
    %dma_wait3A_861 = arith.constant 0 : i32
    %dma_wait3A_862 = tpu.memref_slice %arg9[%dma_wait3A_860, %dma_wait3A_861] : memref<10000x144xf32, #tpu.memory_space<vmem_shared>> -> memref<10000x144xf32, #tpu.memory_space<vmem_shared>>
    %dma_wait3A_863 = tpu.memref_slice %arg18[%dma_wait3A_852] : memref<2x!tpu.dma_semaphore, #tpu.memory_space<semaphore_mem>> -> memref<1x!tpu.dma_semaphore, #tpu.memory_space<semaphore_mem>>
    %dma_wait3A_864 = tpu.memref_squeeze %dma_wait3A_863 : memref<1x!tpu.dma_semaphore, #tpu.memory_space<semaphore_mem>> -> memref<!tpu.dma_semaphore, #tpu.memory_space<semaphore_mem>>
    tpu.wait_indirect_dma semaphore(%dma_wait3A_864 : memref<!tpu.dma_semaphore, #tpu.memory_space<semaphore_mem>>) src(%dma_wait3A_856 : memref<40x144xf32, #tpu.memory_space<vmem>>) dst(%dma_wait3A_862 : memref<10000x144xf32, #tpu.memory_space<vmem_shared>>)
    %dma_wait3A_865 = arith.constant 0 : i32
    %dma_wait3A_866 = arith.constant 0 : i32
    %dma_wait3A_867 = arith.constant 0 : i32
    %dma_wait3A_868 = arith.constant 0 : i32
    %dma_wait3A_869 = arith.constant 0 : i32
    %dma_wait3A_870 = tpu.memref_slice %arg12[%dma_wait3A_866, %dma_wait3A_868, %dma_wait3A_869] : memref<2x40x80xi32, #tpu.memory_space<vmem>> -> memref<1x40x80xi32, #tpu.memory_space<vmem>>
    %dma_wait3A_871 = tpu.memref_squeeze %dma_wait3A_870 : memref<1x40x80xi32, #tpu.memory_space<vmem>> -> memref<40x80xi32, #tpu.memory_space<vmem>>
    %dma_wait3A_872 = arith.constant 0 : i32
    %dma_wait3A_873 = tpu.memref_slice %arg10[%dma_wait3A_865, %dma_wait3A_872] : memref<4x40xi32, #tpu.memory_space<vmem>> -> memref<1x40xi32, #tpu.memory_space<vmem>>
    %dma_wait3A_874 = tpu.memref_squeeze %dma_wait3A_873 : memref<1x40xi32, #tpu.memory_space<vmem>> -> memref<40xi32, #tpu.memory_space<vmem>>
    %dma_wait3A_875 = arith.constant 0 : i32
    %dma_wait3A_876 = arith.constant 0 : i32
    %dma_wait3A_877 = tpu.memref_slice %arg4[%dma_wait3A_875, %dma_wait3A_876] : memref<10000x80xi32, #tpu.memory_space<hbm>> -> memref<10000x80xi32, #tpu.memory_space<hbm>>
    %dma_wait3A_878 = tpu.memref_slice %arg17[%dma_wait3A_867] : memref<2x!tpu.dma_semaphore, #tpu.memory_space<semaphore_mem>> -> memref<1x!tpu.dma_semaphore, #tpu.memory_space<semaphore_mem>>
    %dma_wait3A_879 = tpu.memref_squeeze %dma_wait3A_878 : memref<1x!tpu.dma_semaphore, #tpu.memory_space<semaphore_mem>> -> memref<!tpu.dma_semaphore, #tpu.memory_space<semaphore_mem>>
    tpu.wait_indirect_dma semaphore(%dma_wait3A_879 : memref<!tpu.dma_semaphore, #tpu.memory_space<semaphore_mem>>) src(%dma_wait3A_877 : memref<10000x80xi32, #tpu.memory_space<hbm>>) dst(%dma_wait3A_871 : memref<40x80xi32, #tpu.memory_space<vmem>>)
    %dma_wait3A_880 = arith.constant 0 : i32
    %dma_wait3A_881 = arith.constant 0 : i32
    %dma_wait3A_882 = arith.constant 0 : i32
    %dma_wait3A_883 = arith.constant 0 : i32
    %dma_wait3A_884 = arith.constant 0 : i32
    %dma_wait3A_885 = tpu.memref_slice %arg13[%dma_wait3A_881, %dma_wait3A_883, %dma_wait3A_884] : memref<2x40x16xf32, #tpu.memory_space<vmem>> -> memref<1x40x16xf32, #tpu.memory_space<vmem>>
    %dma_wait3A_886 = tpu.memref_squeeze %dma_wait3A_885 : memref<1x40x16xf32, #tpu.memory_space<vmem>> -> memref<40x16xf32, #tpu.memory_space<vmem>>
    %dma_wait3A_887 = arith.constant 0 : i32
    %dma_wait3A_888 = tpu.memref_slice %arg11[%dma_wait3A_880, %dma_wait3A_887] : memref<4x40xi32, #tpu.memory_space<vmem>> -> memref<1x40xi32, #tpu.memory_space<vmem>>
    %dma_wait3A_889 = tpu.memref_squeeze %dma_wait3A_888 : memref<1x40xi32, #tpu.memory_space<vmem>> -> memref<40xi32, #tpu.memory_space<vmem>>
    %dma_wait3A_890 = arith.constant 0 : i32
    %dma_wait3A_891 = arith.constant 0 : i32
    %dma_wait3A_892 = tpu.memref_slice %arg5[%dma_wait3A_890, %dma_wait3A_891] : memref<10000x16xf32, #tpu.memory_space<hbm>> -> memref<10000x16xf32, #tpu.memory_space<hbm>>
    %dma_wait3A_893 = tpu.memref_slice %arg17[%dma_wait3A_882] : memref<2x!tpu.dma_semaphore, #tpu.memory_space<semaphore_mem>> -> memref<1x!tpu.dma_semaphore, #tpu.memory_space<semaphore_mem>>
    %dma_wait3A_894 = tpu.memref_squeeze %dma_wait3A_893 : memref<1x!tpu.dma_semaphore, #tpu.memory_space<semaphore_mem>> -> memref<!tpu.dma_semaphore, #tpu.memory_space<semaphore_mem>>
    tpu.wait_indirect_dma semaphore(%dma_wait3A_894 : memref<!tpu.dma_semaphore, #tpu.memory_space<semaphore_mem>>) src(%dma_wait3A_892 : memref<10000x16xf32, #tpu.memory_space<hbm>>) dst(%dma_wait3A_886 : memref<40x16xf32, #tpu.memory_space<vmem>>)
    %scan3A_895 = arith.constant 0 : i32
    %scan3A_896 = arith.constant 0 : i32
    %scan3A_897 = arith.constant 40 : i32
    %scan3A_898 = arith.addi %scan3A_896, %scan3A_897 : i32
    %scan3A_899 = arith.constant 1 : i32
    %scan3A_900 = scf.for %scan3A_1019 = %scan3A_896 to %scan3A_898 step %scan3A_899 iter_args(%scan3A_1020 = %scan3A_895) -> (i32)  : i32 {
      %get3A_1021 = arith.constant 0 : i32
      %get3A_1022 = arith.index_cast %get3A_1021 : i32 to index
      %get3A_1023 = arith.index_cast %scan3A_1019 : i32 to index
      %get3A_1024 = arith.constant 64 : index
      %get3A_1025 = tpu.vector_load %arg12[%get3A_1022, %get3A_1023, %get3A_1024] {strides = array<i32>} : memref<2x40x80xi32, #tpu.memory_space<vmem>>, vector<16xi32>,
      %bitcast3A = vector.bitcast %get3A_1025 : vector<16xi32> to vector<16xf32>
      %get3A_1026 = arith.constant 0 : i32
      %get3A_1027 = arith.index_cast %get3A_1026 : i32 to index
      %get3A_1028 = arith.index_cast %scan3A_1019 : i32 to index
      %get3A_1029 = arith.constant 0 : index
      %get3A_1030 = tpu.vector_load %arg13[%get3A_1027, %get3A_1028, %get3A_1029] {strides = array<i32>} : memref<2x40x16xf32, #tpu.memory_space<vmem>>, vector<16xf32>,
      %sub3A = arith.subf %bitcast3A, %get3A_1030 : vector<16xf32>
      %abs3A = math.absf %sub3A : vector<16xf32>
      %mul3A_1031 = arith.mulf %abs3A, %get3A_3 : vector<16xf32>
      %exp3A = math.exp %mul3A_1031 : vector<16xf32>
      %broadcast_in_dim3A_1032 = vector.shape_cast %broadcast_in_dim3A_4 : vector<16xi32> to vector<16x1xi32>
      %gather3A = vector.shape_cast %broadcast_in_dim3A_1032 : vector<16x1xi32> to vector<16xi32>
      %gather3A_1033 = tpu.dynamic_gather %exp3A[%gather3A] in [0] : vector<16xf32>, vector<16xi32> -> vector<16xf32>
      %add3A_1034 = arith.addf %bitcast3A, %get3A_1030 : vector<16xf32>
      %mul3A_1035 = arith.mulf %add3A_1034, %gather3A_1033 : vector<16xf32>
      %mul3A_1036 = arith.constant 2.000000e-01 : f32
      %mul3A_1037 = vector.broadcast %mul3A_1036 : f32 to vector<16xf32>
      %mul3A_1038 = arith.mulf %mul3A_1037, %mul3A_1035 : vector<16xf32>
      %max3A = arith.maximumf %mul3A_1035, %mul3A_1038 : vector<16xf32>
      %exp3A_1039 = math.exp %max3A : vector<16xf32>
      %swap3A = arith.constant 0 : i32
      %swap3A_1040 = arith.index_cast %swap3A : i32 to index
      %swap3A_1041 = arith.index_cast %scan3A_1019 : i32 to index
      %swap3A_1042 = arith.constant 128 : index
      %swap3A_1043 = tpu.vector_load %arg14[%swap3A_1040, %swap3A_1041, %swap3A_1042] {strides = array<i32>} : memref<2x40x144xf32, #tpu.memory_space<vmem>>, vector<16xf32>,
      tpu.vector_store %arg14[%swap3A_1040, %swap3A_1041, %swap3A_1042], %exp3A_1039 {strides = array<i32>} : memref<2x40x144xf32, #tpu.memory_space<vmem>>, vector<16xf32>,
      %broadcast_in_dim3A_1044 = vector.shape_cast %select_n3A_19 : vector<16xi32> to vector<16x1xi32>
      %gather3A_1045 = vector.shape_cast %broadcast_in_dim3A_1044 : vector<16x1xi32> to vector<16xi32>
      %gather3A_1046 = tpu.dynamic_gather %exp3A_1039[%gather3A_1045] in [0] : vector<16xf32>, vector<16xi32> -> vector<16xf32>
      %get3A_1047 = arith.constant 0 : i32
      %get3A_1048 = arith.index_cast %get3A_1047 : i32 to index
      %get3A_1049 = arith.index_cast %scan3A_1019 : i32 to index
      %get3A_1050 = arith.constant 0 : index
      %get3A_1051 = tpu.vector_load %arg12[%get3A_1048, %get3A_1049, %get3A_1050] {strides = array<i32>} : memref<2x40x80xi32, #tpu.memory_space<vmem>>, vector<16xi32>,
      %bitcast3A_1052 = vector.bitcast %get3A_1051 : vector<16xi32> to vector<32xbf16>
      %unpack3A = tpu.unpack_subelements %bitcast3A_1052, 0 {pack_format = #tpu.pack_format<interleaved>} : vector<32xbf16> -> vector<16xf32>
      %unpack3A_1053 = tpu.unpack_subelements %bitcast3A_1052, 1 {pack_format = #tpu.pack_format<interleaved>} : vector<32xbf16> -> vector<16xf32>
      %mul3A_1054 = arith.mulf %unpack3A, %gather3A_1046 : vector<16xf32>
      %swap3A_1055 = arith.constant 0 : i32
      %swap3A_1056 = arith.index_cast %swap3A_1055 : i32 to index
      %swap3A_1057 = arith.index_cast %scan3A_1019 : i32 to index
      %swap3A_1058 = arith.constant 0 : index
      %swap3A_1059 = tpu.vector_load %arg14[%swap3A_1056, %swap3A_1057, %swap3A_1058] {strides = array<i32>} : memref<2x40x144xf32, #tpu.memory_space<vmem>>, vector<16xf32>,
      tpu.vector_store %arg14[%swap3A_1056, %swap3A_1057, %swap3A_1058], %mul3A_1054 {strides = array<i32>} : memref<2x40x144xf32, #tpu.memory_space<vmem>>, vector<16xf32>,
      %mul3A_1060 = arith.mulf %unpack3A_1053, %gather3A_1046 : vector<16xf32>
      %swap3A_1061 = arith.constant 0 : i32
      %swap3A_1062 = arith.index_cast %swap3A_1061 : i32 to index
      %swap3A_1063 = arith.index_cast %scan3A_1019 : i32 to index
      %swap3A_1064 = arith.constant 16 : index
      %swap3A_1065 = tpu.vector_load %arg14[%swap3A_1062, %swap3A_1063, %swap3A_1064] {strides = array<i32>} : memref<2x40x144xf32, #tpu.memory_space<vmem>>, vector<16xf32>,
      tpu.vector_store %arg14[%swap3A_1062, %swap3A_1063, %swap3A_1064], %mul3A_1060 {strides = array<i32>} : memref<2x40x144xf32, #tpu.memory_space<vmem>>, vector<16xf32>,
      %get3A_1066 = arith.constant 0 : i32
      %get3A_1067 = arith.index_cast %get3A_1066 : i32 to index
      %get3A_1068 = arith.index_cast %scan3A_1019 : i32 to index
      %get3A_1069 = arith.constant 16 : index
      %get3A_1070 = tpu.vector_load %arg12[%get3A_1067, %get3A_1068, %get3A_1069] {strides = array<i32>} : memref<2x40x80xi32, #tpu.memory_space<vmem>>, vector<16xi32>,
      %bitcast3A_1071 = vector.bitcast %get3A_1070 : vector<16xi32> to vector<32xbf16>
      %unpack3A_1072 = tpu.unpack_subelements %bitcast3A_1071, 0 {pack_format = #tpu.pack_format<interleaved>} : vector<32xbf16> -> vector<16xf32>
      %unpack3A_1073 = tpu.unpack_subelements %bitcast3A_1071, 1 {pack_format = #tpu.pack_format<interleaved>} : vector<32xbf16> -> vector<16xf32>
      %mul3A_1074 = arith.mulf %unpack3A_1072, %gather3A_1046 : vector<16xf32>
      %swap3A_1075 = arith.constant 0 : i32
      %swap3A_1076 = arith.index_cast %swap3A_1075 : i32 to index
      %swap3A_1077 = arith.index_cast %scan3A_1019 : i32 to index
      %swap3A_1078 = arith.constant 32 : index
      %swap3A_1079 = tpu.vector_load %arg14[%swap3A_1076, %swap3A_1077, %swap3A_1078] {strides = array<i32>} : memref<2x40x144xf32, #tpu.memory_space<vmem>>, vector<16xf32>,
      tpu.vector_store %arg14[%swap3A_1076, %swap3A_1077, %swap3A_1078], %mul3A_1074 {strides = array<i32>} : memref<2x40x144xf32, #tpu.memory_space<vmem>>, vector<16xf32>,
      %mul3A_1080 = arith.mulf %unpack3A_1073, %gather3A_1046 : vector<16xf32>
      %swap3A_1081 = arith.constant 0 : i32
      %swap3A_1082 = arith.index_cast %swap3A_1081 : i32 to index
      %swap3A_1083 = arith.index_cast %scan3A_1019 : i32 to index
      %swap3A_1084 = arith.constant 48 : index
      %swap3A_1085 = tpu.vector_load %arg14[%swap3A_1082, %swap3A_1083, %swap3A_1084] {strides = array<i32>} : memref<2x40x144xf32, #tpu.memory_space<vmem>>, vector<16xf32>,
      tpu.vector_store %arg14[%swap3A_1082, %swap3A_1083, %swap3A_1084], %mul3A_1080 {strides = array<i32>} : memref<2x40x144xf32, #tpu.memory_space<vmem>>, vector<16xf32>,
      %get3A_1086 = arith.constant 0 : i32
      %get3A_1087 = arith.index_cast %get3A_1086 : i32 to index
      %get3A_1088 = arith.index_cast %scan3A_1019 : i32 to index
      %get3A_1089 = arith.constant 32 : index
      %get3A_1090 = tpu.vector_load %arg12[%get3A_1087, %get3A_1088, %get3A_1089] {strides = array<i32>} : memref<2x40x80xi32, #tpu.memory_space<vmem>>, vector<16xi32>,
      %bitcast3A_1091 = vector.bitcast %get3A_1090 : vector<16xi32> to vector<32xbf16>
      %unpack3A_1092 = tpu.unpack_subelements %bitcast3A_1091, 0 {pack_format = #tpu.pack_format<interleaved>} : vector<32xbf16> -> vector<16xf32>
      %unpack3A_1093 = tpu.unpack_subelements %bitcast3A_1091, 1 {pack_format = #tpu.pack_format<interleaved>} : vector<32xbf16> -> vector<16xf32>
      %mul3A_1094 = arith.mulf %unpack3A_1092, %gather3A_1046 : vector<16xf32>
      %swap3A_1095 = arith.constant 0 : i32
      %swap3A_1096 = arith.index_cast %swap3A_1095 : i32 to index
      %swap3A_1097 = arith.index_cast %scan3A_1019 : i32 to index
      %swap3A_1098 = arith.constant 64 : index
      %swap3A_1099 = tpu.vector_load %arg14[%swap3A_1096, %swap3A_1097, %swap3A_1098] {strides = array<i32>} : memref<2x40x144xf32, #tpu.memory_space<vmem>>, vector<16xf32>,
      tpu.vector_store %arg14[%swap3A_1096, %swap3A_1097, %swap3A_1098], %mul3A_1094 {strides = array<i32>} : memref<2x40x144xf32, #tpu.memory_space<vmem>>, vector<16xf32>,
      %mul3A_1100 = arith.mulf %unpack3A_1093, %gather3A_1046 : vector<16xf32>
      %swap3A_1101 = arith.constant 0 : i32
      %swap3A_1102 = arith.index_cast %swap3A_1101 : i32 to index
      %swap3A_1103 = arith.index_cast %scan3A_1019 : i32 to index
      %swap3A_1104 = arith.constant 80 : index
      %swap3A_1105 = tpu.vector_load %arg14[%swap3A_1102, %swap3A_1103, %swap3A_1104] {strides = array<i32>} : memref<2x40x144xf32, #tpu.memory_space<vmem>>, vector<16xf32>,
      tpu.vector_store %arg14[%swap3A_1102, %swap3A_1103, %swap3A_1104], %mul3A_1100 {strides = array<i32>} : memref<2x40x144xf32, #tpu.memory_space<vmem>>, vector<16xf32>,
      %get3A_1106 = arith.constant 0 : i32
      %get3A_1107 = arith.index_cast %get3A_1106 : i32 to index
      %get3A_1108 = arith.index_cast %scan3A_1019 : i32 to index
      %get3A_1109 = arith.constant 48 : index
      %get3A_1110 = tpu.vector_load %arg12[%get3A_1107, %get3A_1108, %get3A_1109] {strides = array<i32>} : memref<2x40x80xi32, #tpu.memory_space<vmem>>, vector<16xi32>,
      %bitcast3A_1111 = vector.bitcast %get3A_1110 : vector<16xi32> to vector<32xbf16>
      %unpack3A_1112 = tpu.unpack_subelements %bitcast3A_1111, 0 {pack_format = #tpu.pack_format<interleaved>} : vector<32xbf16> -> vector<16xf32>
      %unpack3A_1113 = tpu.unpack_subelements %bitcast3A_1111, 1 {pack_format = #tpu.pack_format<interleaved>} : vector<32xbf16> -> vector<16xf32>
      %mul3A_1114 = arith.mulf %unpack3A_1112, %gather3A_1046 : vector<16xf32>
      %swap3A_1115 = arith.constant 0 : i32
      %swap3A_1116 = arith.index_cast %swap3A_1115 : i32 to index
      %swap3A_1117 = arith.index_cast %scan3A_1019 : i32 to index
      %swap3A_1118 = arith.constant 96 : index
      %swap3A_1119 = tpu.vector_load %arg14[%swap3A_1116, %swap3A_1117, %swap3A_1118] {strides = array<i32>} : memref<2x40x144xf32, #tpu.memory_space<vmem>>, vector<16xf32>,
      tpu.vector_store %arg14[%swap3A_1116, %swap3A_1117, %swap3A_1118], %mul3A_1114 {strides = array<i32>} : memref<2x40x144xf32, #tpu.memory_space<vmem>>, vector<16xf32>,
      %mul3A_1120 = arith.mulf %unpack3A_1113, %gather3A_1046 : vector<16xf32>
      %swap3A_1121 = arith.constant 0 : i32
      %swap3A_1122 = arith.index_cast %swap3A_1121 : i32 to index
      %swap3A_1123 = arith.index_cast %scan3A_1019 : i32 to index
      %swap3A_1124 = arith.constant 112 : index
      %swap3A_1125 = tpu.vector_load %arg14[%swap3A_1122, %swap3A_1123, %swap3A_1124] {strides = array<i32>} : memref<2x40x144xf32, #tpu.memory_space<vmem>>, vector<16xf32>,
      tpu.vector_store %arg14[%swap3A_1122, %swap3A_1123, %swap3A_1124], %mul3A_1120 {strides = array<i32>} : memref<2x40x144xf32, #tpu.memory_space<vmem>>, vector<16xf32>,
      %scan3A_1126 = arith.constant 0 : i32
      scf.yield %scan3A_1126 : i32
    }
    %scan3A_901 = arith.constant 40 : i32
    %dma_start3A_902 = arith.constant 0 : i32
    %dma_start3A_903 = arith.constant 0 : i32
    %dma_start3A_904 = arith.constant 0 : i32
    %dma_start3A_905 = arith.constant 0 : i32
    %dma_start3A_906 = arith.constant 0 : i32
    %dma_start3A_907 = tpu.memref_slice %arg14[%dma_start3A_902, %dma_start3A_905, %dma_start3A_906] : memref<2x40x144xf32, #tpu.memory_space<vmem>> -> memref<1x40x144xf32, #tpu.memory_space<vmem>>
    %dma_start3A_908 = tpu.memref_squeeze %dma_start3A_907 : memref<1x40x144xf32, #tpu.memory_space<vmem>> -> memref<40x144xf32, #tpu.memory_space<vmem>>
    %dma_start3A_909 = arith.constant 0 : i32
    %dma_start3A_910 = tpu.memref_slice %arg11[%dma_start3A_903, %dma_start3A_909] : memref<4x40xi32, #tpu.memory_space<vmem>> -> memref<1x40xi32, #tpu.memory_space<vmem>>
    %dma_start3A_911 = tpu.memref_squeeze %dma_start3A_910 : memref<1x40xi32, #tpu.memory_space<vmem>> -> memref<40xi32, #tpu.memory_space<vmem>>
    %dma_start3A_912 = arith.constant 0 : i32
    %dma_start3A_913 = arith.constant 0 : i32
    %dma_start3A_914 = tpu.memref_slice %arg9[%dma_start3A_912, %dma_start3A_913] : memref<10000x144xf32, #tpu.memory_space<vmem_shared>> -> memref<10000x144xf32, #tpu.memory_space<vmem_shared>>
    %dma_start3A_915 = tpu.memref_slice %arg18[%dma_start3A_904] : memref<2x!tpu.dma_semaphore, #tpu.memory_space<semaphore_mem>> -> memref<1x!tpu.dma_semaphore, #tpu.memory_space<semaphore_mem>>
    %dma_start3A_916 = tpu.memref_squeeze %dma_start3A_915 : memref<1x!tpu.dma_semaphore, #tpu.memory_space<semaphore_mem>> -> memref<!tpu.dma_semaphore, #tpu.memory_space<semaphore_mem>>
    tpu.enqueue_indirect_dma source(%dma_start3A_908 : memref<40x144xf32, #tpu.memory_space<vmem>>) target(%dma_start3A_914 : memref<10000x144xf32, #tpu.memory_space<vmem_shared>>) offsets(%dma_start3A_911 : memref<40xi32, #tpu.memory_space<vmem>>) semaphore(%dma_start3A_916 : memref<!tpu.dma_semaphore, #tpu.memory_space<semaphore_mem>>) {add = true}
    %dma_wait3A_917 = arith.constant 1 : i32
    %dma_wait3A_918 = arith.constant 3 : i32
    %dma_wait3A_919 = arith.constant 1 : i32
    %dma_wait3A_920 = arith.constant 0 : i32
    %dma_wait3A_921 = arith.constant 0 : i32
    %dma_wait3A_922 = tpu.memref_slice %arg14[%dma_wait3A_917, %dma_wait3A_920, %dma_wait3A_921] : memref<2x40x144xf32, #tpu.memory_space<vmem>> -> memref<1x40x144xf32, #tpu.memory_space<vmem>>
    %dma_wait3A_923 = tpu.memref_squeeze %dma_wait3A_922 : memref<1x40x144xf32, #tpu.memory_space<vmem>> -> memref<40x144xf32, #tpu.memory_space<vmem>>
    %dma_wait3A_924 = arith.constant 0 : i32
    %dma_wait3A_925 = tpu.memref_slice %arg11[%dma_wait3A_918, %dma_wait3A_924] : memref<4x40xi32, #tpu.memory_space<vmem>> -> memref<1x40xi32, #tpu.memory_space<vmem>>
    %dma_wait3A_926 = tpu.memref_squeeze %dma_wait3A_925 : memref<1x40xi32, #tpu.memory_space<vmem>> -> memref<40xi32, #tpu.memory_space<vmem>>
    %dma_wait3A_927 = arith.constant 0 : i32
    %dma_wait3A_928 = arith.constant 0 : i32
    %dma_wait3A_929 = tpu.memref_slice %arg9[%dma_wait3A_927, %dma_wait3A_928] : memref<10000x144xf32, #tpu.memory_space<vmem_shared>> -> memref<10000x144xf32, #tpu.memory_space<vmem_shared>>
    %dma_wait3A_930 = tpu.memref_slice %arg18[%dma_wait3A_919] : memref<2x!tpu.dma_semaphore, #tpu.memory_space<semaphore_mem>> -> memref<1x!tpu.dma_semaphore, #tpu.memory_space<semaphore_mem>>
    %dma_wait3A_931 = tpu.memref_squeeze %dma_wait3A_930 : memref<1x!tpu.dma_semaphore, #tpu.memory_space<semaphore_mem>> -> memref<!tpu.dma_semaphore, #tpu.memory_space<semaphore_mem>>
    tpu.wait_indirect_dma semaphore(%dma_wait3A_931 : memref<!tpu.dma_semaphore, #tpu.memory_space<semaphore_mem>>) src(%dma_wait3A_923 : memref<40x144xf32, #tpu.memory_space<vmem>>) dst(%dma_wait3A_929 : memref<10000x144xf32, #tpu.memory_space<vmem_shared>>)
    %dma_wait3A_932 = arith.constant 1 : i32
    %dma_wait3A_933 = arith.constant 1 : i32
    %dma_wait3A_934 = arith.constant 1 : i32
    %dma_wait3A_935 = arith.constant 0 : i32
    %dma_wait3A_936 = arith.constant 0 : i32
    %dma_wait3A_937 = tpu.memref_slice %arg12[%dma_wait3A_933, %dma_wait3A_935, %dma_wait3A_936] : memref<2x40x80xi32, #tpu.memory_space<vmem>> -> memref<1x40x80xi32, #tpu.memory_space<vmem>>
    %dma_wait3A_938 = tpu.memref_squeeze %dma_wait3A_937 : memref<1x40x80xi32, #tpu.memory_space<vmem>> -> memref<40x80xi32, #tpu.memory_space<vmem>>
    %dma_wait3A_939 = arith.constant 0 : i32
    %dma_wait3A_940 = tpu.memref_slice %arg10[%dma_wait3A_932, %dma_wait3A_939] : memref<4x40xi32, #tpu.memory_space<vmem>> -> memref<1x40xi32, #tpu.memory_space<vmem>>
    %dma_wait3A_941 = tpu.memref_squeeze %dma_wait3A_940 : memref<1x40xi32, #tpu.memory_space<vmem>> -> memref<40xi32, #tpu.memory_space<vmem>>
    %dma_wait3A_942 = arith.constant 0 : i32
    %dma_wait3A_943 = arith.constant 0 : i32
    %dma_wait3A_944 = tpu.memref_slice %arg4[%dma_wait3A_942, %dma_wait3A_943] : memref<10000x80xi32, #tpu.memory_space<hbm>> -> memref<10000x80xi32, #tpu.memory_space<hbm>>
    %dma_wait3A_945 = tpu.memref_slice %arg17[%dma_wait3A_934] : memref<2x!tpu.dma_semaphore, #tpu.memory_space<semaphore_mem>> -> memref<1x!tpu.dma_semaphore, #tpu.memory_space<semaphore_mem>>
    %dma_wait3A_946 = tpu.memref_squeeze %dma_wait3A_945 : memref<1x!tpu.dma_semaphore, #tpu.memory_space<semaphore_mem>> -> memref<!tpu.dma_semaphore, #tpu.memory_space<semaphore_mem>>
    tpu.wait_indirect_dma semaphore(%dma_wait3A_946 : memref<!tpu.dma_semaphore, #tpu.memory_space<semaphore_mem>>) src(%dma_wait3A_944 : memref<10000x80xi32, #tpu.memory_space<hbm>>) dst(%dma_wait3A_938 : memref<40x80xi32, #tpu.memory_space<vmem>>)
    %dma_wait3A_947 = arith.constant 1 : i32
    %dma_wait3A_948 = arith.constant 1 : i32
    %dma_wait3A_949 = arith.constant 1 : i32
    %dma_wait3A_950 = arith.constant 0 : i32
    %dma_wait3A_951 = arith.constant 0 : i32
    %dma_wait3A_952 = tpu.memref_slice %arg13[%dma_wait3A_948, %dma_wait3A_950, %dma_wait3A_951] : memref<2x40x16xf32, #tpu.memory_space<vmem>> -> memref<1x40x16xf32, #tpu.memory_space<vmem>>
    %dma_wait3A_953 = tpu.memref_squeeze %dma_wait3A_952 : memref<1x40x16xf32, #tpu.memory_space<vmem>> -> memref<40x16xf32, #tpu.memory_space<vmem>>
    %dma_wait3A_954 = arith.constant 0 : i32
    %dma_wait3A_955 = tpu.memref_slice %arg11[%dma_wait3A_947, %dma_wait3A_954] : memref<4x40xi32, #tpu.memory_space<vmem>> -> memref<1x40xi32, #tpu.memory_space<vmem>>
    %dma_wait3A_956 = tpu.memref_squeeze %dma_wait3A_955 : memref<1x40xi32, #tpu.memory_space<vmem>> -> memref<40xi32, #tpu.memory_space<vmem>>
    %dma_wait3A_957 = arith.constant 0 : i32
    %dma_wait3A_958 = arith.constant 0 : i32
    %dma_wait3A_959 = tpu.memref_slice %arg5[%dma_wait3A_957, %dma_wait3A_958] : memref<10000x16xf32, #tpu.memory_space<hbm>> -> memref<10000x16xf32, #tpu.memory_space<hbm>>
    %dma_wait3A_960 = tpu.memref_slice %arg17[%dma_wait3A_949] : memref<2x!tpu.dma_semaphore, #tpu.memory_space<semaphore_mem>> -> memref<1x!tpu.dma_semaphore, #tpu.memory_space<semaphore_mem>>
    %dma_wait3A_961 = tpu.memref_squeeze %dma_wait3A_960 : memref<1x!tpu.dma_semaphore, #tpu.memory_space<semaphore_mem>> -> memref<!tpu.dma_semaphore, #tpu.memory_space<semaphore_mem>>
    tpu.wait_indirect_dma semaphore(%dma_wait3A_961 : memref<!tpu.dma_semaphore, #tpu.memory_space<semaphore_mem>>) src(%dma_wait3A_959 : memref<10000x16xf32, #tpu.memory_space<hbm>>) dst(%dma_wait3A_953 : memref<40x16xf32, #tpu.memory_space<vmem>>)
    %scan3A_962 = arith.constant 0 : i32
    %scan3A_963 = arith.constant 0 : i32
    %scan3A_964 = arith.constant 40 : i32
    %scan3A_965 = arith.addi %scan3A_963, %scan3A_964 : i32
    %scan3A_966 = arith.constant 1 : i32
    %scan3A_967 = scf.for %scan3A_1019 = %scan3A_963 to %scan3A_965 step %scan3A_966 iter_args(%scan3A_1020 = %scan3A_962) -> (i32)  : i32 {
      %get3A_1021 = arith.constant 1 : i32
      %get3A_1022 = arith.index_cast %get3A_1021 : i32 to index
      %get3A_1023 = arith.index_cast %scan3A_1019 : i32 to index
      %get3A_1024 = arith.constant 64 : index
      %get3A_1025 = tpu.vector_load %arg12[%get3A_1022, %get3A_1023, %get3A_1024] {strides = array<i32>} : memref<2x40x80xi32, #tpu.memory_space<vmem>>, vector<16xi32>,
      %bitcast3A = vector.bitcast %get3A_1025 : vector<16xi32> to vector<16xf32>
      %get3A_1026 = arith.constant 1 : i32
      %get3A_1027 = arith.index_cast %get3A_1026 : i32 to index
      %get3A_1028 = arith.index_cast %scan3A_1019 : i32 to index
      %get3A_1029 = arith.constant 0 : index
      %get3A_1030 = tpu.vector_load %arg13[%get3A_1027, %get3A_1028, %get3A_1029] {strides = array<i32>} : memref<2x40x16xf32, #tpu.memory_space<vmem>>, vector<16xf32>,
      %sub3A = arith.subf %bitcast3A, %get3A_1030 : vector<16xf32>
      %abs3A = math.absf %sub3A : vector<16xf32>
      %mul3A_1031 = arith.mulf %abs3A, %get3A_3 : vector<16xf32>
      %exp3A = math.exp %mul3A_1031 : vector<16xf32>
      %broadcast_in_dim3A_1032 = vector.shape_cast %broadcast_in_dim3A_4 : vector<16xi32> to vector<16x1xi32>
      %gather3A = vector.shape_cast %broadcast_in_dim3A_1032 : vector<16x1xi32> to vector<16xi32>
      %gather3A_1033 = tpu.dynamic_gather %exp3A[%gather3A] in [0] : vector<16xf32>, vector<16xi32> -> vector<16xf32>
      %add3A_1034 = arith.addf %bitcast3A, %get3A_1030 : vector<16xf32>
      %mul3A_1035 = arith.mulf %add3A_1034, %gather3A_1033 : vector<16xf32>
      %mul3A_1036 = arith.constant 2.000000e-01 : f32
      %mul3A_1037 = vector.broadcast %mul3A_1036 : f32 to vector<16xf32>
      %mul3A_1038 = arith.mulf %mul3A_1037, %mul3A_1035 : vector<16xf32>
      %max3A = arith.maximumf %mul3A_1035, %mul3A_1038 : vector<16xf32>
      %exp3A_1039 = math.exp %max3A : vector<16xf32>
      %swap3A = arith.constant 1 : i32
      %swap3A_1040 = arith.index_cast %swap3A : i32 to index
      %swap3A_1041 = arith.index_cast %scan3A_1019 : i32 to index
      %swap3A_1042 = arith.constant 128 : index
      %swap3A_1043 = tpu.vector_load %arg14[%swap3A_1040, %swap3A_1041, %swap3A_1042] {strides = array<i32>} : memref<2x40x144xf32, #tpu.memory_space<vmem>>, vector<16xf32>,
      tpu.vector_store %arg14[%swap3A_1040, %swap3A_1041, %swap3A_1042], %exp3A_1039 {strides = array<i32>} : memref<2x40x144xf32, #tpu.memory_space<vmem>>, vector<16xf32>,
      %broadcast_in_dim3A_1044 = vector.shape_cast %select_n3A_19 : vector<16xi32> to vector<16x1xi32>
      %gather3A_1045 = vector.shape_cast %broadcast_in_dim3A_1044 : vector<16x1xi32> to vector<16xi32>
      %gather3A_1046 = tpu.dynamic_gather %exp3A_1039[%gather3A_1045] in [0] : vector<16xf32>, vector<16xi32> -> vector<16xf32>
      %get3A_1047 = arith.constant 1 : i32
      %get3A_1048 = arith.index_cast %get3A_1047 : i32 to index
      %get3A_1049 = arith.index_cast %scan3A_1019 : i32 to index
      %get3A_1050 = arith.constant 0 : index
      %get3A_1051 = tpu.vector_load %arg12[%get3A_1048, %get3A_1049, %get3A_1050] {strides = array<i32>} : memref<2x40x80xi32, #tpu.memory_space<vmem>>, vector<16xi32>,
      %bitcast3A_1052 = vector.bitcast %get3A_1051 : vector<16xi32> to vector<32xbf16>
      %unpack3A = tpu.unpack_subelements %bitcast3A_1052, 0 {pack_format = #tpu.pack_format<interleaved>} : vector<32xbf16> -> vector<16xf32>
      %unpack3A_1053 = tpu.unpack_subelements %bitcast3A_1052, 1 {pack_format = #tpu.pack_format<interleaved>} : vector<32xbf16> -> vector<16xf32>
      %mul3A_1054 = arith.mulf %unpack3A, %gather3A_1046 : vector<16xf32>
      %swap3A_1055 = arith.constant 1 : i32
      %swap3A_1056 = arith.index_cast %swap3A_1055 : i32 to index
      %swap3A_1057 = arith.index_cast %scan3A_1019 : i32 to index
      %swap3A_1058 = arith.constant 0 : index
      %swap3A_1059 = tpu.vector_load %arg14[%swap3A_1056, %swap3A_1057, %swap3A_1058] {strides = array<i32>} : memref<2x40x144xf32, #tpu.memory_space<vmem>>, vector<16xf32>,
      tpu.vector_store %arg14[%swap3A_1056, %swap3A_1057, %swap3A_1058], %mul3A_1054 {strides = array<i32>} : memref<2x40x144xf32, #tpu.memory_space<vmem>>, vector<16xf32>,
      %mul3A_1060 = arith.mulf %unpack3A_1053, %gather3A_1046 : vector<16xf32>
      %swap3A_1061 = arith.constant 1 : i32
      %swap3A_1062 = arith.index_cast %swap3A_1061 : i32 to index
      %swap3A_1063 = arith.index_cast %scan3A_1019 : i32 to index
      %swap3A_1064 = arith.constant 16 : index
      %swap3A_1065 = tpu.vector_load %arg14[%swap3A_1062, %swap3A_1063, %swap3A_1064] {strides = array<i32>} : memref<2x40x144xf32, #tpu.memory_space<vmem>>, vector<16xf32>,
      tpu.vector_store %arg14[%swap3A_1062, %swap3A_1063, %swap3A_1064], %mul3A_1060 {strides = array<i32>} : memref<2x40x144xf32, #tpu.memory_space<vmem>>, vector<16xf32>,
      %get3A_1066 = arith.constant 1 : i32
      %get3A_1067 = arith.index_cast %get3A_1066 : i32 to index
      %get3A_1068 = arith.index_cast %scan3A_1019 : i32 to index
      %get3A_1069 = arith.constant 16 : index
      %get3A_1070 = tpu.vector_load %arg12[%get3A_1067, %get3A_1068, %get3A_1069] {strides = array<i32>} : memref<2x40x80xi32, #tpu.memory_space<vmem>>, vector<16xi32>,
      %bitcast3A_1071 = vector.bitcast %get3A_1070 : vector<16xi32> to vector<32xbf16>
      %unpack3A_1072 = tpu.unpack_subelements %bitcast3A_1071, 0 {pack_format = #tpu.pack_format<interleaved>} : vector<32xbf16> -> vector<16xf32>
      %unpack3A_1073 = tpu.unpack_subelements %bitcast3A_1071, 1 {pack_format = #tpu.pack_format<interleaved>} : vector<32xbf16> -> vector<16xf32>
      %mul3A_1074 = arith.mulf %unpack3A_1072, %gather3A_1046 : vector<16xf32>
      %swap3A_1075 = arith.constant 1 : i32
      %swap3A_1076 = arith.index_cast %swap3A_1075 : i32 to index
      %swap3A_1077 = arith.index_cast %scan3A_1019 : i32 to index
      %swap3A_1078 = arith.constant 32 : index
      %swap3A_1079 = tpu.vector_load %arg14[%swap3A_1076, %swap3A_1077, %swap3A_1078] {strides = array<i32>} : memref<2x40x144xf32, #tpu.memory_space<vmem>>, vector<16xf32>,
      tpu.vector_store %arg14[%swap3A_1076, %swap3A_1077, %swap3A_1078], %mul3A_1074 {strides = array<i32>} : memref<2x40x144xf32, #tpu.memory_space<vmem>>, vector<16xf32>,
      %mul3A_1080 = arith.mulf %unpack3A_1073, %gather3A_1046 : vector<16xf32>
      %swap3A_1081 = arith.constant 1 : i32
      %swap3A_1082 = arith.index_cast %swap3A_1081 : i32 to index
      %swap3A_1083 = arith.index_cast %scan3A_1019 : i32 to index
      %swap3A_1084 = arith.constant 48 : index
      %swap3A_1085 = tpu.vector_load %arg14[%swap3A_1082, %swap3A_1083, %swap3A_1084] {strides = array<i32>} : memref<2x40x144xf32, #tpu.memory_space<vmem>>, vector<16xf32>,
      tpu.vector_store %arg14[%swap3A_1082, %swap3A_1083, %swap3A_1084], %mul3A_1080 {strides = array<i32>} : memref<2x40x144xf32, #tpu.memory_space<vmem>>, vector<16xf32>,
      %get3A_1086 = arith.constant 1 : i32
      %get3A_1087 = arith.index_cast %get3A_1086 : i32 to index
      %get3A_1088 = arith.index_cast %scan3A_1019 : i32 to index
      %get3A_1089 = arith.constant 32 : index
      %get3A_1090 = tpu.vector_load %arg12[%get3A_1087, %get3A_1088, %get3A_1089] {strides = array<i32>} : memref<2x40x80xi32, #tpu.memory_space<vmem>>, vector<16xi32>,
      %bitcast3A_1091 = vector.bitcast %get3A_1090 : vector<16xi32> to vector<32xbf16>
      %unpack3A_1092 = tpu.unpack_subelements %bitcast3A_1091, 0 {pack_format = #tpu.pack_format<interleaved>} : vector<32xbf16> -> vector<16xf32>
      %unpack3A_1093 = tpu.unpack_subelements %bitcast3A_1091, 1 {pack_format = #tpu.pack_format<interleaved>} : vector<32xbf16> -> vector<16xf32>
      %mul3A_1094 = arith.mulf %unpack3A_1092, %gather3A_1046 : vector<16xf32>
      %swap3A_1095 = arith.constant 1 : i32
      %swap3A_1096 = arith.index_cast %swap3A_1095 : i32 to index
      %swap3A_1097 = arith.index_cast %scan3A_1019 : i32 to index
      %swap3A_1098 = arith.constant 64 : index
      %swap3A_1099 = tpu.vector_load %arg14[%swap3A_1096, %swap3A_1097, %swap3A_1098] {strides = array<i32>} : memref<2x40x144xf32, #tpu.memory_space<vmem>>, vector<16xf32>,
      tpu.vector_store %arg14[%swap3A_1096, %swap3A_1097, %swap3A_1098], %mul3A_1094 {strides = array<i32>} : memref<2x40x144xf32, #tpu.memory_space<vmem>>, vector<16xf32>,
      %mul3A_1100 = arith.mulf %unpack3A_1093, %gather3A_1046 : vector<16xf32>
      %swap3A_1101 = arith.constant 1 : i32
      %swap3A_1102 = arith.index_cast %swap3A_1101 : i32 to index
      %swap3A_1103 = arith.index_cast %scan3A_1019 : i32 to index
      %swap3A_1104 = arith.constant 80 : index
      %swap3A_1105 = tpu.vector_load %arg14[%swap3A_1102, %swap3A_1103, %swap3A_1104] {strides = array<i32>} : memref<2x40x144xf32, #tpu.memory_space<vmem>>, vector<16xf32>,
      tpu.vector_store %arg14[%swap3A_1102, %swap3A_1103, %swap3A_1104], %mul3A_1100 {strides = array<i32>} : memref<2x40x144xf32, #tpu.memory_space<vmem>>, vector<16xf32>,
      %get3A_1106 = arith.constant 1 : i32
      %get3A_1107 = arith.index_cast %get3A_1106 : i32 to index
      %get3A_1108 = arith.index_cast %scan3A_1019 : i32 to index
      %get3A_1109 = arith.constant 48 : index
      %get3A_1110 = tpu.vector_load %arg12[%get3A_1107, %get3A_1108, %get3A_1109] {strides = array<i32>} : memref<2x40x80xi32, #tpu.memory_space<vmem>>, vector<16xi32>,
      %bitcast3A_1111 = vector.bitcast %get3A_1110 : vector<16xi32> to vector<32xbf16>
      %unpack3A_1112 = tpu.unpack_subelements %bitcast3A_1111, 0 {pack_format = #tpu.pack_format<interleaved>} : vector<32xbf16> -> vector<16xf32>
      %unpack3A_1113 = tpu.unpack_subelements %bitcast3A_1111, 1 {pack_format = #tpu.pack_format<interleaved>} : vector<32xbf16> -> vector<16xf32>
      %mul3A_1114 = arith.mulf %unpack3A_1112, %gather3A_1046 : vector<16xf32>
      %swap3A_1115 = arith.constant 1 : i32
      %swap3A_1116 = arith.index_cast %swap3A_1115 : i32 to index
      %swap3A_1117 = arith.index_cast %scan3A_1019 : i32 to index
      %swap3A_1118 = arith.constant 96 : index
      %swap3A_1119 = tpu.vector_load %arg14[%swap3A_1116, %swap3A_1117, %swap3A_1118] {strides = array<i32>} : memref<2x40x144xf32, #tpu.memory_space<vmem>>, vector<16xf32>,
      tpu.vector_store %arg14[%swap3A_1116, %swap3A_1117, %swap3A_1118], %mul3A_1114 {strides = array<i32>} : memref<2x40x144xf32, #tpu.memory_space<vmem>>, vector<16xf32>,
      %mul3A_1120 = arith.mulf %unpack3A_1113, %gather3A_1046 : vector<16xf32>
      %swap3A_1121 = arith.constant 1 : i32
      %swap3A_1122 = arith.index_cast %swap3A_1121 : i32 to index
      %swap3A_1123 = arith.index_cast %scan3A_1019 : i32 to index
      %swap3A_1124 = arith.constant 112 : index
      %swap3A_1125 = tpu.vector_load %arg14[%swap3A_1122, %swap3A_1123, %swap3A_1124] {strides = array<i32>} : memref<2x40x144xf32, #tpu.memory_space<vmem>>, vector<16xf32>,
      tpu.vector_store %arg14[%swap3A_1122, %swap3A_1123, %swap3A_1124], %mul3A_1120 {strides = array<i32>} : memref<2x40x144xf32, #tpu.memory_space<vmem>>, vector<16xf32>,
      %scan3A_1126 = arith.constant 0 : i32
      scf.yield %scan3A_1126 : i32
    }
    %scan3A_968 = arith.constant 40 : i32
    %dma_start3A_969 = arith.constant 1 : i32
    %dma_start3A_970 = arith.constant 1 : i32
    %dma_start3A_971 = arith.constant 1 : i32
    %dma_start3A_972 = arith.constant 0 : i32
    %dma_start3A_973 = arith.constant 0 : i32
    %dma_start3A_974 = tpu.memref_slice %arg14[%dma_start3A_969, %dma_start3A_972, %dma_start3A_973] : memref<2x40x144xf32, #tpu.memory_space<vmem>> -> memref<1x40x144xf32, #tpu.memory_space<vmem>>
    %dma_start3A_975 = tpu.memref_squeeze %dma_start3A_974 : memref<1x40x144xf32, #tpu.memory_space<vmem>> -> memref<40x144xf32, #tpu.memory_space<vmem>>
    %dma_start3A_976 = arith.constant 0 : i32
    %dma_start3A_977 = tpu.memref_slice %arg11[%dma_start3A_970, %dma_start3A_976] : memref<4x40xi32, #tpu.memory_space<vmem>> -> memref<1x40xi32, #tpu.memory_space<vmem>>
    %dma_start3A_978 = tpu.memref_squeeze %dma_start3A_977 : memref<1x40xi32, #tpu.memory_space<vmem>> -> memref<40xi32, #tpu.memory_space<vmem>>
    %dma_start3A_979 = arith.constant 0 : i32
    %dma_start3A_980 = arith.constant 0 : i32
    %dma_start3A_981 = tpu.memref_slice %arg9[%dma_start3A_979, %dma_start3A_980] : memref<10000x144xf32, #tpu.memory_space<vmem_shared>> -> memref<10000x144xf32, #tpu.memory_space<vmem_shared>>
    %dma_start3A_982 = tpu.memref_slice %arg18[%dma_start3A_971] : memref<2x!tpu.dma_semaphore, #tpu.memory_space<semaphore_mem>> -> memref<1x!tpu.dma_semaphore, #tpu.memory_space<semaphore_mem>>
    %dma_start3A_983 = tpu.memref_squeeze %dma_start3A_982 : memref<1x!tpu.dma_semaphore, #tpu.memory_space<semaphore_mem>> -> memref<!tpu.dma_semaphore, #tpu.memory_space<semaphore_mem>>
    tpu.enqueue_indirect_dma source(%dma_start3A_975 : memref<40x144xf32, #tpu.memory_space<vmem>>) target(%dma_start3A_981 : memref<10000x144xf32, #tpu.memory_space<vmem_shared>>) offsets(%dma_start3A_978 : memref<40xi32, #tpu.memory_space<vmem>>) semaphore(%dma_start3A_983 : memref<!tpu.dma_semaphore, #tpu.memory_space<semaphore_mem>>) {add = true}
    %dma_wait3A_984 = arith.constant 0 : i32
    %dma_wait3A_985 = arith.constant 0 : i32
    %dma_wait3A_986 = arith.constant 0 : i32
    %dma_wait3A_987 = arith.constant 0 : i32
    %dma_wait3A_988 = arith.constant 0 : i32
    %dma_wait3A_989 = tpu.memref_slice %arg14[%dma_wait3A_984, %dma_wait3A_987, %dma_wait3A_988] : memref<2x40x144xf32, #tpu.memory_space<vmem>> -> memref<1x40x144xf32, #tpu.memory_space<vmem>>
    %dma_wait3A_990 = tpu.memref_squeeze %dma_wait3A_989 : memref<1x40x144xf32, #tpu.memory_space<vmem>> -> memref<40x144xf32, #tpu.memory_space<vmem>>
    %dma_wait3A_991 = arith.constant 0 : i32
    %dma_wait3A_992 = tpu.memref_slice %arg11[%dma_wait3A_985, %dma_wait3A_991] : memref<4x40xi32, #tpu.memory_space<vmem>> -> memref<1x40xi32, #tpu.memory_space<vmem>>
    %dma_wait3A_993 = tpu.memref_squeeze %dma_wait3A_992 : memref<1x40xi32, #tpu.memory_space<vmem>> -> memref<40xi32, #tpu.memory_space<vmem>>
    %dma_wait3A_994 = arith.constant 0 : i32
    %dma_wait3A_995 = arith.constant 0 : i32
    %dma_wait3A_996 = tpu.memref_slice %arg9[%dma_wait3A_994, %dma_wait3A_995] : memref<10000x144xf32, #tpu.memory_space<vmem_shared>> -> memref<10000x144xf32, #tpu.memory_space<vmem_shared>>
    %dma_wait3A_997 = tpu.memref_slice %arg18[%dma_wait3A_986] : memref<2x!tpu.dma_semaphore, #tpu.memory_space<semaphore_mem>> -> memref<1x!tpu.dma_semaphore, #tpu.memory_space<semaphore_mem>>
    %dma_wait3A_998 = tpu.memref_squeeze %dma_wait3A_997 : memref<1x!tpu.dma_semaphore, #tpu.memory_space<semaphore_mem>> -> memref<!tpu.dma_semaphore, #tpu.memory_space<semaphore_mem>>
    tpu.wait_indirect_dma semaphore(%dma_wait3A_998 : memref<!tpu.dma_semaphore, #tpu.memory_space<semaphore_mem>>) src(%dma_wait3A_990 : memref<40x144xf32, #tpu.memory_space<vmem>>) dst(%dma_wait3A_996 : memref<10000x144xf32, #tpu.memory_space<vmem_shared>>)
    %dma_wait3A_999 = arith.constant 1 : i32
    %dma_wait3A_1000 = arith.constant 1 : i32
    %dma_wait3A_1001 = arith.constant 1 : i32
    %dma_wait3A_1002 = arith.constant 0 : i32
    %dma_wait3A_1003 = arith.constant 0 : i32
    %dma_wait3A_1004 = tpu.memref_slice %arg14[%dma_wait3A_999, %dma_wait3A_1002, %dma_wait3A_1003] : memref<2x40x144xf32, #tpu.memory_space<vmem>> -> memref<1x40x144xf32, #tpu.memory_space<vmem>>
    %dma_wait3A_1005 = tpu.memref_squeeze %dma_wait3A_1004 : memref<1x40x144xf32, #tpu.memory_space<vmem>> -> memref<40x144xf32, #tpu.memory_space<vmem>>
    %dma_wait3A_1006 = arith.constant 0 : i32
    %dma_wait3A_1007 = tpu.memref_slice %arg11[%dma_wait3A_1000, %dma_wait3A_1006] : memref<4x40xi32, #tpu.memory_space<vmem>> -> memref<1x40xi32, #tpu.memory_space<vmem>>
    %dma_wait3A_1008 = tpu.memref_squeeze %dma_wait3A_1007 : memref<1x40xi32, #tpu.memory_space<vmem>> -> memref<40xi32, #tpu.memory_space<vmem>>
    %dma_wait3A_1009 = arith.constant 0 : i32
    %dma_wait3A_1010 = arith.constant 0 : i32
    %dma_wait3A_1011 = tpu.memref_slice %arg9[%dma_wait3A_1009, %dma_wait3A_1010] : memref<10000x144xf32, #tpu.memory_space<vmem_shared>> -> memref<10000x144xf32, #tpu.memory_space<vmem_shared>>
    %dma_wait3A_1012 = tpu.memref_slice %arg18[%dma_wait3A_1001] : memref<2x!tpu.dma_semaphore, #tpu.memory_space<semaphore_mem>> -> memref<1x!tpu.dma_semaphore, #tpu.memory_space<semaphore_mem>>
    %dma_wait3A_1013 = tpu.memref_squeeze %dma_wait3A_1012 : memref<1x!tpu.dma_semaphore, #tpu.memory_space<semaphore_mem>> -> memref<!tpu.dma_semaphore, #tpu.memory_space<semaphore_mem>>
    tpu.wait_indirect_dma semaphore(%dma_wait3A_1013 : memref<!tpu.dma_semaphore, #tpu.memory_space<semaphore_mem>>) src(%dma_wait3A_1005 : memref<40x144xf32, #tpu.memory_space<vmem>>) dst(%dma_wait3A_1011 : memref<10000x144xf32, #tpu.memory_space<vmem_shared>>)
    %barrier3A_1014 = arith.constant 0 : index
    tpu.barrier barrier_id(%barrier3A_1014)
    %mul3A_1015 = arith.constant 625 : i32
    %mul3A_1016 = arith.muli %arg1, %mul3A_1015 : i32
    %mul3A_1017 = arith.constant 625 : i32
    %mul3A_1018 = arith.muli %arg1, %mul3A_1017 : i32
    "tpu.region"() ({
      %run_scoped3A = tpu.sem_alloc : memref<!tpu.dma_semaphore, #tpu.memory_space<semaphore_mem>>
      %dma_start3A_1019 = arith.constant 0 : i32
      %dma_start3A_1020 = tpu.memref_slice %arg8[%arg0, %mul3A_1018, %dma_start3A_1019] : memref<2x10000x144xf32, #tpu.memory_space<hbm>> -> memref<1x625x144xf32, #tpu.memory_space<hbm>>
      %dma_start3A_1021 = tpu.memref_squeeze %dma_start3A_1020 : memref<1x625x144xf32, #tpu.memory_space<hbm>> -> memref<625x144xf32, #tpu.memory_space<hbm>>
      %dma_start3A_1022 = arith.constant 0 : i32
      %dma_start3A_1023 = tpu.memref_slice %arg9[%mul3A_1016, %dma_start3A_1022] : memref<10000x144xf32, #tpu.memory_space<vmem_shared>> -> memref<625x144xf32, #tpu.memory_space<vmem_shared>>
      tpu.enqueue_dma source(%dma_start3A_1023 : memref<625x144xf32, #tpu.memory_space<vmem_shared>>) target(%dma_start3A_1021 : memref<625x144xf32, #tpu.memory_space<hbm>>) target_semaphore(%run_scoped3A : memref<!tpu.dma_semaphore, #tpu.memory_space<semaphore_mem>>)
      %dma_wait3A_1024 = arith.constant 0 : i32
      %dma_wait3A_1025 = tpu.memref_slice %arg8[%arg0, %mul3A_1018, %dma_wait3A_1024] : memref<2x10000x144xf32, #tpu.memory_space<hbm>> -> memref<1x625x144xf32, #tpu.memory_space<hbm>>
      %dma_wait3A_1026 = tpu.memref_squeeze %dma_wait3A_1025 : memref<1x625x144xf32, #tpu.memory_space<hbm>> -> memref<625x144xf32, #tpu.memory_space<hbm>>
      %dma_wait3A_1027 = arith.constant 0 : i32
      %dma_wait3A_1028 = tpu.memref_slice %arg9[%mul3A_1016, %dma_wait3A_1027] : memref<10000x144xf32, #tpu.memory_space<vmem_shared>> -> memref<625x144xf32, #tpu.memory_space<vmem_shared>>
      tpu.wait_dma2 semaphore(%run_scoped3A : memref<!tpu.dma_semaphore, #tpu.memory_space<semaphore_mem>>) src(%dma_wait3A_1028 : memref<625x144xf32, #tpu.memory_space<vmem_shared>>) dst(%dma_wait3A_1026 : memref<625x144xf32, #tpu.memory_space<hbm>>)
      tpu.yield
    }) : () -> ()
    return
  }
}

module attributes {stable_mosaic.version = 14 : i64} {
  func.func @_prep_body(%arg0: i32, %arg1: memref<1000x128xf32, #tpu.memory_space<vmem>>, %arg2: memref<128x128xf32, #tpu.memory_space<vmem>>, %arg3: memref<128x16xf32, #tpu.memory_space<vmem>>, %arg4: memref<128x16xf32, #tpu.memory_space<vmem>>, %arg5: memref<128x128xf32, #tpu.memory_space<vmem>>, %arg6: memref<1000x1xf32, #tpu.memory_space<vmem>>, %arg7: memref<1000x144xf32, #tpu.memory_space<vmem>>, %arg8: memref<1000x16xf32, #tpu.memory_space<vmem>>) attributes {dimension_semantics = [#tpu.dimension_semantics<arbitrary>], iteration_bounds = array<i64: 10>, scalar_prefetch = 0 : i64, scratch_operands = 0 : i64, tpu.core_type = #tpu.core_type<tc>, window_params = [{transform_indices = @transform_0, window_bounds = array<i64: 1000, 128>}, {pipeline_mode = #tpu.pipeline_mode<synchronous>, transform_indices = @transform_1, window_bounds = array<i64: 128, 128>}, {pipeline_mode = #tpu.pipeline_mode<synchronous>, transform_indices = @transform_2, window_bounds = array<i64: 128, 16>}, {pipeline_mode = #tpu.pipeline_mode<synchronous>, transform_indices = @transform_3, window_bounds = array<i64: 128, 16>}, {pipeline_mode = #tpu.pipeline_mode<synchronous>, transform_indices = @transform_4, window_bounds = array<i64: 128, 128>}, {transform_indices = @transform_5, window_bounds = array<i64: 1000, 1>}, {transform_indices = @transform_6, window_bounds = array<i64: 1000, 144>}, {transform_indices = @transform_7, window_bounds = array<i64: 1000, 16>}]} {
    %get3A = arith.constant 0 : index
    %get3A_0 = arith.constant 0 : index
    %get3A_1 = vector.load %arg1[%get3A, %get3A_0] : memref<1000x128xf32, #tpu.memory_space<vmem>>, vector<1000x128xf32>
    %get3A_2 = arith.constant 0 : index
    %get3A_3 = arith.constant 0 : index
    %get3A_4 = vector.load %arg2[%get3A_2, %get3A_3] : memref<128x128xf32, #tpu.memory_space<vmem>>, vector<128x128xf32>
    %dot_general3A = arith.constant dense<0.000000e+00> : vector<1000x128xf32>
    %dot_general3A_5 = tpu.matmul %get3A_1, %get3A_4, %dot_general3A {dimension_numbers = #tpu.dot_dimension_numbers<[1], [0], [0], [1], [0, 0, 1, 1], [], []>, transpose_lhs_hint = false} : vector<1000x128xf32>, vector<128x128xf32>, vector<1000x128xf32> -> vector<1000x128xf32>
    %get3A_6 = arith.constant 0 : index
    %get3A_7 = arith.constant 0 : index
    %get3A_8 = vector.load %arg6[%get3A_6, %get3A_7] : memref<1000x1xf32, #tpu.memory_space<vmem>>, vector<1000x1xf32>
    %broadcast_in_dim3A = arith.constant 0.000000e+00 : f32
    %broadcast_in_dim3A_9 = vector.broadcast %broadcast_in_dim3A : f32 to vector<1x8xf32>
    %broadcast_in_dim3A_10 = arith.constant 1.000000e+00 : f32
    %broadcast_in_dim3A_11 = vector.broadcast %broadcast_in_dim3A_10 : f32 to vector<1x8xf32>
    %concatenate3A = tpu.concatenate %broadcast_in_dim3A_9, %broadcast_in_dim3A_11 in 1 : vector<1x8xf32>, vector<1x8xf32> -> vector<1x16xf32>
    %get3A_12 = arith.constant 0 : index
    %get3A_13 = arith.constant 0 : index
    %get3A_14 = vector.load %arg3[%get3A_12, %get3A_13] : memref<128x16xf32, #tpu.memory_space<vmem>>, vector<128x16xf32>
    %dot_general3A_15 = arith.constant dense<0.000000e+00> : vector<1000x16xf32>
    %dot_general3A_16 = tpu.matmul %dot_general3A_5, %get3A_14, %dot_general3A_15 {dimension_numbers = #tpu.dot_dimension_numbers<[1], [0], [0], [1], [0, 0, 1, 1], [], []>, transpose_lhs_hint = false} : vector<1000x128xf32>, vector<128x16xf32>, vector<1000x16xf32> -> vector<1000x16xf32>
    %mul3A = vector.broadcast %get3A_8 : vector<1000x1xf32> to vector<1000x16xf32>
    %mul3A_17 = vector.broadcast %concatenate3A : vector<1x16xf32> to vector<1000x16xf32>
    %mul3A_18 = arith.mulf %mul3A, %mul3A_17 : vector<1000x16xf32>
    %add3A = arith.addf %dot_general3A_16, %mul3A_18 : vector<1000x16xf32>
    %get3A_19 = arith.constant 0 : index
    %get3A_20 = arith.constant 0 : index
    %get3A_21 = vector.load %arg5[%get3A_19, %get3A_20] : memref<128x128xf32, #tpu.memory_space<vmem>>, vector<128x128xf32>
    %dot_general3A_22 = arith.constant dense<0.000000e+00> : vector<1000x128xf32>
    %dot_general3A_23 = tpu.matmul %dot_general3A_5, %get3A_21, %dot_general3A_22 {dimension_numbers = #tpu.dot_dimension_numbers<[1], [0], [0], [1], [0, 0, 1, 1], [], []>, transpose_lhs_hint = false} : vector<1000x128xf32>, vector<128x128xf32>, vector<1000x128xf32> -> vector<1000x128xf32>
    %concatenate3A_24 = tpu.concatenate %dot_general3A_23, %add3A in 1 : vector<1000x128xf32>, vector<1000x16xf32> -> vector<1000x144xf32>
    %swap3A = arith.constant 0 : index
    %swap3A_25 = arith.constant 0 : index
    %swap3A_26 = vector.load %arg7[%swap3A, %swap3A_25] : memref<1000x144xf32, #tpu.memory_space<vmem>>, vector<1000x144xf32>
    tpu.vector_store %arg7[%swap3A, %swap3A_25], %concatenate3A_24 {strides = array<i32>} : memref<1000x144xf32, #tpu.memory_space<vmem>>, vector<1000x144xf32>,
    %get3A_27 = arith.constant 0 : index
    %get3A_28 = arith.constant 0 : index
    %get3A_29 = vector.load %arg4[%get3A_27, %get3A_28] : memref<128x16xf32, #tpu.memory_space<vmem>>, vector<128x16xf32>
    %dot_general3A_30 = arith.constant dense<0.000000e+00> : vector<1000x16xf32>
    %dot_general3A_31 = tpu.matmul %dot_general3A_5, %get3A_29, %dot_general3A_30 {dimension_numbers = #tpu.dot_dimension_numbers<[1], [0], [0], [1], [0, 0, 1, 1], [], []>, transpose_lhs_hint = false} : vector<1000x128xf32>, vector<128x16xf32>, vector<1000x16xf32> -> vector<1000x16xf32>
    %mul3A_32 = vector.broadcast %get3A_8 : vector<1000x1xf32> to vector<1000x16xf32>
    %mul3A_33 = vector.broadcast %concatenate3A : vector<1x16xf32> to vector<1000x16xf32>
    %mul3A_34 = arith.mulf %mul3A_32, %mul3A_33 : vector<1000x16xf32>
    %add3A_35 = arith.addf %dot_general3A_31, %mul3A_34 : vector<1000x16xf32>
    %swap3A_36 = arith.constant 0 : index
    %swap3A_37 = arith.constant 0 : index
    %swap3A_38 = vector.load %arg8[%swap3A_36, %swap3A_37] : memref<1000x16xf32, #tpu.memory_space<vmem>>, vector<1000x16xf32>
    tpu.vector_store %arg8[%swap3A_36, %swap3A_37], %add3A_35 {strides = array<i32>} : memref<1000x16xf32, #tpu.memory_space<vmem>>, vector<1000x16xf32>,
    return
  }
  func.func @transform_0(%arg0: i32) -> (i32, i32) {
    %c0_i32 = arith.constant 0 : i32
    %c0_i32_0 = arith.constant 0 : i32
    return %arg0, %c0_i32 : i32, i32
  }
  func.func @transform_1(%arg0: i32) -> (i32, i32) {
    %c0_i32 = arith.constant 0 : i32
    %c0_i32_0 = arith.constant 0 : i32
    %c0_i32_1 = arith.constant 0 : i32
    return %c0_i32, %c0_i32_0 : i32, i32
  }
  func.func @transform_2(%arg0: i32) -> (i32, i32) {
    %c0_i32 = arith.constant 0 : i32
    %c0_i32_0 = arith.constant 0 : i32
    %c0_i32_1 = arith.constant 0 : i32
    return %c0_i32, %c0_i32_0 : i32, i32
  }
  func.func @transform_3(%arg0: i32) -> (i32, i32) {
    %c0_i32 = arith.constant 0 : i32
    %c0_i32_0 = arith.constant 0 : i32
    %c0_i32_1 = arith.constant 0 : i32
    return %c0_i32, %c0_i32_0 : i32, i32
  }
  func.func @transform_4(%arg0: i32) -> (i32, i32) {
    %c0_i32 = arith.constant 0 : i32
    %c0_i32_0 = arith.constant 0 : i32
    %c0_i32_1 = arith.constant 0 : i32
    return %c0_i32, %c0_i32_0 : i32, i32
  }
  func.func @transform_5(%arg0: i32) -> (i32, i32) {
    %c0_i32 = arith.constant 0 : i32
    %c0_i32_0 = arith.constant 0 : i32
    return %arg0, %c0_i32 : i32, i32
  }
  func.func @transform_6(%arg0: i32) -> (i32, i32) {
    %c0_i32 = arith.constant 0 : i32
    %c0_i32_0 = arith.constant 0 : i32
    return %arg0, %c0_i32 : i32, i32
  }
  func.func @transform_7(%arg0: i32) -> (i32, i32) {
    %c0_i32 = arith.constant 0 : i32
    %c0_i32_0 = arith.constant 0 : i32
    return %arg0, %c0_i32 : i32, i32
  }
}

module attributes {stable_mosaic.version = 14 : i64} {
  func.func @_final_body(%arg0: i32, %arg1: memref<1000x144xf32, #tpu.memory_space<vmem>>, %arg2: memref<1000x144xf32, #tpu.memory_space<vmem>>, %arg3: memref<8x128xf32, #tpu.memory_space<vmem>>, %arg4: memref<128x128xf32, #tpu.memory_space<vmem>>, %arg5: memref<1000x128xf32, #tpu.memory_space<vmem>>) attributes {dimension_semantics = [#tpu.dimension_semantics<arbitrary>], iteration_bounds = array<i64: 10>, scalar_prefetch = 0 : i64, scratch_operands = 0 : i64, tpu.core_type = #tpu.core_type<tc>, window_params = [{transform_indices = @transform_0, window_bounds = array<i64: 1000, 144>}, {transform_indices = @transform_1, window_bounds = array<i64: 1000, 144>}, {pipeline_mode = #tpu.pipeline_mode<synchronous>, transform_indices = @transform_2, window_bounds = array<i64: 8, 128>}, {pipeline_mode = #tpu.pipeline_mode<synchronous>, transform_indices = @transform_3, window_bounds = array<i64: 128, 128>}, {transform_indices = @transform_4, window_bounds = array<i64: 1000, 128>}]} {
    %get3A = arith.constant 0 : index
    %get3A_0 = arith.constant 0 : index
    %get3A_1 = vector.load %arg1[%get3A, %get3A_0] : memref<1000x144xf32, #tpu.memory_space<vmem>>, vector<1000x144xf32>
    %get3A_2 = arith.constant 0 : index
    %get3A_3 = arith.constant 0 : index
    %get3A_4 = vector.load %arg2[%get3A_2, %get3A_3] : memref<1000x144xf32, #tpu.memory_space<vmem>>, vector<1000x144xf32>
    %add3A = arith.addf %get3A_1, %get3A_4 : vector<1000x144xf32>
    %slice3A = vector.extract_strided_slice %add3A {offsets = [0, 0], sizes = [1000, 128], strides = [1, 1]} : vector<1000x144xf32> to vector<1000x128xf32>
    %get3A_5 = arith.constant 0 : index
    %get3A_6 = arith.constant 0 : index
    %get3A_7 = vector.load %arg4[%get3A_5, %get3A_6] : memref<128x128xf32, #tpu.memory_space<vmem>>, vector<128x128xf32>
    %dot_general3A = arith.constant dense<0.000000e+00> : vector<1000x128xf32>
    %dot_general3A_8 = tpu.matmul %slice3A, %get3A_7, %dot_general3A {dimension_numbers = #tpu.dot_dimension_numbers<[1], [0], [0], [1], [0, 0, 1, 1], [], []>, transpose_lhs_hint = false} : vector<1000x128xf32>, vector<128x128xf32>, vector<1000x128xf32> -> vector<1000x128xf32>
    %slice3A_9 = vector.extract_strided_slice %add3A {offsets = [0, 128], sizes = [1000, 8], strides = [1, 1]} : vector<1000x144xf32> to vector<1000x8xf32>
    %get3A_10 = arith.constant 0 : index
    %get3A_11 = arith.constant 0 : index
    %get3A_12 = vector.load %arg3[%get3A_10, %get3A_11] : memref<8x128xf32, #tpu.memory_space<vmem>>, vector<8x128xf32>
    %dot_general3A_13 = arith.constant dense<0.000000e+00> : vector<1000x128xf32>
    %dot_general3A_14 = tpu.matmul %slice3A_9, %get3A_12, %dot_general3A_13 {dimension_numbers = #tpu.dot_dimension_numbers<[1], [0], [0], [1], [0, 0, 1, 1], [], []>, transpose_lhs_hint = false} : vector<1000x8xf32>, vector<8x128xf32>, vector<1000x128xf32> -> vector<1000x128xf32>
    %add3A_15 = arith.constant 9.99999993E-9 : f32
    %add3A_16 = vector.broadcast %add3A_15 : f32 to vector<1000x128xf32>
    %add3A_17 = arith.addf %dot_general3A_14, %add3A_16 : vector<1000x128xf32>
    %div3A = arith.divf %dot_general3A_8, %add3A_17 : vector<1000x128xf32>
    %swap3A = arith.constant 0 : index
    %swap3A_18 = arith.constant 0 : index
    %swap3A_19 = vector.load %arg5[%swap3A, %swap3A_18] : memref<1000x128xf32, #tpu.memory_space<vmem>>, vector<1000x128xf32>
    tpu.vector_store %arg5[%swap3A, %swap3A_18], %div3A {strides = array<i32>} : memref<1000x128xf32, #tpu.memory_space<vmem>>, vector<1000x128xf32>,
    return
  }
  func.func @transform_0(%arg0: i32) -> (i32, i32) {
    %c0_i32 = arith.constant 0 : i32
    %c0_i32_0 = arith.constant 0 : i32
    return %arg0, %c0_i32 : i32, i32
  }
  func.func @transform_1(%arg0: i32) -> (i32, i32) {
    %c0_i32 = arith.constant 0 : i32
    %c0_i32_0 = arith.constant 0 : i32
    return %arg0, %c0_i32 : i32, i32
  }
  func.func @transform_2(%arg0: i32) -> (i32, i32) {
    %c0_i32 = arith.constant 0 : i32
    %c0_i32_0 = arith.constant 0 : i32
    %c0_i32_1 = arith.constant 0 : i32
    return %c0_i32, %c0_i32_0 : i32, i32
  }
  func.func @transform_3(%arg0: i32) -> (i32, i32) {
    %c0_i32 = arith.constant 0 : i32
    %c0_i32_0 = arith.constant 0 : i32
    %c0_i32_1 = arith.constant 0 : i32
    return %c0_i32, %c0_i32_0 : i32, i32
  }
  func.func @transform_4(%arg0: i32) -> (i32, i32) {
    %c0_i32 = arith.constant 0 : i32
    %c0_i32_0 = arith.constant 0 : i32
    return %arg0, %c0_i32 : i32, i32
  }
}

</mosaic_0001>

<sc_bundles>
// kernel: kernel.5.cloned.1.call-start
scs
__scs_entry_jumppad:
0x0: {  	(pc) =	sbr.rel $0x88, $3  }
0x1: {  	(tag) =	ssettag $0x0;
	lr =	simm.s32 $0x1  }
0x2: {  	[smem:$0x3F9B] =	sst lr;
	_ =	strace $0xD0000000  }
0x3: {  	_ = 	snop  }
0x4: {  	_ = 	snop  }
0x5: {  	_ = 	snop  }
0x6: {  	_ = 	snop  }
0x7: {  	_ = 	snop  }
__scs_overlays_trampoline_lowered:
0x8: {  	[smem:$0x3FAA] =	sst s0  }
0x9: {  	[smem:$0x3FAB] =	sst s1  }
0xa: {  	[smem:$0x3FAC] =	sst s2  }
0xb: {  	[smem:$0x3FAD] =	sst s3  }
0xc: {  	[smem:$0x3FAE] =	sst s4  }
0xd: {  	[smem:$0x3FAF] =	sst s5  }
0xe: {  	[smem:$0x3FB0] =	sst s6  }
0xf: {  	[smem:$0x3FB1] =	sst s7  }
0x10: {  	[smem:$0x3FB2] =	sst s8  }
0x11: {  	[smem:$0x3FB3] =	sst s9;
	s0 =	simm.s32 @!p0 $0x0  }
0x12: {  	s1 =	sld [smem:$0x3F99];
	s0 =	simm.s32 @p0 $0x1  }
0x13: {  	[smem:$0x3FB4] =	sst s0;
	s0 =	simm.s32 @!p1 $0x0  }
0x14: {  	s2 =	sld [smem:$0x3F98];
	s0 =	simm.s32 @p1 $0x1  }
0x15: {  	[smem:$0x3FB5] =	sst s0;
	s0 =	simm.s32 @!p2 $0x0  }
0x16: {  	s3 =	sld [smem:$0x3FDB];
	s0 =	simm.s32 @p2 $0x1  }
0x17: {  	s4 =	simm.s32 $0x1BF5;
	[smem:$0x3FB7] =	sst s0  }
0x18: {  	s0 =	sld [smem:$0x3F9A];
	_ =	swait.ge [sflag:s4], $0x0  }
0x19: {  	s7 =	sld [smem:$0x3F9B]  }
0x1a: {  	s8 =	sadd.s32 $0xFFFFE003, lr  }
0x1b: {  	s9 =	sadd.s32 $0xFFFFFEF7, lr;
	s5 =	simm.s32 $0xFFFFFFFF;
	p2 =	slt.u32 s8, $0xFFFFF086  }
0x1c: {  	p1 =	slt.u32 s9, $0xF7A;
	s5 =	simm.s32 @!p2 $0x0  }
0x1d: {  	s5 =	simm.s32 @p1 $0x1;
	p0 =	seq.s32 s7, s2  }
0x1e: {  	s7 =	smul.u32 @!p0 $0xF7A, s2;
	p2 =	seq.s32 @!p0 s5, $0x0  }
0x1f: {  	s9 =	smul.u32 $0xF7A, s1;
	s8 =	simm.s32 @!p0 $0x1BF5;
	p2 =	por !p2, p0  }
0x20: {  	[sflag:s8] =	ssyncset.s32 @!p0 $0xFFFFF086;
	s6 =	sadd.s32 @!p0 s3, s7;
	s7 =	simm.s32 @!p0 $0x108  }
0x21: {  	s3 =	sadd.s32 s3, s9;
	s6 =	sadd.s32 @!p0 $0x88, s6;
	s7 =	simm.s32 @p2 $0x1082  }
0x22: {  	[simem:s7], [sflag:s8] =	dma.local @!p0 [hbm:s6], $0xF7A  }
0x23: {  	s9 =	sor.u32 $0xD0000000, s2;
	s6 =	simm.s32 $0x108;
	_ =	swait.ge @!p0 [sflag:s8], $0x0  }
0x24: {  	s3 =	sadd.s32 $0x88, s3;
	s6 =	simm.s32 @!p1 $0x1082;
	[sflag:s4] =	ssyncset.s32 $0xFFFFF086  }
0x25: {  	[simem:s6], [sflag:s4] =	dma.local [hbm:s3], $0xF7A  }
0x26: {  	[smem:$0x3F9B] =	sst s1;
	(tag) =	ssettag s2;
	_ =	strace s9  }
0x27: {  	s1 =	sld [smem:$0x3FAB]  }
0x28: {  	s2 =	sld [smem:$0x3FAC]  }
0x29: {  	s4 =	sld [smem:$0x3FAE]  }
0x2a: {  	p0 =	seq.s32 s5, $0x0;
	s5 =	sld [smem:$0x3FAF]  }
0x2b: {  	s6 =	sld [smem:$0x3FB0]  }
0x2c: {  	s7 =	sld [smem:$0x3FB1]  }
0x2d: {  	s3 =	simm.s32 $0x108;
	s8 =	sld [smem:$0x3FB2]  }
0x2e: {  	s3 =	simm.s32 @!p0 $0x1082;
	s9 =	sld [smem:$0x3FB3]  }
0x2f: {  	lr =	sadd.s32 s0, s3;
	s0 =	sld [smem:$0x3FAA]  }
0x30: {  	s3 =	sld [smem:$0x3FAD]  }
0x31: {  	[smem:$0x3FB6] =	sst s10  }
0x32: {  	s10 =	sld [smem:$0x3FB4];
	_ =	sdelay $0x3  }
0x33: {  	p0 =	seq.s32 s10, $0x1;
	s10 =	sld [smem:$0x3FB6];
	_ =	sdelay $0x3  }
0x34: {  	[smem:$0x3FB6] =	sst s10  }
0x35: {  	s10 =	sld [smem:$0x3FB5];
	_ =	sdelay $0x3  }
0x36: {  	p1 =	seq.s32 s10, $0x1;
	s10 =	sld [smem:$0x3FB6];
	_ =	sdelay $0x3  }
0x37: {  	[smem:$0x3FB6] =	sst s10  }
0x38: {  	s10 =	sld [smem:$0x3FB7]  }
0x39: {  	_ = 	snop;
	(pc) =	sbr.ind lr, $3  }
0x3a: {  	_ = 	snop  }
0x3b: {  	_ = 	snop  }
0x3c: {  	p2 =	seq.s32 s10, $0x1;
	s10 =	sld [smem:$0x3FB6]  }
0x3d: {  	_ =	shalt  }
0x3e: {  	_ =	shalt  }
0x3f: {  	_ =	shalt  }
0x40: {  	_ =	shalt  }
0x41: {  	_ =	shalt  }
0x42: {  	_ =	shalt  }
0x43: {  	_ =	shalt  }
0x44: {  	_ =	shalt  }
0x45: {  	_ =	shalt  }
0x46: {  	_ =	shalt  }
0x47: {  	_ =	shalt  }
0x48: {  	_ =	shalt  }
0x49: {  	_ =	shalt  }
0x4a: {  	_ =	shalt  }
0x4b: {  	_ =	shalt  }
0x4c: {  	_ =	shalt  }
0x4d: {  	_ =	shalt  }
0x4e: {  	_ =	shalt  }
0x4f: {  	_ =	shalt  }
0x50: {  	_ =	shalt  }
0x51: {  	_ =	shalt  }
0x52: {  	_ =	shalt  }
0x53: {  	_ =	shalt  }
0x54: {  	_ =	shalt  }
0x55: {  	_ =	shalt  }
0x56: {  	_ =	shalt  }
0x57: {  	_ =	shalt  }
0x58: {  	_ =	shalt  }
0x59: {  	_ =	shalt  }
0x5a: {  	_ =	shalt  }
0x5b: {  	_ =	shalt  }
0x5c: {  	_ =	shalt  }
0x5d: {  	_ =	shalt  }
0x5e: {  	_ =	shalt  }
0x5f: {  	_ =	shalt  }
0x60: {  	_ =	shalt  }
0x61: {  	_ =	shalt  }
0x62: {  	_ =	shalt  }
0x63: {  	_ =	shalt  }
0x64: {  	_ =	shalt  }
0x65: {  	_ =	shalt  }
0x66: {  	_ =	shalt  }
0x67: {  	_ =	shalt  }
0x68: {  	_ =	shalt  }
0x69: {  	_ =	shalt  }
0x6a: {  	_ =	shalt  }
0x6b: {  	_ =	shalt  }
0x6c: {  	_ =	shalt  }
0x6d: {  	_ =	shalt  }
0x6e: {  	_ =	shalt  }
0x6f: {  	_ =	shalt  }
0x70: {  	_ =	shalt  }
0x71: {  	_ =	shalt  }
0x72: {  	_ =	shalt  }
0x73: {  	_ =	shalt  }
0x74: {  	_ =	shalt  }
0x75: {  	_ =	shalt  }
0x76: {  	_ =	shalt  }
0x77: {  	_ =	shalt  }
0x78: {  	_ =	shalt  }
0x79: {  	_ =	shalt  }
0x7a: {  	_ =	shalt  }
0x7b: {  	_ =	shalt  }
0x7c: {  	_ =	shalt  }
0x7d: {  	_ =	shalt  }
0x7e: {  	_ =	shalt  }
0x7f: {  	_ =	shalt  }
0x80: {  	_ =	shalt  }
0x81: {  	_ =	shalt  }
0x82: {  	_ =	shalt  }
0x83: {  	_ =	shalt  }
0x84: {  	_ =	shalt  }
0x85: {  	_ =	shalt  }
0x86: {  	_ =	shalt  }
0x87: {  	_ =	shalt  }
.Lfunc_end0:
.L_simem_size_0:
called_computation_lowered:
.L_overlay_start_0:
0x88: {  	s2 =	sld [smem:$0x3FD9]  }
0x89: {  	s3 =	sld [smem:$0x3FFE];
	_ =	sdelay $0x1  }
0x8a: {  	s1 =	srdreg.scid  }
0x8b: {  	s0 =	sand.u32 $0x1, s1  }
0x8c: {  	s17 =	sshll.u32 s0, $0xA;
	s2 =	sadd.s32 s3, s2  }
0x8d: {  	s2 =	sadd.s32 s2, s17  }
0x8e: {  	[smem:$0x3FC2] =	sst s2  }
0x8f: {  	_ = 	snop  }
0x90: {  	s2 =	sld [smem:$0x3FD0];
	(tm) =	ssettm $0x1  }
0x91: {  	s18 =	sld [smem:$0x3FFB];
	_ =	sdelay $0x3  }
0x92: {  	_ =	strace s18  }
0x93: {  	s3 =	sld [smem:$0x3FFC];
	_ =	sdelay $0x3  }
0x94: {  	_ =	strace s3  }
0x95: {  	s3 =	sld [smem:$0x3FFD];
	_ =	sdelay $0x3  }
0x96: {  	_ =	strace s3  }
0x97: {  	_ =	strace $0x8FFFFFFF  }
0x98: {  	s19 =	sld [smem:$0x3FDB];
	_ =	sdelay $0x1  }
0x99: {  	s4 =	simm.s32 $_scs_section_size  }
0x9a: {  	s5 =	simm.s32 $_size__tile_overlayer_lowered;
	s6 =	simm.s32 $_tile_overlayer_lowered  }
0x9b: {  	s22 =	simm.s32 $0x1BFF;
	s21 =	sshll.u32 s6, $0x1;
	s3 =	sadd.s32 s4, s19  }
0x9c: {  	s7 =	simm.s32 $0x0;
	s20 =	sshll.u32 s5, $0x1;
	s5 =	sadd.s32 s21, s3  }
0x9d: {  	[timem:s7], [sflag:s22] =	dma.local [hbm:s5], s20  }
0x9e: {  	_ =	swait.ge [sflag:s22], s20  }
0x9f: {  	s4 =	ssub.s32 $0x0, s20;
	[sflag:s22] =	ssyncset.done $0x0  }
0xa0: {  	[sflag:s22] =	ssyncadd.s32 s4;
	_ =	sdelay $0x1  }
0xa1: {  	s23 =	simm.s32 $0x1B8B  }
0xa2: {  	_ =	swait.ge [sflag:s23], $0x1  }
0xa3: {  	[sflag:s23] =	ssyncset.done $0x0  }
0xa4: {  	s25 =	simm.s32 $0x1B8E;
	s24 =	sld [smem:$0x3FFE];
	[sflag:s23] =	ssyncadd.s32 $0xFFFFFFFF  }
0xa5: {  	s26 =	simm.s32 $execute0_lowered;
	[smem:$0x3FD2] =	sst s25  }
0xa6: {  	s5 =	sshll.u32 s26, $0x1;
	_ =	strace $0x80000046;
	[dreg:$0x1] =	wrdreg $0xFFFFFFFF  }
0xa7: {  	s28 =	simm.s32 $_size_execute0_lowered;
	s3 =	sadd.s32 s3, s5;
	[dreg:$0x0] =	wrdreg $0x0  }
0xa8: {  	s5 =	sshll.u32 s28, $0x1;
	[dreg:$0x2] =	wrdreg s3  }
0xa9: {  	[dreg:$0x3] =	wrdreg s5  }
0xaa: {  	[dreg:$0x4] =	wrdreg $0xC0  }
0xab: {  	_ =	task [dreg:s7], $0x5FFFF  }
0xac: {  	[dreg:$0x1] =	wrdreg $0xFFFFFFFF  }
0xad: {  	[dreg:$0x0] =	wrdreg $0x60  }
0xae: {  	[dreg:$0x2] =	wrdreg s24  }
0xaf: {  	[dreg:$0x3] =	wrdreg s2  }
0xb0: {  	[dreg:$0x4] =	wrdreg $0x0  }
0xb1: {  	[dreg:$0x5] =	wrdreg $0x9  }
0xb2: {  	_ =	task.clear_ibuf [dreg:s7], $0x6FFFF;
	_ =	strace $0x90000046  }
0xb3: {  	s29 =	simm.s32 $0x9;
	_ =	strace $0x80000048  }
0xb4: {  	_ =	swait.ge [sflag:s29], $0x1  }
0xb5: {  	[sflag:s29] =	ssyncadd.s32 $0xFFFFFFFF  }
0xb6: {  	_ =	strace $0x90000048  }
0xb7: {  	_ =	sfence  }
0xb8: {  	s30 =	sld [smem:$0x0];
	_ =	sdelay $0x2  }
0xb9: {  	s31 =	sshll.u32 s1, $0xD;
	s1 =	sshrl.u32 s1, $0x2  }
0xba: {  	s3 =	sand.u32 $0x4000, s31;
	s1 =	sadd.s32 s1, s30  }
0xbb: {  	s0 =	sor.u32 s3, s0;
	s1 =	sshll.u32 s1, $0x11  }
0xbc: {  	s0 =	sor.u32 s1, s0  }
0xbd: {  	s0 =	sadd.s32 $0x8F2B, s0  }
0xbe: {  	[sflag:s0] =	ssyncadd.remote.s32 $0x1  }
0xbf: {  	_ =	sfence.sel $0xFFFF  }
0xc0: {  	[dreg:$0x0] =	wrdreg $0xFFFFFFFF;
	(pc) =	sbr.abs _section_cstart, $3  }
0xc1: {  	[dreg:$0x1] =	wrdreg $0xFFFFFFFF  }
0xc2: {  	_ =	task.clear_ibuf [dreg:s7], $0x2FFFF;
	_ =	strace $0x9FFFFFFF  }
0xc3: {  	(tm) =	ssettm $0x7FFFFFFF  }
tec
execute0_lowered:
.L_overlay_start_1:
0x0: {  	(tag) =	ssettag $0x1  }
0x1: {  	s1 =	rddreg [dreg:$0x0]  }
0x2: {  	s3 =	rddreg [dreg:$0x1]  }
0x3: {  	s4 =	rddreg [dreg:$0x2]  }
0x4: {  	s0 =	srdreg.scid;
	s10 =	stileid.u32  }
0x5: {  	s5 =	simm.s32 $0x0;
	s29 =	simm.s32 $0x160A8;
	s30 =	simm.s32 $0x6  }
0x6: {  	s31 =	simm.s32 $0x7;
	s0 =	sand.u32 $0x1, s0;
	s2 =	smul.u32 $0x15F90, s10  }
0x7: {  	[smem:$0x7FF] =	sst s5;
	s6 =	sadd.s32 $0xEE00, s1;
	s7 =	sadd.s32 $0x5000, s1  }
0x8: {  	s8 =	sshll.u32 s10, $0x1;
	s25 =	sshll.u32 s10, $0x6;
	s10 =	simm.s32 $0x16058  }
0x9: {  	s23 =	smul.u32 $0x15F900, s0;
	s9 =	ssub.s32 $0x2, s0;
	s0 =	sor.u32 s0, s8  }
0xa: {  	_ =	strace $0x80000047;
	s15 =	sor.u32 $0x1C09, s25;
	s0 =	smul.u32 $0x2710, s0  }
0xb: {  	[dreg:$0x5] =	wrdreg s15;
	s5 =	sadd.s32 s2, s23;
	s2 =	sadd.s32 s2, s4  }
0xc: {  	s24 =	sshrl.u32 s9, $0x1;
	[dreg:$0x4] =	wrdreg s2;
	s12 =	sadd.s32 $0x50, s0  }
0xd: {  	s8 =	ssub.s32 s9, s24;
	s17 =	sadd.s32 $0x78, s0;
	[dreg:$0x7] =	wrdreg s12  }
0xe: {  	s26 =	sshrl.u32 s0, $0x3;
	s19 =	sadd.s32 $0xA0, s0;
	[dreg:$0xc] =	wrdreg s17  }
0xf: {  	s28 =	sadd.s32 $0x28, s0;
	s0 =	sadd.s32 $0xC8, s0;
	[dreg:$0xe] =	wrdreg s19  }
0x10: {  	s5 =	sshrl.u32 s5, $0x3;
	s25 =	smax.u32 s8, $0x1;
	[dreg:$0x10] =	wrdreg s0  }
0x11: {  	s8 =	simm.s32 $0x15FB8;
	s11 =	sadd.s32 s6, s26;
	[dreg:$0x17] =	wrdreg s25  }
0x12: {  	s5 =	sadd.s32 s5, s1;
	s2 =	sadd.s32 s7, s26;
	[dreg:$0x6] =	wrdreg s11  }
0x13: {  	s9 =	sshrl.u32 s28, $0x3;
	s26 =	sadd.s32 $0x18C00, s1;
	[dreg:$0x8] =	wrdreg s2  }
0x14: {  	s14 =	sshrl.u32 s12, $0x3;
	s28 =	sadd.s32 $0x1B800, s1;
	[dreg:$0x18] =	wrdreg s26  }
0x15: {  	s18 =	sshrl.u32 s17, $0x3;
	s13 =	sadd.s32 s6, s9;
	[dreg:$0x19] =	wrdreg s28  }
0x16: {  	s0 =	sshrl.u32 s0, $0x3;
	s9 =	sadd.s32 s7, s9;
	[dreg:$0x9] =	wrdreg s13  }
0x17: {  	s12 =	simm.s32 $0x1;
	s16 =	sadd.s32 s6, s14;
	[dreg:$0xa] =	wrdreg s9  }
0x18: {  	s17 =	simm.s32 $0x2;
	s2 =	sadd.s32 s7, s14;
	[dreg:$0xb] =	wrdreg s16  }
0x19: {  	s25 =	simm.s32 $0x17ED0;
	s20 =	sadd.s32 s6, s18;
	[dreg:$0xd] =	wrdreg s2  }
0x1a: {  	s23 =	sadd.s32 s6, s0;
	s0 =	sadd.s32 s7, s0;
	[dreg:$0xf] =	wrdreg s20  }
0x1b: {  	s24 =	sadd.s32 $0x1BA00, s5;
	s26 =	simm.s32 $0x3;
	[dreg:$0x14] =	wrdreg s23  }
0x1c: {  	s5 =	simm.s32 $0x4;
	s11 =	simm.s32 $0x8;
	[dreg:$0x15] =	wrdreg s0  }
0x1d: {  	s9 =	sshrl.u32 s19, $0x3;
	s2 =	sadd.s32 s7, s18;
	[dreg:$0x16] =	wrdreg s24  }
0x1e: {  	s18 =	simm.s32 $0x9;
	s0 =	simm.s32 $0x16030;
	s13 =	simm.s32 $0x28  }
0x1f: {  	s19 =	simm.s32 $0x16D50;
	s23 =	simm.s32 $0x16080;
	s24 =	simm.s32 $0x5  }
0x20: {  	s16 =	simm.s32 $0x0;
	[dreg:$0x11] =	wrdreg s2;
	s21 =	sadd.s32 s6, s9  }
0x21: {  	v1 =	vlaneseq.u32;
	s22 =	sadd.s32 s7, s9;
	s2 =	simm.s32 $0x15F90;
	[dreg:$0x12] =	wrdreg s21  }
0x22: {  	v0 =	vimm.s32 $0x8;
	v1 =	vand.u32 $0x7, v1;
	s9 =	simm.s32 $0x19550;
	[dreg:$0x13] =	wrdreg s22;
	s21 =	simm.s32 $0x17C50  }
.LBB2_1:
0x23: {  	[dreg:$0x1a] =	wrdreg s16  }
0x24: {  	s14 =	rddreg [dreg:$0x4]  }
0x25: {  	s22 =	rddreg [dreg:$0x18];
	s20 =	sshrl.u32 s14, $0x3  }
0x26: {  	[dreg:$0x1b] =	wrdreg s20  }
0x27: {  	[spmem:s20], [sflag:s15] =	dma.local [hbm:s22], $0x2BF2  }
0x28: {  	_ =	swait.ge [sflag:s18], $0x2BF2  }
0x29: {  	s14 =	simm.s32 $0x0;
	[sflag:s18] =	ssyncset.done $0x0  }
0x2a: {  	s20 =	simm.s32 $0x1ABD0;
	s28 =	rddreg [dreg:$0x19];
	[sflag:s18] =	ssyncadd.s32 $0xFFFFD40E  }
0x2b: {  	[tilespmem:s20], [sflag:$0x9] =	stream.linear.gather [hbm4b:s28+s14], $0x10, $0x38;
	[tilespmem:$0x1ABE0] =	vst v63  }
0x2c: {  	_ =	swait.ge [sflag:s18], $0x10  }
0x2d: {  	[sflag:s18] =	ssyncset.done $0x0  }
0x2e: {  	[sflag:s18] =	ssyncadd.s32 $0xFFFFFFF0  }
0x2f: {  	[bflag:$0x0] =	sbarrier.arrive $0xFFFF  }
0x30: {  	s15 =	rddreg [dreg:$0x6]  }
0x31: {  	v2 =	vld [tilespmem:$0x1ABD0];
	[tilespmem:s2], [sflag:$0x1] =	stream.linear.gather [hbm4b:s15+s14], $0x28, $0x38  }
0x32: {  	s18 =	rddreg [dreg:$0x8]  }
0x33: {  	[tilespmem:s0], [sflag:$0x1] =	stream.linear.gather [hbm4b:s18+s14], $0x28, $0x38;
	[tilespmem:$0x1ABE0] =	vst v63  }
0x34: {  	s20 =	rddreg [dreg:$0x9]  }
0x35: {  	[tilespmem:s8], [sflag:$0x2] =	stream.linear.gather [hbm4b:s20+s14], $0x28, $0x38;
	[tilespmem:$0x1ABE0] =	vst v63  }
0x36: {  	s22 =	rddreg [dreg:$0xa]  }
0x37: {  	[tilespmem:s10], [sflag:$0x2] =	stream.linear.gather [hbm4b:s22+s14], $0x28, $0x38;
	[tilespmem:$0x1ABE0] =	vst v63  }
0x38: {  	_ =	swait.ge [sflag:s12], $0x28  }
0x39: {  	[sflag:s12] =	ssyncset.done $0x0  }
0x3a: {  	[sflag:s12] =	ssyncadd.s32 $0xFFFFFFD8  }
0x3b: {  	_ =	swait.ge [sflag:s12], $0x28  }
0x3c: {  	[sflag:s12] =	ssyncset.done $0x0  }
0x3d: {  	s28 =	simm.s32 $0x160D0;
	[sflag:s12] =	ssyncadd.s32 $0xFFFFFFD8  }
0x3e: {  	[tilespmem:s28], [sflag:$0x5] =	stream.indirect.gather [hbm4b:s3+s13], $0x50, s2, s13, $0xb8;
	[tilespmem:$0x1ABE0] =	vst v63  }
0x3f: {  	s15 =	simm.s32 $0x179D0  }
0x40: {  	[tilespmem:s15], [sflag:$0x5] =	stream.indirect.gather [hbm4b:s1+s13], $0x10, s0, s13, $0xb8;
	[tilespmem:$0x1ABE0] =	vst v63  }
0x41: {  	_ =	swait.ge [sflag:s17], $0x28  }
0x42: {  	[sflag:s17] =	ssyncset.done $0x0  }
0x43: {  	[sflag:s17] =	ssyncadd.s32 $0xFFFFFFD8  }
0x44: {  	_ =	swait.ge [sflag:s17], $0x28  }
0x45: {  	[sflag:s17] =	ssyncset.done $0x0  }
0x46: {  	[sflag:s17] =	ssyncadd.s32 $0xFFFFFFD8  }
0x47: {  	[tilespmem:s19], [sflag:$0x6] =	stream.indirect.gather [hbm4b:s3+s13], $0x50, s8, s13, $0xb8;
	[tilespmem:$0x1ABE0] =	vst v63  }
0x48: {  	_ = 	snop  }
0x49: {  	[tilespmem:s21], [sflag:$0x6] =	stream.indirect.gather [hbm4b:s1+s13], $0x10, s10, s13, $0xb8;
	[tilespmem:$0x1ABE0] =	vst v63  }
0x4a: {  	s20 =	simm.s32 $0x15FE0;
	s18 =	rddreg [dreg:$0xb]  }
0x4b: {  	[tilespmem:s20], [sflag:$0x3] =	stream.linear.gather [hbm4b:s18+s14], $0x28, $0x38;
	[tilespmem:$0x1ABE0] =	vst v63  }
0x4c: {  	s22 =	rddreg [dreg:$0xd]  }
0x4d: {  	[tilespmem:s23], [sflag:$0x3] =	stream.linear.gather [hbm4b:s22+s14], $0x28, $0x38;
	[tilespmem:$0x1ABE0] =	vst v63  }
0x4e: {  	_ =	swait.ge [sflag:s24], $0xC80  }
0x4f: {  	[sflag:s24] =	ssyncset.done $0x0  }
0x50: {  	[sflag:s24] =	ssyncadd.s32 $0xFFFFF380  }
0x51: {  	_ =	swait.ge [sflag:s24], $0x280  }
0x52: {  	[sflag:s24] =	ssyncset.done $0x0  }
0x53: {  	s16 =	simm.s32 $0x160F0;
	[sflag:s24] =	ssyncadd.s32 $0xFFFFFD80  }
0x54: {  	s28 =	simm.s32 $0x0;
	v3 =	vld [tilespmem:s16+$0x20]  }
0x55: {  	v4 =	vld [tilespmem:s28+$0x179D0];
	_ =	sdelay $0x4  }
0x56: {  	v5 =	vsub.f32 v3, v4;
	_ =	sdelay $0x1  }
0x57: {  	v5 =	vand.u32 $0x7FFFFFFF, v5  }
0x58: {  	v5 =	vmul.f32 v5, v2;
	_ =	sdelay $0x1  }
0x59: {  	v5 =	vmul.f32 $1.442695020e+00, v5;
	_ =	sdelay $0x1  }
0x5a: {  	(erf) = vpow2.f32 v5;
	_ =	sdelay $0x8  }
0x5b: {  	v5 =	vpop (erf)  }
0x5c: {  	v3 =	vadd.f32 v4, v3;
	v4 =	vperm.xlane v5, v0;
	_ =	sdelay $0x1  }
0x5d: {  	v3 =	vmul.f32 v4, v3;
	_ =	sdelay $0x1  }
0x5e: {  	v4 =	vmul.f32 $2.000000030e-01, v3;
	_ =	sdelay $0x1  }
0x5f: {  	v3 =	vmax.f32 v3, v4  }
0x60: {  	v3 =	vmul.f32 $1.442695020e+00, v3;
	_ =	sdelay $0x1  }
0x61: {  	(erf) = vpow2.f32 v3;
	_ =	sdelay $0x8  }
0x62: {  	s18 =	simm.s32 $0x17F10;
	v3 =	vpop (erf)  }
0x63: {  	[tilespmem:s18+$0x40] =	vst v3  }
0x64: {  	v4 =	vld [tilespmem:s16+$0xFFFFFFE0];
	_ =	sdelay $0x3  }
0x65: {  	v3 =	vperm.xlane v3, v1  }
0x66: {  	v5 =	vunpack.i.l.bf16.f32 v4  }
0x67: {  	v4 =	vunpack.i.u.bf16.f32 v4;
	v5 =	vmul.f32 v5, v3  }
0x68: {  	v4 =	vmul.f32 v4, v3  }
0x69: {  	[tilespmem:s18+$0xFFFFFFC0] =	vst v5  }
0x6a: {  	[tilespmem:s18+$0xFFFFFFD0] =	vst v4  }
0x6b: {  	v4 =	vld [tilespmem:s16+$0xFFFFFFF0];
	_ =	sdelay $0x4  }
0x6c: {  	v5 =	vunpack.i.l.bf16.f32 v4  }
0x6d: {  	v4 =	vunpack.i.u.bf16.f32 v4;
	v5 =	vmul.f32 v5, v3  }
0x6e: {  	v4 =	vmul.f32 v4, v3  }
0x6f: {  	[tilespmem:s18+$0xFFFFFFE0] =	vst v5  }
0x70: {  	[tilespmem:s18+$0xFFFFFFF0] =	vst v4  }
0x71: {  	v4 =	vld [tilespmem:s16+$0x0];
	_ =	sdelay $0x4  }
0x72: {  	v5 =	vunpack.i.l.bf16.f32 v4  }
0x73: {  	v4 =	vunpack.i.u.bf16.f32 v4;
	v5 =	vmul.f32 v5, v3  }
0x74: {  	v4 =	vmul.f32 v4, v3  }
0x75: {  	[tilespmem:s18+$0x0] =	vst v5  }
0x76: {  	[tilespmem:s18+$0x10] =	vst v4  }
0x77: {  	s20 =	simm.s32 $0x17F10;
	s22 =	simm.s32 $0x40;
	v4 =	vld [tilespmem:s16+$0x10]  }
.LBB2_2:
0x78: {  	_ =	sdelay $0x3  }
0x79: {  	p0 =	sne.s32 s22, $0x9C0;
	s16 =	sadd.s32 $0x50, s16;
	s18 =	sadd.s32 $0x90, s18;
	v5 =	vunpack.i.u.bf16.f32 v4;
	v4 =	vunpack.i.l.bf16.f32 v4  }
0x7a: {  	s14 =	smov.u32 s22;
	s22 =	sadd.s32 $0x40, s22;
	v4 =	vmul.f32 v4, v3;
	v3 =	vmul.f32 v5, v3;
	_ =	sdelay $0x1  }
0x7b: {  	[tilespmem:s20+$0x20] =	vst v4  }
0x7c: {  	[tilespmem:s20+$0x30] =	vst v3;
	s20 =	smov.u32 s18  }
0x7d: {  	s14 =	sshra.s32 s14, $0x2;
	v3 =	vld [tilespmem:s16+$0x20]  }
0x7e: {  	v4 =	vld [tilespmem:s14+$0x179D0];
	_ =	sdelay $0x4  }
0x7f: {  	v5 =	vsub.f32 v3, v4;
	v3 =	vadd.f32 v4, v3;
	_ =	sdelay $0x1  }
0x80: {  	v4 =	vand.u32 $0x7FFFFFFF, v5  }
0x81: {  	v4 =	vmul.f32 v4, v2;
	_ =	sdelay $0x1  }
0x82: {  	v4 =	vmul.f32 $1.442695020e+00, v4;
	_ =	sdelay $0x1  }
0x83: {  	(erf) = vpow2.f32 v4;
	_ =	sdelay $0x8  }
0x84: {  	v4 =	vpop (erf)  }
0x85: {  	v4 =	vperm.xlane v4, v0;
	_ =	sdelay $0x1  }
0x86: {  	v3 =	vmul.f32 v4, v3;
	_ =	sdelay $0x1  }
0x87: {  	v4 =	vmul.f32 $2.000000030e-01, v3;
	_ =	sdelay $0x1  }
0x88: {  	v3 =	vmax.f32 v3, v4  }
0x89: {  	v3 =	vmul.f32 $1.442695020e+00, v3;
	_ =	sdelay $0x1  }
0x8a: {  	(erf) = vpow2.f32 v3;
	_ =	sdelay $0x8  }
0x8b: {  	v3 =	vpop (erf)  }
0x8c: {  	[tilespmem:s18+$0x40] =	vst v3  }
0x8d: {  	v4 =	vld [tilespmem:s16+$0xFFFFFFE0];
	_ =	sdelay $0x3  }
0x8e: {  	v3 =	vperm.xlane v3, v1  }
0x8f: {  	v5 =	vunpack.i.u.bf16.f32 v4;
	v4 =	vunpack.i.l.bf16.f32 v4  }
0x90: {  	v4 =	vmul.f32 v4, v3;
	v5 =	vmul.f32 v5, v3;
	_ =	sdelay $0x1  }
0x91: {  	[tilespmem:s18+$0xFFFFFFC0] =	vst v4  }
0x92: {  	[tilespmem:s18+$0xFFFFFFD0] =	vst v5  }
0x93: {  	v4 =	vld [tilespmem:s16+$0xFFFFFFF0];
	_ =	sdelay $0x4  }
0x94: {  	v5 =	vunpack.i.u.bf16.f32 v4;
	v4 =	vunpack.i.l.bf16.f32 v4  }
0x95: {  	v4 =	vmul.f32 v4, v3;
	v5 =	vmul.f32 v5, v3;
	_ =	sdelay $0x1  }
0x96: {  	[tilespmem:s18+$0xFFFFFFE0] =	vst v4  }
0x97: {  	[tilespmem:s18+$0xFFFFFFF0] =	vst v5  }
0x98: {  	v4 =	vld [tilespmem:s16+$0x0];
	_ =	sdelay $0x4  }
0x99: {  	v5 =	vunpack.i.u.bf16.f32 v4;
	v4 =	vunpack.i.l.bf16.f32 v4  }
.Ltmp0:
0x9a: {  	v4 =	vmul.f32 v4, v3;
	v5 =	vmul.f32 v5, v3;
	(pc) =	sbr.rel @p0 .LBB2_2-.Ltmp0, $4  }
0x9b: {  	_ = 	snop  }
0x9c: {  	[tilespmem:s18+$0x0] =	vst v4  }
0x9d: {  	[tilespmem:s18+$0x10] =	vst v5  }
0x9e: {  	v4 =	vld [tilespmem:s16+$0x10]  }
0x9f: {  	_ =	sdelay $0x3  }
0xa0: {  	v5 =	vunpack.i.l.bf16.f32 v4  }
0xa1: {  	v4 =	vunpack.i.u.bf16.f32 v4;
	v5 =	vmul.f32 v5, v3  }
0xa2: {  	v3 =	vmul.f32 v4, v3  }
0xa3: {  	[tilespmem:s20+$0x20] =	vst v5  }
0xa4: {  	[tilespmem:s20+$0x30] =	vst v3  }
0xa5: {  	[spmem:s4] =	stream.indirect.scatter.add.f32 [tilespmem:s25], [sflag:$0x7], $0x90, s0, s13, $0xb8;
	[tilespmem:$0x1ABE0] =	vst v63  }
0xa6: {  	_ =	swait.ge [sflag:s26], $0x28  }
0xa7: {  	[sflag:s26] =	ssyncset.done $0x0  }
0xa8: {  	[sflag:s26] =	ssyncadd.s32 $0xFFFFFFD8  }
0xa9: {  	_ =	swait.ge [sflag:s26], $0x28  }
0xaa: {  	[sflag:s26] =	ssyncset.done $0x0  }
0xab: {  	s14 =	simm.s32 $0x160D0;
	s16 =	simm.s32 $0x15FE0;
	[sflag:s26] =	ssyncadd.s32 $0xFFFFFFD8  }
0xac: {  	[tilespmem:s14], [sflag:$0x5] =	stream.indirect.gather [hbm4b:s3+s13], $0x50, s16, s13, $0xb8;
	[tilespmem:$0x1ABE0] =	vst v63  }
0xad: {  	s28 =	simm.s32 $0x179D0  }
0xae: {  	[tilespmem:s28], [sflag:$0x5] =	stream.indirect.gather [hbm4b:s1+s13], $0x10, s23, s13, $0xb8;
	[tilespmem:$0x1ABE0] =	vst v63  }
0xaf: {  	s15 =	simm.s32 $0x0;
	s18 =	simm.s32 $0x16008;
	s20 =	rddreg [dreg:$0xf]  }
0xb0: {  	[tilespmem:s18], [sflag:$0x4] =	stream.linear.gather [hbm4b:s20+s15], $0x28, $0x38;
	[tilespmem:$0x1ABE0] =	vst v63  }
0xb1: {  	s22 =	rddreg [dreg:$0x11]  }
0xb2: {  	[tilespmem:s29], [sflag:$0x4] =	stream.linear.gather [hbm4b:s22+s15], $0x28, $0x38;
	[tilespmem:$0x1ABE0] =	vst v63  }
0xb3: {  	_ =	swait.ge [sflag:s30], $0xC80  }
0xb4: {  	[sflag:s30] =	ssyncset.done $0x0  }
0xb5: {  	[sflag:s30] =	ssyncadd.s32 $0xFFFFF380  }
0xb6: {  	_ =	swait.ge [sflag:s30], $0x280  }
0xb7: {  	[sflag:s30] =	ssyncset.done $0x0  }
0xb8: {  	s16 =	simm.s32 $0x16D90;
	[sflag:s30] =	ssyncadd.s32 $0xFFFFFD80  }
0xb9: {  	s28 =	simm.s32 $0x0;
	v3 =	vld [tilespmem:s16+$0x0]  }
0xba: {  	v4 =	vld [tilespmem:s28+$0x17C50];
	_ =	sdelay $0x4  }
0xbb: {  	v5 =	vsub.f32 v3, v4;
	_ =	sdelay $0x1  }
0xbc: {  	v5 =	vand.u32 $0x7FFFFFFF, v5  }
0xbd: {  	v5 =	vmul.f32 v5, v2;
	_ =	sdelay $0x1  }
0xbe: {  	v5 =	vmul.f32 $1.442695020e+00, v5;
	_ =	sdelay $0x1  }
0xbf: {  	(erf) = vpow2.f32 v5;
	_ =	sdelay $0x8  }
0xc0: {  	v5 =	vpop (erf)  }
0xc1: {  	v3 =	vadd.f32 v4, v3;
	v4 =	vperm.xlane v5, v0;
	_ =	sdelay $0x1  }
0xc2: {  	v3 =	vmul.f32 v4, v3;
	_ =	sdelay $0x1  }
0xc3: {  	v4 =	vmul.f32 $2.000000030e-01, v3;
	_ =	sdelay $0x1  }
0xc4: {  	v3 =	vmax.f32 v3, v4  }
0xc5: {  	v3 =	vmul.f32 $1.442695020e+00, v3;
	_ =	sdelay $0x1  }
0xc6: {  	(erf) = vpow2.f32 v3;
	_ =	sdelay $0x8  }
0xc7: {  	s18 =	simm.s32 $0x195D0;
	v3 =	vpop (erf)  }
0xc8: {  	[tilespmem:s18+$0x0] =	vst v3  }
0xc9: {  	v4 =	vld [tilespmem:s16+$0xFFFFFFC0];
	_ =	sdelay $0x3  }
0xca: {  	v3 =	vperm.xlane v3, v1  }
0xcb: {  	v5 =	vunpack.i.l.bf16.f32 v4  }
0xcc: {  	v4 =	vunpack.i.u.bf16.f32 v4;
	v5 =	vmul.f32 v5, v3  }
0xcd: {  	v4 =	vmul.f32 v4, v3  }
0xce: {  	[tilespmem:s18+$0xFFFFFF80] =	vst v5  }
0xcf: {  	[tilespmem:s18+$0xFFFFFF90] =	vst v4  }
0xd0: {  	v4 =	vld [tilespmem:s16+$0xFFFFFFD0];
	_ =	sdelay $0x4  }
0xd1: {  	v5 =	vunpack.i.l.bf16.f32 v4  }
0xd2: {  	v4 =	vunpack.i.u.bf16.f32 v4;
	v5 =	vmul.f32 v5, v3  }
0xd3: {  	v4 =	vmul.f32 v4, v3  }
0xd4: {  	[tilespmem:s18+$0xFFFFFFA0] =	vst v5  }
0xd5: {  	[tilespmem:s18+$0xFFFFFFB0] =	vst v4  }
0xd6: {  	v4 =	vld [tilespmem:s16+$0xFFFFFFE0];
	_ =	sdelay $0x4  }
0xd7: {  	v5 =	vunpack.i.l.bf16.f32 v4  }
0xd8: {  	v4 =	vunpack.i.u.bf16.f32 v4;
	v5 =	vmul.f32 v5, v3  }
0xd9: {  	v4 =	vmul.f32 v4, v3  }
0xda: {  	[tilespmem:s18+$0xFFFFFFC0] =	vst v5  }
0xdb: {  	[tilespmem:s18+$0xFFFFFFD0] =	vst v4  }
0xdc: {  	s20 =	simm.s32 $0x195D0;
	s22 =	simm.s32 $0x40;
	v4 =	vld [tilespmem:s16+$0xFFFFFFF0]  }
.LBB2_4:
0xdd: {  	_ =	sdelay $0x3  }
0xde: {  	p0 =	sne.s32 s22, $0x9C0;
	s16 =	sadd.s32 $0x50, s16;
	s18 =	sadd.s32 $0x90, s18;
	v5 =	vunpack.i.u.bf16.f32 v4;
	v4 =	vunpack.i.l.bf16.f32 v4  }
0xdf: {  	s14 =	smov.u32 s22;
	s22 =	sadd.s32 $0x40, s22;
	v4 =	vmul.f32 v4, v3;
	v3 =	vmul.f32 v5, v3;
	_ =	sdelay $0x1  }
0xe0: {  	[tilespmem:s20+$0xFFFFFFE0] =	vst v4  }
0xe1: {  	[tilespmem:s20+$0xFFFFFFF0] =	vst v3;
	s20 =	smov.u32 s18  }
0xe2: {  	s14 =	sshra.s32 s14, $0x2;
	v3 =	vld [tilespmem:s16+$0x0]  }
0xe3: {  	v4 =	vld [tilespmem:s14+$0x17C50];
	_ =	sdelay $0x4  }
0xe4: {  	v5 =	vsub.f32 v3, v4;
	v3 =	vadd.f32 v4, v3;
	_ =	sdelay $0x1  }
0xe5: {  	v4 =	vand.u32 $0x7FFFFFFF, v5  }
0xe6: {  	v4 =	vmul.f32 v4, v2;
	_ =	sdelay $0x1  }
0xe7: {  	v4 =	vmul.f32 $1.442695020e+00, v4;
	_ =	sdelay $0x1  }
0xe8: {  	(erf) = vpow2.f32 v4;
	_ =	sdelay $0x8  }
0xe9: {  	v4 =	vpop (erf)  }
0xea: {  	v4 =	vperm.xlane v4, v0;
	_ =	sdelay $0x1  }
0xeb: {  	v3 =	vmul.f32 v4, v3;
	_ =	sdelay $0x1  }
0xec: {  	v4 =	vmul.f32 $2.000000030e-01, v3;
	_ =	sdelay $0x1  }
0xed: {  	v3 =	vmax.f32 v3, v4  }
0xee: {  	v3 =	vmul.f32 $1.442695020e+00, v3;
	_ =	sdelay $0x1  }
0xef: {  	(erf) = vpow2.f32 v3;
	_ =	sdelay $0x8  }
0xf0: {  	v3 =	vpop (erf)  }
0xf1: {  	[tilespmem:s18+$0x0] =	vst v3  }
0xf2: {  	v4 =	vld [tilespmem:s16+$0xFFFFFFC0];
	_ =	sdelay $0x3  }
0xf3: {  	v3 =	vperm.xlane v3, v1  }
0xf4: {  	v5 =	vunpack.i.u.bf16.f32 v4;
	v4 =	vunpack.i.l.bf16.f32 v4  }
0xf5: {  	v4 =	vmul.f32 v4, v3;
	v5 =	vmul.f32 v5, v3;
	_ =	sdelay $0x1  }
0xf6: {  	[tilespmem:s18+$0xFFFFFF80] =	vst v4  }
0xf7: {  	[tilespmem:s18+$0xFFFFFF90] =	vst v5  }
0xf8: {  	v4 =	vld [tilespmem:s16+$0xFFFFFFD0];
	_ =	sdelay $0x4  }
0xf9: {  	v5 =	vunpack.i.u.bf16.f32 v4;
	v4 =	vunpack.i.l.bf16.f32 v4  }
0xfa: {  	v4 =	vmul.f32 v4, v3;
	v5 =	vmul.f32 v5, v3;
	_ =	sdelay $0x1  }
0xfb: {  	[tilespmem:s18+$0xFFFFFFA0] =	vst v4  }
0xfc: {  	[tilespmem:s18+$0xFFFFFFB0] =	vst v5  }
0xfd: {  	v4 =	vld [tilespmem:s16+$0xFFFFFFE0];
	_ =	sdelay $0x4  }
0xfe: {  	v5 =	vunpack.i.u.bf16.f32 v4;
	v4 =	vunpack.i.l.bf16.f32 v4  }
.Ltmp1:
0xff: {  	v4 =	vmul.f32 v4, v3;
	v5 =	vmul.f32 v5, v3;
	(pc) =	sbr.rel @p0 .LBB2_4-.Ltmp1, $4  }
0x100: {  	_ = 	snop  }
0x101: {  	[tilespmem:s18+$0xFFFFFFC0] =	vst v4  }
0x102: {  	[tilespmem:s18+$0xFFFFFFD0] =	vst v5  }
0x103: {  	v4 =	vld [tilespmem:s16+$0xFFFFFFF0]  }
0x104: {  	_ =	sdelay $0x3  }
0x105: {  	v5 =	vunpack.i.l.bf16.f32 v4  }
0x106: {  	v4 =	vunpack.i.u.bf16.f32 v4;
	v5 =	vmul.f32 v5, v3  }
0x107: {  	v3 =	vmul.f32 v4, v3  }
0x108: {  	[tilespmem:s20+$0xFFFFFFE0] =	vst v5  }
0x109: {  	[tilespmem:s20+$0xFFFFFFF0] =	vst v3  }
0x10a: {  	[spmem:s4] =	stream.indirect.scatter.add.f32 [tilespmem:s9], [sflag:$0x8], $0x90, s10, s13, $0xb8;
	[tilespmem:$0x1ABE0] =	vst v63  }
0x10b: {  	_ =	swait.ge [sflag:s5], $0x28  }
0x10c: {  	[sflag:s5] =	ssyncset.done $0x0  }
0x10d: {  	[sflag:s5] =	ssyncadd.s32 $0xFFFFFFD8  }
0x10e: {  	_ =	swait.ge [sflag:s5], $0x28  }
0x10f: {  	[sflag:s5] =	ssyncset.done $0x0  }
0x110: {  	s14 =	simm.s32 $0x16008;
	[sflag:s5] =	ssyncadd.s32 $0xFFFFFFD8  }
0x111: {  	[tilespmem:s19], [sflag:$0x6] =	stream.indirect.gather [hbm4b:s3+s13], $0x50, s14, s13, $0xb8;
	[tilespmem:$0x1ABE0] =	vst v63  }
0x112: {  	_ = 	snop  }
0x113: {  	[tilespmem:s21], [sflag:$0x6] =	stream.indirect.gather [hbm4b:s1+s13], $0x10, s29, s13, $0xb8;
	[tilespmem:$0x1ABE0] =	vst v63  }
0x114: {  	_ =	swait.ge [sflag:s31], $0x1680  }
0x115: {  	[sflag:s31] =	ssyncset.done $0x0  }
0x116: {  	s20 =	simm.s32 $0x0;
	s16 =	rddreg [dreg:$0x12];
	[sflag:s31] =	ssyncadd.s32 $0xFFFFE980  }
0x117: {  	[tilespmem:s2], [sflag:$0x1] =	stream.linear.gather [hbm4b:s16+s20], $0x28, $0x38;
	[tilespmem:$0x1ABE0] =	vst v63  }
0x118: {  	s22 =	rddreg [dreg:$0x13]  }
0x119: {  	[tilespmem:s0], [sflag:$0x1] =	stream.linear.gather [hbm4b:s22+s20], $0x28, $0x38;
	[tilespmem:$0x1ABE0] =	vst v63  }
0x11a: {  	_ =	swait.ge [sflag:s24], $0xC80  }
0x11b: {  	[sflag:s24] =	ssyncset.done $0x0  }
0x11c: {  	[sflag:s24] =	ssyncadd.s32 $0xFFFFF380  }
0x11d: {  	_ =	swait.ge [sflag:s24], $0x280  }
0x11e: {  	[sflag:s24] =	ssyncset.done $0x0  }
0x11f: {  	s16 =	simm.s32 $0x160F0;
	[sflag:s24] =	ssyncadd.s32 $0xFFFFFD80  }
0x120: {  	s28 =	simm.s32 $0x0;
	v3 =	vld [tilespmem:s16+$0x20]  }
0x121: {  	v4 =	vld [tilespmem:s28+$0x179D0];
	_ =	sdelay $0x4  }
0x122: {  	v5 =	vsub.f32 v3, v4;
	_ =	sdelay $0x1  }
0x123: {  	v5 =	vand.u32 $0x7FFFFFFF, v5  }
0x124: {  	v5 =	vmul.f32 v5, v2;
	_ =	sdelay $0x1  }
0x125: {  	v5 =	vmul.f32 $1.442695020e+00, v5;
	_ =	sdelay $0x1  }
0x126: {  	(erf) = vpow2.f32 v5;
	_ =	sdelay $0x8  }
0x127: {  	v5 =	vpop (erf)  }
0x128: {  	v3 =	vadd.f32 v4, v3;
	v4 =	vperm.xlane v5, v0;
	_ =	sdelay $0x1  }
0x129: {  	v3 =	vmul.f32 v4, v3;
	_ =	sdelay $0x1  }
0x12a: {  	v4 =	vmul.f32 $2.000000030e-01, v3;
	_ =	sdelay $0x1  }
0x12b: {  	v3 =	vmax.f32 v3, v4  }
0x12c: {  	v3 =	vmul.f32 $1.442695020e+00, v3;
	_ =	sdelay $0x1  }
0x12d: {  	(erf) = vpow2.f32 v3;
	_ =	sdelay $0x8  }
0x12e: {  	s18 =	simm.s32 $0x17F10;
	v3 =	vpop (erf)  }
0x12f: {  	[tilespmem:s18+$0x40] =	vst v3  }
0x130: {  	v4 =	vld [tilespmem:s16+$0xFFFFFFE0];
	_ =	sdelay $0x3  }
0x131: {  	v3 =	vperm.xlane v3, v1  }
0x132: {  	v5 =	vunpack.i.l.bf16.f32 v4  }
0x133: {  	v4 =	vunpack.i.u.bf16.f32 v4;
	v5 =	vmul.f32 v5, v3  }
0x134: {  	v4 =	vmul.f32 v4, v3  }
0x135: {  	[tilespmem:s18+$0xFFFFFFC0] =	vst v5  }
0x136: {  	[tilespmem:s18+$0xFFFFFFD0] =	vst v4  }
0x137: {  	v4 =	vld [tilespmem:s16+$0xFFFFFFF0];
	_ =	sdelay $0x4  }
0x138: {  	v5 =	vunpack.i.l.bf16.f32 v4  }
0x139: {  	v4 =	vunpack.i.u.bf16.f32 v4;
	v5 =	vmul.f32 v5, v3  }
0x13a: {  	v4 =	vmul.f32 v4, v3  }
0x13b: {  	[tilespmem:s18+$0xFFFFFFE0] =	vst v5  }
0x13c: {  	[tilespmem:s18+$0xFFFFFFF0] =	vst v4  }
0x13d: {  	v4 =	vld [tilespmem:s16+$0x0];
	_ =	sdelay $0x4  }
0x13e: {  	v5 =	vunpack.i.l.bf16.f32 v4  }
0x13f: {  	v4 =	vunpack.i.u.bf16.f32 v4;
	v5 =	vmul.f32 v5, v3  }
0x140: {  	v4 =	vmul.f32 v4, v3  }
0x141: {  	[tilespmem:s18+$0x0] =	vst v5  }
0x142: {  	[tilespmem:s18+$0x10] =	vst v4  }
0x143: {  	s22 =	simm.s32 $0x40;
	s20 =	simm.s32 $0x17F10;
	v4 =	vld [tilespmem:s16+$0x10]  }
.LBB2_6:
0x144: {  	_ =	sdelay $0x3  }
0x145: {  	p0 =	sne.s32 s22, $0x9C0;
	s16 =	sadd.s32 $0x50, s16;
	s18 =	sadd.s32 $0x90, s18;
	v5 =	vunpack.i.u.bf16.f32 v4;
	v4 =	vunpack.i.l.bf16.f32 v4  }
0x146: {  	s14 =	smov.u32 s22;
	s22 =	sadd.s32 $0x40, s22;
	v4 =	vmul.f32 v4, v3;
	v3 =	vmul.f32 v5, v3;
	_ =	sdelay $0x1  }
0x147: {  	[tilespmem:s20+$0x20] =	vst v4  }
0x148: {  	[tilespmem:s20+$0x30] =	vst v3;
	s20 =	smov.u32 s18  }
0x149: {  	s14 =	sshra.s32 s14, $0x2;
	v3 =	vld [tilespmem:s16+$0x20]  }
0x14a: {  	v4 =	vld [tilespmem:s14+$0x179D0];
	_ =	sdelay $0x4  }
0x14b: {  	v5 =	vsub.f32 v3, v4;
	v3 =	vadd.f32 v4, v3;
	_ =	sdelay $0x1  }
0x14c: {  	v4 =	vand.u32 $0x7FFFFFFF, v5  }
0x14d: {  	v4 =	vmul.f32 v4, v2;
	_ =	sdelay $0x1  }
0x14e: {  	v4 =	vmul.f32 $1.442695020e+00, v4;
	_ =	sdelay $0x1  }
0x14f: {  	(erf) = vpow2.f32 v4;
	_ =	sdelay $0x8  }
0x150: {  	v4 =	vpop (erf)  }
0x151: {  	v4 =	vperm.xlane v4, v0;
	_ =	sdelay $0x1  }
0x152: {  	v3 =	vmul.f32 v4, v3;
	_ =	sdelay $0x1  }
0x153: {  	v4 =	vmul.f32 $2.000000030e-01, v3;
	_ =	sdelay $0x1  }
0x154: {  	v3 =	vmax.f32 v3, v4  }
0x155: {  	v3 =	vmul.f32 $1.442695020e+00, v3;
	_ =	sdelay $0x1  }
0x156: {  	(erf) = vpow2.f32 v3;
	_ =	sdelay $0x8  }
0x157: {  	v3 =	vpop (erf)  }
0x158: {  	[tilespmem:s18+$0x40] =	vst v3  }
0x159: {  	v4 =	vld [tilespmem:s16+$0xFFFFFFE0];
	_ =	sdelay $0x3  }
0x15a: {  	v3 =	vperm.xlane v3, v1  }
0x15b: {  	v5 =	vunpack.i.u.bf16.f32 v4;
	v4 =	vunpack.i.l.bf16.f32 v4  }
0x15c: {  	v4 =	vmul.f32 v4, v3;
	v5 =	vmul.f32 v5, v3;
	_ =	sdelay $0x1  }
0x15d: {  	[tilespmem:s18+$0xFFFFFFC0] =	vst v4  }
0x15e: {  	[tilespmem:s18+$0xFFFFFFD0] =	vst v5  }
0x15f: {  	v4 =	vld [tilespmem:s16+$0xFFFFFFF0];
	_ =	sdelay $0x4  }
0x160: {  	v5 =	vunpack.i.u.bf16.f32 v4;
	v4 =	vunpack.i.l.bf16.f32 v4  }
0x161: {  	v4 =	vmul.f32 v4, v3;
	v5 =	vmul.f32 v5, v3;
	_ =	sdelay $0x1  }
0x162: {  	[tilespmem:s18+$0xFFFFFFE0] =	vst v4  }
0x163: {  	[tilespmem:s18+$0xFFFFFFF0] =	vst v5  }
0x164: {  	v4 =	vld [tilespmem:s16+$0x0];
	_ =	sdelay $0x4  }
0x165: {  	v5 =	vunpack.i.u.bf16.f32 v4;
	v4 =	vunpack.i.l.bf16.f32 v4  }
.Ltmp2:
0x166: {  	v4 =	vmul.f32 v4, v3;
	v5 =	vmul.f32 v5, v3;
	(pc) =	sbr.rel @p0 .LBB2_6-.Ltmp2, $4  }
0x167: {  	_ = 	snop  }
0x168: {  	[tilespmem:s18+$0x0] =	vst v4  }
0x169: {  	[tilespmem:s18+$0x10] =	vst v5  }
0x16a: {  	v4 =	vld [tilespmem:s16+$0x10]  }
0x16b: {  	_ =	sdelay $0x3  }
0x16c: {  	v5 =	vunpack.i.l.bf16.f32 v4  }
0x16d: {  	v4 =	vunpack.i.u.bf16.f32 v4;
	v5 =	vmul.f32 v5, v3  }
0x16e: {  	v3 =	vmul.f32 v4, v3  }
0x16f: {  	[tilespmem:s20+$0x20] =	vst v5  }
0x170: {  	[tilespmem:s20+$0x30] =	vst v3  }
0x171: {  	[spmem:s4] =	stream.indirect.scatter.add.f32 [tilespmem:s25], [sflag:$0x7], $0x90, s23, s13, $0xb8;
	[tilespmem:$0x1ABE0] =	vst v63  }
0x172: {  	_ =	swait.ge [sflag:s12], $0x28  }
0x173: {  	[sflag:s12] =	ssyncset.done $0x0  }
0x174: {  	[sflag:s12] =	ssyncadd.s32 $0xFFFFFFD8  }
0x175: {  	_ =	swait.ge [sflag:s12], $0x28  }
0x176: {  	[sflag:s12] =	ssyncset.done $0x0  }
0x177: {  	s14 =	simm.s32 $0x160D0;
	[sflag:s12] =	ssyncadd.s32 $0xFFFFFFD8  }
0x178: {  	[tilespmem:s14], [sflag:$0x5] =	stream.indirect.gather [hbm4b:s3+s13], $0x50, s2, s13, $0xb8;
	[tilespmem:$0x1ABE0] =	vst v63  }
0x179: {  	s18 =	simm.s32 $0x179D0  }
0x17a: {  	[tilespmem:s18], [sflag:$0x5] =	stream.indirect.gather [hbm4b:s1+s13], $0x10, s0, s13, $0xb8;
	[tilespmem:$0x1ABE0] =	vst v63  }
0x17b: {  	_ =	swait.ge [sflag:s11], $0x1680  }
0x17c: {  	[sflag:s11] =	ssyncset.done $0x0  }
0x17d: {  	s20 =	simm.s32 $0x0;
	s16 =	rddreg [dreg:$0x14];
	[sflag:s11] =	ssyncadd.s32 $0xFFFFE980  }
0x17e: {  	[tilespmem:s8], [sflag:$0x2] =	stream.linear.gather [hbm4b:s16+s20], $0x28, $0x38;
	[tilespmem:$0x1ABE0] =	vst v63  }
0x17f: {  	s22 =	rddreg [dreg:$0x15]  }
0x180: {  	[tilespmem:s10], [sflag:$0x2] =	stream.linear.gather [hbm4b:s22+s20], $0x28, $0x38;
	[tilespmem:$0x1ABE0] =	vst v63  }
0x181: {  	_ =	swait.ge [sflag:s30], $0xC80  }
0x182: {  	[sflag:s30] =	ssyncset.done $0x0  }
0x183: {  	[sflag:s30] =	ssyncadd.s32 $0xFFFFF380  }
0x184: {  	_ =	swait.ge [sflag:s30], $0x280  }
0x185: {  	[sflag:s30] =	ssyncset.done $0x0  }
0x186: {  	s16 =	simm.s32 $0x16D90;
	[sflag:s30] =	ssyncadd.s32 $0xFFFFFD80  }
0x187: {  	s28 =	simm.s32 $0x0;
	v3 =	vld [tilespmem:s16+$0x0]  }
0x188: {  	v4 =	vld [tilespmem:s28+$0x17C50];
	_ =	sdelay $0x4  }
0x189: {  	v5 =	vsub.f32 v3, v4;
	_ =	sdelay $0x1  }
0x18a: {  	v5 =	vand.u32 $0x7FFFFFFF, v5  }
0x18b: {  	v5 =	vmul.f32 v5, v2;
	_ =	sdelay $0x1  }
0x18c: {  	v5 =	vmul.f32 $1.442695020e+00, v5;
	_ =	sdelay $0x1  }
0x18d: {  	(erf) = vpow2.f32 v5;
	_ =	sdelay $0x8  }
0x18e: {  	v5 =	vpop (erf)  }
0x18f: {  	v3 =	vadd.f32 v4, v3;
	v4 =	vperm.xlane v5, v0;
	_ =	sdelay $0x1  }
0x190: {  	v3 =	vmul.f32 v4, v3;
	_ =	sdelay $0x1  }
0x191: {  	v4 =	vmul.f32 $2.000000030e-01, v3;
	_ =	sdelay $0x1  }
0x192: {  	v3 =	vmax.f32 v3, v4  }
0x193: {  	v3 =	vmul.f32 $1.442695020e+00, v3;
	_ =	sdelay $0x1  }
0x194: {  	(erf) = vpow2.f32 v3;
	_ =	sdelay $0x8  }
0x195: {  	s18 =	simm.s32 $0x195D0;
	v3 =	vpop (erf)  }
0x196: {  	[tilespmem:s18+$0x0] =	vst v3  }
0x197: {  	v4 =	vld [tilespmem:s16+$0xFFFFFFC0];
	_ =	sdelay $0x3  }
0x198: {  	v3 =	vperm.xlane v3, v1  }
0x199: {  	v5 =	vunpack.i.l.bf16.f32 v4  }
0x19a: {  	v4 =	vunpack.i.u.bf16.f32 v4;
	v5 =	vmul.f32 v5, v3  }
0x19b: {  	v4 =	vmul.f32 v4, v3  }
0x19c: {  	[tilespmem:s18+$0xFFFFFF80] =	vst v5  }
0x19d: {  	[tilespmem:s18+$0xFFFFFF90] =	vst v4  }
0x19e: {  	v4 =	vld [tilespmem:s16+$0xFFFFFFD0];
	_ =	sdelay $0x4  }
0x19f: {  	v5 =	vunpack.i.l.bf16.f32 v4  }
0x1a0: {  	v4 =	vunpack.i.u.bf16.f32 v4;
	v5 =	vmul.f32 v5, v3  }
0x1a1: {  	v4 =	vmul.f32 v4, v3  }
0x1a2: {  	[tilespmem:s18+$0xFFFFFFA0] =	vst v5  }
0x1a3: {  	[tilespmem:s18+$0xFFFFFFB0] =	vst v4  }
0x1a4: {  	v4 =	vld [tilespmem:s16+$0xFFFFFFE0];
	_ =	sdelay $0x4  }
0x1a5: {  	v5 =	vunpack.i.l.bf16.f32 v4  }
0x1a6: {  	v4 =	vunpack.i.u.bf16.f32 v4;
	v5 =	vmul.f32 v5, v3  }
0x1a7: {  	v4 =	vmul.f32 v4, v3  }
0x1a8: {  	[tilespmem:s18+$0xFFFFFFC0] =	vst v5  }
0x1a9: {  	[tilespmem:s18+$0xFFFFFFD0] =	vst v4  }
0x1aa: {  	s22 =	simm.s32 $0x40;
	s20 =	simm.s32 $0x195D0;
	v4 =	vld [tilespmem:s16+$0xFFFFFFF0]  }
.LBB2_8:
0x1ab: {  	_ =	sdelay $0x3  }
0x1ac: {  	p0 =	sne.s32 s22, $0x9C0;
	s16 =	sadd.s32 $0x50, s16;
	s18 =	sadd.s32 $0x90, s18;
	v5 =	vunpack.i.u.bf16.f32 v4;
	v4 =	vunpack.i.l.bf16.f32 v4  }
0x1ad: {  	s14 =	smov.u32 s22;
	s22 =	sadd.s32 $0x40, s22;
	v4 =	vmul.f32 v4, v3;
	v3 =	vmul.f32 v5, v3;
	_ =	sdelay $0x1  }
0x1ae: {  	[tilespmem:s20+$0xFFFFFFE0] =	vst v4  }
0x1af: {  	[tilespmem:s20+$0xFFFFFFF0] =	vst v3;
	s20 =	smov.u32 s18  }
0x1b0: {  	s14 =	sshra.s32 s14, $0x2;
	v3 =	vld [tilespmem:s16+$0x0]  }
0x1b1: {  	v4 =	vld [tilespmem:s14+$0x17C50];
	_ =	sdelay $0x4  }
0x1b2: {  	v5 =	vsub.f32 v3, v4;
	v3 =	vadd.f32 v4, v3;
	_ =	sdelay $0x1  }
0x1b3: {  	v4 =	vand.u32 $0x7FFFFFFF, v5  }
0x1b4: {  	v4 =	vmul.f32 v4, v2;
	_ =	sdelay $0x1  }
0x1b5: {  	v4 =	vmul.f32 $1.442695020e+00, v4;
	_ =	sdelay $0x1  }
0x1b6: {  	(erf) = vpow2.f32 v4;
	_ =	sdelay $0x8  }
0x1b7: {  	v4 =	vpop (erf)  }
0x1b8: {  	v4 =	vperm.xlane v4, v0;
	_ =	sdelay $0x1  }
0x1b9: {  	v3 =	vmul.f32 v4, v3;
	_ =	sdelay $0x1  }
0x1ba: {  	v4 =	vmul.f32 $2.000000030e-01, v3;
	_ =	sdelay $0x1  }
0x1bb: {  	v3 =	vmax.f32 v3, v4  }
0x1bc: {  	v3 =	vmul.f32 $1.442695020e+00, v3;
	_ =	sdelay $0x1  }
0x1bd: {  	(erf) = vpow2.f32 v3;
	_ =	sdelay $0x8  }
0x1be: {  	v3 =	vpop (erf)  }
0x1bf: {  	[tilespmem:s18+$0x0] =	vst v3  }
0x1c0: {  	v4 =	vld [tilespmem:s16+$0xFFFFFFC0];
	_ =	sdelay $0x3  }
0x1c1: {  	v3 =	vperm.xlane v3, v1  }
0x1c2: {  	v5 =	vunpack.i.u.bf16.f32 v4;
	v4 =	vunpack.i.l.bf16.f32 v4  }
0x1c3: {  	v4 =	vmul.f32 v4, v3;
	v5 =	vmul.f32 v5, v3;
	_ =	sdelay $0x1  }
0x1c4: {  	[tilespmem:s18+$0xFFFFFF80] =	vst v4  }
0x1c5: {  	[tilespmem:s18+$0xFFFFFF90] =	vst v5  }
0x1c6: {  	v4 =	vld [tilespmem:s16+$0xFFFFFFD0];
	_ =	sdelay $0x4  }
0x1c7: {  	v5 =	vunpack.i.u.bf16.f32 v4;
	v4 =	vunpack.i.l.bf16.f32 v4  }
0x1c8: {  	v4 =	vmul.f32 v4, v3;
	v5 =	vmul.f32 v5, v3;
	_ =	sdelay $0x1  }
0x1c9: {  	[tilespmem:s18+$0xFFFFFFA0] =	vst v4  }
0x1ca: {  	[tilespmem:s18+$0xFFFFFFB0] =	vst v5  }
0x1cb: {  	v4 =	vld [tilespmem:s16+$0xFFFFFFE0];
	_ =	sdelay $0x4  }
0x1cc: {  	v5 =	vunpack.i.u.bf16.f32 v4;
	v4 =	vunpack.i.l.bf16.f32 v4  }
.Ltmp3:
0x1cd: {  	v4 =	vmul.f32 v4, v3;
	v5 =	vmul.f32 v5, v3;
	(pc) =	sbr.rel @p0 .LBB2_8-.Ltmp3, $4  }
0x1ce: {  	_ = 	snop  }
0x1cf: {  	[tilespmem:s18+$0xFFFFFFC0] =	vst v4  }
0x1d0: {  	[tilespmem:s18+$0xFFFFFFD0] =	vst v5  }
0x1d1: {  	v4 =	vld [tilespmem:s16+$0xFFFFFFF0]  }
0x1d2: {  	_ =	sdelay $0x3  }
0x1d3: {  	v5 =	vunpack.i.l.bf16.f32 v4  }
0x1d4: {  	v63 =	vunpack.i.u.bf16.f32 v4;
	v5 =	vmul.f32 v5, v3  }
0x1d5: {  	v3 =	vmul.f32 v63, v3  }
0x1d6: {  	[tilespmem:s20+$0xFFFFFFE0] =	vst v5  }
0x1d7: {  	s16 =	simm.s32 $0x1;
	[tilespmem:s20+$0xFFFFFFF0] =	vst v3  }
0x1d8: {  	[spmem:s4] =	stream.indirect.scatter.add.f32 [tilespmem:s9], [sflag:$0x8], $0x90, s29, s13, $0xb8;
	[tilespmem:$0x1ABE0] =	vst v63  }
.LBB2_10:
0x1d9: {  	_ =	swait.ge [sflag:s17], $0x28  }
0x1da: {  	[sflag:s17] =	ssyncset.done $0x0  }
0x1db: {  	[sflag:s17] =	ssyncadd.s32 $0xFFFFFFD8  }
0x1dc: {  	_ =	swait.ge [sflag:s17], $0x28  }
0x1dd: {  	[sflag:s17] =	ssyncset.done $0x0  }
0x1de: {  	[sflag:s17] =	ssyncadd.s32 $0xFFFFFFD8  }
0x1df: {  	[tilespmem:s19], [sflag:$0x6] =	stream.indirect.gather [hbm4b:s3+s13], $0x50, s8, s13, $0xb8;
	[tilespmem:$0x1ABE0] =	vst v63  }
0x1e0: {  	_ = 	snop  }
0x1e1: {  	[tilespmem:s21], [sflag:$0x6] =	stream.indirect.gather [hbm4b:s1+s13], $0x10, s10, s13, $0xb8;
	[tilespmem:$0x1ABE0] =	vst v63  }
0x1e2: {  	s18 =	smul.u32 $0xA0, s16;
	_ =	swait.ge [sflag:s31], $0x1680  }
0x1e3: {  	s14 =	rddreg [dreg:$0x7]  }
0x1e4: {  	s14 =	sadd.s32 s18, s14  }
0x1e5: {  	s22 =	simm.s32 $0x0;
	[sflag:s31] =	ssyncset.done $0x0;
	s14 =	sshrl.u32 s14, $0x3  }
0x1e6: {  	s15 =	simm.s32 $0x15FE0;
	[sflag:s31] =	ssyncadd.s32 $0xFFFFE980;
	s20 =	sadd.s32 s6, s14  }
0x1e7: {  	[tilespmem:s15], [sflag:$0x3] =	stream.linear.gather [hbm4b:s20+s22], $0x28, $0x38;
	[tilespmem:$0x1ABE0] =	vst v63  }
0x1e8: {  	s14 =	sadd.s32 s7, s14  }
0x1e9: {  	[tilespmem:s23], [sflag:$0x3] =	stream.linear.gather [hbm4b:s14+s22], $0x28, $0x38;
	[tilespmem:$0x1ABE0] =	vst v63  }
0x1ea: {  	_ =	swait.ge [sflag:s24], $0xC80  }
0x1eb: {  	[sflag:s24] =	ssyncset.done $0x0  }
0x1ec: {  	[sflag:s24] =	ssyncadd.s32 $0xFFFFF380  }
0x1ed: {  	_ =	swait.ge [sflag:s24], $0x280  }
0x1ee: {  	[sflag:s24] =	ssyncset.done $0x0  }
0x1ef: {  	s20 =	simm.s32 $0x160F0;
	[sflag:s24] =	ssyncadd.s32 $0xFFFFFD80  }
0x1f0: {  	s22 =	simm.s32 $0x0;
	v3 =	vld [tilespmem:s20+$0x20]  }
0x1f1: {  	v4 =	vld [tilespmem:s22+$0x179D0];
	_ =	sdelay $0x4  }
0x1f2: {  	v5 =	vsub.f32 v3, v4;
	_ =	sdelay $0x1  }
0x1f3: {  	v5 =	vand.u32 $0x7FFFFFFF, v5  }
0x1f4: {  	v5 =	vmul.f32 v5, v2;
	_ =	sdelay $0x1  }
0x1f5: {  	v5 =	vmul.f32 $1.442695020e+00, v5;
	_ =	sdelay $0x1  }
0x1f6: {  	(erf) = vpow2.f32 v5;
	_ =	sdelay $0x8  }
0x1f7: {  	v5 =	vpop (erf)  }
0x1f8: {  	v3 =	vadd.f32 v4, v3;
	v4 =	vperm.xlane v5, v0;
	_ =	sdelay $0x1  }
0x1f9: {  	v3 =	vmul.f32 v4, v3;
	_ =	sdelay $0x1  }
0x1fa: {  	v4 =	vmul.f32 $2.000000030e-01, v3;
	_ =	sdelay $0x1  }
0x1fb: {  	v3 =	vmax.f32 v3, v4  }
0x1fc: {  	v3 =	vmul.f32 $1.442695020e+00, v3;
	_ =	sdelay $0x1  }
0x1fd: {  	(erf) = vpow2.f32 v3;
	_ =	sdelay $0x8  }
0x1fe: {  	s22 =	simm.s32 $0x17F10;
	v3 =	vpop (erf)  }
0x1ff: {  	[tilespmem:s22+$0x40] =	vst v3  }
0x200: {  	v4 =	vld [tilespmem:s20+$0xFFFFFFE0];
	_ =	sdelay $0x3  }
0x201: {  	v3 =	vperm.xlane v3, v1  }
0x202: {  	v5 =	vunpack.i.l.bf16.f32 v4  }
0x203: {  	v4 =	vunpack.i.u.bf16.f32 v4;
	v5 =	vmul.f32 v5, v3  }
0x204: {  	v4 =	vmul.f32 v4, v3  }
0x205: {  	[tilespmem:s22+$0xFFFFFFC0] =	vst v5  }
0x206: {  	[tilespmem:s22+$0xFFFFFFD0] =	vst v4  }
0x207: {  	v4 =	vld [tilespmem:s20+$0xFFFFFFF0];
	_ =	sdelay $0x4  }
0x208: {  	v5 =	vunpack.i.l.bf16.f32 v4  }
0x209: {  	v4 =	vunpack.i.u.bf16.f32 v4;
	v5 =	vmul.f32 v5, v3  }
0x20a: {  	v4 =	vmul.f32 v4, v3  }
0x20b: {  	[tilespmem:s22+$0xFFFFFFE0] =	vst v5  }
0x20c: {  	[tilespmem:s22+$0xFFFFFFF0] =	vst v4  }
0x20d: {  	v4 =	vld [tilespmem:s20+$0x0];
	_ =	sdelay $0x4  }
0x20e: {  	v5 =	vunpack.i.l.bf16.f32 v4  }
0x20f: {  	v4 =	vunpack.i.u.bf16.f32 v4;
	v5 =	vmul.f32 v5, v3  }
0x210: {  	v4 =	vmul.f32 v4, v3  }
0x211: {  	[tilespmem:s22+$0x0] =	vst v5  }
0x212: {  	[tilespmem:s22+$0x10] =	vst v4  }
0x213: {  	s28 =	simm.s32 $0x17F10;
	s14 =	simm.s32 $0x40;
	v4 =	vld [tilespmem:s20+$0x10]  }
.LBB2_11:
0x214: {  	_ =	sdelay $0x3  }
0x215: {  	p0 =	sne.s32 s14, $0x9C0;
	s20 =	sadd.s32 $0x50, s20;
	s22 =	sadd.s32 $0x90, s22;
	v5 =	vunpack.i.u.bf16.f32 v4;
	v4 =	vunpack.i.l.bf16.f32 v4  }
0x216: {  	s15 =	smov.u32 s14;
	s14 =	sadd.s32 $0x40, s14;
	v4 =	vmul.f32 v4, v3;
	v3 =	vmul.f32 v5, v3;
	_ =	sdelay $0x1  }
0x217: {  	[tilespmem:s28+$0x20] =	vst v4  }
0x218: {  	[tilespmem:s28+$0x30] =	vst v3;
	s28 =	smov.u32 s22  }
0x219: {  	s15 =	sshra.s32 s15, $0x2;
	v3 =	vld [tilespmem:s20+$0x20]  }
0x21a: {  	v4 =	vld [tilespmem:s15+$0x179D0];
	_ =	sdelay $0x4  }
0x21b: {  	v5 =	vsub.f32 v3, v4;
	v3 =	vadd.f32 v4, v3;
	_ =	sdelay $0x1  }
0x21c: {  	v4 =	vand.u32 $0x7FFFFFFF, v5  }
0x21d: {  	v4 =	vmul.f32 v4, v2;
	_ =	sdelay $0x1  }
0x21e: {  	v4 =	vmul.f32 $1.442695020e+00, v4;
	_ =	sdelay $0x1  }
0x21f: {  	(erf) = vpow2.f32 v4;
	_ =	sdelay $0x8  }
0x220: {  	v4 =	vpop (erf)  }
0x221: {  	v4 =	vperm.xlane v4, v0;
	_ =	sdelay $0x1  }
0x222: {  	v3 =	vmul.f32 v4, v3;
	_ =	sdelay $0x1  }
0x223: {  	v4 =	vmul.f32 $2.000000030e-01, v3;
	_ =	sdelay $0x1  }
0x224: {  	v3 =	vmax.f32 v3, v4  }
0x225: {  	v3 =	vmul.f32 $1.442695020e+00, v3;
	_ =	sdelay $0x1  }
0x226: {  	(erf) = vpow2.f32 v3;
	_ =	sdelay $0x8  }
0x227: {  	v3 =	vpop (erf)  }
0x228: {  	[tilespmem:s22+$0x40] =	vst v3  }
0x229: {  	v4 =	vld [tilespmem:s20+$0xFFFFFFE0];
	_ =	sdelay $0x3  }
0x22a: {  	v3 =	vperm.xlane v3, v1  }
0x22b: {  	v5 =	vunpack.i.u.bf16.f32 v4;
	v4 =	vunpack.i.l.bf16.f32 v4  }
0x22c: {  	v4 =	vmul.f32 v4, v3;
	v5 =	vmul.f32 v5, v3;
	_ =	sdelay $0x1  }
0x22d: {  	[tilespmem:s22+$0xFFFFFFC0] =	vst v4  }
0x22e: {  	[tilespmem:s22+$0xFFFFFFD0] =	vst v5  }
0x22f: {  	v4 =	vld [tilespmem:s20+$0xFFFFFFF0];
	_ =	sdelay $0x4  }
0x230: {  	v5 =	vunpack.i.u.bf16.f32 v4;
	v4 =	vunpack.i.l.bf16.f32 v4  }
0x231: {  	v4 =	vmul.f32 v4, v3;
	v5 =	vmul.f32 v5, v3;
	_ =	sdelay $0x1  }
0x232: {  	[tilespmem:s22+$0xFFFFFFE0] =	vst v4  }
0x233: {  	[tilespmem:s22+$0xFFFFFFF0] =	vst v5  }
0x234: {  	v4 =	vld [tilespmem:s20+$0x0];
	_ =	sdelay $0x4  }
0x235: {  	v5 =	vunpack.i.u.bf16.f32 v4;
	v4 =	vunpack.i.l.bf16.f32 v4  }
.Ltmp4:
0x236: {  	v4 =	vmul.f32 v4, v3;
	v5 =	vmul.f32 v5, v3;
	(pc) =	sbr.rel @p0 .LBB2_11-.Ltmp4, $4  }
0x237: {  	_ = 	snop  }
0x238: {  	[tilespmem:s22+$0x0] =	vst v4  }
0x239: {  	[tilespmem:s22+$0x10] =	vst v5  }
0x23a: {  	v4 =	vld [tilespmem:s20+$0x10]  }
0x23b: {  	_ =	sdelay $0x3  }
0x23c: {  	v5 =	vunpack.i.l.bf16.f32 v4  }
0x23d: {  	v4 =	vunpack.i.u.bf16.f32 v4;
	v5 =	vmul.f32 v5, v3  }
0x23e: {  	v3 =	vmul.f32 v4, v3  }
0x23f: {  	[tilespmem:s28+$0x20] =	vst v5  }
0x240: {  	[tilespmem:s28+$0x30] =	vst v3  }
0x241: {  	[spmem:s4] =	stream.indirect.scatter.add.f32 [tilespmem:s25], [sflag:$0x7], $0x90, s0, s13, $0xb8;
	[tilespmem:$0x1ABE0] =	vst v63  }
0x242: {  	_ =	swait.ge [sflag:s26], $0x28  }
0x243: {  	[sflag:s26] =	ssyncset.done $0x0  }
0x244: {  	[sflag:s26] =	ssyncadd.s32 $0xFFFFFFD8  }
0x245: {  	_ =	swait.ge [sflag:s26], $0x28  }
0x246: {  	[sflag:s26] =	ssyncset.done $0x0  }
0x247: {  	s14 =	simm.s32 $0x160D0;
	s15 =	simm.s32 $0x15FE0;
	[sflag:s26] =	ssyncadd.s32 $0xFFFFFFD8  }
0x248: {  	[tilespmem:s14], [sflag:$0x5] =	stream.indirect.gather [hbm4b:s3+s13], $0x50, s15, s13, $0xb8;
	[tilespmem:$0x1ABE0] =	vst v63  }
0x249: {  	s15 =	simm.s32 $0x179D0  }
0x24a: {  	[tilespmem:s15], [sflag:$0x5] =	stream.indirect.gather [hbm4b:s1+s13], $0x10, s23, s13, $0xb8;
	[tilespmem:$0x1ABE0] =	vst v63  }
0x24b: {  	_ =	swait.ge [sflag:s11], $0x1680  }
0x24c: {  	s20 =	rddreg [dreg:$0xc]  }
0x24d: {  	s14 =	sadd.s32 s18, s20  }
0x24e: {  	s22 =	simm.s32 $0x16008;
	[sflag:s11] =	ssyncset.done $0x0;
	s14 =	sshrl.u32 s14, $0x3  }
0x24f: {  	[sflag:s11] =	ssyncadd.s32 $0xFFFFE980;
	s20 =	simm.s32 $0x0;
	s15 =	sadd.s32 s6, s14  }
0x250: {  	[tilespmem:s22], [sflag:$0x4] =	stream.linear.gather [hbm4b:s15+s20], $0x28, $0x38;
	[tilespmem:$0x1ABE0] =	vst v63  }
0x251: {  	s14 =	sadd.s32 s7, s14  }
0x252: {  	[tilespmem:s29], [sflag:$0x4] =	stream.linear.gather [hbm4b:s14+s20], $0x28, $0x38;
	[tilespmem:$0x1ABE0] =	vst v63  }
0x253: {  	_ =	swait.ge [sflag:s30], $0xC80  }
0x254: {  	[sflag:s30] =	ssyncset.done $0x0  }
0x255: {  	[sflag:s30] =	ssyncadd.s32 $0xFFFFF380  }
0x256: {  	_ =	swait.ge [sflag:s30], $0x280  }
0x257: {  	[sflag:s30] =	ssyncset.done $0x0  }
0x258: {  	s20 =	simm.s32 $0x16D90;
	[sflag:s30] =	ssyncadd.s32 $0xFFFFFD80  }
0x259: {  	s22 =	simm.s32 $0x0;
	v3 =	vld [tilespmem:s20+$0x0]  }
0x25a: {  	v4 =	vld [tilespmem:s22+$0x17C50];
	_ =	sdelay $0x4  }
0x25b: {  	v5 =	vsub.f32 v3, v4;
	_ =	sdelay $0x1  }
0x25c: {  	v5 =	vand.u32 $0x7FFFFFFF, v5  }
0x25d: {  	v5 =	vmul.f32 v5, v2;
	_ =	sdelay $0x1  }
0x25e: {  	v5 =	vmul.f32 $1.442695020e+00, v5;
	_ =	sdelay $0x1  }
0x25f: {  	(erf) = vpow2.f32 v5;
	_ =	sdelay $0x8  }
0x260: {  	v5 =	vpop (erf)  }
0x261: {  	v3 =	vadd.f32 v4, v3;
	v4 =	vperm.xlane v5, v0;
	_ =	sdelay $0x1  }
0x262: {  	v3 =	vmul.f32 v4, v3;
	_ =	sdelay $0x1  }
0x263: {  	v4 =	vmul.f32 $2.000000030e-01, v3;
	_ =	sdelay $0x1  }
0x264: {  	v3 =	vmax.f32 v3, v4  }
0x265: {  	v3 =	vmul.f32 $1.442695020e+00, v3;
	_ =	sdelay $0x1  }
0x266: {  	(erf) = vpow2.f32 v3;
	_ =	sdelay $0x8  }
0x267: {  	s22 =	simm.s32 $0x195D0;
	v3 =	vpop (erf)  }
0x268: {  	[tilespmem:s22+$0x0] =	vst v3  }
0x269: {  	v4 =	vld [tilespmem:s20+$0xFFFFFFC0];
	_ =	sdelay $0x3  }
0x26a: {  	v3 =	vperm.xlane v3, v1  }
0x26b: {  	v5 =	vunpack.i.l.bf16.f32 v4  }
0x26c: {  	v4 =	vunpack.i.u.bf16.f32 v4;
	v5 =	vmul.f32 v5, v3  }
0x26d: {  	v4 =	vmul.f32 v4, v3  }
0x26e: {  	[tilespmem:s22+$0xFFFFFF80] =	vst v5  }
0x26f: {  	[tilespmem:s22+$0xFFFFFF90] =	vst v4  }
0x270: {  	v4 =	vld [tilespmem:s20+$0xFFFFFFD0];
	_ =	sdelay $0x4  }
0x271: {  	v5 =	vunpack.i.l.bf16.f32 v4  }
0x272: {  	v4 =	vunpack.i.u.bf16.f32 v4;
	v5 =	vmul.f32 v5, v3  }
0x273: {  	v4 =	vmul.f32 v4, v3  }
0x274: {  	[tilespmem:s22+$0xFFFFFFA0] =	vst v5  }
0x275: {  	[tilespmem:s22+$0xFFFFFFB0] =	vst v4  }
0x276: {  	v4 =	vld [tilespmem:s20+$0xFFFFFFE0];
	_ =	sdelay $0x4  }
0x277: {  	v5 =	vunpack.i.l.bf16.f32 v4  }
0x278: {  	v4 =	vunpack.i.u.bf16.f32 v4;
	v5 =	vmul.f32 v5, v3  }
0x279: {  	v4 =	vmul.f32 v4, v3  }
0x27a: {  	[tilespmem:s22+$0xFFFFFFC0] =	vst v5  }
0x27b: {  	[tilespmem:s22+$0xFFFFFFD0] =	vst v4  }
0x27c: {  	s28 =	simm.s32 $0x195D0;
	s14 =	simm.s32 $0x40;
	v4 =	vld [tilespmem:s20+$0xFFFFFFF0]  }
.LBB2_13:
0x27d: {  	_ =	sdelay $0x3  }
0x27e: {  	p0 =	sne.s32 s14, $0x9C0;
	s20 =	sadd.s32 $0x50, s20;
	s22 =	sadd.s32 $0x90, s22;
	v5 =	vunpack.i.u.bf16.f32 v4;
	v4 =	vunpack.i.l.bf16.f32 v4  }
0x27f: {  	s15 =	smov.u32 s14;
	s14 =	sadd.s32 $0x40, s14;
	v4 =	vmul.f32 v4, v3;
	v3 =	vmul.f32 v5, v3;
	_ =	sdelay $0x1  }
0x280: {  	[tilespmem:s28+$0xFFFFFFE0] =	vst v4  }
0x281: {  	[tilespmem:s28+$0xFFFFFFF0] =	vst v3;
	s28 =	smov.u32 s22  }
0x282: {  	s15 =	sshra.s32 s15, $0x2;
	v3 =	vld [tilespmem:s20+$0x0]  }
0x283: {  	v4 =	vld [tilespmem:s15+$0x17C50];
	_ =	sdelay $0x4  }
0x284: {  	v5 =	vsub.f32 v3, v4;
	v3 =	vadd.f32 v4, v3;
	_ =	sdelay $0x1  }
0x285: {  	v4 =	vand.u32 $0x7FFFFFFF, v5  }
0x286: {  	v4 =	vmul.f32 v4, v2;
	_ =	sdelay $0x1  }
0x287: {  	v4 =	vmul.f32 $1.442695020e+00, v4;
	_ =	sdelay $0x1  }
0x288: {  	(erf) = vpow2.f32 v4;
	_ =	sdelay $0x8  }
0x289: {  	v4 =	vpop (erf)  }
0x28a: {  	v4 =	vperm.xlane v4, v0;
	_ =	sdelay $0x1  }
0x28b: {  	v3 =	vmul.f32 v4, v3;
	_ =	sdelay $0x1  }
0x28c: {  	v4 =	vmul.f32 $2.000000030e-01, v3;
	_ =	sdelay $0x1  }
0x28d: {  	v3 =	vmax.f32 v3, v4  }
0x28e: {  	v3 =	vmul.f32 $1.442695020e+00, v3;
	_ =	sdelay $0x1  }
0x28f: {  	(erf) = vpow2.f32 v3;
	_ =	sdelay $0x8  }
0x290: {  	v3 =	vpop (erf)  }
0x291: {  	[tilespmem:s22+$0x0] =	vst v3  }
0x292: {  	v4 =	vld [tilespmem:s20+$0xFFFFFFC0];
	_ =	sdelay $0x3  }
0x293: {  	v3 =	vperm.xlane v3, v1  }
0x294: {  	v5 =	vunpack.i.u.bf16.f32 v4;
	v4 =	vunpack.i.l.bf16.f32 v4  }
0x295: {  	v4 =	vmul.f32 v4, v3;
	v5 =	vmul.f32 v5, v3;
	_ =	sdelay $0x1  }
0x296: {  	[tilespmem:s22+$0xFFFFFF80] =	vst v4  }
0x297: {  	[tilespmem:s22+$0xFFFFFF90] =	vst v5  }
0x298: {  	v4 =	vld [tilespmem:s20+$0xFFFFFFD0];
	_ =	sdelay $0x4  }
0x299: {  	v5 =	vunpack.i.u.bf16.f32 v4;
	v4 =	vunpack.i.l.bf16.f32 v4  }
0x29a: {  	v4 =	vmul.f32 v4, v3;
	v5 =	vmul.f32 v5, v3;
	_ =	sdelay $0x1  }
0x29b: {  	[tilespmem:s22+$0xFFFFFFA0] =	vst v4  }
0x29c: {  	[tilespmem:s22+$0xFFFFFFB0] =	vst v5  }
0x29d: {  	v4 =	vld [tilespmem:s20+$0xFFFFFFE0];
	_ =	sdelay $0x4  }
0x29e: {  	v5 =	vunpack.i.u.bf16.f32 v4;
	v4 =	vunpack.i.l.bf16.f32 v4  }
.Ltmp5:
0x29f: {  	v4 =	vmul.f32 v4, v3;
	v5 =	vmul.f32 v5, v3;
	(pc) =	sbr.rel @p0 .LBB2_13-.Ltmp5, $4  }
0x2a0: {  	_ = 	snop  }
0x2a1: {  	[tilespmem:s22+$0xFFFFFFC0] =	vst v4  }
0x2a2: {  	[tilespmem:s22+$0xFFFFFFD0] =	vst v5  }
0x2a3: {  	v4 =	vld [tilespmem:s20+$0xFFFFFFF0]  }
0x2a4: {  	_ =	sdelay $0x3  }
0x2a5: {  	v5 =	vunpack.i.l.bf16.f32 v4  }
0x2a6: {  	v4 =	vunpack.i.u.bf16.f32 v4;
	v5 =	vmul.f32 v5, v3  }
0x2a7: {  	v3 =	vmul.f32 v4, v3  }
0x2a8: {  	[tilespmem:s28+$0xFFFFFFE0] =	vst v5  }
0x2a9: {  	[tilespmem:s28+$0xFFFFFFF0] =	vst v3  }
0x2aa: {  	[spmem:s4] =	stream.indirect.scatter.add.f32 [tilespmem:s9], [sflag:$0x8], $0x90, s10, s13, $0xb8;
	[tilespmem:$0x1ABE0] =	vst v63  }
0x2ab: {  	_ =	swait.ge [sflag:s5], $0x28  }
0x2ac: {  	[sflag:s5] =	ssyncset.done $0x0  }
0x2ad: {  	[sflag:s5] =	ssyncadd.s32 $0xFFFFFFD8  }
0x2ae: {  	_ =	swait.ge [sflag:s5], $0x28  }
0x2af: {  	[sflag:s5] =	ssyncset.done $0x0  }
0x2b0: {  	s14 =	simm.s32 $0x16008;
	[sflag:s5] =	ssyncadd.s32 $0xFFFFFFD8  }
0x2b1: {  	[tilespmem:s19], [sflag:$0x6] =	stream.indirect.gather [hbm4b:s3+s13], $0x50, s14, s13, $0xb8;
	[tilespmem:$0x1ABE0] =	vst v63  }
0x2b2: {  	_ = 	snop  }
0x2b3: {  	[tilespmem:s21], [sflag:$0x6] =	stream.indirect.gather [hbm4b:s1+s13], $0x10, s29, s13, $0xb8;
	[tilespmem:$0x1ABE0] =	vst v63  }
0x2b4: {  	_ =	swait.ge [sflag:s31], $0x1680  }
0x2b5: {  	s20 =	rddreg [dreg:$0xe]  }
0x2b6: {  	s14 =	sadd.s32 s18, s20  }
0x2b7: {  	[sflag:s31] =	ssyncset.done $0x0;
	s14 =	sshrl.u32 s14, $0x3  }
0x2b8: {  	[sflag:s31] =	ssyncadd.s32 $0xFFFFE980;
	s20 =	simm.s32 $0x0;
	s15 =	sadd.s32 s6, s14  }
0x2b9: {  	[tilespmem:s2], [sflag:$0x1] =	stream.linear.gather [hbm4b:s15+s20], $0x28, $0x38;
	[tilespmem:$0x1ABE0] =	vst v63  }
0x2ba: {  	s14 =	sadd.s32 s7, s14  }
0x2bb: {  	[tilespmem:s0], [sflag:$0x1] =	stream.linear.gather [hbm4b:s14+s20], $0x28, $0x38;
	[tilespmem:$0x1ABE0] =	vst v63  }
0x2bc: {  	_ =	swait.ge [sflag:s24], $0xC80  }
0x2bd: {  	[sflag:s24] =	ssyncset.done $0x0  }
0x2be: {  	[sflag:s24] =	ssyncadd.s32 $0xFFFFF380  }
0x2bf: {  	_ =	swait.ge [sflag:s24], $0x280  }
0x2c0: {  	[sflag:s24] =	ssyncset.done $0x0  }
0x2c1: {  	s20 =	simm.s32 $0x160F0;
	[sflag:s24] =	ssyncadd.s32 $0xFFFFFD80  }
0x2c2: {  	s22 =	simm.s32 $0x0;
	v3 =	vld [tilespmem:s20+$0x20]  }
0x2c3: {  	v4 =	vld [tilespmem:s22+$0x179D0];
	_ =	sdelay $0x4  }
0x2c4: {  	v5 =	vsub.f32 v3, v4;
	_ =	sdelay $0x1  }
0x2c5: {  	v5 =	vand.u32 $0x7FFFFFFF, v5  }
0x2c6: {  	v5 =	vmul.f32 v5, v2;
	_ =	sdelay $0x1  }
0x2c7: {  	v5 =	vmul.f32 $1.442695020e+00, v5;
	_ =	sdelay $0x1  }
0x2c8: {  	(erf) = vpow2.f32 v5;
	_ =	sdelay $0x8  }
0x2c9: {  	v5 =	vpop (erf)  }
0x2ca: {  	v3 =	vadd.f32 v4, v3;
	v4 =	vperm.xlane v5, v0;
	_ =	sdelay $0x1  }
0x2cb: {  	v3 =	vmul.f32 v4, v3;
	_ =	sdelay $0x1  }
0x2cc: {  	v4 =	vmul.f32 $2.000000030e-01, v3;
	_ =	sdelay $0x1  }
0x2cd: {  	v3 =	vmax.f32 v3, v4  }
0x2ce: {  	v3 =	vmul.f32 $1.442695020e+00, v3;
	_ =	sdelay $0x1  }
0x2cf: {  	(erf) = vpow2.f32 v3;
	_ =	sdelay $0x8  }
0x2d0: {  	s22 =	simm.s32 $0x17F10;
	v3 =	vpop (erf)  }
0x2d1: {  	[tilespmem:s22+$0x40] =	vst v3  }
0x2d2: {  	v4 =	vld [tilespmem:s20+$0xFFFFFFE0];
	_ =	sdelay $0x3  }
0x2d3: {  	v3 =	vperm.xlane v3, v1  }
0x2d4: {  	v5 =	vunpack.i.l.bf16.f32 v4  }
0x2d5: {  	v4 =	vunpack.i.u.bf16.f32 v4;
	v5 =	vmul.f32 v5, v3  }
0x2d6: {  	v4 =	vmul.f32 v4, v3  }
0x2d7: {  	[tilespmem:s22+$0xFFFFFFC0] =	vst v5  }
0x2d8: {  	[tilespmem:s22+$0xFFFFFFD0] =	vst v4  }
0x2d9: {  	v4 =	vld [tilespmem:s20+$0xFFFFFFF0];
	_ =	sdelay $0x4  }
0x2da: {  	v5 =	vunpack.i.l.bf16.f32 v4  }
0x2db: {  	v4 =	vunpack.i.u.bf16.f32 v4;
	v5 =	vmul.f32 v5, v3  }
0x2dc: {  	v4 =	vmul.f32 v4, v3  }
0x2dd: {  	[tilespmem:s22+$0xFFFFFFE0] =	vst v5  }
0x2de: {  	[tilespmem:s22+$0xFFFFFFF0] =	vst v4  }
0x2df: {  	v4 =	vld [tilespmem:s20+$0x0];
	_ =	sdelay $0x4  }
0x2e0: {  	v5 =	vunpack.i.l.bf16.f32 v4  }
0x2e1: {  	v4 =	vunpack.i.u.bf16.f32 v4;
	v5 =	vmul.f32 v5, v3  }
0x2e2: {  	v4 =	vmul.f32 v4, v3  }
0x2e3: {  	[tilespmem:s22+$0x0] =	vst v5  }
0x2e4: {  	[tilespmem:s22+$0x10] =	vst v4  }
0x2e5: {  	s28 =	simm.s32 $0x17F10;
	s14 =	simm.s32 $0x40;
	v4 =	vld [tilespmem:s20+$0x10]  }
.LBB2_15:
0x2e6: {  	_ =	sdelay $0x3  }
0x2e7: {  	p0 =	sne.s32 s14, $0x9C0;
	s20 =	sadd.s32 $0x50, s20;
	s22 =	sadd.s32 $0x90, s22;
	v5 =	vunpack.i.u.bf16.f32 v4;
	v4 =	vunpack.i.l.bf16.f32 v4  }
0x2e8: {  	s15 =	smov.u32 s14;
	s14 =	sadd.s32 $0x40, s14;
	v4 =	vmul.f32 v4, v3;
	v3 =	vmul.f32 v5, v3;
	_ =	sdelay $0x1  }
0x2e9: {  	[tilespmem:s28+$0x20] =	vst v4  }
0x2ea: {  	[tilespmem:s28+$0x30] =	vst v3;
	s28 =	smov.u32 s22  }
0x2eb: {  	s15 =	sshra.s32 s15, $0x2;
	v3 =	vld [tilespmem:s20+$0x20]  }
0x2ec: {  	v4 =	vld [tilespmem:s15+$0x179D0];
	_ =	sdelay $0x4  }
0x2ed: {  	v5 =	vsub.f32 v3, v4;
	v3 =	vadd.f32 v4, v3;
	_ =	sdelay $0x1  }
0x2ee: {  	v4 =	vand.u32 $0x7FFFFFFF, v5  }
0x2ef: {  	v4 =	vmul.f32 v4, v2;
	_ =	sdelay $0x1  }
0x2f0: {  	v4 =	vmul.f32 $1.442695020e+00, v4;
	_ =	sdelay $0x1  }
0x2f1: {  	(erf) = vpow2.f32 v4;
	_ =	sdelay $0x8  }
0x2f2: {  	v4 =	vpop (erf)  }
0x2f3: {  	v4 =	vperm.xlane v4, v0;
	_ =	sdelay $0x1  }
0x2f4: {  	v3 =	vmul.f32 v4, v3;
	_ =	sdelay $0x1  }
0x2f5: {  	v4 =	vmul.f32 $2.000000030e-01, v3;
	_ =	sdelay $0x1  }
0x2f6: {  	v3 =	vmax.f32 v3, v4  }
0x2f7: {  	v3 =	vmul.f32 $1.442695020e+00, v3;
	_ =	sdelay $0x1  }
0x2f8: {  	(erf) = vpow2.f32 v3;
	_ =	sdelay $0x8  }
0x2f9: {  	v3 =	vpop (erf)  }
0x2fa: {  	[tilespmem:s22+$0x40] =	vst v3  }
0x2fb: {  	v4 =	vld [tilespmem:s20+$0xFFFFFFE0];
	_ =	sdelay $0x3  }
0x2fc: {  	v3 =	vperm.xlane v3, v1  }
0x2fd: {  	v5 =	vunpack.i.u.bf16.f32 v4;
	v4 =	vunpack.i.l.bf16.f32 v4  }
0x2fe: {  	v4 =	vmul.f32 v4, v3;
	v5 =	vmul.f32 v5, v3;
	_ =	sdelay $0x1  }
0x2ff: {  	[tilespmem:s22+$0xFFFFFFC0] =	vst v4  }
0x300: {  	[tilespmem:s22+$0xFFFFFFD0] =	vst v5  }
0x301: {  	v4 =	vld [tilespmem:s20+$0xFFFFFFF0];
	_ =	sdelay $0x4  }
0x302: {  	v5 =	vunpack.i.u.bf16.f32 v4;
	v4 =	vunpack.i.l.bf16.f32 v4  }
0x303: {  	v4 =	vmul.f32 v4, v3;
	v5 =	vmul.f32 v5, v3;
	_ =	sdelay $0x1  }
0x304: {  	[tilespmem:s22+$0xFFFFFFE0] =	vst v4  }
0x305: {  	[tilespmem:s22+$0xFFFFFFF0] =	vst v5  }
0x306: {  	v4 =	vld [tilespmem:s20+$0x0];
	_ =	sdelay $0x4  }
0x307: {  	v5 =	vunpack.i.u.bf16.f32 v4;
	v4 =	vunpack.i.l.bf16.f32 v4  }
.Ltmp6:
0x308: {  	v4 =	vmul.f32 v4, v3;
	v5 =	vmul.f32 v5, v3;
	(pc) =	sbr.rel @p0 .LBB2_15-.Ltmp6, $4  }
0x309: {  	_ = 	snop  }
0x30a: {  	[tilespmem:s22+$0x0] =	vst v4  }
0x30b: {  	[tilespmem:s22+$0x10] =	vst v5  }
0x30c: {  	v4 =	vld [tilespmem:s20+$0x10]  }
0x30d: {  	_ =	sdelay $0x3  }
0x30e: {  	v5 =	vunpack.i.l.bf16.f32 v4  }
0x30f: {  	v4 =	vunpack.i.u.bf16.f32 v4;
	v5 =	vmul.f32 v5, v3  }
0x310: {  	v3 =	vmul.f32 v4, v3  }
0x311: {  	[tilespmem:s28+$0x20] =	vst v5  }
0x312: {  	[tilespmem:s28+$0x30] =	vst v3  }
0x313: {  	[spmem:s4] =	stream.indirect.scatter.add.f32 [tilespmem:s25], [sflag:$0x7], $0x90, s23, s13, $0xb8;
	[tilespmem:$0x1ABE0] =	vst v63  }
0x314: {  	_ =	swait.ge [sflag:s12], $0x28  }
0x315: {  	[sflag:s12] =	ssyncset.done $0x0  }
0x316: {  	[sflag:s12] =	ssyncadd.s32 $0xFFFFFFD8  }
0x317: {  	_ =	swait.ge [sflag:s12], $0x28  }
0x318: {  	[sflag:s12] =	ssyncset.done $0x0  }
0x319: {  	s14 =	simm.s32 $0x160D0;
	[sflag:s12] =	ssyncadd.s32 $0xFFFFFFD8  }
0x31a: {  	[tilespmem:s14], [sflag:$0x5] =	stream.indirect.gather [hbm4b:s3+s13], $0x50, s2, s13, $0xb8;
	[tilespmem:$0x1ABE0] =	vst v63  }
0x31b: {  	s15 =	simm.s32 $0x179D0  }
0x31c: {  	[tilespmem:s15], [sflag:$0x5] =	stream.indirect.gather [hbm4b:s1+s13], $0x10, s0, s13, $0xb8;
	[tilespmem:$0x1ABE0] =	vst v63  }
0x31d: {  	_ =	swait.ge [sflag:s11], $0x1680  }
0x31e: {  	s20 =	rddreg [dreg:$0x10]  }
0x31f: {  	s14 =	sadd.s32 s18, s20  }
0x320: {  	[sflag:s11] =	ssyncset.done $0x0;
	s14 =	sshrl.u32 s14, $0x3  }
0x321: {  	s22 =	simm.s32 $0x0;
	[sflag:s11] =	ssyncadd.s32 $0xFFFFE980;
	s15 =	sadd.s32 s6, s14  }
0x322: {  	[tilespmem:s8], [sflag:$0x2] =	stream.linear.gather [hbm4b:s15+s22], $0x28, $0x38;
	[tilespmem:$0x1ABE0] =	vst v63  }
0x323: {  	s14 =	sadd.s32 s7, s14  }
0x324: {  	[tilespmem:s10], [sflag:$0x2] =	stream.linear.gather [hbm4b:s14+s22], $0x28, $0x38;
	[tilespmem:$0x1ABE0] =	vst v63  }
0x325: {  	_ =	swait.ge [sflag:s30], $0xC80  }
0x326: {  	[sflag:s30] =	ssyncset.done $0x0  }
0x327: {  	[sflag:s30] =	ssyncadd.s32 $0xFFFFF380  }
0x328: {  	_ =	swait.ge [sflag:s30], $0x280  }
0x329: {  	[sflag:s30] =	ssyncset.done $0x0  }
0x32a: {  	s18 =	simm.s32 $0x16D90;
	[sflag:s30] =	ssyncadd.s32 $0xFFFFFD80  }
0x32b: {  	s28 =	simm.s32 $0x0;
	v3 =	vld [tilespmem:s18+$0x0]  }
0x32c: {  	v4 =	vld [tilespmem:s28+$0x17C50];
	_ =	sdelay $0x4  }
0x32d: {  	v5 =	vsub.f32 v3, v4;
	_ =	sdelay $0x1  }
0x32e: {  	v5 =	vand.u32 $0x7FFFFFFF, v5  }
0x32f: {  	v5 =	vmul.f32 v5, v2;
	_ =	sdelay $0x1  }
0x330: {  	v5 =	vmul.f32 $1.442695020e+00, v5;
	_ =	sdelay $0x1  }
0x331: {  	(erf) = vpow2.f32 v5;
	_ =	sdelay $0x8  }
0x332: {  	v5 =	vpop (erf)  }
0x333: {  	v3 =	vadd.f32 v4, v3;
	v4 =	vperm.xlane v5, v0;
	_ =	sdelay $0x1  }
0x334: {  	v3 =	vmul.f32 v4, v3;
	_ =	sdelay $0x1  }
0x335: {  	v4 =	vmul.f32 $2.000000030e-01, v3;
	_ =	sdelay $0x1  }
0x336: {  	v3 =	vmax.f32 v3, v4  }
0x337: {  	v3 =	vmul.f32 $1.442695020e+00, v3;
	_ =	sdelay $0x1  }
0x338: {  	(erf) = vpow2.f32 v3;
	_ =	sdelay $0x8  }
0x339: {  	s20 =	simm.s32 $0x195D0;
	v3 =	vpop (erf)  }
0x33a: {  	[tilespmem:s20+$0x0] =	vst v3  }
0x33b: {  	v4 =	vld [tilespmem:s18+$0xFFFFFFC0];
	_ =	sdelay $0x3  }
0x33c: {  	v3 =	vperm.xlane v3, v1  }
0x33d: {  	v5 =	vunpack.i.l.bf16.f32 v4  }
0x33e: {  	v4 =	vunpack.i.u.bf16.f32 v4;
	v5 =	vmul.f32 v5, v3  }
0x33f: {  	v4 =	vmul.f32 v4, v3  }
0x340: {  	[tilespmem:s20+$0xFFFFFF80] =	vst v5  }
0x341: {  	[tilespmem:s20+$0xFFFFFF90] =	vst v4  }
0x342: {  	v4 =	vld [tilespmem:s18+$0xFFFFFFD0];
	_ =	sdelay $0x4  }
0x343: {  	v5 =	vunpack.i.l.bf16.f32 v4  }
0x344: {  	v4 =	vunpack.i.u.bf16.f32 v4;
	v5 =	vmul.f32 v5, v3  }
0x345: {  	v4 =	vmul.f32 v4, v3  }
0x346: {  	[tilespmem:s20+$0xFFFFFFA0] =	vst v5  }
0x347: {  	[tilespmem:s20+$0xFFFFFFB0] =	vst v4  }
0x348: {  	v4 =	vld [tilespmem:s18+$0xFFFFFFE0];
	_ =	sdelay $0x4  }
0x349: {  	v5 =	vunpack.i.l.bf16.f32 v4  }
0x34a: {  	v4 =	vunpack.i.u.bf16.f32 v4;
	v5 =	vmul.f32 v5, v3  }
0x34b: {  	v4 =	vmul.f32 v4, v3  }
0x34c: {  	[tilespmem:s20+$0xFFFFFFC0] =	vst v5  }
0x34d: {  	[tilespmem:s20+$0xFFFFFFD0] =	vst v4  }
0x34e: {  	s14 =	simm.s32 $0x40;
	s22 =	simm.s32 $0x195D0;
	v4 =	vld [tilespmem:s18+$0xFFFFFFF0]  }
.LBB2_17:
0x34f: {  	_ =	sdelay $0x3  }
0x350: {  	p0 =	sne.s32 s14, $0x9C0;
	s18 =	sadd.s32 $0x50, s18;
	s20 =	sadd.s32 $0x90, s20;
	v5 =	vunpack.i.u.bf16.f32 v4;
	v4 =	vunpack.i.l.bf16.f32 v4  }
0x351: {  	s15 =	smov.u32 s14;
	s14 =	sadd.s32 $0x40, s14;
	v4 =	vmul.f32 v4, v3;
	v3 =	vmul.f32 v5, v3;
	_ =	sdelay $0x1  }
0x352: {  	[tilespmem:s22+$0xFFFFFFE0] =	vst v4  }
0x353: {  	[tilespmem:s22+$0xFFFFFFF0] =	vst v3;
	s22 =	smov.u32 s20  }
0x354: {  	s15 =	sshra.s32 s15, $0x2;
	v3 =	vld [tilespmem:s18+$0x0]  }
0x355: {  	v4 =	vld [tilespmem:s15+$0x17C50];
	_ =	sdelay $0x4  }
0x356: {  	v5 =	vsub.f32 v3, v4;
	v3 =	vadd.f32 v4, v3;
	_ =	sdelay $0x1  }
0x357: {  	v4 =	vand.u32 $0x7FFFFFFF, v5  }
0x358: {  	v4 =	vmul.f32 v4, v2;
	_ =	sdelay $0x1  }
0x359: {  	v4 =	vmul.f32 $1.442695020e+00, v4;
	_ =	sdelay $0x1  }
0x35a: {  	(erf) = vpow2.f32 v4;
	_ =	sdelay $0x8  }
0x35b: {  	v4 =	vpop (erf)  }
0x35c: {  	v4 =	vperm.xlane v4, v0;
	_ =	sdelay $0x1  }
0x35d: {  	v3 =	vmul.f32 v4, v3;
	_ =	sdelay $0x1  }
0x35e: {  	v4 =	vmul.f32 $2.000000030e-01, v3;
	_ =	sdelay $0x1  }
0x35f: {  	v3 =	vmax.f32 v3, v4  }
0x360: {  	v3 =	vmul.f32 $1.442695020e+00, v3;
	_ =	sdelay $0x1  }
0x361: {  	(erf) = vpow2.f32 v3;
	_ =	sdelay $0x8  }
0x362: {  	v3 =	vpop (erf)  }
0x363: {  	[tilespmem:s20+$0x0] =	vst v3  }
0x364: {  	v4 =	vld [tilespmem:s18+$0xFFFFFFC0];
	_ =	sdelay $0x3  }
0x365: {  	v3 =	vperm.xlane v3, v1  }
0x366: {  	v5 =	vunpack.i.u.bf16.f32 v4;
	v4 =	vunpack.i.l.bf16.f32 v4  }
0x367: {  	v4 =	vmul.f32 v4, v3;
	v5 =	vmul.f32 v5, v3;
	_ =	sdelay $0x1  }
0x368: {  	[tilespmem:s20+$0xFFFFFF80] =	vst v4  }
0x369: {  	[tilespmem:s20+$0xFFFFFF90] =	vst v5  }
0x36a: {  	v4 =	vld [tilespmem:s18+$0xFFFFFFD0];
	_ =	sdelay $0x4  }
0x36b: {  	v5 =	vunpack.i.u.bf16.f32 v4;
	v4 =	vunpack.i.l.bf16.f32 v4  }
0x36c: {  	v4 =	vmul.f32 v4, v3;
	v5 =	vmul.f32 v5, v3;
	_ =	sdelay $0x1  }
0x36d: {  	[tilespmem:s20+$0xFFFFFFA0] =	vst v4  }
0x36e: {  	[tilespmem:s20+$0xFFFFFFB0] =	vst v5  }
0x36f: {  	v4 =	vld [tilespmem:s18+$0xFFFFFFE0];
	_ =	sdelay $0x4  }
0x370: {  	v5 =	vunpack.i.u.bf16.f32 v4;
	v4 =	vunpack.i.l.bf16.f32 v4  }
.Ltmp7:
0x371: {  	v4 =	vmul.f32 v4, v3;
	v5 =	vmul.f32 v5, v3;
	(pc) =	sbr.rel @p0 .LBB2_17-.Ltmp7, $4  }
0x372: {  	_ = 	snop  }
0x373: {  	[tilespmem:s20+$0xFFFFFFC0] =	vst v4  }
0x374: {  	[tilespmem:s20+$0xFFFFFFD0] =	vst v5  }
0x375: {  	v4 =	vld [tilespmem:s18+$0xFFFFFFF0]  }
0x376: {  	_ =	sdelay $0x2  }
0x377: {  	s16 =	sadd.s32 $0x1, s16  }
0x378: {  	p0 =	sne.s32 s16, $0x3E;
	v5 =	vunpack.i.l.bf16.f32 v4  }
.Ltmp8:
0x379: {  	v63 =	vunpack.i.u.bf16.f32 v4;
	v5 =	vmul.f32 v5, v3;
	(pc) =	sbr.rel @p0 .LBB2_10-.Ltmp8, $4  }
0x37a: {  	v3 =	vmul.f32 v63, v3  }
0x37b: {  	[tilespmem:s22+$0xFFFFFFE0] =	vst v5  }
0x37c: {  	[tilespmem:s22+$0xFFFFFFF0] =	vst v3  }
0x37d: {  	[spmem:s4] =	stream.indirect.scatter.add.f32 [tilespmem:s9], [sflag:$0x8], $0x90, s29, s13, $0xb8;
	[tilespmem:$0x1ABE0] =	vst v63  }
0x37e: {  	_ =	swait.ge [sflag:s17], $0x28  }
0x37f: {  	[sflag:s17] =	ssyncset.done $0x0  }
0x380: {  	[sflag:s17] =	ssyncadd.s32 $0xFFFFFFD8  }
0x381: {  	_ =	swait.ge [sflag:s17], $0x28  }
0x382: {  	[sflag:s17] =	ssyncset.done $0x0  }
0x383: {  	[sflag:s17] =	ssyncadd.s32 $0xFFFFFFD8  }
0x384: {  	[tilespmem:s19], [sflag:$0x6] =	stream.indirect.gather [hbm4b:s3+s13], $0x50, s8, s13, $0xb8;
	[tilespmem:$0x1ABE0] =	vst v63  }
0x385: {  	_ = 	snop  }
0x386: {  	[tilespmem:s21], [sflag:$0x6] =	stream.indirect.gather [hbm4b:s1+s13], $0x10, s10, s13, $0xb8;
	[tilespmem:$0x1ABE0] =	vst v63  }
0x387: {  	_ =	swait.ge [sflag:s31], $0x1680  }
0x388: {  	[sflag:s31] =	ssyncset.done $0x0  }
0x389: {  	[sflag:s31] =	ssyncadd.s32 $0xFFFFE980  }
0x38a: {  	_ =	swait.ge [sflag:s24], $0xC80  }
0x38b: {  	[sflag:s24] =	ssyncset.done $0x0  }
0x38c: {  	[sflag:s24] =	ssyncadd.s32 $0xFFFFF380  }
0x38d: {  	_ =	swait.ge [sflag:s24], $0x280  }
0x38e: {  	[sflag:s24] =	ssyncset.done $0x0  }
0x38f: {  	s16 =	simm.s32 $0x160F0;
	[sflag:s24] =	ssyncadd.s32 $0xFFFFFD80  }
0x390: {  	s14 =	simm.s32 $0x0;
	v3 =	vld [tilespmem:s16+$0x20]  }
0x391: {  	v4 =	vld [tilespmem:s14+$0x179D0];
	_ =	sdelay $0x4  }
0x392: {  	v5 =	vsub.f32 v3, v4;
	_ =	sdelay $0x1  }
0x393: {  	v5 =	vand.u32 $0x7FFFFFFF, v5  }
0x394: {  	v5 =	vmul.f32 v5, v2;
	_ =	sdelay $0x1  }
0x395: {  	v5 =	vmul.f32 $1.442695020e+00, v5;
	_ =	sdelay $0x1  }
0x396: {  	(erf) = vpow2.f32 v5;
	_ =	sdelay $0x8  }
0x397: {  	v5 =	vpop (erf)  }
0x398: {  	v3 =	vadd.f32 v4, v3;
	v4 =	vperm.xlane v5, v0;
	_ =	sdelay $0x1  }
0x399: {  	v3 =	vmul.f32 v4, v3;
	_ =	sdelay $0x1  }
0x39a: {  	v4 =	vmul.f32 $2.000000030e-01, v3;
	_ =	sdelay $0x1  }
0x39b: {  	v3 =	vmax.f32 v3, v4  }
0x39c: {  	v3 =	vmul.f32 $1.442695020e+00, v3;
	_ =	sdelay $0x1  }
0x39d: {  	(erf) = vpow2.f32 v3;
	_ =	sdelay $0x8  }
0x39e: {  	s18 =	simm.s32 $0x17F10;
	v3 =	vpop (erf)  }
0x39f: {  	[tilespmem:s18+$0x40] =	vst v3  }
0x3a0: {  	v4 =	vld [tilespmem:s16+$0xFFFFFFE0];
	_ =	sdelay $0x3  }
0x3a1: {  	v3 =	vperm.xlane v3, v1  }
0x3a2: {  	v5 =	vunpack.i.l.bf16.f32 v4  }
0x3a3: {  	v4 =	vunpack.i.u.bf16.f32 v4;
	v5 =	vmul.f32 v5, v3  }
0x3a4: {  	v4 =	vmul.f32 v4, v3  }
0x3a5: {  	[tilespmem:s18+$0xFFFFFFC0] =	vst v5  }
0x3a6: {  	[tilespmem:s18+$0xFFFFFFD0] =	vst v4  }
0x3a7: {  	v4 =	vld [tilespmem:s16+$0xFFFFFFF0];
	_ =	sdelay $0x4  }
0x3a8: {  	v5 =	vunpack.i.l.bf16.f32 v4  }
0x3a9: {  	v4 =	vunpack.i.u.bf16.f32 v4;
	v5 =	vmul.f32 v5, v3  }
0x3aa: {  	v4 =	vmul.f32 v4, v3  }
0x3ab: {  	[tilespmem:s18+$0xFFFFFFE0] =	vst v5  }
0x3ac: {  	[tilespmem:s18+$0xFFFFFFF0] =	vst v4  }
0x3ad: {  	v4 =	vld [tilespmem:s16+$0x0];
	_ =	sdelay $0x4  }
0x3ae: {  	v5 =	vunpack.i.l.bf16.f32 v4  }
0x3af: {  	v4 =	vunpack.i.u.bf16.f32 v4;
	v5 =	vmul.f32 v5, v3  }
0x3b0: {  	v4 =	vmul.f32 v4, v3  }
0x3b1: {  	[tilespmem:s18+$0x0] =	vst v5  }
0x3b2: {  	[tilespmem:s18+$0x10] =	vst v4  }
0x3b3: {  	s20 =	simm.s32 $0x17F10;
	s14 =	simm.s32 $0x40;
	v4 =	vld [tilespmem:s16+$0x10]  }
.LBB2_20:
0x3b4: {  	_ =	sdelay $0x3  }
0x3b5: {  	p0 =	sne.s32 s14, $0x9C0;
	s16 =	sadd.s32 $0x50, s16;
	s18 =	sadd.s32 $0x90, s18;
	v5 =	vunpack.i.u.bf16.f32 v4;
	v4 =	vunpack.i.l.bf16.f32 v4  }
0x3b6: {  	s15 =	smov.u32 s14;
	s14 =	sadd.s32 $0x40, s14;
	v4 =	vmul.f32 v4, v3;
	v3 =	vmul.f32 v5, v3;
	_ =	sdelay $0x1  }
0x3b7: {  	[tilespmem:s20+$0x20] =	vst v4  }
0x3b8: {  	[tilespmem:s20+$0x30] =	vst v3;
	s20 =	smov.u32 s18  }
0x3b9: {  	s15 =	sshra.s32 s15, $0x2;
	v3 =	vld [tilespmem:s16+$0x20]  }
0x3ba: {  	v4 =	vld [tilespmem:s15+$0x179D0];
	_ =	sdelay $0x4  }
0x3bb: {  	v5 =	vsub.f32 v3, v4;
	v3 =	vadd.f32 v4, v3;
	_ =	sdelay $0x1  }
0x3bc: {  	v4 =	vand.u32 $0x7FFFFFFF, v5  }
0x3bd: {  	v4 =	vmul.f32 v4, v2;
	_ =	sdelay $0x1  }
0x3be: {  	v4 =	vmul.f32 $1.442695020e+00, v4;
	_ =	sdelay $0x1  }
0x3bf: {  	(erf) = vpow2.f32 v4;
	_ =	sdelay $0x8  }
0x3c0: {  	v4 =	vpop (erf)  }
0x3c1: {  	v4 =	vperm.xlane v4, v0;
	_ =	sdelay $0x1  }
0x3c2: {  	v3 =	vmul.f32 v4, v3;
	_ =	sdelay $0x1  }
0x3c3: {  	v4 =	vmul.f32 $2.000000030e-01, v3;
	_ =	sdelay $0x1  }
0x3c4: {  	v3 =	vmax.f32 v3, v4  }
0x3c5: {  	v3 =	vmul.f32 $1.442695020e+00, v3;
	_ =	sdelay $0x1  }
0x3c6: {  	(erf) = vpow2.f32 v3;
	_ =	sdelay $0x8  }
0x3c7: {  	v3 =	vpop (erf)  }
0x3c8: {  	[tilespmem:s18+$0x40] =	vst v3  }
0x3c9: {  	v4 =	vld [tilespmem:s16+$0xFFFFFFE0];
	_ =	sdelay $0x3  }
0x3ca: {  	v3 =	vperm.xlane v3, v1  }
0x3cb: {  	v5 =	vunpack.i.u.bf16.f32 v4;
	v4 =	vunpack.i.l.bf16.f32 v4  }
0x3cc: {  	v4 =	vmul.f32 v4, v3;
	v5 =	vmul.f32 v5, v3;
	_ =	sdelay $0x1  }
0x3cd: {  	[tilespmem:s18+$0xFFFFFFC0] =	vst v4  }
0x3ce: {  	[tilespmem:s18+$0xFFFFFFD0] =	vst v5  }
0x3cf: {  	v4 =	vld [tilespmem:s16+$0xFFFFFFF0];
	_ =	sdelay $0x4  }
0x3d0: {  	v5 =	vunpack.i.u.bf16.f32 v4;
	v4 =	vunpack.i.l.bf16.f32 v4  }
0x3d1: {  	v4 =	vmul.f32 v4, v3;
	v5 =	vmul.f32 v5, v3;
	_ =	sdelay $0x1  }
0x3d2: {  	[tilespmem:s18+$0xFFFFFFE0] =	vst v4  }
0x3d3: {  	[tilespmem:s18+$0xFFFFFFF0] =	vst v5  }
0x3d4: {  	v4 =	vld [tilespmem:s16+$0x0];
	_ =	sdelay $0x4  }
0x3d5: {  	v5 =	vunpack.i.u.bf16.f32 v4;
	v4 =	vunpack.i.l.bf16.f32 v4  }
.Ltmp9:
0x3d6: {  	v4 =	vmul.f32 v4, v3;
	v5 =	vmul.f32 v5, v3;
	(pc) =	sbr.rel @p0 .LBB2_20-.Ltmp9, $4  }
0x3d7: {  	_ = 	snop  }
0x3d8: {  	[tilespmem:s18+$0x0] =	vst v4  }
0x3d9: {  	[tilespmem:s18+$0x10] =	vst v5  }
0x3da: {  	v4 =	vld [tilespmem:s16+$0x10]  }
0x3db: {  	_ =	sdelay $0x3  }
0x3dc: {  	v5 =	vunpack.i.l.bf16.f32 v4  }
0x3dd: {  	v4 =	vunpack.i.u.bf16.f32 v4;
	v5 =	vmul.f32 v5, v3  }
0x3de: {  	v3 =	vmul.f32 v4, v3  }
0x3df: {  	[tilespmem:s20+$0x20] =	vst v5  }
0x3e0: {  	[tilespmem:s20+$0x30] =	vst v3  }
0x3e1: {  	[spmem:s4] =	stream.indirect.scatter.add.f32 [tilespmem:s25], [sflag:$0x7], $0x90, s0, s13, $0xb8;
	[tilespmem:$0x1ABE0] =	vst v63  }
0x3e2: {  	_ =	swait.ge [sflag:s11], $0x1680  }
0x3e3: {  	[sflag:s11] =	ssyncset.done $0x0  }
0x3e4: {  	[sflag:s11] =	ssyncadd.s32 $0xFFFFE980  }
0x3e5: {  	_ =	swait.ge [sflag:s30], $0xC80  }
0x3e6: {  	[sflag:s30] =	ssyncset.done $0x0  }
0x3e7: {  	[sflag:s30] =	ssyncadd.s32 $0xFFFFF380  }
0x3e8: {  	_ =	swait.ge [sflag:s30], $0x280  }
0x3e9: {  	[sflag:s30] =	ssyncset.done $0x0  }
0x3ea: {  	s16 =	simm.s32 $0x16D90;
	[sflag:s30] =	ssyncadd.s32 $0xFFFFFD80  }
0x3eb: {  	s14 =	simm.s32 $0x0;
	v3 =	vld [tilespmem:s16+$0x0]  }
0x3ec: {  	v4 =	vld [tilespmem:s14+$0x17C50];
	_ =	sdelay $0x4  }
0x3ed: {  	v5 =	vsub.f32 v3, v4;
	_ =	sdelay $0x1  }
0x3ee: {  	v5 =	vand.u32 $0x7FFFFFFF, v5  }
0x3ef: {  	v5 =	vmul.f32 v5, v2;
	_ =	sdelay $0x1  }
0x3f0: {  	v5 =	vmul.f32 $1.442695020e+00, v5;
	_ =	sdelay $0x1  }
0x3f1: {  	(erf) = vpow2.f32 v5;
	_ =	sdelay $0x8  }
0x3f2: {  	v5 =	vpop (erf)  }
0x3f3: {  	v3 =	vadd.f32 v4, v3;
	v4 =	vperm.xlane v5, v0;
	_ =	sdelay $0x1  }
0x3f4: {  	v3 =	vmul.f32 v4, v3;
	_ =	sdelay $0x1  }
0x3f5: {  	v4 =	vmul.f32 $2.000000030e-01, v3;
	_ =	sdelay $0x1  }
0x3f6: {  	v3 =	vmax.f32 v3, v4  }
0x3f7: {  	v3 =	vmul.f32 $1.442695020e+00, v3;
	_ =	sdelay $0x1  }
0x3f8: {  	(erf) = vpow2.f32 v3;
	_ =	sdelay $0x8  }
0x3f9: {  	s18 =	simm.s32 $0x195D0;
	v3 =	vpop (erf)  }
0x3fa: {  	[tilespmem:s18+$0x0] =	vst v3  }
0x3fb: {  	v4 =	vld [tilespmem:s16+$0xFFFFFFC0];
	_ =	sdelay $0x3  }
0x3fc: {  	v3 =	vperm.xlane v3, v1  }
0x3fd: {  	v5 =	vunpack.i.l.bf16.f32 v4  }
0x3fe: {  	v4 =	vunpack.i.u.bf16.f32 v4;
	v5 =	vmul.f32 v5, v3  }
0x3ff: {  	v4 =	vmul.f32 v4, v3  }
0x400: {  	[tilespmem:s18+$0xFFFFFF80] =	vst v5  }
0x401: {  	[tilespmem:s18+$0xFFFFFF90] =	vst v4  }
0x402: {  	v4 =	vld [tilespmem:s16+$0xFFFFFFD0];
	_ =	sdelay $0x4  }
0x403: {  	v5 =	vunpack.i.l.bf16.f32 v4  }
0x404: {  	v4 =	vunpack.i.u.bf16.f32 v4;
	v5 =	vmul.f32 v5, v3  }
0x405: {  	v4 =	vmul.f32 v4, v3  }
0x406: {  	[tilespmem:s18+$0xFFFFFFA0] =	vst v5  }
0x407: {  	[tilespmem:s18+$0xFFFFFFB0] =	vst v4  }
0x408: {  	v4 =	vld [tilespmem:s16+$0xFFFFFFE0];
	_ =	sdelay $0x4  }
0x409: {  	v5 =	vunpack.i.l.bf16.f32 v4  }
0x40a: {  	v4 =	vunpack.i.u.bf16.f32 v4;
	v5 =	vmul.f32 v5, v3  }
0x40b: {  	v4 =	vmul.f32 v4, v3  }
0x40c: {  	[tilespmem:s18+$0xFFFFFFC0] =	vst v5  }
0x40d: {  	[tilespmem:s18+$0xFFFFFFD0] =	vst v4  }
0x40e: {  	s20 =	simm.s32 $0x195D0;
	s14 =	simm.s32 $0x40;
	v4 =	vld [tilespmem:s16+$0xFFFFFFF0]  }
.LBB2_22:
0x40f: {  	_ =	sdelay $0x3  }
0x410: {  	p0 =	sne.s32 s14, $0x9C0;
	s16 =	sadd.s32 $0x50, s16;
	s18 =	sadd.s32 $0x90, s18;
	v5 =	vunpack.i.u.bf16.f32 v4;
	v4 =	vunpack.i.l.bf16.f32 v4  }
0x411: {  	s15 =	smov.u32 s14;
	s14 =	sadd.s32 $0x40, s14;
	v4 =	vmul.f32 v4, v3;
	v3 =	vmul.f32 v5, v3;
	_ =	sdelay $0x1  }
0x412: {  	[tilespmem:s20+$0xFFFFFFE0] =	vst v4  }
0x413: {  	[tilespmem:s20+$0xFFFFFFF0] =	vst v3;
	s20 =	smov.u32 s18  }
0x414: {  	s15 =	sshra.s32 s15, $0x2;
	v3 =	vld [tilespmem:s16+$0x0]  }
0x415: {  	v4 =	vld [tilespmem:s15+$0x17C50];
	_ =	sdelay $0x4  }
0x416: {  	v5 =	vsub.f32 v3, v4;
	v3 =	vadd.f32 v4, v3;
	_ =	sdelay $0x1  }
0x417: {  	v4 =	vand.u32 $0x7FFFFFFF, v5  }
0x418: {  	v4 =	vmul.f32 v4, v2;
	_ =	sdelay $0x1  }
0x419: {  	v4 =	vmul.f32 $1.442695020e+00, v4;
	_ =	sdelay $0x1  }
0x41a: {  	(erf) = vpow2.f32 v4;
	_ =	sdelay $0x8  }
0x41b: {  	v4 =	vpop (erf)  }
0x41c: {  	v4 =	vperm.xlane v4, v0;
	_ =	sdelay $0x1  }
0x41d: {  	v3 =	vmul.f32 v4, v3;
	_ =	sdelay $0x1  }
0x41e: {  	v4 =	vmul.f32 $2.000000030e-01, v3;
	_ =	sdelay $0x1  }
0x41f: {  	v3 =	vmax.f32 v3, v4  }
0x420: {  	v3 =	vmul.f32 $1.442695020e+00, v3;
	_ =	sdelay $0x1  }
0x421: {  	(erf) = vpow2.f32 v3;
	_ =	sdelay $0x8  }
0x422: {  	v3 =	vpop (erf)  }
0x423: {  	[tilespmem:s18+$0x0] =	vst v3  }
0x424: {  	v4 =	vld [tilespmem:s16+$0xFFFFFFC0];
	_ =	sdelay $0x3  }
0x425: {  	v3 =	vperm.xlane v3, v1  }
0x426: {  	v5 =	vunpack.i.u.bf16.f32 v4;
	v4 =	vunpack.i.l.bf16.f32 v4  }
0x427: {  	v4 =	vmul.f32 v4, v3;
	v5 =	vmul.f32 v5, v3;
	_ =	sdelay $0x1  }
0x428: {  	[tilespmem:s18+$0xFFFFFF80] =	vst v4  }
0x429: {  	[tilespmem:s18+$0xFFFFFF90] =	vst v5  }
0x42a: {  	v4 =	vld [tilespmem:s16+$0xFFFFFFD0];
	_ =	sdelay $0x4  }
0x42b: {  	v5 =	vunpack.i.u.bf16.f32 v4;
	v4 =	vunpack.i.l.bf16.f32 v4  }
0x42c: {  	v4 =	vmul.f32 v4, v3;
	v5 =	vmul.f32 v5, v3;
	_ =	sdelay $0x1  }
0x42d: {  	[tilespmem:s18+$0xFFFFFFA0] =	vst v4  }
0x42e: {  	[tilespmem:s18+$0xFFFFFFB0] =	vst v5  }
0x42f: {  	v4 =	vld [tilespmem:s16+$0xFFFFFFE0];
	_ =	sdelay $0x4  }
0x430: {  	v5 =	vunpack.i.u.bf16.f32 v4;
	v4 =	vunpack.i.l.bf16.f32 v4  }
.Ltmp10:
0x431: {  	v4 =	vmul.f32 v4, v3;
	v5 =	vmul.f32 v5, v3;
	(pc) =	sbr.rel @p0 .LBB2_22-.Ltmp10, $4  }
0x432: {  	_ = 	snop  }
0x433: {  	[tilespmem:s18+$0xFFFFFFC0] =	vst v4  }
0x434: {  	[tilespmem:s18+$0xFFFFFFD0] =	vst v5  }
0x435: {  	v4 =	vld [tilespmem:s16+$0xFFFFFFF0]  }
0x436: {  	_ =	sdelay $0x3  }
0x437: {  	v2 =	vunpack.i.l.bf16.f32 v4  }
0x438: {  	v63 =	vunpack.i.u.bf16.f32 v4;
	v2 =	vmul.f32 v2, v3  }
0x439: {  	v3 =	vmul.f32 v63, v3  }
0x43a: {  	[tilespmem:s20+$0xFFFFFFE0] =	vst v2  }
0x43b: {  	[tilespmem:s20+$0xFFFFFFF0] =	vst v3  }
0x43c: {  	[spmem:s4] =	stream.indirect.scatter.add.f32 [tilespmem:s9], [sflag:$0x8], $0x90, s10, s13, $0xb8;
	[tilespmem:$0x1ABE0] =	vst v63  }
0x43d: {  	_ =	swait.ge [sflag:s31], $0x1680  }
0x43e: {  	[sflag:s31] =	ssyncset.done $0x0  }
0x43f: {  	[sflag:s31] =	ssyncadd.s32 $0xFFFFE980  }
0x440: {  	_ =	swait.ge [sflag:s11], $0x1680  }
0x441: {  	[sflag:s11] =	ssyncset.done $0x0  }
0x442: {  	[sflag:s11] =	ssyncadd.s32 $0xFFFFE980  }
0x443: {  	[bflag:$0x0] =	sbarrier.arrive $0xFFFF  }
0x444: {  	s15 =	rddreg [dreg:$0x5]  }
0x445: {  	s14 =	rddreg [dreg:$0x16]  }
0x446: {  	s18 =	simm.s32 $0x9;
	s16 =	rddreg [dreg:$0x1b]  }
0x447: {  	[hbm:s14], [sflag:s15] =	dma.local [spmem:s16], $0x2BF2  }
0x448: {  	_ =	swait.ge [sflag:s18], $0x2BF2  }
0x449: {  	s22 =	rddreg [dreg:$0x1a]  }
0x44a: {  	s28 =	rddreg [dreg:$0x17];
	s16 =	sadd.s32 $0x1, s22  }
0x44b: {  	p0 =	sne.s32 s16, s28  }
.Ltmp11:
0x44c: {  	_ = 	snop;
	(pc) =	sbr.rel @p0 .LBB2_1-.Ltmp11, $3  }
0x44d: {  	_ =	sdelay $0x1  }
0x44e: {  	[sflag:s18] =	ssyncset.done $0x0  }
0x44f: {  	[sflag:s18] =	ssyncadd.s32 $0xFFFFD40E  }
0x450: {  	_ =	sfence.sel $0x180000  }
0x451: {  	[bflag:$0x0] =	sbarrier.arrive $0xFFFF  }
0x452: {  	_ =	strace $0x90000047  }
0x453: {  	s0 =	stileid.u32;
	[bflag:$0x2] =	sbarrier.arrive $0xFFFF  }
0x454: {  	p0 =	sne.s32 s0, $0x0;
	s0 =	rddreg [dreg:$0x3]  }
0x455: {  	s0 =	sadd.s32 @!p0 $0x100000, s0  }
0x456: {  	[sflag:s0] =	ssyncadd.tile.s32 @!p0 $0x1;
	_ =	shalt  }
.Lfunc_end2:
_tile_overlayer_lowered:
.L_overlay_start_2:
0x457: {  	(tag) =	ssettag $0x2  }
0x458: {  	s0 =	rddreg [dreg:$0x0];
	s2 =	stileid.u32  }
0x459: {  	s1 =	rddreg [dreg:$0x1];
	p0 =	sne.s32 s2, $0x0  }
0x45a: {  	s3 =	rddreg [dreg:$0x2];
	[bflag:$0x3] =	sbarrier.arrive $0xFFFF;
	s2 =	simm.s32 @!p0 $0x1C09  }
0x45b: {  	[timem:s3], [sflag:s2] =	dma.local @!p0 [hbm:s0], s1  }
0x45c: {  	s0 =	simm.s32 @!p0 $0x9  }
0x45d: {  	_ =	swait.ge @!p0 [sflag:s0], s1  }
0x45e: {  	s1 =	ssub.s32 @!p0 $0x0, s1;
	[sflag:s0] =	ssyncset.done @!p0 $0x0  }
0x45f: {  	[sflag:s0] =	ssyncadd.s32 @!p0 s1  }
0x460: {  	[bflag:$0x3] =	sbarrier.arrive $0xFFFF  }
0x461: {  	_ =	shalt  }

</sc_bundles>
